<compile_context>
chip_gen: v7x
topology: tpu7x:2x2x1
jax: 0.10.2.dev20260603
libtpu: 0.0.44.dev20260713+nightly
codegen_flags: <defaults>
</compile_context>

<pallas_src>
import functools

import jax
import jax.numpy as jnp
from jax import lax
from jax.experimental import pallas as pl
from jax.experimental.pallas import tpu as pltpu
from jax.experimental.pallas import tpu_sc as plsc

N_HEADS = 4
HEAD_DIM = 32
SCALE = HEAD_DIM ** (-0.5)
L = 16
NC, NS = 2, 16
NW = NC * NS
ACC_W = 144


def _qkv_body(x_ref, w_ref, q_ref, kv_ref):
    y = lax.dot_general(x_ref[...], w_ref[...], (((1,), (1,)), ((), ())),
                        preferred_element_type=jnp.float32)
    d = q_ref.shape[1]
    q_ref[...] = y[:, :d]
    kv_ref[...] = y[:, d:]


@functools.lru_cache(maxsize=None)
def _make_qkv(n, d, interpret):
    blk = 2000 if n % 2000 == 0 else n
    grid = n // blk
    return pl.pallas_call(
        _qkv_body,
        grid=(grid,),
        in_specs=[pl.BlockSpec((blk, d), lambda i: (i, 0)),
                  pl.BlockSpec((3 * d, d), lambda i: (0, 0))],
        out_specs=[pl.BlockSpec((blk, d), lambda i: (i, 0)),
                   pl.BlockSpec((blk, 2 * d), lambda i: (i, 0))],
        out_shape=[jax.ShapeDtypeStruct((n, d), jnp.float32),
                   jax.ShapeDtypeStruct((n, 2 * d), jnp.float32)],
        interpret=interpret,
    )


def _edge_body(q_hbm, kv_hbm, src_hbm, tgt_hbm, out_hbm,
               acc_sh, src0, tgt0, src1, tgt1, q0, q1, kv0, kv1, wrow_v,
               semq0, semkv0, semq1, semkv1, *, n_nodes, e_per_w, chunk):
    c = lax.axis_index("c")
    s = lax.axis_index("s")
    wid = s * NC + c
    n_chunks = e_per_w // chunk
    n_pairs = n_chunks // 2
    rows_per_tile = n_nodes // NS
    zrows = 25 if rows_per_tile % 25 == 0 else rows_per_tile

    def _zero_row(r, carry):
        for i in range(ACC_W // L):
            wrow_v[r, pl.ds(i * L, L)] = jnp.zeros((L,), jnp.float32)
        return carry
    lax.fori_loop(0, min(zrows, wrow_v.shape[0]), _zero_row, 0)
    for t in range(rows_per_tile // zrows):
        pltpu.sync_copy(wrow_v.at[pl.ds(0, zrows)],
                        acc_sh.at[pl.ds(s * rows_per_tile + t * zrows, zrows)])
    plsc.subcore_barrier()

    iota = lax.iota(jnp.int32, L)
    base_e = wid * e_per_w

    def _fetch(off, src_v, tgt_v, qb, kvb, sq, skv):
        pltpu.sync_copy(src_hbm.at[pl.ds(off, chunk)], src_v)
        pltpu.sync_copy(tgt_hbm.at[pl.ds(off, chunk)], tgt_v)
        pltpu.async_copy(q_hbm.at[src_v], qb, sq)
        pltpu.async_copy(kv_hbm.at[tgt_v], kvb, skv)

    def _compute_scatter(src_v, tgt_v, qb, kvb, sq, skv):
        pltpu.make_async_copy(q_hbm.at[src_v], qb, sq).wait()
        pltpu.make_async_copy(kv_hbm.at[tgt_v], kvb, skv).wait()

        def _edge(e, ecarry):
            att = jnp.zeros((L,), jnp.float32)
            for h in range(N_HEADS):
                pa = qb[e, pl.ds(2 * h * L, L)] * kvb[e, pl.ds(2 * h * L, L)]
                pb = qb[e, pl.ds((2 * h + 1) * L, L)] * kvb[e, pl.ds((2 * h + 1) * L, L)]
                sh = jnp.sum(pa + pb) * SCALE
                sh = jnp.clip(sh, -10.0, 10.0)
                ev = jnp.exp(jnp.full((L,), sh, jnp.float32))
                wrow_v[e, pl.ds(2 * h * L, L)] = kvb[e, pl.ds((8 + 2 * h) * L, L)] * ev
                wrow_v[e, pl.ds((2 * h + 1) * L, L)] = kvb[e, pl.ds((9 + 2 * h) * L, L)] * ev
                att = jnp.where(iota == h, ev, att)
            wrow_v[e, pl.ds(8 * L, L)] = att
            return ecarry
        lax.fori_loop(0, chunk, _edge, 0, unroll=4)

        pltpu.sync_copy(wrow_v, acc_sh.at[src_v], add=True)

    _fetch(base_e, src0, tgt0, q0, kv0, semq0, semkv0)

    def _pair(t, carry):
        _fetch(base_e + (2 * t + 1) * chunk, src1, tgt1, q1, kv1, semq1, semkv1)
        _compute_scatter(src0, tgt0, q0, kv0, semq0, semkv0)

        @pl.when(t < n_pairs - 1)
        def _():
            _fetch(base_e + (2 * t + 2) * chunk, src0, tgt0, q0, kv0,
                   semq0, semkv0)
        _compute_scatter(src1, tgt1, q1, kv1, semq1, semkv1)
        return carry
    lax.fori_loop(0, n_pairs, _pair, 0)

    plsc.subcore_barrier()
    r0 = s * rows_per_tile
    pltpu.sync_copy(acc_sh.at[pl.ds(r0, rows_per_tile)],
                    out_hbm.at[c, pl.ds(r0, rows_per_tile)])


@functools.lru_cache(maxsize=None)
def _make_edge(n_nodes, n_edges, d, interpret):
    e_per_w = n_edges // NW
    chunk = 40 if e_per_w % 80 == 0 else e_per_w // 2
    mesh = plsc.VectorSubcoreMesh(core_axis_name="c", subcore_axis_name="s",
                                  num_cores=NC, num_subcores=NS)
    body = functools.partial(_edge_body, n_nodes=n_nodes, e_per_w=e_per_w,
                             chunk=chunk)
    return pl.kernel(
        body,
        out_type=jax.ShapeDtypeStruct((NC, n_nodes, ACC_W), jnp.float32),
        mesh=mesh,
        scratch_types=[
            pltpu.VMEM_SHARED((n_nodes, ACC_W), jnp.float32),
            pltpu.VMEM((chunk,), jnp.int32),
            pltpu.VMEM((chunk,), jnp.int32),
            pltpu.VMEM((chunk,), jnp.int32),
            pltpu.VMEM((chunk,), jnp.int32),
            pltpu.VMEM((chunk, d), jnp.float32),
            pltpu.VMEM((chunk, d), jnp.float32),
            pltpu.VMEM((chunk, 2 * d), jnp.float32),
            pltpu.VMEM((chunk, 2 * d), jnp.float32),
            pltpu.VMEM((chunk, ACC_W), jnp.float32),
            pltpu.SemaphoreType.DMA,
            pltpu.SemaphoreType.DMA,
            pltpu.SemaphoreType.DMA,
            pltpu.SemaphoreType.DMA,
        ],
        compiler_params=pltpu.CompilerParams(use_tc_tiling_on_sc=False,
                                             needs_layout_passes=False),
        interpret=interpret,
    )


def _out_body(a0_ref, a1_ref, w_ref, o_ref):
    a = a0_ref[...] + a1_ref[...]
    d = o_ref.shape[1]
    att = a[:, d:d + N_HEADS]
    recip = 1.0 / (att + 1e-8)
    row = lax.broadcasted_iota(jnp.int32, (N_HEADS, d), 0)
    col = lax.broadcasted_iota(jnp.int32, (N_HEADS, d), 1)
    expand = (col // HEAD_DIM == row).astype(jnp.float32)
    scale = lax.dot_general(recip, expand, (((1,), (0,)), ((), ())),
                            preferred_element_type=jnp.float32)
    o = a[:, :d] * scale
    o_ref[...] = lax.dot_general(o, w_ref[...], (((1,), (1,)), ((), ())),
                                 preferred_element_type=jnp.float32)


@functools.lru_cache(maxsize=None)
def _make_out(n, d, interpret):
    blk = 2000 if n % 2000 == 0 else n
    grid = n // blk
    return pl.pallas_call(
        _out_body,
        grid=(grid,),
        in_specs=[pl.BlockSpec((blk, ACC_W), lambda i: (i, 0)),
                  pl.BlockSpec((blk, ACC_W), lambda i: (i, 0)),
                  pl.BlockSpec((d, d), lambda i: (0, 0))],
        out_specs=pl.BlockSpec((blk, d), lambda i: (i, 0)),
        out_shape=jax.ShapeDtypeStruct((n, d), jnp.float32),
        interpret=interpret,
    )


def kernel(node_embeds, edge_index, W_qkv, W_out, *, interpret=False):
    n, d = node_embeds.shape
    n_edges = edge_index.shape[1]
    q, kv = _make_qkv(n, d, interpret)(node_embeds, W_qkv)
    src = edge_index[0]
    tgt = edge_index[1]
    acc = _make_edge(n, n_edges, d, interpret)(q, kv, src, tgt)
    return _make_out(n, d, interpret)(acc[0], acc[1], W_out)

# --- scband reference (transcript-rebuilt; emitter-appended) ---
"""Pipeline reference for scband-sparse-graph-attention-6528350289922 (READ-ONLY COPY).

The authoritative reference and input builder live on the scoring server;
editing this copy changes nothing except your own understanding.
"""

import jax, jax.numpy as jnp
import numpy as np

N_NODES = 10000
N_EDGES = 320000
D_MODEL = 128
N_HEADS = 4
HEAD_DIM = D_MODEL // N_HEADS
SCALE = HEAD_DIM ** (-0.5)


def setup_inputs(seed: int = 0) -> dict:
    key = jax.random.key(seed)
    k1, k2, k3, k4 = jax.random.split(key, 4)
    node_embeds = jax.random.normal(k1, (N_NODES, D_MODEL), dtype=jnp.float32)
    edge_index = jax.random.randint(k2, (2, N_EDGES), 0, N_NODES, dtype=jnp.int32)
    # xavier-uniform-like init for the two Linear weights (torch stores (out, in))
    lim_qkv = float(np.sqrt(6.0 / (D_MODEL + 3 * D_MODEL)))
    W_qkv = jax.random.uniform(k3, (3 * D_MODEL, D_MODEL), dtype=jnp.float32, minval=-lim_qkv, maxval=lim_qkv)
    lim_out = float(np.sqrt(6.0 / (D_MODEL + D_MODEL)))
    W_out = jax.random.uniform(k4, (D_MODEL, D_MODEL), dtype=jnp.float32, minval=-lim_out, maxval=lim_out)
    return {"node_embeds": node_embeds, "edge_index": edge_index, "W_qkv": W_qkv, "W_out": W_out}


def reference(node_embeds, edge_index, W_qkv, W_out):
    N = node_embeds.shape[0]
    qkv = node_embeds @ W_qkv.T  # (N, 3*d_model)
    qkv = qkv.reshape(N, 3, N_HEADS, HEAD_DIM)
    q = qkv[:, 0]  # (N, H, hd)
    k = qkv[:, 1]
    v = qkv[:, 2]
    src = edge_index[0]
    tgt = edge_index[1]
    q_e = jnp.take(q, src, axis=0)  # (E, H, hd)
    k_e = jnp.take(k, tgt, axis=0)
    v_e = jnp.take(v, tgt, axis=0)
    att_scores = (q_e * k_e).sum(axis=-1) * SCALE  # (E, H)
    att_scores = jnp.clip(att_scores, -10.0, 10.0)
    exp_att = jnp.exp(att_scores)  # (E, H)
    att_sum = jax.ops.segment_sum(exp_att, src, num_segments=N)  # (N, H)
    weighted_v = exp_att[:, :, None] * v_e  # (E, H, hd)
    out = jax.ops.segment_sum(weighted_v, src, num_segments=N)  # (N, H, hd)
    out = out / (att_sum[:, :, None] + 1e-08)
    out = out.reshape(N, D_MODEL)
    out = out @ W_out.T
    # dropout p=0.0 -> identity
    return out

if __name__ == "__main__":
    import jax
    _d = setup_inputs()
    print(jax.jit(kernel)(*tuple(_d.values())))

</pallas_src>

<mosaic_0001>
#map = affine_map<(d0, d1) -> (0, 0)>
#map1 = affine_map<(d0, d1) -> (0)>
#map2 = affine_map<(d0, d1) -> (0, 0, 0)>
module attributes {stable_mosaic.version = 14 : i64} {
  func.func @_edge_body(%arg0: i32, %arg1: i32, %arg2: memref<10000x128xf32, #tpu.memory_space<hbm>>, %arg3: memref<10000x256xf32, #tpu.memory_space<hbm>>, %arg4: memref<320000xi32, #tpu.memory_space<hbm>>, %arg5: memref<320000xi32, #tpu.memory_space<hbm>>, %arg6: memref<2x10000x144xf32, #tpu.memory_space<hbm>>, %arg7: memref<10000x144xf32, #tpu.memory_space<vmem_shared>>, %arg8: memref<40xi32, #tpu.memory_space<vmem>>, %arg9: memref<40xi32, #tpu.memory_space<vmem>>, %arg10: memref<40xi32, #tpu.memory_space<vmem>>, %arg11: memref<40xi32, #tpu.memory_space<vmem>>, %arg12: memref<40x128xf32, #tpu.memory_space<vmem>>, %arg13: memref<40x128xf32, #tpu.memory_space<vmem>>, %arg14: memref<40x256xf32, #tpu.memory_space<vmem>>, %arg15: memref<40x256xf32, #tpu.memory_space<vmem>>, %arg16: memref<40x144xf32, #tpu.memory_space<vmem>>, %arg17: memref<!tpu.dma_semaphore, #tpu.memory_space<semaphore_mem>>, %arg18: memref<!tpu.dma_semaphore, #tpu.memory_space<semaphore_mem>>, %arg19: memref<!tpu.dma_semaphore, #tpu.memory_space<semaphore_mem>>, %arg20: memref<!tpu.dma_semaphore, #tpu.memory_space<semaphore_mem>>) attributes {dimension_semantics = [#tpu.dimension_semantics<core_parallel>, #tpu.dimension_semantics<subcore_parallel>], iteration_bounds = array<i64: 2, 16>, scalar_prefetch = 0 : i64, scratch_operands = 14 : i64, tpu.core_type = #tpu.core_type<sc_vector_subcore>, window_params = [{transform_indices = #map}, {transform_indices = #map}, {transform_indices = #map1}, {transform_indices = #map1}, {transform_indices = #map2}]} {
    %mul3A = arith.constant 2 : i32
    %mul3A_0 = arith.muli %arg1, %mul3A : i32
    %add3A = arith.addi %mul3A_0, %arg0 : i32
    %scan3A = arith.constant 0 : i32
    %scan3A_1 = arith.constant 0 : i32
    %scan3A_2 = arith.constant 25 : i32
    %scan3A_3 = arith.addi %scan3A_1, %scan3A_2 : i32
    %scan3A_4 = arith.constant 1 : i32
    scf.for %scan3A_122 = %scan3A_1 to %scan3A_3 step %scan3A_4  : i32 {
      %broadcast_in_dim3A = arith.constant 0.000000e+00 : f32
      %broadcast_in_dim3A_123 = vector.broadcast %broadcast_in_dim3A : f32 to vector<16xf32>
      %swap3A = arith.index_cast %scan3A_122 : i32 to index
      %swap3A_124 = arith.constant 0 : index
      %swap3A_125 = tpu.vector_load %arg16[%swap3A, %swap3A_124] {strides = array<i32>} : memref<40x144xf32, #tpu.memory_space<vmem>>, vector<16xf32>,
      tpu.vector_store %arg16[%swap3A, %swap3A_124], %broadcast_in_dim3A_123 {strides = array<i32>} : memref<40x144xf32, #tpu.memory_space<vmem>>, vector<16xf32>,
      %broadcast_in_dim3A_126 = arith.constant 0.000000e+00 : f32
      %broadcast_in_dim3A_127 = vector.broadcast %broadcast_in_dim3A_126 : f32 to vector<16xf32>
      %swap3A_128 = arith.index_cast %scan3A_122 : i32 to index
      %swap3A_129 = arith.constant 16 : index
      %swap3A_130 = tpu.vector_load %arg16[%swap3A_128, %swap3A_129] {strides = array<i32>} : memref<40x144xf32, #tpu.memory_space<vmem>>, vector<16xf32>,
      tpu.vector_store %arg16[%swap3A_128, %swap3A_129], %broadcast_in_dim3A_127 {strides = array<i32>} : memref<40x144xf32, #tpu.memory_space<vmem>>, vector<16xf32>,
      %broadcast_in_dim3A_131 = arith.constant 0.000000e+00 : f32
      %broadcast_in_dim3A_132 = vector.broadcast %broadcast_in_dim3A_131 : f32 to vector<16xf32>
      %swap3A_133 = arith.index_cast %scan3A_122 : i32 to index
      %swap3A_134 = arith.constant 32 : index
      %swap3A_135 = tpu.vector_load %arg16[%swap3A_133, %swap3A_134] {strides = array<i32>} : memref<40x144xf32, #tpu.memory_space<vmem>>, vector<16xf32>,
      tpu.vector_store %arg16[%swap3A_133, %swap3A_134], %broadcast_in_dim3A_132 {strides = array<i32>} : memref<40x144xf32, #tpu.memory_space<vmem>>, vector<16xf32>,
      %broadcast_in_dim3A_136 = arith.constant 0.000000e+00 : f32
      %broadcast_in_dim3A_137 = vector.broadcast %broadcast_in_dim3A_136 : f32 to vector<16xf32>
      %swap3A_138 = arith.index_cast %scan3A_122 : i32 to index
      %swap3A_139 = arith.constant 48 : index
      %swap3A_140 = tpu.vector_load %arg16[%swap3A_138, %swap3A_139] {strides = array<i32>} : memref<40x144xf32, #tpu.memory_space<vmem>>, vector<16xf32>,
      tpu.vector_store %arg16[%swap3A_138, %swap3A_139], %broadcast_in_dim3A_137 {strides = array<i32>} : memref<40x144xf32, #tpu.memory_space<vmem>>, vector<16xf32>,
      %broadcast_in_dim3A_141 = arith.constant 0.000000e+00 : f32
      %broadcast_in_dim3A_142 = vector.broadcast %broadcast_in_dim3A_141 : f32 to vector<16xf32>
      %swap3A_143 = arith.index_cast %scan3A_122 : i32 to index
      %swap3A_144 = arith.constant 64 : index
      %swap3A_145 = tpu.vector_load %arg16[%swap3A_143, %swap3A_144] {strides = array<i32>} : memref<40x144xf32, #tpu.memory_space<vmem>>, vector<16xf32>,
      tpu.vector_store %arg16[%swap3A_143, %swap3A_144], %broadcast_in_dim3A_142 {strides = array<i32>} : memref<40x144xf32, #tpu.memory_space<vmem>>, vector<16xf32>,
      %broadcast_in_dim3A_146 = arith.constant 0.000000e+00 : f32
      %broadcast_in_dim3A_147 = vector.broadcast %broadcast_in_dim3A_146 : f32 to vector<16xf32>
      %swap3A_148 = arith.index_cast %scan3A_122 : i32 to index
      %swap3A_149 = arith.constant 80 : index
      %swap3A_150 = tpu.vector_load %arg16[%swap3A_148, %swap3A_149] {strides = array<i32>} : memref<40x144xf32, #tpu.memory_space<vmem>>, vector<16xf32>,
      tpu.vector_store %arg16[%swap3A_148, %swap3A_149], %broadcast_in_dim3A_147 {strides = array<i32>} : memref<40x144xf32, #tpu.memory_space<vmem>>, vector<16xf32>,
      %broadcast_in_dim3A_151 = arith.constant 0.000000e+00 : f32
      %broadcast_in_dim3A_152 = vector.broadcast %broadcast_in_dim3A_151 : f32 to vector<16xf32>
      %swap3A_153 = arith.index_cast %scan3A_122 : i32 to index
      %swap3A_154 = arith.constant 96 : index
      %swap3A_155 = tpu.vector_load %arg16[%swap3A_153, %swap3A_154] {strides = array<i32>} : memref<40x144xf32, #tpu.memory_space<vmem>>, vector<16xf32>,
      tpu.vector_store %arg16[%swap3A_153, %swap3A_154], %broadcast_in_dim3A_152 {strides = array<i32>} : memref<40x144xf32, #tpu.memory_space<vmem>>, vector<16xf32>,
      %broadcast_in_dim3A_156 = arith.constant 0.000000e+00 : f32
      %broadcast_in_dim3A_157 = vector.broadcast %broadcast_in_dim3A_156 : f32 to vector<16xf32>
      %swap3A_158 = arith.index_cast %scan3A_122 : i32 to index
      %swap3A_159 = arith.constant 112 : index
      %swap3A_160 = tpu.vector_load %arg16[%swap3A_158, %swap3A_159] {strides = array<i32>} : memref<40x144xf32, #tpu.memory_space<vmem>>, vector<16xf32>,
      tpu.vector_store %arg16[%swap3A_158, %swap3A_159], %broadcast_in_dim3A_157 {strides = array<i32>} : memref<40x144xf32, #tpu.memory_space<vmem>>, vector<16xf32>,
      %broadcast_in_dim3A_161 = arith.constant 0.000000e+00 : f32
      %broadcast_in_dim3A_162 = vector.broadcast %broadcast_in_dim3A_161 : f32 to vector<16xf32>
      %swap3A_163 = arith.index_cast %scan3A_122 : i32 to index
      %swap3A_164 = arith.constant 128 : index
      %swap3A_165 = tpu.vector_load %arg16[%swap3A_163, %swap3A_164] {strides = array<i32>} : memref<40x144xf32, #tpu.memory_space<vmem>>, vector<16xf32>,
      tpu.vector_store %arg16[%swap3A_163, %swap3A_164], %broadcast_in_dim3A_162 {strides = array<i32>} : memref<40x144xf32, #tpu.memory_space<vmem>>, vector<16xf32>,
    }
    %scan3A_5 = arith.constant 25 : i32
    %mul3A_6 = arith.constant 625 : i32
    %mul3A_7 = arith.muli %arg1, %mul3A_6 : i32
    %add3A_8 = arith.constant 0 : i32
    %add3A_9 = arith.addi %mul3A_7, %add3A_8 : i32
    "tpu.region"() ({
      %run_scoped3A = tpu.sem_alloc : memref<!tpu.dma_semaphore, #tpu.memory_space<semaphore_mem>>
      %dma_start3A_122 = arith.constant 0 : i32
      %dma_start3A_123 = arith.constant 0 : i32
      %dma_start3A_124 = tpu.memref_slice %arg16[%dma_start3A_122, %dma_start3A_123] : memref<40x144xf32, #tpu.memory_space<vmem>> -> memref<25x144xf32, #tpu.memory_space<vmem>>
      %dma_start3A_125 = arith.constant 0 : i32
      %dma_start3A_126 = tpu.memref_slice %arg7[%add3A_9, %dma_start3A_125] : memref<10000x144xf32, #tpu.memory_space<vmem_shared>> -> memref<25x144xf32, #tpu.memory_space<vmem_shared>>
      %dma_start3A_127 = arith.constant 0 : i32
      %dma_start3A_128 = tpu.memref_slice %arg7[%add3A_9, %dma_start3A_127] : memref<10000x144xf32, #tpu.memory_space<vmem_shared>> -> memref<25x144xf32, #tpu.memory_space<vmem_shared>>
      %dma_start3A_129 = arith.constant 0 : i32
      %dma_start3A_130 = arith.constant 0 : i32
      %dma_start3A_131 = tpu.memref_slice %arg16[%dma_start3A_129, %dma_start3A_130] : memref<40x144xf32, #tpu.memory_space<vmem>> -> memref<25x144xf32, #tpu.memory_space<vmem>>
      tpu.enqueue_dma source(%dma_start3A_131 : memref<25x144xf32, #tpu.memory_space<vmem>>) target(%dma_start3A_128 : memref<25x144xf32, #tpu.memory_space<vmem_shared>>) target_semaphore(%run_scoped3A : memref<!tpu.dma_semaphore, #tpu.memory_space<semaphore_mem>>)
      %dma_wait3A = arith.constant 0 : i32
      %dma_wait3A_132 = arith.constant 0 : i32
      %dma_wait3A_133 = tpu.memref_slice %arg16[%dma_wait3A, %dma_wait3A_132] : memref<40x144xf32, #tpu.memory_space<vmem>> -> memref<25x144xf32, #tpu.memory_space<vmem>>
      %dma_wait3A_134 = arith.constant 0 : i32
      %dma_wait3A_135 = tpu.memref_slice %arg7[%add3A_9, %dma_wait3A_134] : memref<10000x144xf32, #tpu.memory_space<vmem_shared>> -> memref<25x144xf32, #tpu.memory_space<vmem_shared>>
      %dma_wait3A_136 = arith.constant 0 : i32
      %dma_wait3A_137 = tpu.memref_slice %arg7[%add3A_9, %dma_wait3A_136] : memref<10000x144xf32, #tpu.memory_space<vmem_shared>> -> memref<25x144xf32, #tpu.memory_space<vmem_shared>>
      %dma_wait3A_138 = arith.constant 0 : i32
      %dma_wait3A_139 = arith.constant 0 : i32
      %dma_wait3A_140 = tpu.memref_slice %arg16[%dma_wait3A_138, %dma_wait3A_139] : memref<40x144xf32, #tpu.memory_space<vmem>> -> memref<25x144xf32, #tpu.memory_space<vmem>>
      tpu.wait_dma2 semaphore(%run_scoped3A : memref<!tpu.dma_semaphore, #tpu.memory_space<semaphore_mem>>) src(%dma_wait3A_140 : memref<25x144xf32, #tpu.memory_space<vmem>>) dst(%dma_wait3A_137 : memref<25x144xf32, #tpu.memory_space<vmem_shared>>)
      tpu.yield
    }) : () -> ()
    %mul3A_10 = arith.constant 625 : i32
    %mul3A_11 = arith.muli %arg1, %mul3A_10 : i32
    %add3A_12 = arith.constant 25 : i32
    %add3A_13 = arith.addi %mul3A_11, %add3A_12 : i32
    "tpu.region"() ({
      %run_scoped3A = tpu.sem_alloc : memref<!tpu.dma_semaphore, #tpu.memory_space<semaphore_mem>>
      %dma_start3A_122 = arith.constant 0 : i32
      %dma_start3A_123 = arith.constant 0 : i32
      %dma_start3A_124 = tpu.memref_slice %arg16[%dma_start3A_122, %dma_start3A_123] : memref<40x144xf32, #tpu.memory_space<vmem>> -> memref<25x144xf32, #tpu.memory_space<vmem>>
      %dma_start3A_125 = arith.constant 0 : i32
      %dma_start3A_126 = tpu.memref_slice %arg7[%add3A_13, %dma_start3A_125] : memref<10000x144xf32, #tpu.memory_space<vmem_shared>> -> memref<25x144xf32, #tpu.memory_space<vmem_shared>>
      %dma_start3A_127 = arith.constant 0 : i32
      %dma_start3A_128 = tpu.memref_slice %arg7[%add3A_13, %dma_start3A_127] : memref<10000x144xf32, #tpu.memory_space<vmem_shared>> -> memref<25x144xf32, #tpu.memory_space<vmem_shared>>
      %dma_start3A_129 = arith.constant 0 : i32
      %dma_start3A_130 = arith.constant 0 : i32
      %dma_start3A_131 = tpu.memref_slice %arg16[%dma_start3A_129, %dma_start3A_130] : memref<40x144xf32, #tpu.memory_space<vmem>> -> memref<25x144xf32, #tpu.memory_space<vmem>>
      tpu.enqueue_dma source(%dma_start3A_131 : memref<25x144xf32, #tpu.memory_space<vmem>>) target(%dma_start3A_128 : memref<25x144xf32, #tpu.memory_space<vmem_shared>>) target_semaphore(%run_scoped3A : memref<!tpu.dma_semaphore, #tpu.memory_space<semaphore_mem>>)
      %dma_wait3A = arith.constant 0 : i32
      %dma_wait3A_132 = arith.constant 0 : i32
      %dma_wait3A_133 = tpu.memref_slice %arg16[%dma_wait3A, %dma_wait3A_132] : memref<40x144xf32, #tpu.memory_space<vmem>> -> memref<25x144xf32, #tpu.memory_space<vmem>>
      %dma_wait3A_134 = arith.constant 0 : i32
      %dma_wait3A_135 = tpu.memref_slice %arg7[%add3A_13, %dma_wait3A_134] : memref<10000x144xf32, #tpu.memory_space<vmem_shared>> -> memref<25x144xf32, #tpu.memory_space<vmem_shared>>
      %dma_wait3A_136 = arith.constant 0 : i32
      %dma_wait3A_137 = tpu.memref_slice %arg7[%add3A_13, %dma_wait3A_136] : memref<10000x144xf32, #tpu.memory_space<vmem_shared>> -> memref<25x144xf32, #tpu.memory_space<vmem_shared>>
      %dma_wait3A_138 = arith.constant 0 : i32
      %dma_wait3A_139 = arith.constant 0 : i32
      %dma_wait3A_140 = tpu.memref_slice %arg16[%dma_wait3A_138, %dma_wait3A_139] : memref<40x144xf32, #tpu.memory_space<vmem>> -> memref<25x144xf32, #tpu.memory_space<vmem>>
      tpu.wait_dma2 semaphore(%run_scoped3A : memref<!tpu.dma_semaphore, #tpu.memory_space<semaphore_mem>>) src(%dma_wait3A_140 : memref<25x144xf32, #tpu.memory_space<vmem>>) dst(%dma_wait3A_137 : memref<25x144xf32, #tpu.memory_space<vmem_shared>>)
      tpu.yield
    }) : () -> ()
    %mul3A_14 = arith.constant 625 : i32
    %mul3A_15 = arith.muli %arg1, %mul3A_14 : i32
    %add3A_16 = arith.constant 50 : i32
    %add3A_17 = arith.addi %mul3A_15, %add3A_16 : i32
    "tpu.region"() ({
      %run_scoped3A = tpu.sem_alloc : memref<!tpu.dma_semaphore, #tpu.memory_space<semaphore_mem>>
      %dma_start3A_122 = arith.constant 0 : i32
      %dma_start3A_123 = arith.constant 0 : i32
      %dma_start3A_124 = tpu.memref_slice %arg16[%dma_start3A_122, %dma_start3A_123] : memref<40x144xf32, #tpu.memory_space<vmem>> -> memref<25x144xf32, #tpu.memory_space<vmem>>
      %dma_start3A_125 = arith.constant 0 : i32
      %dma_start3A_126 = tpu.memref_slice %arg7[%add3A_17, %dma_start3A_125] : memref<10000x144xf32, #tpu.memory_space<vmem_shared>> -> memref<25x144xf32, #tpu.memory_space<vmem_shared>>
      %dma_start3A_127 = arith.constant 0 : i32
      %dma_start3A_128 = tpu.memref_slice %arg7[%add3A_17, %dma_start3A_127] : memref<10000x144xf32, #tpu.memory_space<vmem_shared>> -> memref<25x144xf32, #tpu.memory_space<vmem_shared>>
      %dma_start3A_129 = arith.constant 0 : i32
      %dma_start3A_130 = arith.constant 0 : i32
      %dma_start3A_131 = tpu.memref_slice %arg16[%dma_start3A_129, %dma_start3A_130] : memref<40x144xf32, #tpu.memory_space<vmem>> -> memref<25x144xf32, #tpu.memory_space<vmem>>
      tpu.enqueue_dma source(%dma_start3A_131 : memref<25x144xf32, #tpu.memory_space<vmem>>) target(%dma_start3A_128 : memref<25x144xf32, #tpu.memory_space<vmem_shared>>) target_semaphore(%run_scoped3A : memref<!tpu.dma_semaphore, #tpu.memory_space<semaphore_mem>>)
      %dma_wait3A = arith.constant 0 : i32
      %dma_wait3A_132 = arith.constant 0 : i32
      %dma_wait3A_133 = tpu.memref_slice %arg16[%dma_wait3A, %dma_wait3A_132] : memref<40x144xf32, #tpu.memory_space<vmem>> -> memref<25x144xf32, #tpu.memory_space<vmem>>
      %dma_wait3A_134 = arith.constant 0 : i32
      %dma_wait3A_135 = tpu.memref_slice %arg7[%add3A_17, %dma_wait3A_134] : memref<10000x144xf32, #tpu.memory_space<vmem_shared>> -> memref<25x144xf32, #tpu.memory_space<vmem_shared>>
      %dma_wait3A_136 = arith.constant 0 : i32
      %dma_wait3A_137 = tpu.memref_slice %arg7[%add3A_17, %dma_wait3A_136] : memref<10000x144xf32, #tpu.memory_space<vmem_shared>> -> memref<25x144xf32, #tpu.memory_space<vmem_shared>>
      %dma_wait3A_138 = arith.constant 0 : i32
      %dma_wait3A_139 = arith.constant 0 : i32
      %dma_wait3A_140 = tpu.memref_slice %arg16[%dma_wait3A_138, %dma_wait3A_139] : memref<40x144xf32, #tpu.memory_space<vmem>> -> memref<25x144xf32, #tpu.memory_space<vmem>>
      tpu.wait_dma2 semaphore(%run_scoped3A : memref<!tpu.dma_semaphore, #tpu.memory_space<semaphore_mem>>) src(%dma_wait3A_140 : memref<25x144xf32, #tpu.memory_space<vmem>>) dst(%dma_wait3A_137 : memref<25x144xf32, #tpu.memory_space<vmem_shared>>)
      tpu.yield
    }) : () -> ()
    %mul3A_18 = arith.constant 625 : i32
    %mul3A_19 = arith.muli %arg1, %mul3A_18 : i32
    %add3A_20 = arith.constant 75 : i32
    %add3A_21 = arith.addi %mul3A_19, %add3A_20 : i32
    "tpu.region"() ({
      %run_scoped3A = tpu.sem_alloc : memref<!tpu.dma_semaphore, #tpu.memory_space<semaphore_mem>>
      %dma_start3A_122 = arith.constant 0 : i32
      %dma_start3A_123 = arith.constant 0 : i32
      %dma_start3A_124 = tpu.memref_slice %arg16[%dma_start3A_122, %dma_start3A_123] : memref<40x144xf32, #tpu.memory_space<vmem>> -> memref<25x144xf32, #tpu.memory_space<vmem>>
      %dma_start3A_125 = arith.constant 0 : i32
      %dma_start3A_126 = tpu.memref_slice %arg7[%add3A_21, %dma_start3A_125] : memref<10000x144xf32, #tpu.memory_space<vmem_shared>> -> memref<25x144xf32, #tpu.memory_space<vmem_shared>>
      %dma_start3A_127 = arith.constant 0 : i32
      %dma_start3A_128 = tpu.memref_slice %arg7[%add3A_21, %dma_start3A_127] : memref<10000x144xf32, #tpu.memory_space<vmem_shared>> -> memref<25x144xf32, #tpu.memory_space<vmem_shared>>
      %dma_start3A_129 = arith.constant 0 : i32
      %dma_start3A_130 = arith.constant 0 : i32
      %dma_start3A_131 = tpu.memref_slice %arg16[%dma_start3A_129, %dma_start3A_130] : memref<40x144xf32, #tpu.memory_space<vmem>> -> memref<25x144xf32, #tpu.memory_space<vmem>>
      tpu.enqueue_dma source(%dma_start3A_131 : memref<25x144xf32, #tpu.memory_space<vmem>>) target(%dma_start3A_128 : memref<25x144xf32, #tpu.memory_space<vmem_shared>>) target_semaphore(%run_scoped3A : memref<!tpu.dma_semaphore, #tpu.memory_space<semaphore_mem>>)
      %dma_wait3A = arith.constant 0 : i32
      %dma_wait3A_132 = arith.constant 0 : i32
      %dma_wait3A_133 = tpu.memref_slice %arg16[%dma_wait3A, %dma_wait3A_132] : memref<40x144xf32, #tpu.memory_space<vmem>> -> memref<25x144xf32, #tpu.memory_space<vmem>>
      %dma_wait3A_134 = arith.constant 0 : i32
      %dma_wait3A_135 = tpu.memref_slice %arg7[%add3A_21, %dma_wait3A_134] : memref<10000x144xf32, #tpu.memory_space<vmem_shared>> -> memref<25x144xf32, #tpu.memory_space<vmem_shared>>
      %dma_wait3A_136 = arith.constant 0 : i32
      %dma_wait3A_137 = tpu.memref_slice %arg7[%add3A_21, %dma_wait3A_136] : memref<10000x144xf32, #tpu.memory_space<vmem_shared>> -> memref<25x144xf32, #tpu.memory_space<vmem_shared>>
      %dma_wait3A_138 = arith.constant 0 : i32
      %dma_wait3A_139 = arith.constant 0 : i32
      %dma_wait3A_140 = tpu.memref_slice %arg16[%dma_wait3A_138, %dma_wait3A_139] : memref<40x144xf32, #tpu.memory_space<vmem>> -> memref<25x144xf32, #tpu.memory_space<vmem>>
      tpu.wait_dma2 semaphore(%run_scoped3A : memref<!tpu.dma_semaphore, #tpu.memory_space<semaphore_mem>>) src(%dma_wait3A_140 : memref<25x144xf32, #tpu.memory_space<vmem>>) dst(%dma_wait3A_137 : memref<25x144xf32, #tpu.memory_space<vmem_shared>>)
      tpu.yield
    }) : () -> ()
    %mul3A_22 = arith.constant 625 : i32
    %mul3A_23 = arith.muli %arg1, %mul3A_22 : i32
    %add3A_24 = arith.constant 100 : i32
    %add3A_25 = arith.addi %mul3A_23, %add3A_24 : i32
    "tpu.region"() ({
      %run_scoped3A = tpu.sem_alloc : memref<!tpu.dma_semaphore, #tpu.memory_space<semaphore_mem>>
      %dma_start3A_122 = arith.constant 0 : i32
      %dma_start3A_123 = arith.constant 0 : i32
      %dma_start3A_124 = tpu.memref_slice %arg16[%dma_start3A_122, %dma_start3A_123] : memref<40x144xf32, #tpu.memory_space<vmem>> -> memref<25x144xf32, #tpu.memory_space<vmem>>
      %dma_start3A_125 = arith.constant 0 : i32
      %dma_start3A_126 = tpu.memref_slice %arg7[%add3A_25, %dma_start3A_125] : memref<10000x144xf32, #tpu.memory_space<vmem_shared>> -> memref<25x144xf32, #tpu.memory_space<vmem_shared>>
      %dma_start3A_127 = arith.constant 0 : i32
      %dma_start3A_128 = tpu.memref_slice %arg7[%add3A_25, %dma_start3A_127] : memref<10000x144xf32, #tpu.memory_space<vmem_shared>> -> memref<25x144xf32, #tpu.memory_space<vmem_shared>>
      %dma_start3A_129 = arith.constant 0 : i32
      %dma_start3A_130 = arith.constant 0 : i32
      %dma_start3A_131 = tpu.memref_slice %arg16[%dma_start3A_129, %dma_start3A_130] : memref<40x144xf32, #tpu.memory_space<vmem>> -> memref<25x144xf32, #tpu.memory_space<vmem>>
      tpu.enqueue_dma source(%dma_start3A_131 : memref<25x144xf32, #tpu.memory_space<vmem>>) target(%dma_start3A_128 : memref<25x144xf32, #tpu.memory_space<vmem_shared>>) target_semaphore(%run_scoped3A : memref<!tpu.dma_semaphore, #tpu.memory_space<semaphore_mem>>)
      %dma_wait3A = arith.constant 0 : i32
      %dma_wait3A_132 = arith.constant 0 : i32
      %dma_wait3A_133 = tpu.memref_slice %arg16[%dma_wait3A, %dma_wait3A_132] : memref<40x144xf32, #tpu.memory_space<vmem>> -> memref<25x144xf32, #tpu.memory_space<vmem>>
      %dma_wait3A_134 = arith.constant 0 : i32
      %dma_wait3A_135 = tpu.memref_slice %arg7[%add3A_25, %dma_wait3A_134] : memref<10000x144xf32, #tpu.memory_space<vmem_shared>> -> memref<25x144xf32, #tpu.memory_space<vmem_shared>>
      %dma_wait3A_136 = arith.constant 0 : i32
      %dma_wait3A_137 = tpu.memref_slice %arg7[%add3A_25, %dma_wait3A_136] : memref<10000x144xf32, #tpu.memory_space<vmem_shared>> -> memref<25x144xf32, #tpu.memory_space<vmem_shared>>
      %dma_wait3A_138 = arith.constant 0 : i32
      %dma_wait3A_139 = arith.constant 0 : i32
      %dma_wait3A_140 = tpu.memref_slice %arg16[%dma_wait3A_138, %dma_wait3A_139] : memref<40x144xf32, #tpu.memory_space<vmem>> -> memref<25x144xf32, #tpu.memory_space<vmem>>
      tpu.wait_dma2 semaphore(%run_scoped3A : memref<!tpu.dma_semaphore, #tpu.memory_space<semaphore_mem>>) src(%dma_wait3A_140 : memref<25x144xf32, #tpu.memory_space<vmem>>) dst(%dma_wait3A_137 : memref<25x144xf32, #tpu.memory_space<vmem_shared>>)
      tpu.yield
    }) : () -> ()
    %mul3A_26 = arith.constant 625 : i32
    %mul3A_27 = arith.muli %arg1, %mul3A_26 : i32
    %add3A_28 = arith.constant 125 : i32
    %add3A_29 = arith.addi %mul3A_27, %add3A_28 : i32
    "tpu.region"() ({
      %run_scoped3A = tpu.sem_alloc : memref<!tpu.dma_semaphore, #tpu.memory_space<semaphore_mem>>
      %dma_start3A_122 = arith.constant 0 : i32
      %dma_start3A_123 = arith.constant 0 : i32
      %dma_start3A_124 = tpu.memref_slice %arg16[%dma_start3A_122, %dma_start3A_123] : memref<40x144xf32, #tpu.memory_space<vmem>> -> memref<25x144xf32, #tpu.memory_space<vmem>>
      %dma_start3A_125 = arith.constant 0 : i32
      %dma_start3A_126 = tpu.memref_slice %arg7[%add3A_29, %dma_start3A_125] : memref<10000x144xf32, #tpu.memory_space<vmem_shared>> -> memref<25x144xf32, #tpu.memory_space<vmem_shared>>
      %dma_start3A_127 = arith.constant 0 : i32
      %dma_start3A_128 = tpu.memref_slice %arg7[%add3A_29, %dma_start3A_127] : memref<10000x144xf32, #tpu.memory_space<vmem_shared>> -> memref<25x144xf32, #tpu.memory_space<vmem_shared>>
      %dma_start3A_129 = arith.constant 0 : i32
      %dma_start3A_130 = arith.constant 0 : i32
      %dma_start3A_131 = tpu.memref_slice %arg16[%dma_start3A_129, %dma_start3A_130] : memref<40x144xf32, #tpu.memory_space<vmem>> -> memref<25x144xf32, #tpu.memory_space<vmem>>
      tpu.enqueue_dma source(%dma_start3A_131 : memref<25x144xf32, #tpu.memory_space<vmem>>) target(%dma_start3A_128 : memref<25x144xf32, #tpu.memory_space<vmem_shared>>) target_semaphore(%run_scoped3A : memref<!tpu.dma_semaphore, #tpu.memory_space<semaphore_mem>>)
      %dma_wait3A = arith.constant 0 : i32
      %dma_wait3A_132 = arith.constant 0 : i32
      %dma_wait3A_133 = tpu.memref_slice %arg16[%dma_wait3A, %dma_wait3A_132] : memref<40x144xf32, #tpu.memory_space<vmem>> -> memref<25x144xf32, #tpu.memory_space<vmem>>
      %dma_wait3A_134 = arith.constant 0 : i32
      %dma_wait3A_135 = tpu.memref_slice %arg7[%add3A_29, %dma_wait3A_134] : memref<10000x144xf32, #tpu.memory_space<vmem_shared>> -> memref<25x144xf32, #tpu.memory_space<vmem_shared>>
      %dma_wait3A_136 = arith.constant 0 : i32
      %dma_wait3A_137 = tpu.memref_slice %arg7[%add3A_29, %dma_wait3A_136] : memref<10000x144xf32, #tpu.memory_space<vmem_shared>> -> memref<25x144xf32, #tpu.memory_space<vmem_shared>>
      %dma_wait3A_138 = arith.constant 0 : i32
      %dma_wait3A_139 = arith.constant 0 : i32
      %dma_wait3A_140 = tpu.memref_slice %arg16[%dma_wait3A_138, %dma_wait3A_139] : memref<40x144xf32, #tpu.memory_space<vmem>> -> memref<25x144xf32, #tpu.memory_space<vmem>>
      tpu.wait_dma2 semaphore(%run_scoped3A : memref<!tpu.dma_semaphore, #tpu.memory_space<semaphore_mem>>) src(%dma_wait3A_140 : memref<25x144xf32, #tpu.memory_space<vmem>>) dst(%dma_wait3A_137 : memref<25x144xf32, #tpu.memory_space<vmem_shared>>)
      tpu.yield
    }) : () -> ()
    %mul3A_30 = arith.constant 625 : i32
    %mul3A_31 = arith.muli %arg1, %mul3A_30 : i32
    %add3A_32 = arith.constant 150 : i32
    %add3A_33 = arith.addi %mul3A_31, %add3A_32 : i32
    "tpu.region"() ({
      %run_scoped3A = tpu.sem_alloc : memref<!tpu.dma_semaphore, #tpu.memory_space<semaphore_mem>>
      %dma_start3A_122 = arith.constant 0 : i32
      %dma_start3A_123 = arith.constant 0 : i32
      %dma_start3A_124 = tpu.memref_slice %arg16[%dma_start3A_122, %dma_start3A_123] : memref<40x144xf32, #tpu.memory_space<vmem>> -> memref<25x144xf32, #tpu.memory_space<vmem>>
      %dma_start3A_125 = arith.constant 0 : i32
      %dma_start3A_126 = tpu.memref_slice %arg7[%add3A_33, %dma_start3A_125] : memref<10000x144xf32, #tpu.memory_space<vmem_shared>> -> memref<25x144xf32, #tpu.memory_space<vmem_shared>>
      %dma_start3A_127 = arith.constant 0 : i32
      %dma_start3A_128 = tpu.memref_slice %arg7[%add3A_33, %dma_start3A_127] : memref<10000x144xf32, #tpu.memory_space<vmem_shared>> -> memref<25x144xf32, #tpu.memory_space<vmem_shared>>
      %dma_start3A_129 = arith.constant 0 : i32
      %dma_start3A_130 = arith.constant 0 : i32
      %dma_start3A_131 = tpu.memref_slice %arg16[%dma_start3A_129, %dma_start3A_130] : memref<40x144xf32, #tpu.memory_space<vmem>> -> memref<25x144xf32, #tpu.memory_space<vmem>>
      tpu.enqueue_dma source(%dma_start3A_131 : memref<25x144xf32, #tpu.memory_space<vmem>>) target(%dma_start3A_128 : memref<25x144xf32, #tpu.memory_space<vmem_shared>>) target_semaphore(%run_scoped3A : memref<!tpu.dma_semaphore, #tpu.memory_space<semaphore_mem>>)
      %dma_wait3A = arith.constant 0 : i32
      %dma_wait3A_132 = arith.constant 0 : i32
      %dma_wait3A_133 = tpu.memref_slice %arg16[%dma_wait3A, %dma_wait3A_132] : memref<40x144xf32, #tpu.memory_space<vmem>> -> memref<25x144xf32, #tpu.memory_space<vmem>>
      %dma_wait3A_134 = arith.constant 0 : i32
      %dma_wait3A_135 = tpu.memref_slice %arg7[%add3A_33, %dma_wait3A_134] : memref<10000x144xf32, #tpu.memory_space<vmem_shared>> -> memref<25x144xf32, #tpu.memory_space<vmem_shared>>
      %dma_wait3A_136 = arith.constant 0 : i32
      %dma_wait3A_137 = tpu.memref_slice %arg7[%add3A_33, %dma_wait3A_136] : memref<10000x144xf32, #tpu.memory_space<vmem_shared>> -> memref<25x144xf32, #tpu.memory_space<vmem_shared>>
      %dma_wait3A_138 = arith.constant 0 : i32
      %dma_wait3A_139 = arith.constant 0 : i32
      %dma_wait3A_140 = tpu.memref_slice %arg16[%dma_wait3A_138, %dma_wait3A_139] : memref<40x144xf32, #tpu.memory_space<vmem>> -> memref<25x144xf32, #tpu.memory_space<vmem>>
      tpu.wait_dma2 semaphore(%run_scoped3A : memref<!tpu.dma_semaphore, #tpu.memory_space<semaphore_mem>>) src(%dma_wait3A_140 : memref<25x144xf32, #tpu.memory_space<vmem>>) dst(%dma_wait3A_137 : memref<25x144xf32, #tpu.memory_space<vmem_shared>>)
      tpu.yield
    }) : () -> ()
    %mul3A_34 = arith.constant 625 : i32
    %mul3A_35 = arith.muli %arg1, %mul3A_34 : i32
    %add3A_36 = arith.constant 175 : i32
    %add3A_37 = arith.addi %mul3A_35, %add3A_36 : i32
    "tpu.region"() ({
      %run_scoped3A = tpu.sem_alloc : memref<!tpu.dma_semaphore, #tpu.memory_space<semaphore_mem>>
      %dma_start3A_122 = arith.constant 0 : i32
      %dma_start3A_123 = arith.constant 0 : i32
      %dma_start3A_124 = tpu.memref_slice %arg16[%dma_start3A_122, %dma_start3A_123] : memref<40x144xf32, #tpu.memory_space<vmem>> -> memref<25x144xf32, #tpu.memory_space<vmem>>
      %dma_start3A_125 = arith.constant 0 : i32
      %dma_start3A_126 = tpu.memref_slice %arg7[%add3A_37, %dma_start3A_125] : memref<10000x144xf32, #tpu.memory_space<vmem_shared>> -> memref<25x144xf32, #tpu.memory_space<vmem_shared>>
      %dma_start3A_127 = arith.constant 0 : i32
      %dma_start3A_128 = tpu.memref_slice %arg7[%add3A_37, %dma_start3A_127] : memref<10000x144xf32, #tpu.memory_space<vmem_shared>> -> memref<25x144xf32, #tpu.memory_space<vmem_shared>>
      %dma_start3A_129 = arith.constant 0 : i32
      %dma_start3A_130 = arith.constant 0 : i32
      %dma_start3A_131 = tpu.memref_slice %arg16[%dma_start3A_129, %dma_start3A_130] : memref<40x144xf32, #tpu.memory_space<vmem>> -> memref<25x144xf32, #tpu.memory_space<vmem>>
      tpu.enqueue_dma source(%dma_start3A_131 : memref<25x144xf32, #tpu.memory_space<vmem>>) target(%dma_start3A_128 : memref<25x144xf32, #tpu.memory_space<vmem_shared>>) target_semaphore(%run_scoped3A : memref<!tpu.dma_semaphore, #tpu.memory_space<semaphore_mem>>)
      %dma_wait3A = arith.constant 0 : i32
      %dma_wait3A_132 = arith.constant 0 : i32
      %dma_wait3A_133 = tpu.memref_slice %arg16[%dma_wait3A, %dma_wait3A_132] : memref<40x144xf32, #tpu.memory_space<vmem>> -> memref<25x144xf32, #tpu.memory_space<vmem>>
      %dma_wait3A_134 = arith.constant 0 : i32
      %dma_wait3A_135 = tpu.memref_slice %arg7[%add3A_37, %dma_wait3A_134] : memref<10000x144xf32, #tpu.memory_space<vmem_shared>> -> memref<25x144xf32, #tpu.memory_space<vmem_shared>>
      %dma_wait3A_136 = arith.constant 0 : i32
      %dma_wait3A_137 = tpu.memref_slice %arg7[%add3A_37, %dma_wait3A_136] : memref<10000x144xf32, #tpu.memory_space<vmem_shared>> -> memref<25x144xf32, #tpu.memory_space<vmem_shared>>
      %dma_wait3A_138 = arith.constant 0 : i32
      %dma_wait3A_139 = arith.constant 0 : i32
      %dma_wait3A_140 = tpu.memref_slice %arg16[%dma_wait3A_138, %dma_wait3A_139] : memref<40x144xf32, #tpu.memory_space<vmem>> -> memref<25x144xf32, #tpu.memory_space<vmem>>
      tpu.wait_dma2 semaphore(%run_scoped3A : memref<!tpu.dma_semaphore, #tpu.memory_space<semaphore_mem>>) src(%dma_wait3A_140 : memref<25x144xf32, #tpu.memory_space<vmem>>) dst(%dma_wait3A_137 : memref<25x144xf32, #tpu.memory_space<vmem_shared>>)
      tpu.yield
    }) : () -> ()
    %mul3A_38 = arith.constant 625 : i32
    %mul3A_39 = arith.muli %arg1, %mul3A_38 : i32
    %add3A_40 = arith.constant 200 : i32
    %add3A_41 = arith.addi %mul3A_39, %add3A_40 : i32
    "tpu.region"() ({
      %run_scoped3A = tpu.sem_alloc : memref<!tpu.dma_semaphore, #tpu.memory_space<semaphore_mem>>
      %dma_start3A_122 = arith.constant 0 : i32
      %dma_start3A_123 = arith.constant 0 : i32
      %dma_start3A_124 = tpu.memref_slice %arg16[%dma_start3A_122, %dma_start3A_123] : memref<40x144xf32, #tpu.memory_space<vmem>> -> memref<25x144xf32, #tpu.memory_space<vmem>>
      %dma_start3A_125 = arith.constant 0 : i32
      %dma_start3A_126 = tpu.memref_slice %arg7[%add3A_41, %dma_start3A_125] : memref<10000x144xf32, #tpu.memory_space<vmem_shared>> -> memref<25x144xf32, #tpu.memory_space<vmem_shared>>
      %dma_start3A_127 = arith.constant 0 : i32
      %dma_start3A_128 = tpu.memref_slice %arg7[%add3A_41, %dma_start3A_127] : memref<10000x144xf32, #tpu.memory_space<vmem_shared>> -> memref<25x144xf32, #tpu.memory_space<vmem_shared>>
      %dma_start3A_129 = arith.constant 0 : i32
      %dma_start3A_130 = arith.constant 0 : i32
      %dma_start3A_131 = tpu.memref_slice %arg16[%dma_start3A_129, %dma_start3A_130] : memref<40x144xf32, #tpu.memory_space<vmem>> -> memref<25x144xf32, #tpu.memory_space<vmem>>
      tpu.enqueue_dma source(%dma_start3A_131 : memref<25x144xf32, #tpu.memory_space<vmem>>) target(%dma_start3A_128 : memref<25x144xf32, #tpu.memory_space<vmem_shared>>) target_semaphore(%run_scoped3A : memref<!tpu.dma_semaphore, #tpu.memory_space<semaphore_mem>>)
      %dma_wait3A = arith.constant 0 : i32
      %dma_wait3A_132 = arith.constant 0 : i32
      %dma_wait3A_133 = tpu.memref_slice %arg16[%dma_wait3A, %dma_wait3A_132] : memref<40x144xf32, #tpu.memory_space<vmem>> -> memref<25x144xf32, #tpu.memory_space<vmem>>
      %dma_wait3A_134 = arith.constant 0 : i32
      %dma_wait3A_135 = tpu.memref_slice %arg7[%add3A_41, %dma_wait3A_134] : memref<10000x144xf32, #tpu.memory_space<vmem_shared>> -> memref<25x144xf32, #tpu.memory_space<vmem_shared>>
      %dma_wait3A_136 = arith.constant 0 : i32
      %dma_wait3A_137 = tpu.memref_slice %arg7[%add3A_41, %dma_wait3A_136] : memref<10000x144xf32, #tpu.memory_space<vmem_shared>> -> memref<25x144xf32, #tpu.memory_space<vmem_shared>>
      %dma_wait3A_138 = arith.constant 0 : i32
      %dma_wait3A_139 = arith.constant 0 : i32
      %dma_wait3A_140 = tpu.memref_slice %arg16[%dma_wait3A_138, %dma_wait3A_139] : memref<40x144xf32, #tpu.memory_space<vmem>> -> memref<25x144xf32, #tpu.memory_space<vmem>>
      tpu.wait_dma2 semaphore(%run_scoped3A : memref<!tpu.dma_semaphore, #tpu.memory_space<semaphore_mem>>) src(%dma_wait3A_140 : memref<25x144xf32, #tpu.memory_space<vmem>>) dst(%dma_wait3A_137 : memref<25x144xf32, #tpu.memory_space<vmem_shared>>)
      tpu.yield
    }) : () -> ()
    %mul3A_42 = arith.constant 625 : i32
    %mul3A_43 = arith.muli %arg1, %mul3A_42 : i32
    %add3A_44 = arith.constant 225 : i32
    %add3A_45 = arith.addi %mul3A_43, %add3A_44 : i32
    "tpu.region"() ({
      %run_scoped3A = tpu.sem_alloc : memref<!tpu.dma_semaphore, #tpu.memory_space<semaphore_mem>>
      %dma_start3A_122 = arith.constant 0 : i32
      %dma_start3A_123 = arith.constant 0 : i32
      %dma_start3A_124 = tpu.memref_slice %arg16[%dma_start3A_122, %dma_start3A_123] : memref<40x144xf32, #tpu.memory_space<vmem>> -> memref<25x144xf32, #tpu.memory_space<vmem>>
      %dma_start3A_125 = arith.constant 0 : i32
      %dma_start3A_126 = tpu.memref_slice %arg7[%add3A_45, %dma_start3A_125] : memref<10000x144xf32, #tpu.memory_space<vmem_shared>> -> memref<25x144xf32, #tpu.memory_space<vmem_shared>>
      %dma_start3A_127 = arith.constant 0 : i32
      %dma_start3A_128 = tpu.memref_slice %arg7[%add3A_45, %dma_start3A_127] : memref<10000x144xf32, #tpu.memory_space<vmem_shared>> -> memref<25x144xf32, #tpu.memory_space<vmem_shared>>
      %dma_start3A_129 = arith.constant 0 : i32
      %dma_start3A_130 = arith.constant 0 : i32
      %dma_start3A_131 = tpu.memref_slice %arg16[%dma_start3A_129, %dma_start3A_130] : memref<40x144xf32, #tpu.memory_space<vmem>> -> memref<25x144xf32, #tpu.memory_space<vmem>>
      tpu.enqueue_dma source(%dma_start3A_131 : memref<25x144xf32, #tpu.memory_space<vmem>>) target(%dma_start3A_128 : memref<25x144xf32, #tpu.memory_space<vmem_shared>>) target_semaphore(%run_scoped3A : memref<!tpu.dma_semaphore, #tpu.memory_space<semaphore_mem>>)
      %dma_wait3A = arith.constant 0 : i32
      %dma_wait3A_132 = arith.constant 0 : i32
      %dma_wait3A_133 = tpu.memref_slice %arg16[%dma_wait3A, %dma_wait3A_132] : memref<40x144xf32, #tpu.memory_space<vmem>> -> memref<25x144xf32, #tpu.memory_space<vmem>>
      %dma_wait3A_134 = arith.constant 0 : i32
      %dma_wait3A_135 = tpu.memref_slice %arg7[%add3A_45, %dma_wait3A_134] : memref<10000x144xf32, #tpu.memory_space<vmem_shared>> -> memref<25x144xf32, #tpu.memory_space<vmem_shared>>
      %dma_wait3A_136 = arith.constant 0 : i32
      %dma_wait3A_137 = tpu.memref_slice %arg7[%add3A_45, %dma_wait3A_136] : memref<10000x144xf32, #tpu.memory_space<vmem_shared>> -> memref<25x144xf32, #tpu.memory_space<vmem_shared>>
      %dma_wait3A_138 = arith.constant 0 : i32
      %dma_wait3A_139 = arith.constant 0 : i32
      %dma_wait3A_140 = tpu.memref_slice %arg16[%dma_wait3A_138, %dma_wait3A_139] : memref<40x144xf32, #tpu.memory_space<vmem>> -> memref<25x144xf32, #tpu.memory_space<vmem>>
      tpu.wait_dma2 semaphore(%run_scoped3A : memref<!tpu.dma_semaphore, #tpu.memory_space<semaphore_mem>>) src(%dma_wait3A_140 : memref<25x144xf32, #tpu.memory_space<vmem>>) dst(%dma_wait3A_137 : memref<25x144xf32, #tpu.memory_space<vmem_shared>>)
      tpu.yield
    }) : () -> ()
    %mul3A_46 = arith.constant 625 : i32
    %mul3A_47 = arith.muli %arg1, %mul3A_46 : i32
    %add3A_48 = arith.constant 250 : i32
    %add3A_49 = arith.addi %mul3A_47, %add3A_48 : i32
    "tpu.region"() ({
      %run_scoped3A = tpu.sem_alloc : memref<!tpu.dma_semaphore, #tpu.memory_space<semaphore_mem>>
      %dma_start3A_122 = arith.constant 0 : i32
      %dma_start3A_123 = arith.constant 0 : i32
      %dma_start3A_124 = tpu.memref_slice %arg16[%dma_start3A_122, %dma_start3A_123] : memref<40x144xf32, #tpu.memory_space<vmem>> -> memref<25x144xf32, #tpu.memory_space<vmem>>
      %dma_start3A_125 = arith.constant 0 : i32
      %dma_start3A_126 = tpu.memref_slice %arg7[%add3A_49, %dma_start3A_125] : memref<10000x144xf32, #tpu.memory_space<vmem_shared>> -> memref<25x144xf32, #tpu.memory_space<vmem_shared>>
      %dma_start3A_127 = arith.constant 0 : i32
      %dma_start3A_128 = tpu.memref_slice %arg7[%add3A_49, %dma_start3A_127] : memref<10000x144xf32, #tpu.memory_space<vmem_shared>> -> memref<25x144xf32, #tpu.memory_space<vmem_shared>>
      %dma_start3A_129 = arith.constant 0 : i32
      %dma_start3A_130 = arith.constant 0 : i32
      %dma_start3A_131 = tpu.memref_slice %arg16[%dma_start3A_129, %dma_start3A_130] : memref<40x144xf32, #tpu.memory_space<vmem>> -> memref<25x144xf32, #tpu.memory_space<vmem>>
      tpu.enqueue_dma source(%dma_start3A_131 : memref<25x144xf32, #tpu.memory_space<vmem>>) target(%dma_start3A_128 : memref<25x144xf32, #tpu.memory_space<vmem_shared>>) target_semaphore(%run_scoped3A : memref<!tpu.dma_semaphore, #tpu.memory_space<semaphore_mem>>)
      %dma_wait3A = arith.constant 0 : i32
      %dma_wait3A_132 = arith.constant 0 : i32
      %dma_wait3A_133 = tpu.memref_slice %arg16[%dma_wait3A, %dma_wait3A_132] : memref<40x144xf32, #tpu.memory_space<vmem>> -> memref<25x144xf32, #tpu.memory_space<vmem>>
      %dma_wait3A_134 = arith.constant 0 : i32
      %dma_wait3A_135 = tpu.memref_slice %arg7[%add3A_49, %dma_wait3A_134] : memref<10000x144xf32, #tpu.memory_space<vmem_shared>> -> memref<25x144xf32, #tpu.memory_space<vmem_shared>>
      %dma_wait3A_136 = arith.constant 0 : i32
      %dma_wait3A_137 = tpu.memref_slice %arg7[%add3A_49, %dma_wait3A_136] : memref<10000x144xf32, #tpu.memory_space<vmem_shared>> -> memref<25x144xf32, #tpu.memory_space<vmem_shared>>
      %dma_wait3A_138 = arith.constant 0 : i32
      %dma_wait3A_139 = arith.constant 0 : i32
      %dma_wait3A_140 = tpu.memref_slice %arg16[%dma_wait3A_138, %dma_wait3A_139] : memref<40x144xf32, #tpu.memory_space<vmem>> -> memref<25x144xf32, #tpu.memory_space<vmem>>
      tpu.wait_dma2 semaphore(%run_scoped3A : memref<!tpu.dma_semaphore, #tpu.memory_space<semaphore_mem>>) src(%dma_wait3A_140 : memref<25x144xf32, #tpu.memory_space<vmem>>) dst(%dma_wait3A_137 : memref<25x144xf32, #tpu.memory_space<vmem_shared>>)
      tpu.yield
    }) : () -> ()
    %mul3A_50 = arith.constant 625 : i32
    %mul3A_51 = arith.muli %arg1, %mul3A_50 : i32
    %add3A_52 = arith.constant 275 : i32
    %add3A_53 = arith.addi %mul3A_51, %add3A_52 : i32
    "tpu.region"() ({
      %run_scoped3A = tpu.sem_alloc : memref<!tpu.dma_semaphore, #tpu.memory_space<semaphore_mem>>
      %dma_start3A_122 = arith.constant 0 : i32
      %dma_start3A_123 = arith.constant 0 : i32
      %dma_start3A_124 = tpu.memref_slice %arg16[%dma_start3A_122, %dma_start3A_123] : memref<40x144xf32, #tpu.memory_space<vmem>> -> memref<25x144xf32, #tpu.memory_space<vmem>>
      %dma_start3A_125 = arith.constant 0 : i32
      %dma_start3A_126 = tpu.memref_slice %arg7[%add3A_53, %dma_start3A_125] : memref<10000x144xf32, #tpu.memory_space<vmem_shared>> -> memref<25x144xf32, #tpu.memory_space<vmem_shared>>
      %dma_start3A_127 = arith.constant 0 : i32
      %dma_start3A_128 = tpu.memref_slice %arg7[%add3A_53, %dma_start3A_127] : memref<10000x144xf32, #tpu.memory_space<vmem_shared>> -> memref<25x144xf32, #tpu.memory_space<vmem_shared>>
      %dma_start3A_129 = arith.constant 0 : i32
      %dma_start3A_130 = arith.constant 0 : i32
      %dma_start3A_131 = tpu.memref_slice %arg16[%dma_start3A_129, %dma_start3A_130] : memref<40x144xf32, #tpu.memory_space<vmem>> -> memref<25x144xf32, #tpu.memory_space<vmem>>
      tpu.enqueue_dma source(%dma_start3A_131 : memref<25x144xf32, #tpu.memory_space<vmem>>) target(%dma_start3A_128 : memref<25x144xf32, #tpu.memory_space<vmem_shared>>) target_semaphore(%run_scoped3A : memref<!tpu.dma_semaphore, #tpu.memory_space<semaphore_mem>>)
      %dma_wait3A = arith.constant 0 : i32
      %dma_wait3A_132 = arith.constant 0 : i32
      %dma_wait3A_133 = tpu.memref_slice %arg16[%dma_wait3A, %dma_wait3A_132] : memref<40x144xf32, #tpu.memory_space<vmem>> -> memref<25x144xf32, #tpu.memory_space<vmem>>
      %dma_wait3A_134 = arith.constant 0 : i32
      %dma_wait3A_135 = tpu.memref_slice %arg7[%add3A_53, %dma_wait3A_134] : memref<10000x144xf32, #tpu.memory_space<vmem_shared>> -> memref<25x144xf32, #tpu.memory_space<vmem_shared>>
      %dma_wait3A_136 = arith.constant 0 : i32
      %dma_wait3A_137 = tpu.memref_slice %arg7[%add3A_53, %dma_wait3A_136] : memref<10000x144xf32, #tpu.memory_space<vmem_shared>> -> memref<25x144xf32, #tpu.memory_space<vmem_shared>>
      %dma_wait3A_138 = arith.constant 0 : i32
      %dma_wait3A_139 = arith.constant 0 : i32
      %dma_wait3A_140 = tpu.memref_slice %arg16[%dma_wait3A_138, %dma_wait3A_139] : memref<40x144xf32, #tpu.memory_space<vmem>> -> memref<25x144xf32, #tpu.memory_space<vmem>>
      tpu.wait_dma2 semaphore(%run_scoped3A : memref<!tpu.dma_semaphore, #tpu.memory_space<semaphore_mem>>) src(%dma_wait3A_140 : memref<25x144xf32, #tpu.memory_space<vmem>>) dst(%dma_wait3A_137 : memref<25x144xf32, #tpu.memory_space<vmem_shared>>)
      tpu.yield
    }) : () -> ()
    %mul3A_54 = arith.constant 625 : i32
    %mul3A_55 = arith.muli %arg1, %mul3A_54 : i32
    %add3A_56 = arith.constant 300 : i32
    %add3A_57 = arith.addi %mul3A_55, %add3A_56 : i32
    "tpu.region"() ({
      %run_scoped3A = tpu.sem_alloc : memref<!tpu.dma_semaphore, #tpu.memory_space<semaphore_mem>>
      %dma_start3A_122 = arith.constant 0 : i32
      %dma_start3A_123 = arith.constant 0 : i32
      %dma_start3A_124 = tpu.memref_slice %arg16[%dma_start3A_122, %dma_start3A_123] : memref<40x144xf32, #tpu.memory_space<vmem>> -> memref<25x144xf32, #tpu.memory_space<vmem>>
      %dma_start3A_125 = arith.constant 0 : i32
      %dma_start3A_126 = tpu.memref_slice %arg7[%add3A_57, %dma_start3A_125] : memref<10000x144xf32, #tpu.memory_space<vmem_shared>> -> memref<25x144xf32, #tpu.memory_space<vmem_shared>>
      %dma_start3A_127 = arith.constant 0 : i32
      %dma_start3A_128 = tpu.memref_slice %arg7[%add3A_57, %dma_start3A_127] : memref<10000x144xf32, #tpu.memory_space<vmem_shared>> -> memref<25x144xf32, #tpu.memory_space<vmem_shared>>
      %dma_start3A_129 = arith.constant 0 : i32
      %dma_start3A_130 = arith.constant 0 : i32
      %dma_start3A_131 = tpu.memref_slice %arg16[%dma_start3A_129, %dma_start3A_130] : memref<40x144xf32, #tpu.memory_space<vmem>> -> memref<25x144xf32, #tpu.memory_space<vmem>>
      tpu.enqueue_dma source(%dma_start3A_131 : memref<25x144xf32, #tpu.memory_space<vmem>>) target(%dma_start3A_128 : memref<25x144xf32, #tpu.memory_space<vmem_shared>>) target_semaphore(%run_scoped3A : memref<!tpu.dma_semaphore, #tpu.memory_space<semaphore_mem>>)
      %dma_wait3A = arith.constant 0 : i32
      %dma_wait3A_132 = arith.constant 0 : i32
      %dma_wait3A_133 = tpu.memref_slice %arg16[%dma_wait3A, %dma_wait3A_132] : memref<40x144xf32, #tpu.memory_space<vmem>> -> memref<25x144xf32, #tpu.memory_space<vmem>>
      %dma_wait3A_134 = arith.constant 0 : i32
      %dma_wait3A_135 = tpu.memref_slice %arg7[%add3A_57, %dma_wait3A_134] : memref<10000x144xf32, #tpu.memory_space<vmem_shared>> -> memref<25x144xf32, #tpu.memory_space<vmem_shared>>
      %dma_wait3A_136 = arith.constant 0 : i32
      %dma_wait3A_137 = tpu.memref_slice %arg7[%add3A_57, %dma_wait3A_136] : memref<10000x144xf32, #tpu.memory_space<vmem_shared>> -> memref<25x144xf32, #tpu.memory_space<vmem_shared>>
      %dma_wait3A_138 = arith.constant 0 : i32
      %dma_wait3A_139 = arith.constant 0 : i32
      %dma_wait3A_140 = tpu.memref_slice %arg16[%dma_wait3A_138, %dma_wait3A_139] : memref<40x144xf32, #tpu.memory_space<vmem>> -> memref<25x144xf32, #tpu.memory_space<vmem>>
      tpu.wait_dma2 semaphore(%run_scoped3A : memref<!tpu.dma_semaphore, #tpu.memory_space<semaphore_mem>>) src(%dma_wait3A_140 : memref<25x144xf32, #tpu.memory_space<vmem>>) dst(%dma_wait3A_137 : memref<25x144xf32, #tpu.memory_space<vmem_shared>>)
      tpu.yield
    }) : () -> ()
    %mul3A_58 = arith.constant 625 : i32
    %mul3A_59 = arith.muli %arg1, %mul3A_58 : i32
    %add3A_60 = arith.constant 325 : i32
    %add3A_61 = arith.addi %mul3A_59, %add3A_60 : i32
    "tpu.region"() ({
      %run_scoped3A = tpu.sem_alloc : memref<!tpu.dma_semaphore, #tpu.memory_space<semaphore_mem>>
      %dma_start3A_122 = arith.constant 0 : i32
      %dma_start3A_123 = arith.constant 0 : i32
      %dma_start3A_124 = tpu.memref_slice %arg16[%dma_start3A_122, %dma_start3A_123] : memref<40x144xf32, #tpu.memory_space<vmem>> -> memref<25x144xf32, #tpu.memory_space<vmem>>
      %dma_start3A_125 = arith.constant 0 : i32
      %dma_start3A_126 = tpu.memref_slice %arg7[%add3A_61, %dma_start3A_125] : memref<10000x144xf32, #tpu.memory_space<vmem_shared>> -> memref<25x144xf32, #tpu.memory_space<vmem_shared>>
      %dma_start3A_127 = arith.constant 0 : i32
      %dma_start3A_128 = tpu.memref_slice %arg7[%add3A_61, %dma_start3A_127] : memref<10000x144xf32, #tpu.memory_space<vmem_shared>> -> memref<25x144xf32, #tpu.memory_space<vmem_shared>>
      %dma_start3A_129 = arith.constant 0 : i32
      %dma_start3A_130 = arith.constant 0 : i32
      %dma_start3A_131 = tpu.memref_slice %arg16[%dma_start3A_129, %dma_start3A_130] : memref<40x144xf32, #tpu.memory_space<vmem>> -> memref<25x144xf32, #tpu.memory_space<vmem>>
      tpu.enqueue_dma source(%dma_start3A_131 : memref<25x144xf32, #tpu.memory_space<vmem>>) target(%dma_start3A_128 : memref<25x144xf32, #tpu.memory_space<vmem_shared>>) target_semaphore(%run_scoped3A : memref<!tpu.dma_semaphore, #tpu.memory_space<semaphore_mem>>)
      %dma_wait3A = arith.constant 0 : i32
      %dma_wait3A_132 = arith.constant 0 : i32
      %dma_wait3A_133 = tpu.memref_slice %arg16[%dma_wait3A, %dma_wait3A_132] : memref<40x144xf32, #tpu.memory_space<vmem>> -> memref<25x144xf32, #tpu.memory_space<vmem>>
      %dma_wait3A_134 = arith.constant 0 : i32
      %dma_wait3A_135 = tpu.memref_slice %arg7[%add3A_61, %dma_wait3A_134] : memref<10000x144xf32, #tpu.memory_space<vmem_shared>> -> memref<25x144xf32, #tpu.memory_space<vmem_shared>>
      %dma_wait3A_136 = arith.constant 0 : i32
      %dma_wait3A_137 = tpu.memref_slice %arg7[%add3A_61, %dma_wait3A_136] : memref<10000x144xf32, #tpu.memory_space<vmem_shared>> -> memref<25x144xf32, #tpu.memory_space<vmem_shared>>
      %dma_wait3A_138 = arith.constant 0 : i32
      %dma_wait3A_139 = arith.constant 0 : i32
      %dma_wait3A_140 = tpu.memref_slice %arg16[%dma_wait3A_138, %dma_wait3A_139] : memref<40x144xf32, #tpu.memory_space<vmem>> -> memref<25x144xf32, #tpu.memory_space<vmem>>
      tpu.wait_dma2 semaphore(%run_scoped3A : memref<!tpu.dma_semaphore, #tpu.memory_space<semaphore_mem>>) src(%dma_wait3A_140 : memref<25x144xf32, #tpu.memory_space<vmem>>) dst(%dma_wait3A_137 : memref<25x144xf32, #tpu.memory_space<vmem_shared>>)
      tpu.yield
    }) : () -> ()
    %mul3A_62 = arith.constant 625 : i32
    %mul3A_63 = arith.muli %arg1, %mul3A_62 : i32
    %add3A_64 = arith.constant 350 : i32
    %add3A_65 = arith.addi %mul3A_63, %add3A_64 : i32
    "tpu.region"() ({
      %run_scoped3A = tpu.sem_alloc : memref<!tpu.dma_semaphore, #tpu.memory_space<semaphore_mem>>
      %dma_start3A_122 = arith.constant 0 : i32
      %dma_start3A_123 = arith.constant 0 : i32
      %dma_start3A_124 = tpu.memref_slice %arg16[%dma_start3A_122, %dma_start3A_123] : memref<40x144xf32, #tpu.memory_space<vmem>> -> memref<25x144xf32, #tpu.memory_space<vmem>>
      %dma_start3A_125 = arith.constant 0 : i32
      %dma_start3A_126 = tpu.memref_slice %arg7[%add3A_65, %dma_start3A_125] : memref<10000x144xf32, #tpu.memory_space<vmem_shared>> -> memref<25x144xf32, #tpu.memory_space<vmem_shared>>
      %dma_start3A_127 = arith.constant 0 : i32
      %dma_start3A_128 = tpu.memref_slice %arg7[%add3A_65, %dma_start3A_127] : memref<10000x144xf32, #tpu.memory_space<vmem_shared>> -> memref<25x144xf32, #tpu.memory_space<vmem_shared>>
      %dma_start3A_129 = arith.constant 0 : i32
      %dma_start3A_130 = arith.constant 0 : i32
      %dma_start3A_131 = tpu.memref_slice %arg16[%dma_start3A_129, %dma_start3A_130] : memref<40x144xf32, #tpu.memory_space<vmem>> -> memref<25x144xf32, #tpu.memory_space<vmem>>
      tpu.enqueue_dma source(%dma_start3A_131 : memref<25x144xf32, #tpu.memory_space<vmem>>) target(%dma_start3A_128 : memref<25x144xf32, #tpu.memory_space<vmem_shared>>) target_semaphore(%run_scoped3A : memref<!tpu.dma_semaphore, #tpu.memory_space<semaphore_mem>>)
      %dma_wait3A = arith.constant 0 : i32
      %dma_wait3A_132 = arith.constant 0 : i32
      %dma_wait3A_133 = tpu.memref_slice %arg16[%dma_wait3A, %dma_wait3A_132] : memref<40x144xf32, #tpu.memory_space<vmem>> -> memref<25x144xf32, #tpu.memory_space<vmem>>
      %dma_wait3A_134 = arith.constant 0 : i32
      %dma_wait3A_135 = tpu.memref_slice %arg7[%add3A_65, %dma_wait3A_134] : memref<10000x144xf32, #tpu.memory_space<vmem_shared>> -> memref<25x144xf32, #tpu.memory_space<vmem_shared>>
      %dma_wait3A_136 = arith.constant 0 : i32
      %dma_wait3A_137 = tpu.memref_slice %arg7[%add3A_65, %dma_wait3A_136] : memref<10000x144xf32, #tpu.memory_space<vmem_shared>> -> memref<25x144xf32, #tpu.memory_space<vmem_shared>>
      %dma_wait3A_138 = arith.constant 0 : i32
      %dma_wait3A_139 = arith.constant 0 : i32
      %dma_wait3A_140 = tpu.memref_slice %arg16[%dma_wait3A_138, %dma_wait3A_139] : memref<40x144xf32, #tpu.memory_space<vmem>> -> memref<25x144xf32, #tpu.memory_space<vmem>>
      tpu.wait_dma2 semaphore(%run_scoped3A : memref<!tpu.dma_semaphore, #tpu.memory_space<semaphore_mem>>) src(%dma_wait3A_140 : memref<25x144xf32, #tpu.memory_space<vmem>>) dst(%dma_wait3A_137 : memref<25x144xf32, #tpu.memory_space<vmem_shared>>)
      tpu.yield
    }) : () -> ()
    %mul3A_66 = arith.constant 625 : i32
    %mul3A_67 = arith.muli %arg1, %mul3A_66 : i32
    %add3A_68 = arith.constant 375 : i32
    %add3A_69 = arith.addi %mul3A_67, %add3A_68 : i32
    "tpu.region"() ({
      %run_scoped3A = tpu.sem_alloc : memref<!tpu.dma_semaphore, #tpu.memory_space<semaphore_mem>>
      %dma_start3A_122 = arith.constant 0 : i32
      %dma_start3A_123 = arith.constant 0 : i32
      %dma_start3A_124 = tpu.memref_slice %arg16[%dma_start3A_122, %dma_start3A_123] : memref<40x144xf32, #tpu.memory_space<vmem>> -> memref<25x144xf32, #tpu.memory_space<vmem>>
      %dma_start3A_125 = arith.constant 0 : i32
      %dma_start3A_126 = tpu.memref_slice %arg7[%add3A_69, %dma_start3A_125] : memref<10000x144xf32, #tpu.memory_space<vmem_shared>> -> memref<25x144xf32, #tpu.memory_space<vmem_shared>>
      %dma_start3A_127 = arith.constant 0 : i32
      %dma_start3A_128 = tpu.memref_slice %arg7[%add3A_69, %dma_start3A_127] : memref<10000x144xf32, #tpu.memory_space<vmem_shared>> -> memref<25x144xf32, #tpu.memory_space<vmem_shared>>
      %dma_start3A_129 = arith.constant 0 : i32
      %dma_start3A_130 = arith.constant 0 : i32
      %dma_start3A_131 = tpu.memref_slice %arg16[%dma_start3A_129, %dma_start3A_130] : memref<40x144xf32, #tpu.memory_space<vmem>> -> memref<25x144xf32, #tpu.memory_space<vmem>>
      tpu.enqueue_dma source(%dma_start3A_131 : memref<25x144xf32, #tpu.memory_space<vmem>>) target(%dma_start3A_128 : memref<25x144xf32, #tpu.memory_space<vmem_shared>>) target_semaphore(%run_scoped3A : memref<!tpu.dma_semaphore, #tpu.memory_space<semaphore_mem>>)
      %dma_wait3A = arith.constant 0 : i32
      %dma_wait3A_132 = arith.constant 0 : i32
      %dma_wait3A_133 = tpu.memref_slice %arg16[%dma_wait3A, %dma_wait3A_132] : memref<40x144xf32, #tpu.memory_space<vmem>> -> memref<25x144xf32, #tpu.memory_space<vmem>>
      %dma_wait3A_134 = arith.constant 0 : i32
      %dma_wait3A_135 = tpu.memref_slice %arg7[%add3A_69, %dma_wait3A_134] : memref<10000x144xf32, #tpu.memory_space<vmem_shared>> -> memref<25x144xf32, #tpu.memory_space<vmem_shared>>
      %dma_wait3A_136 = arith.constant 0 : i32
      %dma_wait3A_137 = tpu.memref_slice %arg7[%add3A_69, %dma_wait3A_136] : memref<10000x144xf32, #tpu.memory_space<vmem_shared>> -> memref<25x144xf32, #tpu.memory_space<vmem_shared>>
      %dma_wait3A_138 = arith.constant 0 : i32
      %dma_wait3A_139 = arith.constant 0 : i32
      %dma_wait3A_140 = tpu.memref_slice %arg16[%dma_wait3A_138, %dma_wait3A_139] : memref<40x144xf32, #tpu.memory_space<vmem>> -> memref<25x144xf32, #tpu.memory_space<vmem>>
      tpu.wait_dma2 semaphore(%run_scoped3A : memref<!tpu.dma_semaphore, #tpu.memory_space<semaphore_mem>>) src(%dma_wait3A_140 : memref<25x144xf32, #tpu.memory_space<vmem>>) dst(%dma_wait3A_137 : memref<25x144xf32, #tpu.memory_space<vmem_shared>>)
      tpu.yield
    }) : () -> ()
    %mul3A_70 = arith.constant 625 : i32
    %mul3A_71 = arith.muli %arg1, %mul3A_70 : i32
    %add3A_72 = arith.constant 400 : i32
    %add3A_73 = arith.addi %mul3A_71, %add3A_72 : i32
    "tpu.region"() ({
      %run_scoped3A = tpu.sem_alloc : memref<!tpu.dma_semaphore, #tpu.memory_space<semaphore_mem>>
      %dma_start3A_122 = arith.constant 0 : i32
      %dma_start3A_123 = arith.constant 0 : i32
      %dma_start3A_124 = tpu.memref_slice %arg16[%dma_start3A_122, %dma_start3A_123] : memref<40x144xf32, #tpu.memory_space<vmem>> -> memref<25x144xf32, #tpu.memory_space<vmem>>
      %dma_start3A_125 = arith.constant 0 : i32
      %dma_start3A_126 = tpu.memref_slice %arg7[%add3A_73, %dma_start3A_125] : memref<10000x144xf32, #tpu.memory_space<vmem_shared>> -> memref<25x144xf32, #tpu.memory_space<vmem_shared>>
      %dma_start3A_127 = arith.constant 0 : i32
      %dma_start3A_128 = tpu.memref_slice %arg7[%add3A_73, %dma_start3A_127] : memref<10000x144xf32, #tpu.memory_space<vmem_shared>> -> memref<25x144xf32, #tpu.memory_space<vmem_shared>>
      %dma_start3A_129 = arith.constant 0 : i32
      %dma_start3A_130 = arith.constant 0 : i32
      %dma_start3A_131 = tpu.memref_slice %arg16[%dma_start3A_129, %dma_start3A_130] : memref<40x144xf32, #tpu.memory_space<vmem>> -> memref<25x144xf32, #tpu.memory_space<vmem>>
      tpu.enqueue_dma source(%dma_start3A_131 : memref<25x144xf32, #tpu.memory_space<vmem>>) target(%dma_start3A_128 : memref<25x144xf32, #tpu.memory_space<vmem_shared>>) target_semaphore(%run_scoped3A : memref<!tpu.dma_semaphore, #tpu.memory_space<semaphore_mem>>)
      %dma_wait3A = arith.constant 0 : i32
      %dma_wait3A_132 = arith.constant 0 : i32
      %dma_wait3A_133 = tpu.memref_slice %arg16[%dma_wait3A, %dma_wait3A_132] : memref<40x144xf32, #tpu.memory_space<vmem>> -> memref<25x144xf32, #tpu.memory_space<vmem>>
      %dma_wait3A_134 = arith.constant 0 : i32
      %dma_wait3A_135 = tpu.memref_slice %arg7[%add3A_73, %dma_wait3A_134] : memref<10000x144xf32, #tpu.memory_space<vmem_shared>> -> memref<25x144xf32, #tpu.memory_space<vmem_shared>>
      %dma_wait3A_136 = arith.constant 0 : i32
      %dma_wait3A_137 = tpu.memref_slice %arg7[%add3A_73, %dma_wait3A_136] : memref<10000x144xf32, #tpu.memory_space<vmem_shared>> -> memref<25x144xf32, #tpu.memory_space<vmem_shared>>
      %dma_wait3A_138 = arith.constant 0 : i32
      %dma_wait3A_139 = arith.constant 0 : i32
      %dma_wait3A_140 = tpu.memref_slice %arg16[%dma_wait3A_138, %dma_wait3A_139] : memref<40x144xf32, #tpu.memory_space<vmem>> -> memref<25x144xf32, #tpu.memory_space<vmem>>
      tpu.wait_dma2 semaphore(%run_scoped3A : memref<!tpu.dma_semaphore, #tpu.memory_space<semaphore_mem>>) src(%dma_wait3A_140 : memref<25x144xf32, #tpu.memory_space<vmem>>) dst(%dma_wait3A_137 : memref<25x144xf32, #tpu.memory_space<vmem_shared>>)
      tpu.yield
    }) : () -> ()
    %mul3A_74 = arith.constant 625 : i32
    %mul3A_75 = arith.muli %arg1, %mul3A_74 : i32
    %add3A_76 = arith.constant 425 : i32
    %add3A_77 = arith.addi %mul3A_75, %add3A_76 : i32
    "tpu.region"() ({
      %run_scoped3A = tpu.sem_alloc : memref<!tpu.dma_semaphore, #tpu.memory_space<semaphore_mem>>
      %dma_start3A_122 = arith.constant 0 : i32
      %dma_start3A_123 = arith.constant 0 : i32
      %dma_start3A_124 = tpu.memref_slice %arg16[%dma_start3A_122, %dma_start3A_123] : memref<40x144xf32, #tpu.memory_space<vmem>> -> memref<25x144xf32, #tpu.memory_space<vmem>>
      %dma_start3A_125 = arith.constant 0 : i32
      %dma_start3A_126 = tpu.memref_slice %arg7[%add3A_77, %dma_start3A_125] : memref<10000x144xf32, #tpu.memory_space<vmem_shared>> -> memref<25x144xf32, #tpu.memory_space<vmem_shared>>
      %dma_start3A_127 = arith.constant 0 : i32
      %dma_start3A_128 = tpu.memref_slice %arg7[%add3A_77, %dma_start3A_127] : memref<10000x144xf32, #tpu.memory_space<vmem_shared>> -> memref<25x144xf32, #tpu.memory_space<vmem_shared>>
      %dma_start3A_129 = arith.constant 0 : i32
      %dma_start3A_130 = arith.constant 0 : i32
      %dma_start3A_131 = tpu.memref_slice %arg16[%dma_start3A_129, %dma_start3A_130] : memref<40x144xf32, #tpu.memory_space<vmem>> -> memref<25x144xf32, #tpu.memory_space<vmem>>
      tpu.enqueue_dma source(%dma_start3A_131 : memref<25x144xf32, #tpu.memory_space<vmem>>) target(%dma_start3A_128 : memref<25x144xf32, #tpu.memory_space<vmem_shared>>) target_semaphore(%run_scoped3A : memref<!tpu.dma_semaphore, #tpu.memory_space<semaphore_mem>>)
      %dma_wait3A = arith.constant 0 : i32
      %dma_wait3A_132 = arith.constant 0 : i32
      %dma_wait3A_133 = tpu.memref_slice %arg16[%dma_wait3A, %dma_wait3A_132] : memref<40x144xf32, #tpu.memory_space<vmem>> -> memref<25x144xf32, #tpu.memory_space<vmem>>
      %dma_wait3A_134 = arith.constant 0 : i32
      %dma_wait3A_135 = tpu.memref_slice %arg7[%add3A_77, %dma_wait3A_134] : memref<10000x144xf32, #tpu.memory_space<vmem_shared>> -> memref<25x144xf32, #tpu.memory_space<vmem_shared>>
      %dma_wait3A_136 = arith.constant 0 : i32
      %dma_wait3A_137 = tpu.memref_slice %arg7[%add3A_77, %dma_wait3A_136] : memref<10000x144xf32, #tpu.memory_space<vmem_shared>> -> memref<25x144xf32, #tpu.memory_space<vmem_shared>>
      %dma_wait3A_138 = arith.constant 0 : i32
      %dma_wait3A_139 = arith.constant 0 : i32
      %dma_wait3A_140 = tpu.memref_slice %arg16[%dma_wait3A_138, %dma_wait3A_139] : memref<40x144xf32, #tpu.memory_space<vmem>> -> memref<25x144xf32, #tpu.memory_space<vmem>>
      tpu.wait_dma2 semaphore(%run_scoped3A : memref<!tpu.dma_semaphore, #tpu.memory_space<semaphore_mem>>) src(%dma_wait3A_140 : memref<25x144xf32, #tpu.memory_space<vmem>>) dst(%dma_wait3A_137 : memref<25x144xf32, #tpu.memory_space<vmem_shared>>)
      tpu.yield
    }) : () -> ()
    %mul3A_78 = arith.constant 625 : i32
    %mul3A_79 = arith.muli %arg1, %mul3A_78 : i32
    %add3A_80 = arith.constant 450 : i32
    %add3A_81 = arith.addi %mul3A_79, %add3A_80 : i32
    "tpu.region"() ({
      %run_scoped3A = tpu.sem_alloc : memref<!tpu.dma_semaphore, #tpu.memory_space<semaphore_mem>>
      %dma_start3A_122 = arith.constant 0 : i32
      %dma_start3A_123 = arith.constant 0 : i32
      %dma_start3A_124 = tpu.memref_slice %arg16[%dma_start3A_122, %dma_start3A_123] : memref<40x144xf32, #tpu.memory_space<vmem>> -> memref<25x144xf32, #tpu.memory_space<vmem>>
      %dma_start3A_125 = arith.constant 0 : i32
      %dma_start3A_126 = tpu.memref_slice %arg7[%add3A_81, %dma_start3A_125] : memref<10000x144xf32, #tpu.memory_space<vmem_shared>> -> memref<25x144xf32, #tpu.memory_space<vmem_shared>>
      %dma_start3A_127 = arith.constant 0 : i32
      %dma_start3A_128 = tpu.memref_slice %arg7[%add3A_81, %dma_start3A_127] : memref<10000x144xf32, #tpu.memory_space<vmem_shared>> -> memref<25x144xf32, #tpu.memory_space<vmem_shared>>
      %dma_start3A_129 = arith.constant 0 : i32
      %dma_start3A_130 = arith.constant 0 : i32
      %dma_start3A_131 = tpu.memref_slice %arg16[%dma_start3A_129, %dma_start3A_130] : memref<40x144xf32, #tpu.memory_space<vmem>> -> memref<25x144xf32, #tpu.memory_space<vmem>>
      tpu.enqueue_dma source(%dma_start3A_131 : memref<25x144xf32, #tpu.memory_space<vmem>>) target(%dma_start3A_128 : memref<25x144xf32, #tpu.memory_space<vmem_shared>>) target_semaphore(%run_scoped3A : memref<!tpu.dma_semaphore, #tpu.memory_space<semaphore_mem>>)
      %dma_wait3A = arith.constant 0 : i32
      %dma_wait3A_132 = arith.constant 0 : i32
      %dma_wait3A_133 = tpu.memref_slice %arg16[%dma_wait3A, %dma_wait3A_132] : memref<40x144xf32, #tpu.memory_space<vmem>> -> memref<25x144xf32, #tpu.memory_space<vmem>>
      %dma_wait3A_134 = arith.constant 0 : i32
      %dma_wait3A_135 = tpu.memref_slice %arg7[%add3A_81, %dma_wait3A_134] : memref<10000x144xf32, #tpu.memory_space<vmem_shared>> -> memref<25x144xf32, #tpu.memory_space<vmem_shared>>
      %dma_wait3A_136 = arith.constant 0 : i32
      %dma_wait3A_137 = tpu.memref_slice %arg7[%add3A_81, %dma_wait3A_136] : memref<10000x144xf32, #tpu.memory_space<vmem_shared>> -> memref<25x144xf32, #tpu.memory_space<vmem_shared>>
      %dma_wait3A_138 = arith.constant 0 : i32
      %dma_wait3A_139 = arith.constant 0 : i32
      %dma_wait3A_140 = tpu.memref_slice %arg16[%dma_wait3A_138, %dma_wait3A_139] : memref<40x144xf32, #tpu.memory_space<vmem>> -> memref<25x144xf32, #tpu.memory_space<vmem>>
      tpu.wait_dma2 semaphore(%run_scoped3A : memref<!tpu.dma_semaphore, #tpu.memory_space<semaphore_mem>>) src(%dma_wait3A_140 : memref<25x144xf32, #tpu.memory_space<vmem>>) dst(%dma_wait3A_137 : memref<25x144xf32, #tpu.memory_space<vmem_shared>>)
      tpu.yield
    }) : () -> ()
    %mul3A_82 = arith.constant 625 : i32
    %mul3A_83 = arith.muli %arg1, %mul3A_82 : i32
    %add3A_84 = arith.constant 475 : i32
    %add3A_85 = arith.addi %mul3A_83, %add3A_84 : i32
    "tpu.region"() ({
      %run_scoped3A = tpu.sem_alloc : memref<!tpu.dma_semaphore, #tpu.memory_space<semaphore_mem>>
      %dma_start3A_122 = arith.constant 0 : i32
      %dma_start3A_123 = arith.constant 0 : i32
      %dma_start3A_124 = tpu.memref_slice %arg16[%dma_start3A_122, %dma_start3A_123] : memref<40x144xf32, #tpu.memory_space<vmem>> -> memref<25x144xf32, #tpu.memory_space<vmem>>
      %dma_start3A_125 = arith.constant 0 : i32
      %dma_start3A_126 = tpu.memref_slice %arg7[%add3A_85, %dma_start3A_125] : memref<10000x144xf32, #tpu.memory_space<vmem_shared>> -> memref<25x144xf32, #tpu.memory_space<vmem_shared>>
      %dma_start3A_127 = arith.constant 0 : i32
      %dma_start3A_128 = tpu.memref_slice %arg7[%add3A_85, %dma_start3A_127] : memref<10000x144xf32, #tpu.memory_space<vmem_shared>> -> memref<25x144xf32, #tpu.memory_space<vmem_shared>>
      %dma_start3A_129 = arith.constant 0 : i32
      %dma_start3A_130 = arith.constant 0 : i32
      %dma_start3A_131 = tpu.memref_slice %arg16[%dma_start3A_129, %dma_start3A_130] : memref<40x144xf32, #tpu.memory_space<vmem>> -> memref<25x144xf32, #tpu.memory_space<vmem>>
      tpu.enqueue_dma source(%dma_start3A_131 : memref<25x144xf32, #tpu.memory_space<vmem>>) target(%dma_start3A_128 : memref<25x144xf32, #tpu.memory_space<vmem_shared>>) target_semaphore(%run_scoped3A : memref<!tpu.dma_semaphore, #tpu.memory_space<semaphore_mem>>)
      %dma_wait3A = arith.constant 0 : i32
      %dma_wait3A_132 = arith.constant 0 : i32
      %dma_wait3A_133 = tpu.memref_slice %arg16[%dma_wait3A, %dma_wait3A_132] : memref<40x144xf32, #tpu.memory_space<vmem>> -> memref<25x144xf32, #tpu.memory_space<vmem>>
      %dma_wait3A_134 = arith.constant 0 : i32
      %dma_wait3A_135 = tpu.memref_slice %arg7[%add3A_85, %dma_wait3A_134] : memref<10000x144xf32, #tpu.memory_space<vmem_shared>> -> memref<25x144xf32, #tpu.memory_space<vmem_shared>>
      %dma_wait3A_136 = arith.constant 0 : i32
      %dma_wait3A_137 = tpu.memref_slice %arg7[%add3A_85, %dma_wait3A_136] : memref<10000x144xf32, #tpu.memory_space<vmem_shared>> -> memref<25x144xf32, #tpu.memory_space<vmem_shared>>
      %dma_wait3A_138 = arith.constant 0 : i32
      %dma_wait3A_139 = arith.constant 0 : i32
      %dma_wait3A_140 = tpu.memref_slice %arg16[%dma_wait3A_138, %dma_wait3A_139] : memref<40x144xf32, #tpu.memory_space<vmem>> -> memref<25x144xf32, #tpu.memory_space<vmem>>
      tpu.wait_dma2 semaphore(%run_scoped3A : memref<!tpu.dma_semaphore, #tpu.memory_space<semaphore_mem>>) src(%dma_wait3A_140 : memref<25x144xf32, #tpu.memory_space<vmem>>) dst(%dma_wait3A_137 : memref<25x144xf32, #tpu.memory_space<vmem_shared>>)
      tpu.yield
    }) : () -> ()
    %mul3A_86 = arith.constant 625 : i32
    %mul3A_87 = arith.muli %arg1, %mul3A_86 : i32
    %add3A_88 = arith.constant 500 : i32
    %add3A_89 = arith.addi %mul3A_87, %add3A_88 : i32
    "tpu.region"() ({
      %run_scoped3A = tpu.sem_alloc : memref<!tpu.dma_semaphore, #tpu.memory_space<semaphore_mem>>
      %dma_start3A_122 = arith.constant 0 : i32
      %dma_start3A_123 = arith.constant 0 : i32
      %dma_start3A_124 = tpu.memref_slice %arg16[%dma_start3A_122, %dma_start3A_123] : memref<40x144xf32, #tpu.memory_space<vmem>> -> memref<25x144xf32, #tpu.memory_space<vmem>>
      %dma_start3A_125 = arith.constant 0 : i32
      %dma_start3A_126 = tpu.memref_slice %arg7[%add3A_89, %dma_start3A_125] : memref<10000x144xf32, #tpu.memory_space<vmem_shared>> -> memref<25x144xf32, #tpu.memory_space<vmem_shared>>
      %dma_start3A_127 = arith.constant 0 : i32
      %dma_start3A_128 = tpu.memref_slice %arg7[%add3A_89, %dma_start3A_127] : memref<10000x144xf32, #tpu.memory_space<vmem_shared>> -> memref<25x144xf32, #tpu.memory_space<vmem_shared>>
      %dma_start3A_129 = arith.constant 0 : i32
      %dma_start3A_130 = arith.constant 0 : i32
      %dma_start3A_131 = tpu.memref_slice %arg16[%dma_start3A_129, %dma_start3A_130] : memref<40x144xf32, #tpu.memory_space<vmem>> -> memref<25x144xf32, #tpu.memory_space<vmem>>
      tpu.enqueue_dma source(%dma_start3A_131 : memref<25x144xf32, #tpu.memory_space<vmem>>) target(%dma_start3A_128 : memref<25x144xf32, #tpu.memory_space<vmem_shared>>) target_semaphore(%run_scoped3A : memref<!tpu.dma_semaphore, #tpu.memory_space<semaphore_mem>>)
      %dma_wait3A = arith.constant 0 : i32
      %dma_wait3A_132 = arith.constant 0 : i32
      %dma_wait3A_133 = tpu.memref_slice %arg16[%dma_wait3A, %dma_wait3A_132] : memref<40x144xf32, #tpu.memory_space<vmem>> -> memref<25x144xf32, #tpu.memory_space<vmem>>
      %dma_wait3A_134 = arith.constant 0 : i32
      %dma_wait3A_135 = tpu.memref_slice %arg7[%add3A_89, %dma_wait3A_134] : memref<10000x144xf32, #tpu.memory_space<vmem_shared>> -> memref<25x144xf32, #tpu.memory_space<vmem_shared>>
      %dma_wait3A_136 = arith.constant 0 : i32
      %dma_wait3A_137 = tpu.memref_slice %arg7[%add3A_89, %dma_wait3A_136] : memref<10000x144xf32, #tpu.memory_space<vmem_shared>> -> memref<25x144xf32, #tpu.memory_space<vmem_shared>>
      %dma_wait3A_138 = arith.constant 0 : i32
      %dma_wait3A_139 = arith.constant 0 : i32
      %dma_wait3A_140 = tpu.memref_slice %arg16[%dma_wait3A_138, %dma_wait3A_139] : memref<40x144xf32, #tpu.memory_space<vmem>> -> memref<25x144xf32, #tpu.memory_space<vmem>>
      tpu.wait_dma2 semaphore(%run_scoped3A : memref<!tpu.dma_semaphore, #tpu.memory_space<semaphore_mem>>) src(%dma_wait3A_140 : memref<25x144xf32, #tpu.memory_space<vmem>>) dst(%dma_wait3A_137 : memref<25x144xf32, #tpu.memory_space<vmem_shared>>)
      tpu.yield
    }) : () -> ()
    %mul3A_90 = arith.constant 625 : i32
    %mul3A_91 = arith.muli %arg1, %mul3A_90 : i32
    %add3A_92 = arith.constant 525 : i32
    %add3A_93 = arith.addi %mul3A_91, %add3A_92 : i32
    "tpu.region"() ({
      %run_scoped3A = tpu.sem_alloc : memref<!tpu.dma_semaphore, #tpu.memory_space<semaphore_mem>>
      %dma_start3A_122 = arith.constant 0 : i32
      %dma_start3A_123 = arith.constant 0 : i32
      %dma_start3A_124 = tpu.memref_slice %arg16[%dma_start3A_122, %dma_start3A_123] : memref<40x144xf32, #tpu.memory_space<vmem>> -> memref<25x144xf32, #tpu.memory_space<vmem>>
      %dma_start3A_125 = arith.constant 0 : i32
      %dma_start3A_126 = tpu.memref_slice %arg7[%add3A_93, %dma_start3A_125] : memref<10000x144xf32, #tpu.memory_space<vmem_shared>> -> memref<25x144xf32, #tpu.memory_space<vmem_shared>>
      %dma_start3A_127 = arith.constant 0 : i32
      %dma_start3A_128 = tpu.memref_slice %arg7[%add3A_93, %dma_start3A_127] : memref<10000x144xf32, #tpu.memory_space<vmem_shared>> -> memref<25x144xf32, #tpu.memory_space<vmem_shared>>
      %dma_start3A_129 = arith.constant 0 : i32
      %dma_start3A_130 = arith.constant 0 : i32
      %dma_start3A_131 = tpu.memref_slice %arg16[%dma_start3A_129, %dma_start3A_130] : memref<40x144xf32, #tpu.memory_space<vmem>> -> memref<25x144xf32, #tpu.memory_space<vmem>>
      tpu.enqueue_dma source(%dma_start3A_131 : memref<25x144xf32, #tpu.memory_space<vmem>>) target(%dma_start3A_128 : memref<25x144xf32, #tpu.memory_space<vmem_shared>>) target_semaphore(%run_scoped3A : memref<!tpu.dma_semaphore, #tpu.memory_space<semaphore_mem>>)
      %dma_wait3A = arith.constant 0 : i32
      %dma_wait3A_132 = arith.constant 0 : i32
      %dma_wait3A_133 = tpu.memref_slice %arg16[%dma_wait3A, %dma_wait3A_132] : memref<40x144xf32, #tpu.memory_space<vmem>> -> memref<25x144xf32, #tpu.memory_space<vmem>>
      %dma_wait3A_134 = arith.constant 0 : i32
      %dma_wait3A_135 = tpu.memref_slice %arg7[%add3A_93, %dma_wait3A_134] : memref<10000x144xf32, #tpu.memory_space<vmem_shared>> -> memref<25x144xf32, #tpu.memory_space<vmem_shared>>
      %dma_wait3A_136 = arith.constant 0 : i32
      %dma_wait3A_137 = tpu.memref_slice %arg7[%add3A_93, %dma_wait3A_136] : memref<10000x144xf32, #tpu.memory_space<vmem_shared>> -> memref<25x144xf32, #tpu.memory_space<vmem_shared>>
      %dma_wait3A_138 = arith.constant 0 : i32
      %dma_wait3A_139 = arith.constant 0 : i32
      %dma_wait3A_140 = tpu.memref_slice %arg16[%dma_wait3A_138, %dma_wait3A_139] : memref<40x144xf32, #tpu.memory_space<vmem>> -> memref<25x144xf32, #tpu.memory_space<vmem>>
      tpu.wait_dma2 semaphore(%run_scoped3A : memref<!tpu.dma_semaphore, #tpu.memory_space<semaphore_mem>>) src(%dma_wait3A_140 : memref<25x144xf32, #tpu.memory_space<vmem>>) dst(%dma_wait3A_137 : memref<25x144xf32, #tpu.memory_space<vmem_shared>>)
      tpu.yield
    }) : () -> ()
    %mul3A_94 = arith.constant 625 : i32
    %mul3A_95 = arith.muli %arg1, %mul3A_94 : i32
    %add3A_96 = arith.constant 550 : i32
    %add3A_97 = arith.addi %mul3A_95, %add3A_96 : i32
    "tpu.region"() ({
      %run_scoped3A = tpu.sem_alloc : memref<!tpu.dma_semaphore, #tpu.memory_space<semaphore_mem>>
      %dma_start3A_122 = arith.constant 0 : i32
      %dma_start3A_123 = arith.constant 0 : i32
      %dma_start3A_124 = tpu.memref_slice %arg16[%dma_start3A_122, %dma_start3A_123] : memref<40x144xf32, #tpu.memory_space<vmem>> -> memref<25x144xf32, #tpu.memory_space<vmem>>
      %dma_start3A_125 = arith.constant 0 : i32
      %dma_start3A_126 = tpu.memref_slice %arg7[%add3A_97, %dma_start3A_125] : memref<10000x144xf32, #tpu.memory_space<vmem_shared>> -> memref<25x144xf32, #tpu.memory_space<vmem_shared>>
      %dma_start3A_127 = arith.constant 0 : i32
      %dma_start3A_128 = tpu.memref_slice %arg7[%add3A_97, %dma_start3A_127] : memref<10000x144xf32, #tpu.memory_space<vmem_shared>> -> memref<25x144xf32, #tpu.memory_space<vmem_shared>>
      %dma_start3A_129 = arith.constant 0 : i32
      %dma_start3A_130 = arith.constant 0 : i32
      %dma_start3A_131 = tpu.memref_slice %arg16[%dma_start3A_129, %dma_start3A_130] : memref<40x144xf32, #tpu.memory_space<vmem>> -> memref<25x144xf32, #tpu.memory_space<vmem>>
      tpu.enqueue_dma source(%dma_start3A_131 : memref<25x144xf32, #tpu.memory_space<vmem>>) target(%dma_start3A_128 : memref<25x144xf32, #tpu.memory_space<vmem_shared>>) target_semaphore(%run_scoped3A : memref<!tpu.dma_semaphore, #tpu.memory_space<semaphore_mem>>)
      %dma_wait3A = arith.constant 0 : i32
      %dma_wait3A_132 = arith.constant 0 : i32
      %dma_wait3A_133 = tpu.memref_slice %arg16[%dma_wait3A, %dma_wait3A_132] : memref<40x144xf32, #tpu.memory_space<vmem>> -> memref<25x144xf32, #tpu.memory_space<vmem>>
      %dma_wait3A_134 = arith.constant 0 : i32
      %dma_wait3A_135 = tpu.memref_slice %arg7[%add3A_97, %dma_wait3A_134] : memref<10000x144xf32, #tpu.memory_space<vmem_shared>> -> memref<25x144xf32, #tpu.memory_space<vmem_shared>>
      %dma_wait3A_136 = arith.constant 0 : i32
      %dma_wait3A_137 = tpu.memref_slice %arg7[%add3A_97, %dma_wait3A_136] : memref<10000x144xf32, #tpu.memory_space<vmem_shared>> -> memref<25x144xf32, #tpu.memory_space<vmem_shared>>
      %dma_wait3A_138 = arith.constant 0 : i32
      %dma_wait3A_139 = arith.constant 0 : i32
      %dma_wait3A_140 = tpu.memref_slice %arg16[%dma_wait3A_138, %dma_wait3A_139] : memref<40x144xf32, #tpu.memory_space<vmem>> -> memref<25x144xf32, #tpu.memory_space<vmem>>
      tpu.wait_dma2 semaphore(%run_scoped3A : memref<!tpu.dma_semaphore, #tpu.memory_space<semaphore_mem>>) src(%dma_wait3A_140 : memref<25x144xf32, #tpu.memory_space<vmem>>) dst(%dma_wait3A_137 : memref<25x144xf32, #tpu.memory_space<vmem_shared>>)
      tpu.yield
    }) : () -> ()
    %mul3A_98 = arith.constant 625 : i32
    %mul3A_99 = arith.muli %arg1, %mul3A_98 : i32
    %add3A_100 = arith.constant 575 : i32
    %add3A_101 = arith.addi %mul3A_99, %add3A_100 : i32
    "tpu.region"() ({
      %run_scoped3A = tpu.sem_alloc : memref<!tpu.dma_semaphore, #tpu.memory_space<semaphore_mem>>
      %dma_start3A_122 = arith.constant 0 : i32
      %dma_start3A_123 = arith.constant 0 : i32
      %dma_start3A_124 = tpu.memref_slice %arg16[%dma_start3A_122, %dma_start3A_123] : memref<40x144xf32, #tpu.memory_space<vmem>> -> memref<25x144xf32, #tpu.memory_space<vmem>>
      %dma_start3A_125 = arith.constant 0 : i32
      %dma_start3A_126 = tpu.memref_slice %arg7[%add3A_101, %dma_start3A_125] : memref<10000x144xf32, #tpu.memory_space<vmem_shared>> -> memref<25x144xf32, #tpu.memory_space<vmem_shared>>
      %dma_start3A_127 = arith.constant 0 : i32
      %dma_start3A_128 = tpu.memref_slice %arg7[%add3A_101, %dma_start3A_127] : memref<10000x144xf32, #tpu.memory_space<vmem_shared>> -> memref<25x144xf32, #tpu.memory_space<vmem_shared>>
      %dma_start3A_129 = arith.constant 0 : i32
      %dma_start3A_130 = arith.constant 0 : i32
      %dma_start3A_131 = tpu.memref_slice %arg16[%dma_start3A_129, %dma_start3A_130] : memref<40x144xf32, #tpu.memory_space<vmem>> -> memref<25x144xf32, #tpu.memory_space<vmem>>
      tpu.enqueue_dma source(%dma_start3A_131 : memref<25x144xf32, #tpu.memory_space<vmem>>) target(%dma_start3A_128 : memref<25x144xf32, #tpu.memory_space<vmem_shared>>) target_semaphore(%run_scoped3A : memref<!tpu.dma_semaphore, #tpu.memory_space<semaphore_mem>>)
      %dma_wait3A = arith.constant 0 : i32
      %dma_wait3A_132 = arith.constant 0 : i32
      %dma_wait3A_133 = tpu.memref_slice %arg16[%dma_wait3A, %dma_wait3A_132] : memref<40x144xf32, #tpu.memory_space<vmem>> -> memref<25x144xf32, #tpu.memory_space<vmem>>
      %dma_wait3A_134 = arith.constant 0 : i32
      %dma_wait3A_135 = tpu.memref_slice %arg7[%add3A_101, %dma_wait3A_134] : memref<10000x144xf32, #tpu.memory_space<vmem_shared>> -> memref<25x144xf32, #tpu.memory_space<vmem_shared>>
      %dma_wait3A_136 = arith.constant 0 : i32
      %dma_wait3A_137 = tpu.memref_slice %arg7[%add3A_101, %dma_wait3A_136] : memref<10000x144xf32, #tpu.memory_space<vmem_shared>> -> memref<25x144xf32, #tpu.memory_space<vmem_shared>>
      %dma_wait3A_138 = arith.constant 0 : i32
      %dma_wait3A_139 = arith.constant 0 : i32
      %dma_wait3A_140 = tpu.memref_slice %arg16[%dma_wait3A_138, %dma_wait3A_139] : memref<40x144xf32, #tpu.memory_space<vmem>> -> memref<25x144xf32, #tpu.memory_space<vmem>>
      tpu.wait_dma2 semaphore(%run_scoped3A : memref<!tpu.dma_semaphore, #tpu.memory_space<semaphore_mem>>) src(%dma_wait3A_140 : memref<25x144xf32, #tpu.memory_space<vmem>>) dst(%dma_wait3A_137 : memref<25x144xf32, #tpu.memory_space<vmem_shared>>)
      tpu.yield
    }) : () -> ()
    %mul3A_102 = arith.constant 625 : i32
    %mul3A_103 = arith.muli %arg1, %mul3A_102 : i32
    %add3A_104 = arith.constant 600 : i32
    %add3A_105 = arith.addi %mul3A_103, %add3A_104 : i32
    "tpu.region"() ({
      %run_scoped3A = tpu.sem_alloc : memref<!tpu.dma_semaphore, #tpu.memory_space<semaphore_mem>>
      %dma_start3A_122 = arith.constant 0 : i32
      %dma_start3A_123 = arith.constant 0 : i32
      %dma_start3A_124 = tpu.memref_slice %arg16[%dma_start3A_122, %dma_start3A_123] : memref<40x144xf32, #tpu.memory_space<vmem>> -> memref<25x144xf32, #tpu.memory_space<vmem>>
      %dma_start3A_125 = arith.constant 0 : i32
      %dma_start3A_126 = tpu.memref_slice %arg7[%add3A_105, %dma_start3A_125] : memref<10000x144xf32, #tpu.memory_space<vmem_shared>> -> memref<25x144xf32, #tpu.memory_space<vmem_shared>>
      %dma_start3A_127 = arith.constant 0 : i32
      %dma_start3A_128 = tpu.memref_slice %arg7[%add3A_105, %dma_start3A_127] : memref<10000x144xf32, #tpu.memory_space<vmem_shared>> -> memref<25x144xf32, #tpu.memory_space<vmem_shared>>
      %dma_start3A_129 = arith.constant 0 : i32
      %dma_start3A_130 = arith.constant 0 : i32
      %dma_start3A_131 = tpu.memref_slice %arg16[%dma_start3A_129, %dma_start3A_130] : memref<40x144xf32, #tpu.memory_space<vmem>> -> memref<25x144xf32, #tpu.memory_space<vmem>>
      tpu.enqueue_dma source(%dma_start3A_131 : memref<25x144xf32, #tpu.memory_space<vmem>>) target(%dma_start3A_128 : memref<25x144xf32, #tpu.memory_space<vmem_shared>>) target_semaphore(%run_scoped3A : memref<!tpu.dma_semaphore, #tpu.memory_space<semaphore_mem>>)
      %dma_wait3A = arith.constant 0 : i32
      %dma_wait3A_132 = arith.constant 0 : i32
      %dma_wait3A_133 = tpu.memref_slice %arg16[%dma_wait3A, %dma_wait3A_132] : memref<40x144xf32, #tpu.memory_space<vmem>> -> memref<25x144xf32, #tpu.memory_space<vmem>>
      %dma_wait3A_134 = arith.constant 0 : i32
      %dma_wait3A_135 = tpu.memref_slice %arg7[%add3A_105, %dma_wait3A_134] : memref<10000x144xf32, #tpu.memory_space<vmem_shared>> -> memref<25x144xf32, #tpu.memory_space<vmem_shared>>
      %dma_wait3A_136 = arith.constant 0 : i32
      %dma_wait3A_137 = tpu.memref_slice %arg7[%add3A_105, %dma_wait3A_136] : memref<10000x144xf32, #tpu.memory_space<vmem_shared>> -> memref<25x144xf32, #tpu.memory_space<vmem_shared>>
      %dma_wait3A_138 = arith.constant 0 : i32
      %dma_wait3A_139 = arith.constant 0 : i32
      %dma_wait3A_140 = tpu.memref_slice %arg16[%dma_wait3A_138, %dma_wait3A_139] : memref<40x144xf32, #tpu.memory_space<vmem>> -> memref<25x144xf32, #tpu.memory_space<vmem>>
      tpu.wait_dma2 semaphore(%run_scoped3A : memref<!tpu.dma_semaphore, #tpu.memory_space<semaphore_mem>>) src(%dma_wait3A_140 : memref<25x144xf32, #tpu.memory_space<vmem>>) dst(%dma_wait3A_137 : memref<25x144xf32, #tpu.memory_space<vmem_shared>>)
      tpu.yield
    }) : () -> ()
    %barrier3A = arith.constant 0 : index
    tpu.barrier barrier_id(%barrier3A)
    %iota3A = tpu.iota {dimensions = array<i32: 0>} : vector<16xi32>
    %mul3A_106 = arith.constant 10000 : i32
    %mul3A_107 = arith.muli %add3A, %mul3A_106 : i32
    "tpu.region"() ({
      %run_scoped3A = tpu.sem_alloc : memref<!tpu.dma_semaphore, #tpu.memory_space<semaphore_mem>>
      %dma_start3A_122 = tpu.memref_slice %arg4[%mul3A_107] : memref<320000xi32, #tpu.memory_space<hbm>> -> memref<40xi32, #tpu.memory_space<hbm>>
      %dma_start3A_123 = tpu.memref_slice %arg4[%mul3A_107] : memref<320000xi32, #tpu.memory_space<hbm>> -> memref<40xi32, #tpu.memory_space<hbm>>
      tpu.enqueue_dma source(%dma_start3A_123 : memref<40xi32, #tpu.memory_space<hbm>>) target(%arg8 : memref<40xi32, #tpu.memory_space<vmem>>) target_semaphore(%run_scoped3A : memref<!tpu.dma_semaphore, #tpu.memory_space<semaphore_mem>>)
      %dma_wait3A = tpu.memref_slice %arg4[%mul3A_107] : memref<320000xi32, #tpu.memory_space<hbm>> -> memref<40xi32, #tpu.memory_space<hbm>>
      %dma_wait3A_124 = tpu.memref_slice %arg4[%mul3A_107] : memref<320000xi32, #tpu.memory_space<hbm>> -> memref<40xi32, #tpu.memory_space<hbm>>
      tpu.wait_dma2 semaphore(%run_scoped3A : memref<!tpu.dma_semaphore, #tpu.memory_space<semaphore_mem>>) src(%dma_wait3A_124 : memref<40xi32, #tpu.memory_space<hbm>>) dst(%arg8 : memref<40xi32, #tpu.memory_space<vmem>>)
      tpu.yield
    }) : () -> ()
    "tpu.region"() ({
      %run_scoped3A = tpu.sem_alloc : memref<!tpu.dma_semaphore, #tpu.memory_space<semaphore_mem>>
      %dma_start3A_122 = tpu.memref_slice %arg5[%mul3A_107] : memref<320000xi32, #tpu.memory_space<hbm>> -> memref<40xi32, #tpu.memory_space<hbm>>
      %dma_start3A_123 = tpu.memref_slice %arg5[%mul3A_107] : memref<320000xi32, #tpu.memory_space<hbm>> -> memref<40xi32, #tpu.memory_space<hbm>>
      tpu.enqueue_dma source(%dma_start3A_123 : memref<40xi32, #tpu.memory_space<hbm>>) target(%arg9 : memref<40xi32, #tpu.memory_space<vmem>>) target_semaphore(%run_scoped3A : memref<!tpu.dma_semaphore, #tpu.memory_space<semaphore_mem>>)
      %dma_wait3A = tpu.memref_slice %arg5[%mul3A_107] : memref<320000xi32, #tpu.memory_space<hbm>> -> memref<40xi32, #tpu.memory_space<hbm>>
      %dma_wait3A_124 = tpu.memref_slice %arg5[%mul3A_107] : memref<320000xi32, #tpu.memory_space<hbm>> -> memref<40xi32, #tpu.memory_space<hbm>>
      tpu.wait_dma2 semaphore(%run_scoped3A : memref<!tpu.dma_semaphore, #tpu.memory_space<semaphore_mem>>) src(%dma_wait3A_124 : memref<40xi32, #tpu.memory_space<hbm>>) dst(%arg9 : memref<40xi32, #tpu.memory_space<vmem>>)
      tpu.yield
    }) : () -> ()
    %dma_start3A = arith.constant 0 : i32
    %dma_start3A_108 = arith.constant 0 : i32
    %dma_start3A_109 = tpu.memref_slice %arg2[%dma_start3A, %dma_start3A_108] : memref<10000x128xf32, #tpu.memory_space<hbm>> -> memref<10000x128xf32, #tpu.memory_space<hbm>>
    tpu.enqueue_indirect_dma source(%dma_start3A_109 : memref<10000x128xf32, #tpu.memory_space<hbm>>) target(%arg12 : memref<40x128xf32, #tpu.memory_space<vmem>>) offsets(%arg8 : memref<40xi32, #tpu.memory_space<vmem>>) semaphore(%arg17 : memref<!tpu.dma_semaphore, #tpu.memory_space<semaphore_mem>>)
    %dma_start3A_110 = arith.constant 0 : i32
    %dma_start3A_111 = arith.constant 0 : i32
    %dma_start3A_112 = tpu.memref_slice %arg3[%dma_start3A_110, %dma_start3A_111] : memref<10000x256xf32, #tpu.memory_space<hbm>> -> memref<10000x256xf32, #tpu.memory_space<hbm>>
    tpu.enqueue_indirect_dma source(%dma_start3A_112 : memref<10000x256xf32, #tpu.memory_space<hbm>>) target(%arg14 : memref<40x256xf32, #tpu.memory_space<vmem>>) offsets(%arg9 : memref<40xi32, #tpu.memory_space<vmem>>) semaphore(%arg18 : memref<!tpu.dma_semaphore, #tpu.memory_space<semaphore_mem>>)
    %scan3A_113 = arith.constant 0 : i32
    %scan3A_114 = arith.constant 0 : i32
    %scan3A_115 = arith.constant 125 : i32
    %scan3A_116 = arith.addi %scan3A_114, %scan3A_115 : i32
    %scan3A_117 = arith.constant 1 : i32
    scf.for %scan3A_122 = %scan3A_114 to %scan3A_116 step %scan3A_117  : i32 {
      %mul3A_123 = arith.constant 2 : i32
      %mul3A_124 = arith.muli %mul3A_123, %scan3A_122 : i32
      %add3A_125 = arith.constant 1 : i32
      %add3A_126 = arith.addi %mul3A_124, %add3A_125 : i32
      %mul3A_127 = arith.constant 40 : i32
      %mul3A_128 = arith.muli %add3A_126, %mul3A_127 : i32
      %add3A_129 = arith.addi %mul3A_107, %mul3A_128 : i32
      "tpu.region"() ({
        %run_scoped3A = tpu.sem_alloc : memref<!tpu.dma_semaphore, #tpu.memory_space<semaphore_mem>>
        %dma_start3A_161 = tpu.memref_slice %arg4[%add3A_129] : memref<320000xi32, #tpu.memory_space<hbm>> -> memref<40xi32, #tpu.memory_space<hbm>>
        %dma_start3A_162 = tpu.memref_slice %arg4[%add3A_129] : memref<320000xi32, #tpu.memory_space<hbm>> -> memref<40xi32, #tpu.memory_space<hbm>>
        tpu.enqueue_dma source(%dma_start3A_162 : memref<40xi32, #tpu.memory_space<hbm>>) target(%arg10 : memref<40xi32, #tpu.memory_space<vmem>>) target_semaphore(%run_scoped3A : memref<!tpu.dma_semaphore, #tpu.memory_space<semaphore_mem>>)
        %dma_wait3A_163 = tpu.memref_slice %arg4[%add3A_129] : memref<320000xi32, #tpu.memory_space<hbm>> -> memref<40xi32, #tpu.memory_space<hbm>>
        %dma_wait3A_164 = tpu.memref_slice %arg4[%add3A_129] : memref<320000xi32, #tpu.memory_space<hbm>> -> memref<40xi32, #tpu.memory_space<hbm>>
        tpu.wait_dma2 semaphore(%run_scoped3A : memref<!tpu.dma_semaphore, #tpu.memory_space<semaphore_mem>>) src(%dma_wait3A_164 : memref<40xi32, #tpu.memory_space<hbm>>) dst(%arg10 : memref<40xi32, #tpu.memory_space<vmem>>)
        tpu.yield
      }) : () -> ()
      "tpu.region"() ({
        %run_scoped3A = tpu.sem_alloc : memref<!tpu.dma_semaphore, #tpu.memory_space<semaphore_mem>>
        %dma_start3A_161 = tpu.memref_slice %arg5[%add3A_129] : memref<320000xi32, #tpu.memory_space<hbm>> -> memref<40xi32, #tpu.memory_space<hbm>>
        %dma_start3A_162 = tpu.memref_slice %arg5[%add3A_129] : memref<320000xi32, #tpu.memory_space<hbm>> -> memref<40xi32, #tpu.memory_space<hbm>>
        tpu.enqueue_dma source(%dma_start3A_162 : memref<40xi32, #tpu.memory_space<hbm>>) target(%arg11 : memref<40xi32, #tpu.memory_space<vmem>>) target_semaphore(%run_scoped3A : memref<!tpu.dma_semaphore, #tpu.memory_space<semaphore_mem>>)
        %dma_wait3A_163 = tpu.memref_slice %arg5[%add3A_129] : memref<320000xi32, #tpu.memory_space<hbm>> -> memref<40xi32, #tpu.memory_space<hbm>>
        %dma_wait3A_164 = tpu.memref_slice %arg5[%add3A_129] : memref<320000xi32, #tpu.memory_space<hbm>> -> memref<40xi32, #tpu.memory_space<hbm>>
        tpu.wait_dma2 semaphore(%run_scoped3A : memref<!tpu.dma_semaphore, #tpu.memory_space<semaphore_mem>>) src(%dma_wait3A_164 : memref<40xi32, #tpu.memory_space<hbm>>) dst(%arg11 : memref<40xi32, #tpu.memory_space<vmem>>)
        tpu.yield
      }) : () -> ()
      %dma_start3A_130 = arith.constant 0 : i32
      %dma_start3A_131 = arith.constant 0 : i32
      %dma_start3A_132 = tpu.memref_slice %arg2[%dma_start3A_130, %dma_start3A_131] : memref<10000x128xf32, #tpu.memory_space<hbm>> -> memref<10000x128xf32, #tpu.memory_space<hbm>>
      tpu.enqueue_indirect_dma source(%dma_start3A_132 : memref<10000x128xf32, #tpu.memory_space<hbm>>) target(%arg13 : memref<40x128xf32, #tpu.memory_space<vmem>>) offsets(%arg10 : memref<40xi32, #tpu.memory_space<vmem>>) semaphore(%arg19 : memref<!tpu.dma_semaphore, #tpu.memory_space<semaphore_mem>>)
      %dma_start3A_133 = arith.constant 0 : i32
      %dma_start3A_134 = arith.constant 0 : i32
      %dma_start3A_135 = tpu.memref_slice %arg3[%dma_start3A_133, %dma_start3A_134] : memref<10000x256xf32, #tpu.memory_space<hbm>> -> memref<10000x256xf32, #tpu.memory_space<hbm>>
      tpu.enqueue_indirect_dma source(%dma_start3A_135 : memref<10000x256xf32, #tpu.memory_space<hbm>>) target(%arg15 : memref<40x256xf32, #tpu.memory_space<vmem>>) offsets(%arg11 : memref<40xi32, #tpu.memory_space<vmem>>) semaphore(%arg20 : memref<!tpu.dma_semaphore, #tpu.memory_space<semaphore_mem>>)
      %dma_wait3A = arith.constant 0 : i32
      %dma_wait3A_136 = arith.constant 0 : i32
      %dma_wait3A_137 = tpu.memref_slice %arg2[%dma_wait3A, %dma_wait3A_136] : memref<10000x128xf32, #tpu.memory_space<hbm>> -> memref<10000x128xf32, #tpu.memory_space<hbm>>
      tpu.wait_indirect_dma semaphore(%arg17 : memref<!tpu.dma_semaphore, #tpu.memory_space<semaphore_mem>>) src(%dma_wait3A_137 : memref<10000x128xf32, #tpu.memory_space<hbm>>) dst(%arg12 : memref<40x128xf32, #tpu.memory_space<vmem>>)
      %dma_wait3A_138 = arith.constant 0 : i32
      %dma_wait3A_139 = arith.constant 0 : i32
      %dma_wait3A_140 = tpu.memref_slice %arg3[%dma_wait3A_138, %dma_wait3A_139] : memref<10000x256xf32, #tpu.memory_space<hbm>> -> memref<10000x256xf32, #tpu.memory_space<hbm>>
      tpu.wait_indirect_dma semaphore(%arg18 : memref<!tpu.dma_semaphore, #tpu.memory_space<semaphore_mem>>) src(%dma_wait3A_140 : memref<10000x256xf32, #tpu.memory_space<hbm>>) dst(%arg14 : memref<40x256xf32, #tpu.memory_space<vmem>>)
      %scan3A_141 = arith.constant 0 : i32
      %scan3A_142 = arith.constant 0 : i32
      %scan3A_143 = arith.constant 40 : i32
      %scan3A_144 = arith.addi %scan3A_142, %scan3A_143 : i32
      %scan3A_145 = arith.constant 4 : i32
      scf.for %scan3A_161 = %scan3A_142 to %scan3A_144 step %scan3A_145  : i32 {
        %broadcast_in_dim3A = arith.constant 0.000000e+00 : f32
        %broadcast_in_dim3A_162 = vector.broadcast %broadcast_in_dim3A : f32 to vector<16xf32>
        %get3A = arith.index_cast %scan3A_161 : i32 to index
        %get3A_163 = arith.constant 0 : index
        %get3A_164 = tpu.vector_load %arg12[%get3A, %get3A_163] {strides = array<i32>} : memref<40x128xf32, #tpu.memory_space<vmem>>, vector<16xf32>,
        %get3A_165 = arith.index_cast %scan3A_161 : i32 to index
        %get3A_166 = arith.constant 0 : index
        %get3A_167 = tpu.vector_load %arg14[%get3A_165, %get3A_166] {strides = array<i32>} : memref<40x256xf32, #tpu.memory_space<vmem>>, vector<16xf32>,
        %mul3A_168 = arith.mulf %get3A_164, %get3A_167 : vector<16xf32>
        %get3A_169 = arith.index_cast %scan3A_161 : i32 to index
        %get3A_170 = arith.constant 16 : index
        %get3A_171 = tpu.vector_load %arg12[%get3A_169, %get3A_170] {strides = array<i32>} : memref<40x128xf32, #tpu.memory_space<vmem>>, vector<16xf32>,
        %get3A_172 = arith.index_cast %scan3A_161 : i32 to index
        %get3A_173 = arith.constant 16 : index
        %get3A_174 = tpu.vector_load %arg14[%get3A_172, %get3A_173] {strides = array<i32>} : memref<40x256xf32, #tpu.memory_space<vmem>>, vector<16xf32>,
        %mul3A_175 = arith.mulf %get3A_171, %get3A_174 : vector<16xf32>
        %add3A_176 = arith.addf %mul3A_168, %mul3A_175 : vector<16xf32>
        %reduce_sum3A = arith.constant true
        %reduce_sum3A_177 = vector.broadcast %reduce_sum3A : i1 to vector<16xi1>
        %reduce_sum3A_178 = tpu.scan <sum>, %add3A_176 masked %reduce_sum3A_177 : vector<16xf32>, vector<16xi1> -> vector<16xf32>
        %reduce_sum3A_179 = vector.extract %reduce_sum3A_178[15] : f32 from vector<16xf32>
        %mul3A_180 = arith.constant 0.176776692 : f32
        %mul3A_181 = arith.mulf %reduce_sum3A_179, %mul3A_180 : f32
        %jit3A = arith.constant -1.000000e+01 : f32
        %jit3A_182 = arith.constant 1.000000e+01 : f32
        %max3A = arith.maximumf %jit3A, %mul3A_181 : f32
        %min3A = arith.minimumf %jit3A_182, %max3A : f32
        %broadcast_in_dim3A_183 = vector.broadcast %min3A : f32 to vector<16xf32>
        %exp3A = math.exp %broadcast_in_dim3A_183 : vector<16xf32>
        %get3A_184 = arith.index_cast %scan3A_161 : i32 to index
        %get3A_185 = arith.constant 128 : index
        %get3A_186 = tpu.vector_load %arg14[%get3A_184, %get3A_185] {strides = array<i32>} : memref<40x256xf32, #tpu.memory_space<vmem>>, vector<16xf32>,
        %mul3A_187 = arith.mulf %get3A_186, %exp3A : vector<16xf32>
        %swap3A = arith.index_cast %scan3A_161 : i32 to index
        %swap3A_188 = arith.constant 0 : index
        %swap3A_189 = tpu.vector_load %arg16[%swap3A, %swap3A_188] {strides = array<i32>} : memref<40x144xf32, #tpu.memory_space<vmem>>, vector<16xf32>,
        tpu.vector_store %arg16[%swap3A, %swap3A_188], %mul3A_187 {strides = array<i32>} : memref<40x144xf32, #tpu.memory_space<vmem>>, vector<16xf32>,
        %get3A_190 = arith.index_cast %scan3A_161 : i32 to index
        %get3A_191 = arith.constant 144 : index
        %get3A_192 = tpu.vector_load %arg14[%get3A_190, %get3A_191] {strides = array<i32>} : memref<40x256xf32, #tpu.memory_space<vmem>>, vector<16xf32>,
        %mul3A_193 = arith.mulf %get3A_192, %exp3A : vector<16xf32>
        %swap3A_194 = arith.index_cast %scan3A_161 : i32 to index
        %swap3A_195 = arith.constant 16 : index
        %swap3A_196 = tpu.vector_load %arg16[%swap3A_194, %swap3A_195] {strides = array<i32>} : memref<40x144xf32, #tpu.memory_space<vmem>>, vector<16xf32>,
        tpu.vector_store %arg16[%swap3A_194, %swap3A_195], %mul3A_193 {strides = array<i32>} : memref<40x144xf32, #tpu.memory_space<vmem>>, vector<16xf32>,
        %eq3A = arith.constant 0 : i32
        %eq3A_197 = vector.broadcast %eq3A : i32 to vector<16xi32>
        %eq3A_198 = arith.cmpi eq, %iota3A, %eq3A_197 : vector<16xi32>
        %select_n3A = arith.select %eq3A_198, %exp3A, %broadcast_in_dim3A_162 : vector<16xi1>, vector<16xf32>
        %get3A_199 = arith.index_cast %scan3A_161 : i32 to index
        %get3A_200 = arith.constant 32 : index
        %get3A_201 = tpu.vector_load %arg12[%get3A_199, %get3A_200] {strides = array<i32>} : memref<40x128xf32, #tpu.memory_space<vmem>>, vector<16xf32>,
        %get3A_202 = arith.index_cast %scan3A_161 : i32 to index
        %get3A_203 = arith.constant 32 : index
        %get3A_204 = tpu.vector_load %arg14[%get3A_202, %get3A_203] {strides = array<i32>} : memref<40x256xf32, #tpu.memory_space<vmem>>, vector<16xf32>,
        %mul3A_205 = arith.mulf %get3A_201, %get3A_204 : vector<16xf32>
        %get3A_206 = arith.index_cast %scan3A_161 : i32 to index
        %get3A_207 = arith.constant 48 : index
        %get3A_208 = tpu.vector_load %arg12[%get3A_206, %get3A_207] {strides = array<i32>} : memref<40x128xf32, #tpu.memory_space<vmem>>, vector<16xf32>,
        %get3A_209 = arith.index_cast %scan3A_161 : i32 to index
        %get3A_210 = arith.constant 48 : index
        %get3A_211 = tpu.vector_load %arg14[%get3A_209, %get3A_210] {strides = array<i32>} : memref<40x256xf32, #tpu.memory_space<vmem>>, vector<16xf32>,
        %mul3A_212 = arith.mulf %get3A_208, %get3A_211 : vector<16xf32>
        %add3A_213 = arith.addf %mul3A_205, %mul3A_212 : vector<16xf32>
        %reduce_sum3A_214 = arith.constant true
        %reduce_sum3A_215 = vector.broadcast %reduce_sum3A_214 : i1 to vector<16xi1>
        %reduce_sum3A_216 = tpu.scan <sum>, %add3A_213 masked %reduce_sum3A_215 : vector<16xf32>, vector<16xi1> -> vector<16xf32>
        %reduce_sum3A_217 = vector.extract %reduce_sum3A_216[15] : f32 from vector<16xf32>
        %mul3A_218 = arith.constant 0.176776692 : f32
        %mul3A_219 = arith.mulf %reduce_sum3A_217, %mul3A_218 : f32
        %jit3A_220 = arith.constant -1.000000e+01 : f32
        %jit3A_221 = arith.constant 1.000000e+01 : f32
        %max3A_222 = arith.maximumf %jit3A_220, %mul3A_219 : f32
        %min3A_223 = arith.minimumf %jit3A_221, %max3A_222 : f32
        %broadcast_in_dim3A_224 = vector.broadcast %min3A_223 : f32 to vector<16xf32>
        %exp3A_225 = math.exp %broadcast_in_dim3A_224 : vector<16xf32>
        %get3A_226 = arith.index_cast %scan3A_161 : i32 to index
        %get3A_227 = arith.constant 160 : index
        %get3A_228 = tpu.vector_load %arg14[%get3A_226, %get3A_227] {strides = array<i32>} : memref<40x256xf32, #tpu.memory_space<vmem>>, vector<16xf32>,
        %mul3A_229 = arith.mulf %get3A_228, %exp3A_225 : vector<16xf32>
        %swap3A_230 = arith.index_cast %scan3A_161 : i32 to index
        %swap3A_231 = arith.constant 32 : index
        %swap3A_232 = tpu.vector_load %arg16[%swap3A_230, %swap3A_231] {strides = array<i32>} : memref<40x144xf32, #tpu.memory_space<vmem>>, vector<16xf32>,
        tpu.vector_store %arg16[%swap3A_230, %swap3A_231], %mul3A_229 {strides = array<i32>} : memref<40x144xf32, #tpu.memory_space<vmem>>, vector<16xf32>,
        %get3A_233 = arith.index_cast %scan3A_161 : i32 to index
        %get3A_234 = arith.constant 176 : index
        %get3A_235 = tpu.vector_load %arg14[%get3A_233, %get3A_234] {strides = array<i32>} : memref<40x256xf32, #tpu.memory_space<vmem>>, vector<16xf32>,
        %mul3A_236 = arith.mulf %get3A_235, %exp3A_225 : vector<16xf32>
        %swap3A_237 = arith.index_cast %scan3A_161 : i32 to index
        %swap3A_238 = arith.constant 48 : index
        %swap3A_239 = tpu.vector_load %arg16[%swap3A_237, %swap3A_238] {strides = array<i32>} : memref<40x144xf32, #tpu.memory_space<vmem>>, vector<16xf32>,
        tpu.vector_store %arg16[%swap3A_237, %swap3A_238], %mul3A_236 {strides = array<i32>} : memref<40x144xf32, #tpu.memory_space<vmem>>, vector<16xf32>,
        %eq3A_240 = arith.constant 1 : i32
        %eq3A_241 = vector.broadcast %eq3A_240 : i32 to vector<16xi32>
        %eq3A_242 = arith.cmpi eq, %iota3A, %eq3A_241 : vector<16xi32>
        %select_n3A_243 = arith.select %eq3A_242, %exp3A_225, %select_n3A : vector<16xi1>, vector<16xf32>
        %get3A_244 = arith.index_cast %scan3A_161 : i32 to index
        %get3A_245 = arith.constant 64 : index
        %get3A_246 = tpu.vector_load %arg12[%get3A_244, %get3A_245] {strides = array<i32>} : memref<40x128xf32, #tpu.memory_space<vmem>>, vector<16xf32>,
        %get3A_247 = arith.index_cast %scan3A_161 : i32 to index
        %get3A_248 = arith.constant 64 : index
        %get3A_249 = tpu.vector_load %arg14[%get3A_247, %get3A_248] {strides = array<i32>} : memref<40x256xf32, #tpu.memory_space<vmem>>, vector<16xf32>,
        %mul3A_250 = arith.mulf %get3A_246, %get3A_249 : vector<16xf32>
        %get3A_251 = arith.index_cast %scan3A_161 : i32 to index
        %get3A_252 = arith.constant 80 : index
        %get3A_253 = tpu.vector_load %arg12[%get3A_251, %get3A_252] {strides = array<i32>} : memref<40x128xf32, #tpu.memory_space<vmem>>, vector<16xf32>,
        %get3A_254 = arith.index_cast %scan3A_161 : i32 to index
        %get3A_255 = arith.constant 80 : index
        %get3A_256 = tpu.vector_load %arg14[%get3A_254, %get3A_255] {strides = array<i32>} : memref<40x256xf32, #tpu.memory_space<vmem>>, vector<16xf32>,
        %mul3A_257 = arith.mulf %get3A_253, %get3A_256 : vector<16xf32>
        %add3A_258 = arith.addf %mul3A_250, %mul3A_257 : vector<16xf32>
        %reduce_sum3A_259 = arith.constant true
        %reduce_sum3A_260 = vector.broadcast %reduce_sum3A_259 : i1 to vector<16xi1>
        %reduce_sum3A_261 = tpu.scan <sum>, %add3A_258 masked %reduce_sum3A_260 : vector<16xf32>, vector<16xi1> -> vector<16xf32>
        %reduce_sum3A_262 = vector.extract %reduce_sum3A_261[15] : f32 from vector<16xf32>
        %mul3A_263 = arith.constant 0.176776692 : f32
        %mul3A_264 = arith.mulf %reduce_sum3A_262, %mul3A_263 : f32
        %jit3A_265 = arith.constant -1.000000e+01 : f32
        %jit3A_266 = arith.constant 1.000000e+01 : f32
        %max3A_267 = arith.maximumf %jit3A_265, %mul3A_264 : f32
        %min3A_268 = arith.minimumf %jit3A_266, %max3A_267 : f32
        %broadcast_in_dim3A_269 = vector.broadcast %min3A_268 : f32 to vector<16xf32>
        %exp3A_270 = math.exp %broadcast_in_dim3A_269 : vector<16xf32>
        %get3A_271 = arith.index_cast %scan3A_161 : i32 to index
        %get3A_272 = arith.constant 192 : index
        %get3A_273 = tpu.vector_load %arg14[%get3A_271, %get3A_272] {strides = array<i32>} : memref<40x256xf32, #tpu.memory_space<vmem>>, vector<16xf32>,
        %mul3A_274 = arith.mulf %get3A_273, %exp3A_270 : vector<16xf32>
        %swap3A_275 = arith.index_cast %scan3A_161 : i32 to index
        %swap3A_276 = arith.constant 64 : index
        %swap3A_277 = tpu.vector_load %arg16[%swap3A_275, %swap3A_276] {strides = array<i32>} : memref<40x144xf32, #tpu.memory_space<vmem>>, vector<16xf32>,
        tpu.vector_store %arg16[%swap3A_275, %swap3A_276], %mul3A_274 {strides = array<i32>} : memref<40x144xf32, #tpu.memory_space<vmem>>, vector<16xf32>,
        %get3A_278 = arith.index_cast %scan3A_161 : i32 to index
        %get3A_279 = arith.constant 208 : index
        %get3A_280 = tpu.vector_load %arg14[%get3A_278, %get3A_279] {strides = array<i32>} : memref<40x256xf32, #tpu.memory_space<vmem>>, vector<16xf32>,
        %mul3A_281 = arith.mulf %get3A_280, %exp3A_270 : vector<16xf32>
        %swap3A_282 = arith.index_cast %scan3A_161 : i32 to index
        %swap3A_283 = arith.constant 80 : index
        %swap3A_284 = tpu.vector_load %arg16[%swap3A_282, %swap3A_283] {strides = array<i32>} : memref<40x144xf32, #tpu.memory_space<vmem>>, vector<16xf32>,
        tpu.vector_store %arg16[%swap3A_282, %swap3A_283], %mul3A_281 {strides = array<i32>} : memref<40x144xf32, #tpu.memory_space<vmem>>, vector<16xf32>,
        %eq3A_285 = arith.constant 2 : i32
        %eq3A_286 = vector.broadcast %eq3A_285 : i32 to vector<16xi32>
        %eq3A_287 = arith.cmpi eq, %iota3A, %eq3A_286 : vector<16xi32>
        %select_n3A_288 = arith.select %eq3A_287, %exp3A_270, %select_n3A_243 : vector<16xi1>, vector<16xf32>
        %get3A_289 = arith.index_cast %scan3A_161 : i32 to index
        %get3A_290 = arith.constant 96 : index
        %get3A_291 = tpu.vector_load %arg12[%get3A_289, %get3A_290] {strides = array<i32>} : memref<40x128xf32, #tpu.memory_space<vmem>>, vector<16xf32>,
        %get3A_292 = arith.index_cast %scan3A_161 : i32 to index
        %get3A_293 = arith.constant 96 : index
        %get3A_294 = tpu.vector_load %arg14[%get3A_292, %get3A_293] {strides = array<i32>} : memref<40x256xf32, #tpu.memory_space<vmem>>, vector<16xf32>,
        %mul3A_295 = arith.mulf %get3A_291, %get3A_294 : vector<16xf32>
        %get3A_296 = arith.index_cast %scan3A_161 : i32 to index
        %get3A_297 = arith.constant 112 : index
        %get3A_298 = tpu.vector_load %arg12[%get3A_296, %get3A_297] {strides = array<i32>} : memref<40x128xf32, #tpu.memory_space<vmem>>, vector<16xf32>,
        %get3A_299 = arith.index_cast %scan3A_161 : i32 to index
        %get3A_300 = arith.constant 112 : index
        %get3A_301 = tpu.vector_load %arg14[%get3A_299, %get3A_300] {strides = array<i32>} : memref<40x256xf32, #tpu.memory_space<vmem>>, vector<16xf32>,
        %mul3A_302 = arith.mulf %get3A_298, %get3A_301 : vector<16xf32>
        %add3A_303 = arith.addf %mul3A_295, %mul3A_302 : vector<16xf32>
        %reduce_sum3A_304 = arith.constant true
        %reduce_sum3A_305 = vector.broadcast %reduce_sum3A_304 : i1 to vector<16xi1>
        %reduce_sum3A_306 = tpu.scan <sum>, %add3A_303 masked %reduce_sum3A_305 : vector<16xf32>, vector<16xi1> -> vector<16xf32>
        %reduce_sum3A_307 = vector.extract %reduce_sum3A_306[15] : f32 from vector<16xf32>
        %mul3A_308 = arith.constant 0.176776692 : f32
        %mul3A_309 = arith.mulf %reduce_sum3A_307, %mul3A_308 : f32
        %jit3A_310 = arith.constant -1.000000e+01 : f32
        %jit3A_311 = arith.constant 1.000000e+01 : f32
        %max3A_312 = arith.maximumf %jit3A_310, %mul3A_309 : f32
        %min3A_313 = arith.minimumf %jit3A_311, %max3A_312 : f32
        %broadcast_in_dim3A_314 = vector.broadcast %min3A_313 : f32 to vector<16xf32>
        %exp3A_315 = math.exp %broadcast_in_dim3A_314 : vector<16xf32>
        %get3A_316 = arith.index_cast %scan3A_161 : i32 to index
        %get3A_317 = arith.constant 224 : index
        %get3A_318 = tpu.vector_load %arg14[%get3A_316, %get3A_317] {strides = array<i32>} : memref<40x256xf32, #tpu.memory_space<vmem>>, vector<16xf32>,
        %mul3A_319 = arith.mulf %get3A_318, %exp3A_315 : vector<16xf32>
        %swap3A_320 = arith.index_cast %scan3A_161 : i32 to index
        %swap3A_321 = arith.constant 96 : index
        %swap3A_322 = tpu.vector_load %arg16[%swap3A_320, %swap3A_321] {strides = array<i32>} : memref<40x144xf32, #tpu.memory_space<vmem>>, vector<16xf32>,
        tpu.vector_store %arg16[%swap3A_320, %swap3A_321], %mul3A_319 {strides = array<i32>} : memref<40x144xf32, #tpu.memory_space<vmem>>, vector<16xf32>,
        %get3A_323 = arith.index_cast %scan3A_161 : i32 to index
        %get3A_324 = arith.constant 240 : index
        %get3A_325 = tpu.vector_load %arg14[%get3A_323, %get3A_324] {strides = array<i32>} : memref<40x256xf32, #tpu.memory_space<vmem>>, vector<16xf32>,
        %mul3A_326 = arith.mulf %get3A_325, %exp3A_315 : vector<16xf32>
        %swap3A_327 = arith.index_cast %scan3A_161 : i32 to index
        %swap3A_328 = arith.constant 112 : index
        %swap3A_329 = tpu.vector_load %arg16[%swap3A_327, %swap3A_328] {strides = array<i32>} : memref<40x144xf32, #tpu.memory_space<vmem>>, vector<16xf32>,
        tpu.vector_store %arg16[%swap3A_327, %swap3A_328], %mul3A_326 {strides = array<i32>} : memref<40x144xf32, #tpu.memory_space<vmem>>, vector<16xf32>,
        %eq3A_330 = arith.constant 3 : i32
        %eq3A_331 = vector.broadcast %eq3A_330 : i32 to vector<16xi32>
        %eq3A_332 = arith.cmpi eq, %iota3A, %eq3A_331 : vector<16xi32>
        %select_n3A_333 = arith.select %eq3A_332, %exp3A_315, %select_n3A_288 : vector<16xi1>, vector<16xf32>
        %swap3A_334 = arith.index_cast %scan3A_161 : i32 to index
        %swap3A_335 = arith.constant 128 : index
        %swap3A_336 = tpu.vector_load %arg16[%swap3A_334, %swap3A_335] {strides = array<i32>} : memref<40x144xf32, #tpu.memory_space<vmem>>, vector<16xf32>,
        tpu.vector_store %arg16[%swap3A_334, %swap3A_335], %select_n3A_333 {strides = array<i32>} : memref<40x144xf32, #tpu.memory_space<vmem>>, vector<16xf32>,
        %scan3A_337 = arith.constant 1 : i32
        %scan3A_338 = arith.addi %scan3A_161, %scan3A_337 : i32
        %broadcast_in_dim3A_339 = arith.constant 0.000000e+00 : f32
        %broadcast_in_dim3A_340 = vector.broadcast %broadcast_in_dim3A_339 : f32 to vector<16xf32>
        %get3A_341 = arith.index_cast %scan3A_338 : i32 to index
        %get3A_342 = arith.constant 0 : index
        %get3A_343 = tpu.vector_load %arg12[%get3A_341, %get3A_342] {strides = array<i32>} : memref<40x128xf32, #tpu.memory_space<vmem>>, vector<16xf32>,
        %get3A_344 = arith.index_cast %scan3A_338 : i32 to index
        %get3A_345 = arith.constant 0 : index
        %get3A_346 = tpu.vector_load %arg14[%get3A_344, %get3A_345] {strides = array<i32>} : memref<40x256xf32, #tpu.memory_space<vmem>>, vector<16xf32>,
        %mul3A_347 = arith.mulf %get3A_343, %get3A_346 : vector<16xf32>
        %get3A_348 = arith.index_cast %scan3A_338 : i32 to index
        %get3A_349 = arith.constant 16 : index
        %get3A_350 = tpu.vector_load %arg12[%get3A_348, %get3A_349] {strides = array<i32>} : memref<40x128xf32, #tpu.memory_space<vmem>>, vector<16xf32>,
        %get3A_351 = arith.index_cast %scan3A_338 : i32 to index
        %get3A_352 = arith.constant 16 : index
        %get3A_353 = tpu.vector_load %arg14[%get3A_351, %get3A_352] {strides = array<i32>} : memref<40x256xf32, #tpu.memory_space<vmem>>, vector<16xf32>,
        %mul3A_354 = arith.mulf %get3A_350, %get3A_353 : vector<16xf32>
        %add3A_355 = arith.addf %mul3A_347, %mul3A_354 : vector<16xf32>
        %reduce_sum3A_356 = arith.constant true
        %reduce_sum3A_357 = vector.broadcast %reduce_sum3A_356 : i1 to vector<16xi1>
        %reduce_sum3A_358 = tpu.scan <sum>, %add3A_355 masked %reduce_sum3A_357 : vector<16xf32>, vector<16xi1> -> vector<16xf32>
        %reduce_sum3A_359 = vector.extract %reduce_sum3A_358[15] : f32 from vector<16xf32>
        %mul3A_360 = arith.constant 0.176776692 : f32
        %mul3A_361 = arith.mulf %reduce_sum3A_359, %mul3A_360 : f32
        %jit3A_362 = arith.constant -1.000000e+01 : f32
        %jit3A_363 = arith.constant 1.000000e+01 : f32
        %max3A_364 = arith.maximumf %jit3A_362, %mul3A_361 : f32
        %min3A_365 = arith.minimumf %jit3A_363, %max3A_364 : f32
        %broadcast_in_dim3A_366 = vector.broadcast %min3A_365 : f32 to vector<16xf32>
        %exp3A_367 = math.exp %broadcast_in_dim3A_366 : vector<16xf32>
        %get3A_368 = arith.index_cast %scan3A_338 : i32 to index
        %get3A_369 = arith.constant 128 : index
        %get3A_370 = tpu.vector_load %arg14[%get3A_368, %get3A_369] {strides = array<i32>} : memref<40x256xf32, #tpu.memory_space<vmem>>, vector<16xf32>,
        %mul3A_371 = arith.mulf %get3A_370, %exp3A_367 : vector<16xf32>
        %swap3A_372 = arith.index_cast %scan3A_338 : i32 to index
        %swap3A_373 = arith.constant 0 : index
        %swap3A_374 = tpu.vector_load %arg16[%swap3A_372, %swap3A_373] {strides = array<i32>} : memref<40x144xf32, #tpu.memory_space<vmem>>, vector<16xf32>,
        tpu.vector_store %arg16[%swap3A_372, %swap3A_373], %mul3A_371 {strides = array<i32>} : memref<40x144xf32, #tpu.memory_space<vmem>>, vector<16xf32>,
        %get3A_375 = arith.index_cast %scan3A_338 : i32 to index
        %get3A_376 = arith.constant 144 : index
        %get3A_377 = tpu.vector_load %arg14[%get3A_375, %get3A_376] {strides = array<i32>} : memref<40x256xf32, #tpu.memory_space<vmem>>, vector<16xf32>,
        %mul3A_378 = arith.mulf %get3A_377, %exp3A_367 : vector<16xf32>
        %swap3A_379 = arith.index_cast %scan3A_338 : i32 to index
        %swap3A_380 = arith.constant 16 : index
        %swap3A_381 = tpu.vector_load %arg16[%swap3A_379, %swap3A_380] {strides = array<i32>} : memref<40x144xf32, #tpu.memory_space<vmem>>, vector<16xf32>,
        tpu.vector_store %arg16[%swap3A_379, %swap3A_380], %mul3A_378 {strides = array<i32>} : memref<40x144xf32, #tpu.memory_space<vmem>>, vector<16xf32>,
        %eq3A_382 = arith.constant 0 : i32
        %eq3A_383 = vector.broadcast %eq3A_382 : i32 to vector<16xi32>
        %eq3A_384 = arith.cmpi eq, %iota3A, %eq3A_383 : vector<16xi32>
        %select_n3A_385 = arith.select %eq3A_384, %exp3A_367, %broadcast_in_dim3A_340 : vector<16xi1>, vector<16xf32>
        %get3A_386 = arith.index_cast %scan3A_338 : i32 to index
        %get3A_387 = arith.constant 32 : index
        %get3A_388 = tpu.vector_load %arg12[%get3A_386, %get3A_387] {strides = array<i32>} : memref<40x128xf32, #tpu.memory_space<vmem>>, vector<16xf32>,
        %get3A_389 = arith.index_cast %scan3A_338 : i32 to index
        %get3A_390 = arith.constant 32 : index
        %get3A_391 = tpu.vector_load %arg14[%get3A_389, %get3A_390] {strides = array<i32>} : memref<40x256xf32, #tpu.memory_space<vmem>>, vector<16xf32>,
        %mul3A_392 = arith.mulf %get3A_388, %get3A_391 : vector<16xf32>
        %get3A_393 = arith.index_cast %scan3A_338 : i32 to index
        %get3A_394 = arith.constant 48 : index
        %get3A_395 = tpu.vector_load %arg12[%get3A_393, %get3A_394] {strides = array<i32>} : memref<40x128xf32, #tpu.memory_space<vmem>>, vector<16xf32>,
        %get3A_396 = arith.index_cast %scan3A_338 : i32 to index
        %get3A_397 = arith.constant 48 : index
        %get3A_398 = tpu.vector_load %arg14[%get3A_396, %get3A_397] {strides = array<i32>} : memref<40x256xf32, #tpu.memory_space<vmem>>, vector<16xf32>,
        %mul3A_399 = arith.mulf %get3A_395, %get3A_398 : vector<16xf32>
        %add3A_400 = arith.addf %mul3A_392, %mul3A_399 : vector<16xf32>
        %reduce_sum3A_401 = arith.constant true
        %reduce_sum3A_402 = vector.broadcast %reduce_sum3A_401 : i1 to vector<16xi1>
        %reduce_sum3A_403 = tpu.scan <sum>, %add3A_400 masked %reduce_sum3A_402 : vector<16xf32>, vector<16xi1> -> vector<16xf32>
        %reduce_sum3A_404 = vector.extract %reduce_sum3A_403[15] : f32 from vector<16xf32>
        %mul3A_405 = arith.constant 0.176776692 : f32
        %mul3A_406 = arith.mulf %reduce_sum3A_404, %mul3A_405 : f32
        %jit3A_407 = arith.constant -1.000000e+01 : f32
        %jit3A_408 = arith.constant 1.000000e+01 : f32
        %max3A_409 = arith.maximumf %jit3A_407, %mul3A_406 : f32
        %min3A_410 = arith.minimumf %jit3A_408, %max3A_409 : f32
        %broadcast_in_dim3A_411 = vector.broadcast %min3A_410 : f32 to vector<16xf32>
        %exp3A_412 = math.exp %broadcast_in_dim3A_411 : vector<16xf32>
        %get3A_413 = arith.index_cast %scan3A_338 : i32 to index
        %get3A_414 = arith.constant 160 : index
        %get3A_415 = tpu.vector_load %arg14[%get3A_413, %get3A_414] {strides = array<i32>} : memref<40x256xf32, #tpu.memory_space<vmem>>, vector<16xf32>,
        %mul3A_416 = arith.mulf %get3A_415, %exp3A_412 : vector<16xf32>
        %swap3A_417 = arith.index_cast %scan3A_338 : i32 to index
        %swap3A_418 = arith.constant 32 : index
        %swap3A_419 = tpu.vector_load %arg16[%swap3A_417, %swap3A_418] {strides = array<i32>} : memref<40x144xf32, #tpu.memory_space<vmem>>, vector<16xf32>,
        tpu.vector_store %arg16[%swap3A_417, %swap3A_418], %mul3A_416 {strides = array<i32>} : memref<40x144xf32, #tpu.memory_space<vmem>>, vector<16xf32>,
        %get3A_420 = arith.index_cast %scan3A_338 : i32 to index
        %get3A_421 = arith.constant 176 : index
        %get3A_422 = tpu.vector_load %arg14[%get3A_420, %get3A_421] {strides = array<i32>} : memref<40x256xf32, #tpu.memory_space<vmem>>, vector<16xf32>,
        %mul3A_423 = arith.mulf %get3A_422, %exp3A_412 : vector<16xf32>
        %swap3A_424 = arith.index_cast %scan3A_338 : i32 to index
        %swap3A_425 = arith.constant 48 : index
        %swap3A_426 = tpu.vector_load %arg16[%swap3A_424, %swap3A_425] {strides = array<i32>} : memref<40x144xf32, #tpu.memory_space<vmem>>, vector<16xf32>,
        tpu.vector_store %arg16[%swap3A_424, %swap3A_425], %mul3A_423 {strides = array<i32>} : memref<40x144xf32, #tpu.memory_space<vmem>>, vector<16xf32>,
        %eq3A_427 = arith.constant 1 : i32
        %eq3A_428 = vector.broadcast %eq3A_427 : i32 to vector<16xi32>
        %eq3A_429 = arith.cmpi eq, %iota3A, %eq3A_428 : vector<16xi32>
        %select_n3A_430 = arith.select %eq3A_429, %exp3A_412, %select_n3A_385 : vector<16xi1>, vector<16xf32>
        %get3A_431 = arith.index_cast %scan3A_338 : i32 to index
        %get3A_432 = arith.constant 64 : index
        %get3A_433 = tpu.vector_load %arg12[%get3A_431, %get3A_432] {strides = array<i32>} : memref<40x128xf32, #tpu.memory_space<vmem>>, vector<16xf32>,
        %get3A_434 = arith.index_cast %scan3A_338 : i32 to index
        %get3A_435 = arith.constant 64 : index
        %get3A_436 = tpu.vector_load %arg14[%get3A_434, %get3A_435] {strides = array<i32>} : memref<40x256xf32, #tpu.memory_space<vmem>>, vector<16xf32>,
        %mul3A_437 = arith.mulf %get3A_433, %get3A_436 : vector<16xf32>
        %get3A_438 = arith.index_cast %scan3A_338 : i32 to index
        %get3A_439 = arith.constant 80 : index
        %get3A_440 = tpu.vector_load %arg12[%get3A_438, %get3A_439] {strides = array<i32>} : memref<40x128xf32, #tpu.memory_space<vmem>>, vector<16xf32>,
        %get3A_441 = arith.index_cast %scan3A_338 : i32 to index
        %get3A_442 = arith.constant 80 : index
        %get3A_443 = tpu.vector_load %arg14[%get3A_441, %get3A_442] {strides = array<i32>} : memref<40x256xf32, #tpu.memory_space<vmem>>, vector<16xf32>,
        %mul3A_444 = arith.mulf %get3A_440, %get3A_443 : vector<16xf32>
        %add3A_445 = arith.addf %mul3A_437, %mul3A_444 : vector<16xf32>
        %reduce_sum3A_446 = arith.constant true
        %reduce_sum3A_447 = vector.broadcast %reduce_sum3A_446 : i1 to vector<16xi1>
        %reduce_sum3A_448 = tpu.scan <sum>, %add3A_445 masked %reduce_sum3A_447 : vector<16xf32>, vector<16xi1> -> vector<16xf32>
        %reduce_sum3A_449 = vector.extract %reduce_sum3A_448[15] : f32 from vector<16xf32>
        %mul3A_450 = arith.constant 0.176776692 : f32
        %mul3A_451 = arith.mulf %reduce_sum3A_449, %mul3A_450 : f32
        %jit3A_452 = arith.constant -1.000000e+01 : f32
        %jit3A_453 = arith.constant 1.000000e+01 : f32
        %max3A_454 = arith.maximumf %jit3A_452, %mul3A_451 : f32
        %min3A_455 = arith.minimumf %jit3A_453, %max3A_454 : f32
        %broadcast_in_dim3A_456 = vector.broadcast %min3A_455 : f32 to vector<16xf32>
        %exp3A_457 = math.exp %broadcast_in_dim3A_456 : vector<16xf32>
        %get3A_458 = arith.index_cast %scan3A_338 : i32 to index
        %get3A_459 = arith.constant 192 : index
        %get3A_460 = tpu.vector_load %arg14[%get3A_458, %get3A_459] {strides = array<i32>} : memref<40x256xf32, #tpu.memory_space<vmem>>, vector<16xf32>,
        %mul3A_461 = arith.mulf %get3A_460, %exp3A_457 : vector<16xf32>
        %swap3A_462 = arith.index_cast %scan3A_338 : i32 to index
        %swap3A_463 = arith.constant 64 : index
        %swap3A_464 = tpu.vector_load %arg16[%swap3A_462, %swap3A_463] {strides = array<i32>} : memref<40x144xf32, #tpu.memory_space<vmem>>, vector<16xf32>,
        tpu.vector_store %arg16[%swap3A_462, %swap3A_463], %mul3A_461 {strides = array<i32>} : memref<40x144xf32, #tpu.memory_space<vmem>>, vector<16xf32>,
        %get3A_465 = arith.index_cast %scan3A_338 : i32 to index
        %get3A_466 = arith.constant 208 : index
        %get3A_467 = tpu.vector_load %arg14[%get3A_465, %get3A_466] {strides = array<i32>} : memref<40x256xf32, #tpu.memory_space<vmem>>, vector<16xf32>,
        %mul3A_468 = arith.mulf %get3A_467, %exp3A_457 : vector<16xf32>
        %swap3A_469 = arith.index_cast %scan3A_338 : i32 to index
        %swap3A_470 = arith.constant 80 : index
        %swap3A_471 = tpu.vector_load %arg16[%swap3A_469, %swap3A_470] {strides = array<i32>} : memref<40x144xf32, #tpu.memory_space<vmem>>, vector<16xf32>,
        tpu.vector_store %arg16[%swap3A_469, %swap3A_470], %mul3A_468 {strides = array<i32>} : memref<40x144xf32, #tpu.memory_space<vmem>>, vector<16xf32>,
        %eq3A_472 = arith.constant 2 : i32
        %eq3A_473 = vector.broadcast %eq3A_472 : i32 to vector<16xi32>
        %eq3A_474 = arith.cmpi eq, %iota3A, %eq3A_473 : vector<16xi32>
        %select_n3A_475 = arith.select %eq3A_474, %exp3A_457, %select_n3A_430 : vector<16xi1>, vector<16xf32>
        %get3A_476 = arith.index_cast %scan3A_338 : i32 to index
        %get3A_477 = arith.constant 96 : index
        %get3A_478 = tpu.vector_load %arg12[%get3A_476, %get3A_477] {strides = array<i32>} : memref<40x128xf32, #tpu.memory_space<vmem>>, vector<16xf32>,
        %get3A_479 = arith.index_cast %scan3A_338 : i32 to index
        %get3A_480 = arith.constant 96 : index
        %get3A_481 = tpu.vector_load %arg14[%get3A_479, %get3A_480] {strides = array<i32>} : memref<40x256xf32, #tpu.memory_space<vmem>>, vector<16xf32>,
        %mul3A_482 = arith.mulf %get3A_478, %get3A_481 : vector<16xf32>
        %get3A_483 = arith.index_cast %scan3A_338 : i32 to index
        %get3A_484 = arith.constant 112 : index
        %get3A_485 = tpu.vector_load %arg12[%get3A_483, %get3A_484] {strides = array<i32>} : memref<40x128xf32, #tpu.memory_space<vmem>>, vector<16xf32>,
        %get3A_486 = arith.index_cast %scan3A_338 : i32 to index
        %get3A_487 = arith.constant 112 : index
        %get3A_488 = tpu.vector_load %arg14[%get3A_486, %get3A_487] {strides = array<i32>} : memref<40x256xf32, #tpu.memory_space<vmem>>, vector<16xf32>,
        %mul3A_489 = arith.mulf %get3A_485, %get3A_488 : vector<16xf32>
        %add3A_490 = arith.addf %mul3A_482, %mul3A_489 : vector<16xf32>
        %reduce_sum3A_491 = arith.constant true
        %reduce_sum3A_492 = vector.broadcast %reduce_sum3A_491 : i1 to vector<16xi1>
        %reduce_sum3A_493 = tpu.scan <sum>, %add3A_490 masked %reduce_sum3A_492 : vector<16xf32>, vector<16xi1> -> vector<16xf32>
        %reduce_sum3A_494 = vector.extract %reduce_sum3A_493[15] : f32 from vector<16xf32>
        %mul3A_495 = arith.constant 0.176776692 : f32
        %mul3A_496 = arith.mulf %reduce_sum3A_494, %mul3A_495 : f32
        %jit3A_497 = arith.constant -1.000000e+01 : f32
        %jit3A_498 = arith.constant 1.000000e+01 : f32
        %max3A_499 = arith.maximumf %jit3A_497, %mul3A_496 : f32
        %min3A_500 = arith.minimumf %jit3A_498, %max3A_499 : f32
        %broadcast_in_dim3A_501 = vector.broadcast %min3A_500 : f32 to vector<16xf32>
        %exp3A_502 = math.exp %broadcast_in_dim3A_501 : vector<16xf32>
        %get3A_503 = arith.index_cast %scan3A_338 : i32 to index
        %get3A_504 = arith.constant 224 : index
        %get3A_505 = tpu.vector_load %arg14[%get3A_503, %get3A_504] {strides = array<i32>} : memref<40x256xf32, #tpu.memory_space<vmem>>, vector<16xf32>,
        %mul3A_506 = arith.mulf %get3A_505, %exp3A_502 : vector<16xf32>
        %swap3A_507 = arith.index_cast %scan3A_338 : i32 to index
        %swap3A_508 = arith.constant 96 : index
        %swap3A_509 = tpu.vector_load %arg16[%swap3A_507, %swap3A_508] {strides = array<i32>} : memref<40x144xf32, #tpu.memory_space<vmem>>, vector<16xf32>,
        tpu.vector_store %arg16[%swap3A_507, %swap3A_508], %mul3A_506 {strides = array<i32>} : memref<40x144xf32, #tpu.memory_space<vmem>>, vector<16xf32>,
        %get3A_510 = arith.index_cast %scan3A_338 : i32 to index
        %get3A_511 = arith.constant 240 : index
        %get3A_512 = tpu.vector_load %arg14[%get3A_510, %get3A_511] {strides = array<i32>} : memref<40x256xf32, #tpu.memory_space<vmem>>, vector<16xf32>,
        %mul3A_513 = arith.mulf %get3A_512, %exp3A_502 : vector<16xf32>
        %swap3A_514 = arith.index_cast %scan3A_338 : i32 to index
        %swap3A_515 = arith.constant 112 : index
        %swap3A_516 = tpu.vector_load %arg16[%swap3A_514, %swap3A_515] {strides = array<i32>} : memref<40x144xf32, #tpu.memory_space<vmem>>, vector<16xf32>,
        tpu.vector_store %arg16[%swap3A_514, %swap3A_515], %mul3A_513 {strides = array<i32>} : memref<40x144xf32, #tpu.memory_space<vmem>>, vector<16xf32>,
        %eq3A_517 = arith.constant 3 : i32
        %eq3A_518 = vector.broadcast %eq3A_517 : i32 to vector<16xi32>
        %eq3A_519 = arith.cmpi eq, %iota3A, %eq3A_518 : vector<16xi32>
        %select_n3A_520 = arith.select %eq3A_519, %exp3A_502, %select_n3A_475 : vector<16xi1>, vector<16xf32>
        %swap3A_521 = arith.index_cast %scan3A_338 : i32 to index
        %swap3A_522 = arith.constant 128 : index
        %swap3A_523 = tpu.vector_load %arg16[%swap3A_521, %swap3A_522] {strides = array<i32>} : memref<40x144xf32, #tpu.memory_space<vmem>>, vector<16xf32>,
        tpu.vector_store %arg16[%swap3A_521, %swap3A_522], %select_n3A_520 {strides = array<i32>} : memref<40x144xf32, #tpu.memory_space<vmem>>, vector<16xf32>,
        %scan3A_524 = arith.constant 2 : i32
        %scan3A_525 = arith.addi %scan3A_161, %scan3A_524 : i32
        %broadcast_in_dim3A_526 = arith.constant 0.000000e+00 : f32
        %broadcast_in_dim3A_527 = vector.broadcast %broadcast_in_dim3A_526 : f32 to vector<16xf32>
        %get3A_528 = arith.index_cast %scan3A_525 : i32 to index
        %get3A_529 = arith.constant 0 : index
        %get3A_530 = tpu.vector_load %arg12[%get3A_528, %get3A_529] {strides = array<i32>} : memref<40x128xf32, #tpu.memory_space<vmem>>, vector<16xf32>,
        %get3A_531 = arith.index_cast %scan3A_525 : i32 to index
        %get3A_532 = arith.constant 0 : index
        %get3A_533 = tpu.vector_load %arg14[%get3A_531, %get3A_532] {strides = array<i32>} : memref<40x256xf32, #tpu.memory_space<vmem>>, vector<16xf32>,
        %mul3A_534 = arith.mulf %get3A_530, %get3A_533 : vector<16xf32>
        %get3A_535 = arith.index_cast %scan3A_525 : i32 to index
        %get3A_536 = arith.constant 16 : index
        %get3A_537 = tpu.vector_load %arg12[%get3A_535, %get3A_536] {strides = array<i32>} : memref<40x128xf32, #tpu.memory_space<vmem>>, vector<16xf32>,
        %get3A_538 = arith.index_cast %scan3A_525 : i32 to index
        %get3A_539 = arith.constant 16 : index
        %get3A_540 = tpu.vector_load %arg14[%get3A_538, %get3A_539] {strides = array<i32>} : memref<40x256xf32, #tpu.memory_space<vmem>>, vector<16xf32>,
        %mul3A_541 = arith.mulf %get3A_537, %get3A_540 : vector<16xf32>
        %add3A_542 = arith.addf %mul3A_534, %mul3A_541 : vector<16xf32>
        %reduce_sum3A_543 = arith.constant true
        %reduce_sum3A_544 = vector.broadcast %reduce_sum3A_543 : i1 to vector<16xi1>
        %reduce_sum3A_545 = tpu.scan <sum>, %add3A_542 masked %reduce_sum3A_544 : vector<16xf32>, vector<16xi1> -> vector<16xf32>
        %reduce_sum3A_546 = vector.extract %reduce_sum3A_545[15] : f32 from vector<16xf32>
        %mul3A_547 = arith.constant 0.176776692 : f32
        %mul3A_548 = arith.mulf %reduce_sum3A_546, %mul3A_547 : f32
        %jit3A_549 = arith.constant -1.000000e+01 : f32
        %jit3A_550 = arith.constant 1.000000e+01 : f32
        %max3A_551 = arith.maximumf %jit3A_549, %mul3A_548 : f32
        %min3A_552 = arith.minimumf %jit3A_550, %max3A_551 : f32
        %broadcast_in_dim3A_553 = vector.broadcast %min3A_552 : f32 to vector<16xf32>
        %exp3A_554 = math.exp %broadcast_in_dim3A_553 : vector<16xf32>
        %get3A_555 = arith.index_cast %scan3A_525 : i32 to index
        %get3A_556 = arith.constant 128 : index
        %get3A_557 = tpu.vector_load %arg14[%get3A_555, %get3A_556] {strides = array<i32>} : memref<40x256xf32, #tpu.memory_space<vmem>>, vector<16xf32>,
        %mul3A_558 = arith.mulf %get3A_557, %exp3A_554 : vector<16xf32>
        %swap3A_559 = arith.index_cast %scan3A_525 : i32 to index
        %swap3A_560 = arith.constant 0 : index
        %swap3A_561 = tpu.vector_load %arg16[%swap3A_559, %swap3A_560] {strides = array<i32>} : memref<40x144xf32, #tpu.memory_space<vmem>>, vector<16xf32>,
        tpu.vector_store %arg16[%swap3A_559, %swap3A_560], %mul3A_558 {strides = array<i32>} : memref<40x144xf32, #tpu.memory_space<vmem>>, vector<16xf32>,
        %get3A_562 = arith.index_cast %scan3A_525 : i32 to index
        %get3A_563 = arith.constant 144 : index
        %get3A_564 = tpu.vector_load %arg14[%get3A_562, %get3A_563] {strides = array<i32>} : memref<40x256xf32, #tpu.memory_space<vmem>>, vector<16xf32>,
        %mul3A_565 = arith.mulf %get3A_564, %exp3A_554 : vector<16xf32>
        %swap3A_566 = arith.index_cast %scan3A_525 : i32 to index
        %swap3A_567 = arith.constant 16 : index
        %swap3A_568 = tpu.vector_load %arg16[%swap3A_566, %swap3A_567] {strides = array<i32>} : memref<40x144xf32, #tpu.memory_space<vmem>>, vector<16xf32>,
        tpu.vector_store %arg16[%swap3A_566, %swap3A_567], %mul3A_565 {strides = array<i32>} : memref<40x144xf32, #tpu.memory_space<vmem>>, vector<16xf32>,
        %eq3A_569 = arith.constant 0 : i32
        %eq3A_570 = vector.broadcast %eq3A_569 : i32 to vector<16xi32>
        %eq3A_571 = arith.cmpi eq, %iota3A, %eq3A_570 : vector<16xi32>
        %select_n3A_572 = arith.select %eq3A_571, %exp3A_554, %broadcast_in_dim3A_527 : vector<16xi1>, vector<16xf32>
        %get3A_573 = arith.index_cast %scan3A_525 : i32 to index
        %get3A_574 = arith.constant 32 : index
        %get3A_575 = tpu.vector_load %arg12[%get3A_573, %get3A_574] {strides = array<i32>} : memref<40x128xf32, #tpu.memory_space<vmem>>, vector<16xf32>,
        %get3A_576 = arith.index_cast %scan3A_525 : i32 to index
        %get3A_577 = arith.constant 32 : index
        %get3A_578 = tpu.vector_load %arg14[%get3A_576, %get3A_577] {strides = array<i32>} : memref<40x256xf32, #tpu.memory_space<vmem>>, vector<16xf32>,
        %mul3A_579 = arith.mulf %get3A_575, %get3A_578 : vector<16xf32>
        %get3A_580 = arith.index_cast %scan3A_525 : i32 to index
        %get3A_581 = arith.constant 48 : index
        %get3A_582 = tpu.vector_load %arg12[%get3A_580, %get3A_581] {strides = array<i32>} : memref<40x128xf32, #tpu.memory_space<vmem>>, vector<16xf32>,
        %get3A_583 = arith.index_cast %scan3A_525 : i32 to index
        %get3A_584 = arith.constant 48 : index
        %get3A_585 = tpu.vector_load %arg14[%get3A_583, %get3A_584] {strides = array<i32>} : memref<40x256xf32, #tpu.memory_space<vmem>>, vector<16xf32>,
        %mul3A_586 = arith.mulf %get3A_582, %get3A_585 : vector<16xf32>
        %add3A_587 = arith.addf %mul3A_579, %mul3A_586 : vector<16xf32>
        %reduce_sum3A_588 = arith.constant true
        %reduce_sum3A_589 = vector.broadcast %reduce_sum3A_588 : i1 to vector<16xi1>
        %reduce_sum3A_590 = tpu.scan <sum>, %add3A_587 masked %reduce_sum3A_589 : vector<16xf32>, vector<16xi1> -> vector<16xf32>
        %reduce_sum3A_591 = vector.extract %reduce_sum3A_590[15] : f32 from vector<16xf32>
        %mul3A_592 = arith.constant 0.176776692 : f32
        %mul3A_593 = arith.mulf %reduce_sum3A_591, %mul3A_592 : f32
        %jit3A_594 = arith.constant -1.000000e+01 : f32
        %jit3A_595 = arith.constant 1.000000e+01 : f32
        %max3A_596 = arith.maximumf %jit3A_594, %mul3A_593 : f32
        %min3A_597 = arith.minimumf %jit3A_595, %max3A_596 : f32
        %broadcast_in_dim3A_598 = vector.broadcast %min3A_597 : f32 to vector<16xf32>
        %exp3A_599 = math.exp %broadcast_in_dim3A_598 : vector<16xf32>
        %get3A_600 = arith.index_cast %scan3A_525 : i32 to index
        %get3A_601 = arith.constant 160 : index
        %get3A_602 = tpu.vector_load %arg14[%get3A_600, %get3A_601] {strides = array<i32>} : memref<40x256xf32, #tpu.memory_space<vmem>>, vector<16xf32>,
        %mul3A_603 = arith.mulf %get3A_602, %exp3A_599 : vector<16xf32>
        %swap3A_604 = arith.index_cast %scan3A_525 : i32 to index
        %swap3A_605 = arith.constant 32 : index
        %swap3A_606 = tpu.vector_load %arg16[%swap3A_604, %swap3A_605] {strides = array<i32>} : memref<40x144xf32, #tpu.memory_space<vmem>>, vector<16xf32>,
        tpu.vector_store %arg16[%swap3A_604, %swap3A_605], %mul3A_603 {strides = array<i32>} : memref<40x144xf32, #tpu.memory_space<vmem>>, vector<16xf32>,
        %get3A_607 = arith.index_cast %scan3A_525 : i32 to index
        %get3A_608 = arith.constant 176 : index
        %get3A_609 = tpu.vector_load %arg14[%get3A_607, %get3A_608] {strides = array<i32>} : memref<40x256xf32, #tpu.memory_space<vmem>>, vector<16xf32>,
        %mul3A_610 = arith.mulf %get3A_609, %exp3A_599 : vector<16xf32>
        %swap3A_611 = arith.index_cast %scan3A_525 : i32 to index
        %swap3A_612 = arith.constant 48 : index
        %swap3A_613 = tpu.vector_load %arg16[%swap3A_611, %swap3A_612] {strides = array<i32>} : memref<40x144xf32, #tpu.memory_space<vmem>>, vector<16xf32>,
        tpu.vector_store %arg16[%swap3A_611, %swap3A_612], %mul3A_610 {strides = array<i32>} : memref<40x144xf32, #tpu.memory_space<vmem>>, vector<16xf32>,
        %eq3A_614 = arith.constant 1 : i32
        %eq3A_615 = vector.broadcast %eq3A_614 : i32 to vector<16xi32>
        %eq3A_616 = arith.cmpi eq, %iota3A, %eq3A_615 : vector<16xi32>
        %select_n3A_617 = arith.select %eq3A_616, %exp3A_599, %select_n3A_572 : vector<16xi1>, vector<16xf32>
        %get3A_618 = arith.index_cast %scan3A_525 : i32 to index
        %get3A_619 = arith.constant 64 : index
        %get3A_620 = tpu.vector_load %arg12[%get3A_618, %get3A_619] {strides = array<i32>} : memref<40x128xf32, #tpu.memory_space<vmem>>, vector<16xf32>,
        %get3A_621 = arith.index_cast %scan3A_525 : i32 to index
        %get3A_622 = arith.constant 64 : index
        %get3A_623 = tpu.vector_load %arg14[%get3A_621, %get3A_622] {strides = array<i32>} : memref<40x256xf32, #tpu.memory_space<vmem>>, vector<16xf32>,
        %mul3A_624 = arith.mulf %get3A_620, %get3A_623 : vector<16xf32>
        %get3A_625 = arith.index_cast %scan3A_525 : i32 to index
        %get3A_626 = arith.constant 80 : index
        %get3A_627 = tpu.vector_load %arg12[%get3A_625, %get3A_626] {strides = array<i32>} : memref<40x128xf32, #tpu.memory_space<vmem>>, vector<16xf32>,
        %get3A_628 = arith.index_cast %scan3A_525 : i32 to index
        %get3A_629 = arith.constant 80 : index
        %get3A_630 = tpu.vector_load %arg14[%get3A_628, %get3A_629] {strides = array<i32>} : memref<40x256xf32, #tpu.memory_space<vmem>>, vector<16xf32>,
        %mul3A_631 = arith.mulf %get3A_627, %get3A_630 : vector<16xf32>
        %add3A_632 = arith.addf %mul3A_624, %mul3A_631 : vector<16xf32>
        %reduce_sum3A_633 = arith.constant true
        %reduce_sum3A_634 = vector.broadcast %reduce_sum3A_633 : i1 to vector<16xi1>
        %reduce_sum3A_635 = tpu.scan <sum>, %add3A_632 masked %reduce_sum3A_634 : vector<16xf32>, vector<16xi1> -> vector<16xf32>
        %reduce_sum3A_636 = vector.extract %reduce_sum3A_635[15] : f32 from vector<16xf32>
        %mul3A_637 = arith.constant 0.176776692 : f32
        %mul3A_638 = arith.mulf %reduce_sum3A_636, %mul3A_637 : f32
        %jit3A_639 = arith.constant -1.000000e+01 : f32
        %jit3A_640 = arith.constant 1.000000e+01 : f32
        %max3A_641 = arith.maximumf %jit3A_639, %mul3A_638 : f32
        %min3A_642 = arith.minimumf %jit3A_640, %max3A_641 : f32
        %broadcast_in_dim3A_643 = vector.broadcast %min3A_642 : f32 to vector<16xf32>
        %exp3A_644 = math.exp %broadcast_in_dim3A_643 : vector<16xf32>
        %get3A_645 = arith.index_cast %scan3A_525 : i32 to index
        %get3A_646 = arith.constant 192 : index
        %get3A_647 = tpu.vector_load %arg14[%get3A_645, %get3A_646] {strides = array<i32>} : memref<40x256xf32, #tpu.memory_space<vmem>>, vector<16xf32>,
        %mul3A_648 = arith.mulf %get3A_647, %exp3A_644 : vector<16xf32>
        %swap3A_649 = arith.index_cast %scan3A_525 : i32 to index
        %swap3A_650 = arith.constant 64 : index
        %swap3A_651 = tpu.vector_load %arg16[%swap3A_649, %swap3A_650] {strides = array<i32>} : memref<40x144xf32, #tpu.memory_space<vmem>>, vector<16xf32>,
        tpu.vector_store %arg16[%swap3A_649, %swap3A_650], %mul3A_648 {strides = array<i32>} : memref<40x144xf32, #tpu.memory_space<vmem>>, vector<16xf32>,
        %get3A_652 = arith.index_cast %scan3A_525 : i32 to index
        %get3A_653 = arith.constant 208 : index
        %get3A_654 = tpu.vector_load %arg14[%get3A_652, %get3A_653] {strides = array<i32>} : memref<40x256xf32, #tpu.memory_space<vmem>>, vector<16xf32>,
        %mul3A_655 = arith.mulf %get3A_654, %exp3A_644 : vector<16xf32>
        %swap3A_656 = arith.index_cast %scan3A_525 : i32 to index
        %swap3A_657 = arith.constant 80 : index
        %swap3A_658 = tpu.vector_load %arg16[%swap3A_656, %swap3A_657] {strides = array<i32>} : memref<40x144xf32, #tpu.memory_space<vmem>>, vector<16xf32>,
        tpu.vector_store %arg16[%swap3A_656, %swap3A_657], %mul3A_655 {strides = array<i32>} : memref<40x144xf32, #tpu.memory_space<vmem>>, vector<16xf32>,
        %eq3A_659 = arith.constant 2 : i32
        %eq3A_660 = vector.broadcast %eq3A_659 : i32 to vector<16xi32>
        %eq3A_661 = arith.cmpi eq, %iota3A, %eq3A_660 : vector<16xi32>
        %select_n3A_662 = arith.select %eq3A_661, %exp3A_644, %select_n3A_617 : vector<16xi1>, vector<16xf32>
        %get3A_663 = arith.index_cast %scan3A_525 : i32 to index
        %get3A_664 = arith.constant 96 : index
        %get3A_665 = tpu.vector_load %arg12[%get3A_663, %get3A_664] {strides = array<i32>} : memref<40x128xf32, #tpu.memory_space<vmem>>, vector<16xf32>,
        %get3A_666 = arith.index_cast %scan3A_525 : i32 to index
        %get3A_667 = arith.constant 96 : index
        %get3A_668 = tpu.vector_load %arg14[%get3A_666, %get3A_667] {strides = array<i32>} : memref<40x256xf32, #tpu.memory_space<vmem>>, vector<16xf32>,
        %mul3A_669 = arith.mulf %get3A_665, %get3A_668 : vector<16xf32>
        %get3A_670 = arith.index_cast %scan3A_525 : i32 to index
        %get3A_671 = arith.constant 112 : index
        %get3A_672 = tpu.vector_load %arg12[%get3A_670, %get3A_671] {strides = array<i32>} : memref<40x128xf32, #tpu.memory_space<vmem>>, vector<16xf32>,
        %get3A_673 = arith.index_cast %scan3A_525 : i32 to index
        %get3A_674 = arith.constant 112 : index
        %get3A_675 = tpu.vector_load %arg14[%get3A_673, %get3A_674] {strides = array<i32>} : memref<40x256xf32, #tpu.memory_space<vmem>>, vector<16xf32>,
        %mul3A_676 = arith.mulf %get3A_672, %get3A_675 : vector<16xf32>
        %add3A_677 = arith.addf %mul3A_669, %mul3A_676 : vector<16xf32>
        %reduce_sum3A_678 = arith.constant true
        %reduce_sum3A_679 = vector.broadcast %reduce_sum3A_678 : i1 to vector<16xi1>
        %reduce_sum3A_680 = tpu.scan <sum>, %add3A_677 masked %reduce_sum3A_679 : vector<16xf32>, vector<16xi1> -> vector<16xf32>
        %reduce_sum3A_681 = vector.extract %reduce_sum3A_680[15] : f32 from vector<16xf32>
        %mul3A_682 = arith.constant 0.176776692 : f32
        %mul3A_683 = arith.mulf %reduce_sum3A_681, %mul3A_682 : f32
        %jit3A_684 = arith.constant -1.000000e+01 : f32
        %jit3A_685 = arith.constant 1.000000e+01 : f32
        %max3A_686 = arith.maximumf %jit3A_684, %mul3A_683 : f32
        %min3A_687 = arith.minimumf %jit3A_685, %max3A_686 : f32
        %broadcast_in_dim3A_688 = vector.broadcast %min3A_687 : f32 to vector<16xf32>
        %exp3A_689 = math.exp %broadcast_in_dim3A_688 : vector<16xf32>
        %get3A_690 = arith.index_cast %scan3A_525 : i32 to index
        %get3A_691 = arith.constant 224 : index
        %get3A_692 = tpu.vector_load %arg14[%get3A_690, %get3A_691] {strides = array<i32>} : memref<40x256xf32, #tpu.memory_space<vmem>>, vector<16xf32>,
        %mul3A_693 = arith.mulf %get3A_692, %exp3A_689 : vector<16xf32>
        %swap3A_694 = arith.index_cast %scan3A_525 : i32 to index
        %swap3A_695 = arith.constant 96 : index
        %swap3A_696 = tpu.vector_load %arg16[%swap3A_694, %swap3A_695] {strides = array<i32>} : memref<40x144xf32, #tpu.memory_space<vmem>>, vector<16xf32>,
        tpu.vector_store %arg16[%swap3A_694, %swap3A_695], %mul3A_693 {strides = array<i32>} : memref<40x144xf32, #tpu.memory_space<vmem>>, vector<16xf32>,
        %get3A_697 = arith.index_cast %scan3A_525 : i32 to index
        %get3A_698 = arith.constant 240 : index
        %get3A_699 = tpu.vector_load %arg14[%get3A_697, %get3A_698] {strides = array<i32>} : memref<40x256xf32, #tpu.memory_space<vmem>>, vector<16xf32>,
        %mul3A_700 = arith.mulf %get3A_699, %exp3A_689 : vector<16xf32>
        %swap3A_701 = arith.index_cast %scan3A_525 : i32 to index
        %swap3A_702 = arith.constant 112 : index
        %swap3A_703 = tpu.vector_load %arg16[%swap3A_701, %swap3A_702] {strides = array<i32>} : memref<40x144xf32, #tpu.memory_space<vmem>>, vector<16xf32>,
        tpu.vector_store %arg16[%swap3A_701, %swap3A_702], %mul3A_700 {strides = array<i32>} : memref<40x144xf32, #tpu.memory_space<vmem>>, vector<16xf32>,
        %eq3A_704 = arith.constant 3 : i32
        %eq3A_705 = vector.broadcast %eq3A_704 : i32 to vector<16xi32>
        %eq3A_706 = arith.cmpi eq, %iota3A, %eq3A_705 : vector<16xi32>
        %select_n3A_707 = arith.select %eq3A_706, %exp3A_689, %select_n3A_662 : vector<16xi1>, vector<16xf32>
        %swap3A_708 = arith.index_cast %scan3A_525 : i32 to index
        %swap3A_709 = arith.constant 128 : index
        %swap3A_710 = tpu.vector_load %arg16[%swap3A_708, %swap3A_709] {strides = array<i32>} : memref<40x144xf32, #tpu.memory_space<vmem>>, vector<16xf32>,
        tpu.vector_store %arg16[%swap3A_708, %swap3A_709], %select_n3A_707 {strides = array<i32>} : memref<40x144xf32, #tpu.memory_space<vmem>>, vector<16xf32>,
        %scan3A_711 = arith.constant 3 : i32
        %scan3A_712 = arith.addi %scan3A_161, %scan3A_711 : i32
        %broadcast_in_dim3A_713 = arith.constant 0.000000e+00 : f32
        %broadcast_in_dim3A_714 = vector.broadcast %broadcast_in_dim3A_713 : f32 to vector<16xf32>
        %get3A_715 = arith.index_cast %scan3A_712 : i32 to index
        %get3A_716 = arith.constant 0 : index
        %get3A_717 = tpu.vector_load %arg12[%get3A_715, %get3A_716] {strides = array<i32>} : memref<40x128xf32, #tpu.memory_space<vmem>>, vector<16xf32>,
        %get3A_718 = arith.index_cast %scan3A_712 : i32 to index
        %get3A_719 = arith.constant 0 : index
        %get3A_720 = tpu.vector_load %arg14[%get3A_718, %get3A_719] {strides = array<i32>} : memref<40x256xf32, #tpu.memory_space<vmem>>, vector<16xf32>,
        %mul3A_721 = arith.mulf %get3A_717, %get3A_720 : vector<16xf32>
        %get3A_722 = arith.index_cast %scan3A_712 : i32 to index
        %get3A_723 = arith.constant 16 : index
        %get3A_724 = tpu.vector_load %arg12[%get3A_722, %get3A_723] {strides = array<i32>} : memref<40x128xf32, #tpu.memory_space<vmem>>, vector<16xf32>,
        %get3A_725 = arith.index_cast %scan3A_712 : i32 to index
        %get3A_726 = arith.constant 16 : index
        %get3A_727 = tpu.vector_load %arg14[%get3A_725, %get3A_726] {strides = array<i32>} : memref<40x256xf32, #tpu.memory_space<vmem>>, vector<16xf32>,
        %mul3A_728 = arith.mulf %get3A_724, %get3A_727 : vector<16xf32>
        %add3A_729 = arith.addf %mul3A_721, %mul3A_728 : vector<16xf32>
        %reduce_sum3A_730 = arith.constant true
        %reduce_sum3A_731 = vector.broadcast %reduce_sum3A_730 : i1 to vector<16xi1>
        %reduce_sum3A_732 = tpu.scan <sum>, %add3A_729 masked %reduce_sum3A_731 : vector<16xf32>, vector<16xi1> -> vector<16xf32>
        %reduce_sum3A_733 = vector.extract %reduce_sum3A_732[15] : f32 from vector<16xf32>
        %mul3A_734 = arith.constant 0.176776692 : f32
        %mul3A_735 = arith.mulf %reduce_sum3A_733, %mul3A_734 : f32
        %jit3A_736 = arith.constant -1.000000e+01 : f32
        %jit3A_737 = arith.constant 1.000000e+01 : f32
        %max3A_738 = arith.maximumf %jit3A_736, %mul3A_735 : f32
        %min3A_739 = arith.minimumf %jit3A_737, %max3A_738 : f32
        %broadcast_in_dim3A_740 = vector.broadcast %min3A_739 : f32 to vector<16xf32>
        %exp3A_741 = math.exp %broadcast_in_dim3A_740 : vector<16xf32>
        %get3A_742 = arith.index_cast %scan3A_712 : i32 to index
        %get3A_743 = arith.constant 128 : index
        %get3A_744 = tpu.vector_load %arg14[%get3A_742, %get3A_743] {strides = array<i32>} : memref<40x256xf32, #tpu.memory_space<vmem>>, vector<16xf32>,
        %mul3A_745 = arith.mulf %get3A_744, %exp3A_741 : vector<16xf32>
        %swap3A_746 = arith.index_cast %scan3A_712 : i32 to index
        %swap3A_747 = arith.constant 0 : index
        %swap3A_748 = tpu.vector_load %arg16[%swap3A_746, %swap3A_747] {strides = array<i32>} : memref<40x144xf32, #tpu.memory_space<vmem>>, vector<16xf32>,
        tpu.vector_store %arg16[%swap3A_746, %swap3A_747], %mul3A_745 {strides = array<i32>} : memref<40x144xf32, #tpu.memory_space<vmem>>, vector<16xf32>,
        %get3A_749 = arith.index_cast %scan3A_712 : i32 to index
        %get3A_750 = arith.constant 144 : index
        %get3A_751 = tpu.vector_load %arg14[%get3A_749, %get3A_750] {strides = array<i32>} : memref<40x256xf32, #tpu.memory_space<vmem>>, vector<16xf32>,
        %mul3A_752 = arith.mulf %get3A_751, %exp3A_741 : vector<16xf32>
        %swap3A_753 = arith.index_cast %scan3A_712 : i32 to index
        %swap3A_754 = arith.constant 16 : index
        %swap3A_755 = tpu.vector_load %arg16[%swap3A_753, %swap3A_754] {strides = array<i32>} : memref<40x144xf32, #tpu.memory_space<vmem>>, vector<16xf32>,
        tpu.vector_store %arg16[%swap3A_753, %swap3A_754], %mul3A_752 {strides = array<i32>} : memref<40x144xf32, #tpu.memory_space<vmem>>, vector<16xf32>,
        %eq3A_756 = arith.constant 0 : i32
        %eq3A_757 = vector.broadcast %eq3A_756 : i32 to vector<16xi32>
        %eq3A_758 = arith.cmpi eq, %iota3A, %eq3A_757 : vector<16xi32>
        %select_n3A_759 = arith.select %eq3A_758, %exp3A_741, %broadcast_in_dim3A_714 : vector<16xi1>, vector<16xf32>
        %get3A_760 = arith.index_cast %scan3A_712 : i32 to index
        %get3A_761 = arith.constant 32 : index
        %get3A_762 = tpu.vector_load %arg12[%get3A_760, %get3A_761] {strides = array<i32>} : memref<40x128xf32, #tpu.memory_space<vmem>>, vector<16xf32>,
        %get3A_763 = arith.index_cast %scan3A_712 : i32 to index
        %get3A_764 = arith.constant 32 : index
        %get3A_765 = tpu.vector_load %arg14[%get3A_763, %get3A_764] {strides = array<i32>} : memref<40x256xf32, #tpu.memory_space<vmem>>, vector<16xf32>,
        %mul3A_766 = arith.mulf %get3A_762, %get3A_765 : vector<16xf32>
        %get3A_767 = arith.index_cast %scan3A_712 : i32 to index
        %get3A_768 = arith.constant 48 : index
        %get3A_769 = tpu.vector_load %arg12[%get3A_767, %get3A_768] {strides = array<i32>} : memref<40x128xf32, #tpu.memory_space<vmem>>, vector<16xf32>,
        %get3A_770 = arith.index_cast %scan3A_712 : i32 to index
        %get3A_771 = arith.constant 48 : index
        %get3A_772 = tpu.vector_load %arg14[%get3A_770, %get3A_771] {strides = array<i32>} : memref<40x256xf32, #tpu.memory_space<vmem>>, vector<16xf32>,
        %mul3A_773 = arith.mulf %get3A_769, %get3A_772 : vector<16xf32>
        %add3A_774 = arith.addf %mul3A_766, %mul3A_773 : vector<16xf32>
        %reduce_sum3A_775 = arith.constant true
        %reduce_sum3A_776 = vector.broadcast %reduce_sum3A_775 : i1 to vector<16xi1>
        %reduce_sum3A_777 = tpu.scan <sum>, %add3A_774 masked %reduce_sum3A_776 : vector<16xf32>, vector<16xi1> -> vector<16xf32>
        %reduce_sum3A_778 = vector.extract %reduce_sum3A_777[15] : f32 from vector<16xf32>
        %mul3A_779 = arith.constant 0.176776692 : f32
        %mul3A_780 = arith.mulf %reduce_sum3A_778, %mul3A_779 : f32
        %jit3A_781 = arith.constant -1.000000e+01 : f32
        %jit3A_782 = arith.constant 1.000000e+01 : f32
        %max3A_783 = arith.maximumf %jit3A_781, %mul3A_780 : f32
        %min3A_784 = arith.minimumf %jit3A_782, %max3A_783 : f32
        %broadcast_in_dim3A_785 = vector.broadcast %min3A_784 : f32 to vector<16xf32>
        %exp3A_786 = math.exp %broadcast_in_dim3A_785 : vector<16xf32>
        %get3A_787 = arith.index_cast %scan3A_712 : i32 to index
        %get3A_788 = arith.constant 160 : index
        %get3A_789 = tpu.vector_load %arg14[%get3A_787, %get3A_788] {strides = array<i32>} : memref<40x256xf32, #tpu.memory_space<vmem>>, vector<16xf32>,
        %mul3A_790 = arith.mulf %get3A_789, %exp3A_786 : vector<16xf32>
        %swap3A_791 = arith.index_cast %scan3A_712 : i32 to index
        %swap3A_792 = arith.constant 32 : index
        %swap3A_793 = tpu.vector_load %arg16[%swap3A_791, %swap3A_792] {strides = array<i32>} : memref<40x144xf32, #tpu.memory_space<vmem>>, vector<16xf32>,
        tpu.vector_store %arg16[%swap3A_791, %swap3A_792], %mul3A_790 {strides = array<i32>} : memref<40x144xf32, #tpu.memory_space<vmem>>, vector<16xf32>,
        %get3A_794 = arith.index_cast %scan3A_712 : i32 to index
        %get3A_795 = arith.constant 176 : index
        %get3A_796 = tpu.vector_load %arg14[%get3A_794, %get3A_795] {strides = array<i32>} : memref<40x256xf32, #tpu.memory_space<vmem>>, vector<16xf32>,
        %mul3A_797 = arith.mulf %get3A_796, %exp3A_786 : vector<16xf32>
        %swap3A_798 = arith.index_cast %scan3A_712 : i32 to index
        %swap3A_799 = arith.constant 48 : index
        %swap3A_800 = tpu.vector_load %arg16[%swap3A_798, %swap3A_799] {strides = array<i32>} : memref<40x144xf32, #tpu.memory_space<vmem>>, vector<16xf32>,
        tpu.vector_store %arg16[%swap3A_798, %swap3A_799], %mul3A_797 {strides = array<i32>} : memref<40x144xf32, #tpu.memory_space<vmem>>, vector<16xf32>,
        %eq3A_801 = arith.constant 1 : i32
        %eq3A_802 = vector.broadcast %eq3A_801 : i32 to vector<16xi32>
        %eq3A_803 = arith.cmpi eq, %iota3A, %eq3A_802 : vector<16xi32>
        %select_n3A_804 = arith.select %eq3A_803, %exp3A_786, %select_n3A_759 : vector<16xi1>, vector<16xf32>
        %get3A_805 = arith.index_cast %scan3A_712 : i32 to index
        %get3A_806 = arith.constant 64 : index
        %get3A_807 = tpu.vector_load %arg12[%get3A_805, %get3A_806] {strides = array<i32>} : memref<40x128xf32, #tpu.memory_space<vmem>>, vector<16xf32>,
        %get3A_808 = arith.index_cast %scan3A_712 : i32 to index
        %get3A_809 = arith.constant 64 : index
        %get3A_810 = tpu.vector_load %arg14[%get3A_808, %get3A_809] {strides = array<i32>} : memref<40x256xf32, #tpu.memory_space<vmem>>, vector<16xf32>,
        %mul3A_811 = arith.mulf %get3A_807, %get3A_810 : vector<16xf32>
        %get3A_812 = arith.index_cast %scan3A_712 : i32 to index
        %get3A_813 = arith.constant 80 : index
        %get3A_814 = tpu.vector_load %arg12[%get3A_812, %get3A_813] {strides = array<i32>} : memref<40x128xf32, #tpu.memory_space<vmem>>, vector<16xf32>,
        %get3A_815 = arith.index_cast %scan3A_712 : i32 to index
        %get3A_816 = arith.constant 80 : index
        %get3A_817 = tpu.vector_load %arg14[%get3A_815, %get3A_816] {strides = array<i32>} : memref<40x256xf32, #tpu.memory_space<vmem>>, vector<16xf32>,
        %mul3A_818 = arith.mulf %get3A_814, %get3A_817 : vector<16xf32>
        %add3A_819 = arith.addf %mul3A_811, %mul3A_818 : vector<16xf32>
        %reduce_sum3A_820 = arith.constant true
        %reduce_sum3A_821 = vector.broadcast %reduce_sum3A_820 : i1 to vector<16xi1>
        %reduce_sum3A_822 = tpu.scan <sum>, %add3A_819 masked %reduce_sum3A_821 : vector<16xf32>, vector<16xi1> -> vector<16xf32>
        %reduce_sum3A_823 = vector.extract %reduce_sum3A_822[15] : f32 from vector<16xf32>
        %mul3A_824 = arith.constant 0.176776692 : f32
        %mul3A_825 = arith.mulf %reduce_sum3A_823, %mul3A_824 : f32
        %jit3A_826 = arith.constant -1.000000e+01 : f32
        %jit3A_827 = arith.constant 1.000000e+01 : f32
        %max3A_828 = arith.maximumf %jit3A_826, %mul3A_825 : f32
        %min3A_829 = arith.minimumf %jit3A_827, %max3A_828 : f32
        %broadcast_in_dim3A_830 = vector.broadcast %min3A_829 : f32 to vector<16xf32>
        %exp3A_831 = math.exp %broadcast_in_dim3A_830 : vector<16xf32>
        %get3A_832 = arith.index_cast %scan3A_712 : i32 to index
        %get3A_833 = arith.constant 192 : index
        %get3A_834 = tpu.vector_load %arg14[%get3A_832, %get3A_833] {strides = array<i32>} : memref<40x256xf32, #tpu.memory_space<vmem>>, vector<16xf32>,
        %mul3A_835 = arith.mulf %get3A_834, %exp3A_831 : vector<16xf32>
        %swap3A_836 = arith.index_cast %scan3A_712 : i32 to index
        %swap3A_837 = arith.constant 64 : index
        %swap3A_838 = tpu.vector_load %arg16[%swap3A_836, %swap3A_837] {strides = array<i32>} : memref<40x144xf32, #tpu.memory_space<vmem>>, vector<16xf32>,
        tpu.vector_store %arg16[%swap3A_836, %swap3A_837], %mul3A_835 {strides = array<i32>} : memref<40x144xf32, #tpu.memory_space<vmem>>, vector<16xf32>,
        %get3A_839 = arith.index_cast %scan3A_712 : i32 to index
        %get3A_840 = arith.constant 208 : index
        %get3A_841 = tpu.vector_load %arg14[%get3A_839, %get3A_840] {strides = array<i32>} : memref<40x256xf32, #tpu.memory_space<vmem>>, vector<16xf32>,
        %mul3A_842 = arith.mulf %get3A_841, %exp3A_831 : vector<16xf32>
        %swap3A_843 = arith.index_cast %scan3A_712 : i32 to index
        %swap3A_844 = arith.constant 80 : index
        %swap3A_845 = tpu.vector_load %arg16[%swap3A_843, %swap3A_844] {strides = array<i32>} : memref<40x144xf32, #tpu.memory_space<vmem>>, vector<16xf32>,
        tpu.vector_store %arg16[%swap3A_843, %swap3A_844], %mul3A_842 {strides = array<i32>} : memref<40x144xf32, #tpu.memory_space<vmem>>, vector<16xf32>,
        %eq3A_846 = arith.constant 2 : i32
        %eq3A_847 = vector.broadcast %eq3A_846 : i32 to vector<16xi32>
        %eq3A_848 = arith.cmpi eq, %iota3A, %eq3A_847 : vector<16xi32>
        %select_n3A_849 = arith.select %eq3A_848, %exp3A_831, %select_n3A_804 : vector<16xi1>, vector<16xf32>
        %get3A_850 = arith.index_cast %scan3A_712 : i32 to index
        %get3A_851 = arith.constant 96 : index
        %get3A_852 = tpu.vector_load %arg12[%get3A_850, %get3A_851] {strides = array<i32>} : memref<40x128xf32, #tpu.memory_space<vmem>>, vector<16xf32>,
        %get3A_853 = arith.index_cast %scan3A_712 : i32 to index
        %get3A_854 = arith.constant 96 : index
        %get3A_855 = tpu.vector_load %arg14[%get3A_853, %get3A_854] {strides = array<i32>} : memref<40x256xf32, #tpu.memory_space<vmem>>, vector<16xf32>,
        %mul3A_856 = arith.mulf %get3A_852, %get3A_855 : vector<16xf32>
        %get3A_857 = arith.index_cast %scan3A_712 : i32 to index
        %get3A_858 = arith.constant 112 : index
        %get3A_859 = tpu.vector_load %arg12[%get3A_857, %get3A_858] {strides = array<i32>} : memref<40x128xf32, #tpu.memory_space<vmem>>, vector<16xf32>,
        %get3A_860 = arith.index_cast %scan3A_712 : i32 to index
        %get3A_861 = arith.constant 112 : index
        %get3A_862 = tpu.vector_load %arg14[%get3A_860, %get3A_861] {strides = array<i32>} : memref<40x256xf32, #tpu.memory_space<vmem>>, vector<16xf32>,
        %mul3A_863 = arith.mulf %get3A_859, %get3A_862 : vector<16xf32>
        %add3A_864 = arith.addf %mul3A_856, %mul3A_863 : vector<16xf32>
        %reduce_sum3A_865 = arith.constant true
        %reduce_sum3A_866 = vector.broadcast %reduce_sum3A_865 : i1 to vector<16xi1>
        %reduce_sum3A_867 = tpu.scan <sum>, %add3A_864 masked %reduce_sum3A_866 : vector<16xf32>, vector<16xi1> -> vector<16xf32>
        %reduce_sum3A_868 = vector.extract %reduce_sum3A_867[15] : f32 from vector<16xf32>
        %mul3A_869 = arith.constant 0.176776692 : f32
        %mul3A_870 = arith.mulf %reduce_sum3A_868, %mul3A_869 : f32
        %jit3A_871 = arith.constant -1.000000e+01 : f32
        %jit3A_872 = arith.constant 1.000000e+01 : f32
        %max3A_873 = arith.maximumf %jit3A_871, %mul3A_870 : f32
        %min3A_874 = arith.minimumf %jit3A_872, %max3A_873 : f32
        %broadcast_in_dim3A_875 = vector.broadcast %min3A_874 : f32 to vector<16xf32>
        %exp3A_876 = math.exp %broadcast_in_dim3A_875 : vector<16xf32>
        %get3A_877 = arith.index_cast %scan3A_712 : i32 to index
        %get3A_878 = arith.constant 224 : index
        %get3A_879 = tpu.vector_load %arg14[%get3A_877, %get3A_878] {strides = array<i32>} : memref<40x256xf32, #tpu.memory_space<vmem>>, vector<16xf32>,
        %mul3A_880 = arith.mulf %get3A_879, %exp3A_876 : vector<16xf32>
        %swap3A_881 = arith.index_cast %scan3A_712 : i32 to index
        %swap3A_882 = arith.constant 96 : index
        %swap3A_883 = tpu.vector_load %arg16[%swap3A_881, %swap3A_882] {strides = array<i32>} : memref<40x144xf32, #tpu.memory_space<vmem>>, vector<16xf32>,
        tpu.vector_store %arg16[%swap3A_881, %swap3A_882], %mul3A_880 {strides = array<i32>} : memref<40x144xf32, #tpu.memory_space<vmem>>, vector<16xf32>,
        %get3A_884 = arith.index_cast %scan3A_712 : i32 to index
        %get3A_885 = arith.constant 240 : index
        %get3A_886 = tpu.vector_load %arg14[%get3A_884, %get3A_885] {strides = array<i32>} : memref<40x256xf32, #tpu.memory_space<vmem>>, vector<16xf32>,
        %mul3A_887 = arith.mulf %get3A_886, %exp3A_876 : vector<16xf32>
        %swap3A_888 = arith.index_cast %scan3A_712 : i32 to index
        %swap3A_889 = arith.constant 112 : index
        %swap3A_890 = tpu.vector_load %arg16[%swap3A_888, %swap3A_889] {strides = array<i32>} : memref<40x144xf32, #tpu.memory_space<vmem>>, vector<16xf32>,
        tpu.vector_store %arg16[%swap3A_888, %swap3A_889], %mul3A_887 {strides = array<i32>} : memref<40x144xf32, #tpu.memory_space<vmem>>, vector<16xf32>,
        %eq3A_891 = arith.constant 3 : i32
        %eq3A_892 = vector.broadcast %eq3A_891 : i32 to vector<16xi32>
        %eq3A_893 = arith.cmpi eq, %iota3A, %eq3A_892 : vector<16xi32>
        %select_n3A_894 = arith.select %eq3A_893, %exp3A_876, %select_n3A_849 : vector<16xi1>, vector<16xf32>
        %swap3A_895 = arith.index_cast %scan3A_712 : i32 to index
        %swap3A_896 = arith.constant 128 : index
        %swap3A_897 = tpu.vector_load %arg16[%swap3A_895, %swap3A_896] {strides = array<i32>} : memref<40x144xf32, #tpu.memory_space<vmem>>, vector<16xf32>,
        tpu.vector_store %arg16[%swap3A_895, %swap3A_896], %select_n3A_894 {strides = array<i32>} : memref<40x144xf32, #tpu.memory_space<vmem>>, vector<16xf32>,
      }
      %scan3A_146 = arith.constant 40 : i32
      "tpu.region"() ({
        %run_scoped3A = tpu.sem_alloc : memref<!tpu.dma_semaphore, #tpu.memory_space<semaphore_mem>>
        %dma_start3A_161 = arith.constant 0 : i32
        %dma_start3A_162 = arith.constant 0 : i32
        %dma_start3A_163 = tpu.memref_slice %arg7[%dma_start3A_161, %dma_start3A_162] : memref<10000x144xf32, #tpu.memory_space<vmem_shared>> -> memref<10000x144xf32, #tpu.memory_space<vmem_shared>>
        tpu.enqueue_indirect_dma source(%arg16 : memref<40x144xf32, #tpu.memory_space<vmem>>) target(%dma_start3A_163 : memref<10000x144xf32, #tpu.memory_space<vmem_shared>>) offsets(%arg8 : memref<40xi32, #tpu.memory_space<vmem>>) semaphore(%run_scoped3A : memref<!tpu.dma_semaphore, #tpu.memory_space<semaphore_mem>>) {add = true}
        %dma_wait3A_164 = arith.constant 0 : i32
        %dma_wait3A_165 = arith.constant 0 : i32
        %dma_wait3A_166 = tpu.memref_slice %arg7[%dma_wait3A_164, %dma_wait3A_165] : memref<10000x144xf32, #tpu.memory_space<vmem_shared>> -> memref<10000x144xf32, #tpu.memory_space<vmem_shared>>
        tpu.wait_indirect_dma semaphore(%run_scoped3A : memref<!tpu.dma_semaphore, #tpu.memory_space<semaphore_mem>>) src(%arg16 : memref<40x144xf32, #tpu.memory_space<vmem>>) dst(%dma_wait3A_166 : memref<10000x144xf32, #tpu.memory_space<vmem_shared>>)
        tpu.yield
      }) : () -> ()
      %lt3A = arith.constant 124 : i32
      %lt3A_147 = arith.cmpi slt, %scan3A_122, %lt3A : i32
      %convert_element_type3A = arith.extui %lt3A_147 : i1 to i32
      %cond3A = arith.constant 0 : i32
      %cond3A_148 = arith.cmpi ne, %convert_element_type3A, %cond3A : i32
      scf.if %cond3A_148 {
        %mul3A_161 = arith.constant 2 : i32
        %mul3A_162 = arith.muli %mul3A_161, %scan3A_122 : i32
        %add3A_163 = arith.constant 2 : i32
        %add3A_164 = arith.addi %mul3A_162, %add3A_163 : i32
        %mul3A_165 = arith.constant 40 : i32
        %mul3A_166 = arith.muli %add3A_164, %mul3A_165 : i32
        %add3A_167 = arith.addi %mul3A_107, %mul3A_166 : i32
        "tpu.region"() ({
          %run_scoped3A = tpu.sem_alloc : memref<!tpu.dma_semaphore, #tpu.memory_space<semaphore_mem>>
          %dma_start3A_174 = tpu.memref_slice %arg4[%add3A_167] : memref<320000xi32, #tpu.memory_space<hbm>> -> memref<40xi32, #tpu.memory_space<hbm>>
          %dma_start3A_175 = tpu.memref_slice %arg4[%add3A_167] : memref<320000xi32, #tpu.memory_space<hbm>> -> memref<40xi32, #tpu.memory_space<hbm>>
          tpu.enqueue_dma source(%dma_start3A_175 : memref<40xi32, #tpu.memory_space<hbm>>) target(%arg8 : memref<40xi32, #tpu.memory_space<vmem>>) target_semaphore(%run_scoped3A : memref<!tpu.dma_semaphore, #tpu.memory_space<semaphore_mem>>)
          %dma_wait3A_176 = tpu.memref_slice %arg4[%add3A_167] : memref<320000xi32, #tpu.memory_space<hbm>> -> memref<40xi32, #tpu.memory_space<hbm>>
          %dma_wait3A_177 = tpu.memref_slice %arg4[%add3A_167] : memref<320000xi32, #tpu.memory_space<hbm>> -> memref<40xi32, #tpu.memory_space<hbm>>
          tpu.wait_dma2 semaphore(%run_scoped3A : memref<!tpu.dma_semaphore, #tpu.memory_space<semaphore_mem>>) src(%dma_wait3A_177 : memref<40xi32, #tpu.memory_space<hbm>>) dst(%arg8 : memref<40xi32, #tpu.memory_space<vmem>>)
          tpu.yield
        }) : () -> ()
        "tpu.region"() ({
          %run_scoped3A = tpu.sem_alloc : memref<!tpu.dma_semaphore, #tpu.memory_space<semaphore_mem>>
          %dma_start3A_174 = tpu.memref_slice %arg5[%add3A_167] : memref<320000xi32, #tpu.memory_space<hbm>> -> memref<40xi32, #tpu.memory_space<hbm>>
          %dma_start3A_175 = tpu.memref_slice %arg5[%add3A_167] : memref<320000xi32, #tpu.memory_space<hbm>> -> memref<40xi32, #tpu.memory_space<hbm>>
          tpu.enqueue_dma source(%dma_start3A_175 : memref<40xi32, #tpu.memory_space<hbm>>) target(%arg9 : memref<40xi32, #tpu.memory_space<vmem>>) target_semaphore(%run_scoped3A : memref<!tpu.dma_semaphore, #tpu.memory_space<semaphore_mem>>)
          %dma_wait3A_176 = tpu.memref_slice %arg5[%add3A_167] : memref<320000xi32, #tpu.memory_space<hbm>> -> memref<40xi32, #tpu.memory_space<hbm>>
          %dma_wait3A_177 = tpu.memref_slice %arg5[%add3A_167] : memref<320000xi32, #tpu.memory_space<hbm>> -> memref<40xi32, #tpu.memory_space<hbm>>
          tpu.wait_dma2 semaphore(%run_scoped3A : memref<!tpu.dma_semaphore, #tpu.memory_space<semaphore_mem>>) src(%dma_wait3A_177 : memref<40xi32, #tpu.memory_space<hbm>>) dst(%arg9 : memref<40xi32, #tpu.memory_space<vmem>>)
          tpu.yield
        }) : () -> ()
        %dma_start3A_168 = arith.constant 0 : i32
        %dma_start3A_169 = arith.constant 0 : i32
        %dma_start3A_170 = tpu.memref_slice %arg2[%dma_start3A_168, %dma_start3A_169] : memref<10000x128xf32, #tpu.memory_space<hbm>> -> memref<10000x128xf32, #tpu.memory_space<hbm>>
        tpu.enqueue_indirect_dma source(%dma_start3A_170 : memref<10000x128xf32, #tpu.memory_space<hbm>>) target(%arg12 : memref<40x128xf32, #tpu.memory_space<vmem>>) offsets(%arg8 : memref<40xi32, #tpu.memory_space<vmem>>) semaphore(%arg17 : memref<!tpu.dma_semaphore, #tpu.memory_space<semaphore_mem>>)
        %dma_start3A_171 = arith.constant 0 : i32
        %dma_start3A_172 = arith.constant 0 : i32
        %dma_start3A_173 = tpu.memref_slice %arg3[%dma_start3A_171, %dma_start3A_172] : memref<10000x256xf32, #tpu.memory_space<hbm>> -> memref<10000x256xf32, #tpu.memory_space<hbm>>
        tpu.enqueue_indirect_dma source(%dma_start3A_173 : memref<10000x256xf32, #tpu.memory_space<hbm>>) target(%arg14 : memref<40x256xf32, #tpu.memory_space<vmem>>) offsets(%arg9 : memref<40xi32, #tpu.memory_space<vmem>>) semaphore(%arg18 : memref<!tpu.dma_semaphore, #tpu.memory_space<semaphore_mem>>)
      } else {
      }
      %dma_wait3A_149 = arith.constant 0 : i32
      %dma_wait3A_150 = arith.constant 0 : i32
      %dma_wait3A_151 = tpu.memref_slice %arg2[%dma_wait3A_149, %dma_wait3A_150] : memref<10000x128xf32, #tpu.memory_space<hbm>> -> memref<10000x128xf32, #tpu.memory_space<hbm>>
      tpu.wait_indirect_dma semaphore(%arg19 : memref<!tpu.dma_semaphore, #tpu.memory_space<semaphore_mem>>) src(%dma_wait3A_151 : memref<10000x128xf32, #tpu.memory_space<hbm>>) dst(%arg13 : memref<40x128xf32, #tpu.memory_space<vmem>>)
      %dma_wait3A_152 = arith.constant 0 : i32
      %dma_wait3A_153 = arith.constant 0 : i32
      %dma_wait3A_154 = tpu.memref_slice %arg3[%dma_wait3A_152, %dma_wait3A_153] : memref<10000x256xf32, #tpu.memory_space<hbm>> -> memref<10000x256xf32, #tpu.memory_space<hbm>>
      tpu.wait_indirect_dma semaphore(%arg20 : memref<!tpu.dma_semaphore, #tpu.memory_space<semaphore_mem>>) src(%dma_wait3A_154 : memref<10000x256xf32, #tpu.memory_space<hbm>>) dst(%arg15 : memref<40x256xf32, #tpu.memory_space<vmem>>)
      %scan3A_155 = arith.constant 0 : i32
      %scan3A_156 = arith.constant 0 : i32
      %scan3A_157 = arith.constant 40 : i32
      %scan3A_158 = arith.addi %scan3A_156, %scan3A_157 : i32
      %scan3A_159 = arith.constant 4 : i32
      scf.for %scan3A_161 = %scan3A_156 to %scan3A_158 step %scan3A_159  : i32 {
        %broadcast_in_dim3A = arith.constant 0.000000e+00 : f32
        %broadcast_in_dim3A_162 = vector.broadcast %broadcast_in_dim3A : f32 to vector<16xf32>
        %get3A = arith.index_cast %scan3A_161 : i32 to index
        %get3A_163 = arith.constant 0 : index
        %get3A_164 = tpu.vector_load %arg13[%get3A, %get3A_163] {strides = array<i32>} : memref<40x128xf32, #tpu.memory_space<vmem>>, vector<16xf32>,
        %get3A_165 = arith.index_cast %scan3A_161 : i32 to index
        %get3A_166 = arith.constant 0 : index
        %get3A_167 = tpu.vector_load %arg15[%get3A_165, %get3A_166] {strides = array<i32>} : memref<40x256xf32, #tpu.memory_space<vmem>>, vector<16xf32>,
        %mul3A_168 = arith.mulf %get3A_164, %get3A_167 : vector<16xf32>
        %get3A_169 = arith.index_cast %scan3A_161 : i32 to index
        %get3A_170 = arith.constant 16 : index
        %get3A_171 = tpu.vector_load %arg13[%get3A_169, %get3A_170] {strides = array<i32>} : memref<40x128xf32, #tpu.memory_space<vmem>>, vector<16xf32>,
        %get3A_172 = arith.index_cast %scan3A_161 : i32 to index
        %get3A_173 = arith.constant 16 : index
        %get3A_174 = tpu.vector_load %arg15[%get3A_172, %get3A_173] {strides = array<i32>} : memref<40x256xf32, #tpu.memory_space<vmem>>, vector<16xf32>,
        %mul3A_175 = arith.mulf %get3A_171, %get3A_174 : vector<16xf32>
        %add3A_176 = arith.addf %mul3A_168, %mul3A_175 : vector<16xf32>
        %reduce_sum3A = arith.constant true
        %reduce_sum3A_177 = vector.broadcast %reduce_sum3A : i1 to vector<16xi1>
        %reduce_sum3A_178 = tpu.scan <sum>, %add3A_176 masked %reduce_sum3A_177 : vector<16xf32>, vector<16xi1> -> vector<16xf32>
        %reduce_sum3A_179 = vector.extract %reduce_sum3A_178[15] : f32 from vector<16xf32>
        %mul3A_180 = arith.constant 0.176776692 : f32
        %mul3A_181 = arith.mulf %reduce_sum3A_179, %mul3A_180 : f32
        %jit3A = arith.constant -1.000000e+01 : f32
        %jit3A_182 = arith.constant 1.000000e+01 : f32
        %max3A = arith.maximumf %jit3A, %mul3A_181 : f32
        %min3A = arith.minimumf %jit3A_182, %max3A : f32
        %broadcast_in_dim3A_183 = vector.broadcast %min3A : f32 to vector<16xf32>
        %exp3A = math.exp %broadcast_in_dim3A_183 : vector<16xf32>
        %get3A_184 = arith.index_cast %scan3A_161 : i32 to index
        %get3A_185 = arith.constant 128 : index
        %get3A_186 = tpu.vector_load %arg15[%get3A_184, %get3A_185] {strides = array<i32>} : memref<40x256xf32, #tpu.memory_space<vmem>>, vector<16xf32>,
        %mul3A_187 = arith.mulf %get3A_186, %exp3A : vector<16xf32>
        %swap3A = arith.index_cast %scan3A_161 : i32 to index
        %swap3A_188 = arith.constant 0 : index
        %swap3A_189 = tpu.vector_load %arg16[%swap3A, %swap3A_188] {strides = array<i32>} : memref<40x144xf32, #tpu.memory_space<vmem>>, vector<16xf32>,
        tpu.vector_store %arg16[%swap3A, %swap3A_188], %mul3A_187 {strides = array<i32>} : memref<40x144xf32, #tpu.memory_space<vmem>>, vector<16xf32>,
        %get3A_190 = arith.index_cast %scan3A_161 : i32 to index
        %get3A_191 = arith.constant 144 : index
        %get3A_192 = tpu.vector_load %arg15[%get3A_190, %get3A_191] {strides = array<i32>} : memref<40x256xf32, #tpu.memory_space<vmem>>, vector<16xf32>,
        %mul3A_193 = arith.mulf %get3A_192, %exp3A : vector<16xf32>
        %swap3A_194 = arith.index_cast %scan3A_161 : i32 to index
        %swap3A_195 = arith.constant 16 : index
        %swap3A_196 = tpu.vector_load %arg16[%swap3A_194, %swap3A_195] {strides = array<i32>} : memref<40x144xf32, #tpu.memory_space<vmem>>, vector<16xf32>,
        tpu.vector_store %arg16[%swap3A_194, %swap3A_195], %mul3A_193 {strides = array<i32>} : memref<40x144xf32, #tpu.memory_space<vmem>>, vector<16xf32>,
        %eq3A = arith.constant 0 : i32
        %eq3A_197 = vector.broadcast %eq3A : i32 to vector<16xi32>
        %eq3A_198 = arith.cmpi eq, %iota3A, %eq3A_197 : vector<16xi32>
        %select_n3A = arith.select %eq3A_198, %exp3A, %broadcast_in_dim3A_162 : vector<16xi1>, vector<16xf32>
        %get3A_199 = arith.index_cast %scan3A_161 : i32 to index
        %get3A_200 = arith.constant 32 : index
        %get3A_201 = tpu.vector_load %arg13[%get3A_199, %get3A_200] {strides = array<i32>} : memref<40x128xf32, #tpu.memory_space<vmem>>, vector<16xf32>,
        %get3A_202 = arith.index_cast %scan3A_161 : i32 to index
        %get3A_203 = arith.constant 32 : index
        %get3A_204 = tpu.vector_load %arg15[%get3A_202, %get3A_203] {strides = array<i32>} : memref<40x256xf32, #tpu.memory_space<vmem>>, vector<16xf32>,
        %mul3A_205 = arith.mulf %get3A_201, %get3A_204 : vector<16xf32>
        %get3A_206 = arith.index_cast %scan3A_161 : i32 to index
        %get3A_207 = arith.constant 48 : index
        %get3A_208 = tpu.vector_load %arg13[%get3A_206, %get3A_207] {strides = array<i32>} : memref<40x128xf32, #tpu.memory_space<vmem>>, vector<16xf32>,
        %get3A_209 = arith.index_cast %scan3A_161 : i32 to index
        %get3A_210 = arith.constant 48 : index
        %get3A_211 = tpu.vector_load %arg15[%get3A_209, %get3A_210] {strides = array<i32>} : memref<40x256xf32, #tpu.memory_space<vmem>>, vector<16xf32>,
        %mul3A_212 = arith.mulf %get3A_208, %get3A_211 : vector<16xf32>
        %add3A_213 = arith.addf %mul3A_205, %mul3A_212 : vector<16xf32>
        %reduce_sum3A_214 = arith.constant true
        %reduce_sum3A_215 = vector.broadcast %reduce_sum3A_214 : i1 to vector<16xi1>
        %reduce_sum3A_216 = tpu.scan <sum>, %add3A_213 masked %reduce_sum3A_215 : vector<16xf32>, vector<16xi1> -> vector<16xf32>
        %reduce_sum3A_217 = vector.extract %reduce_sum3A_216[15] : f32 from vector<16xf32>
        %mul3A_218 = arith.constant 0.176776692 : f32
        %mul3A_219 = arith.mulf %reduce_sum3A_217, %mul3A_218 : f32
        %jit3A_220 = arith.constant -1.000000e+01 : f32
        %jit3A_221 = arith.constant 1.000000e+01 : f32
        %max3A_222 = arith.maximumf %jit3A_220, %mul3A_219 : f32
        %min3A_223 = arith.minimumf %jit3A_221, %max3A_222 : f32
        %broadcast_in_dim3A_224 = vector.broadcast %min3A_223 : f32 to vector<16xf32>
        %exp3A_225 = math.exp %broadcast_in_dim3A_224 : vector<16xf32>
        %get3A_226 = arith.index_cast %scan3A_161 : i32 to index
        %get3A_227 = arith.constant 160 : index
        %get3A_228 = tpu.vector_load %arg15[%get3A_226, %get3A_227] {strides = array<i32>} : memref<40x256xf32, #tpu.memory_space<vmem>>, vector<16xf32>,
        %mul3A_229 = arith.mulf %get3A_228, %exp3A_225 : vector<16xf32>
        %swap3A_230 = arith.index_cast %scan3A_161 : i32 to index
        %swap3A_231 = arith.constant 32 : index
        %swap3A_232 = tpu.vector_load %arg16[%swap3A_230, %swap3A_231] {strides = array<i32>} : memref<40x144xf32, #tpu.memory_space<vmem>>, vector<16xf32>,
        tpu.vector_store %arg16[%swap3A_230, %swap3A_231], %mul3A_229 {strides = array<i32>} : memref<40x144xf32, #tpu.memory_space<vmem>>, vector<16xf32>,
        %get3A_233 = arith.index_cast %scan3A_161 : i32 to index
        %get3A_234 = arith.constant 176 : index
        %get3A_235 = tpu.vector_load %arg15[%get3A_233, %get3A_234] {strides = array<i32>} : memref<40x256xf32, #tpu.memory_space<vmem>>, vector<16xf32>,
        %mul3A_236 = arith.mulf %get3A_235, %exp3A_225 : vector<16xf32>
        %swap3A_237 = arith.index_cast %scan3A_161 : i32 to index
        %swap3A_238 = arith.constant 48 : index
        %swap3A_239 = tpu.vector_load %arg16[%swap3A_237, %swap3A_238] {strides = array<i32>} : memref<40x144xf32, #tpu.memory_space<vmem>>, vector<16xf32>,
        tpu.vector_store %arg16[%swap3A_237, %swap3A_238], %mul3A_236 {strides = array<i32>} : memref<40x144xf32, #tpu.memory_space<vmem>>, vector<16xf32>,
        %eq3A_240 = arith.constant 1 : i32
        %eq3A_241 = vector.broadcast %eq3A_240 : i32 to vector<16xi32>
        %eq3A_242 = arith.cmpi eq, %iota3A, %eq3A_241 : vector<16xi32>
        %select_n3A_243 = arith.select %eq3A_242, %exp3A_225, %select_n3A : vector<16xi1>, vector<16xf32>
        %get3A_244 = arith.index_cast %scan3A_161 : i32 to index
        %get3A_245 = arith.constant 64 : index
        %get3A_246 = tpu.vector_load %arg13[%get3A_244, %get3A_245] {strides = array<i32>} : memref<40x128xf32, #tpu.memory_space<vmem>>, vector<16xf32>,
        %get3A_247 = arith.index_cast %scan3A_161 : i32 to index
        %get3A_248 = arith.constant 64 : index
        %get3A_249 = tpu.vector_load %arg15[%get3A_247, %get3A_248] {strides = array<i32>} : memref<40x256xf32, #tpu.memory_space<vmem>>, vector<16xf32>,
        %mul3A_250 = arith.mulf %get3A_246, %get3A_249 : vector<16xf32>
        %get3A_251 = arith.index_cast %scan3A_161 : i32 to index
        %get3A_252 = arith.constant 80 : index
        %get3A_253 = tpu.vector_load %arg13[%get3A_251, %get3A_252] {strides = array<i32>} : memref<40x128xf32, #tpu.memory_space<vmem>>, vector<16xf32>,
        %get3A_254 = arith.index_cast %scan3A_161 : i32 to index
        %get3A_255 = arith.constant 80 : index
        %get3A_256 = tpu.vector_load %arg15[%get3A_254, %get3A_255] {strides = array<i32>} : memref<40x256xf32, #tpu.memory_space<vmem>>, vector<16xf32>,
        %mul3A_257 = arith.mulf %get3A_253, %get3A_256 : vector<16xf32>
        %add3A_258 = arith.addf %mul3A_250, %mul3A_257 : vector<16xf32>
        %reduce_sum3A_259 = arith.constant true
        %reduce_sum3A_260 = vector.broadcast %reduce_sum3A_259 : i1 to vector<16xi1>
        %reduce_sum3A_261 = tpu.scan <sum>, %add3A_258 masked %reduce_sum3A_260 : vector<16xf32>, vector<16xi1> -> vector<16xf32>
        %reduce_sum3A_262 = vector.extract %reduce_sum3A_261[15] : f32 from vector<16xf32>
        %mul3A_263 = arith.constant 0.176776692 : f32
        %mul3A_264 = arith.mulf %reduce_sum3A_262, %mul3A_263 : f32
        %jit3A_265 = arith.constant -1.000000e+01 : f32
        %jit3A_266 = arith.constant 1.000000e+01 : f32
        %max3A_267 = arith.maximumf %jit3A_265, %mul3A_264 : f32
        %min3A_268 = arith.minimumf %jit3A_266, %max3A_267 : f32
        %broadcast_in_dim3A_269 = vector.broadcast %min3A_268 : f32 to vector<16xf32>
        %exp3A_270 = math.exp %broadcast_in_dim3A_269 : vector<16xf32>
        %get3A_271 = arith.index_cast %scan3A_161 : i32 to index
        %get3A_272 = arith.constant 192 : index
        %get3A_273 = tpu.vector_load %arg15[%get3A_271, %get3A_272] {strides = array<i32>} : memref<40x256xf32, #tpu.memory_space<vmem>>, vector<16xf32>,
        %mul3A_274 = arith.mulf %get3A_273, %exp3A_270 : vector<16xf32>
        %swap3A_275 = arith.index_cast %scan3A_161 : i32 to index
        %swap3A_276 = arith.constant 64 : index
        %swap3A_277 = tpu.vector_load %arg16[%swap3A_275, %swap3A_276] {strides = array<i32>} : memref<40x144xf32, #tpu.memory_space<vmem>>, vector<16xf32>,
        tpu.vector_store %arg16[%swap3A_275, %swap3A_276], %mul3A_274 {strides = array<i32>} : memref<40x144xf32, #tpu.memory_space<vmem>>, vector<16xf32>,
        %get3A_278 = arith.index_cast %scan3A_161 : i32 to index
        %get3A_279 = arith.constant 208 : index
        %get3A_280 = tpu.vector_load %arg15[%get3A_278, %get3A_279] {strides = array<i32>} : memref<40x256xf32, #tpu.memory_space<vmem>>, vector<16xf32>,
        %mul3A_281 = arith.mulf %get3A_280, %exp3A_270 : vector<16xf32>
        %swap3A_282 = arith.index_cast %scan3A_161 : i32 to index
        %swap3A_283 = arith.constant 80 : index
        %swap3A_284 = tpu.vector_load %arg16[%swap3A_282, %swap3A_283] {strides = array<i32>} : memref<40x144xf32, #tpu.memory_space<vmem>>, vector<16xf32>,
        tpu.vector_store %arg16[%swap3A_282, %swap3A_283], %mul3A_281 {strides = array<i32>} : memref<40x144xf32, #tpu.memory_space<vmem>>, vector<16xf32>,
        %eq3A_285 = arith.constant 2 : i32
        %eq3A_286 = vector.broadcast %eq3A_285 : i32 to vector<16xi32>
        %eq3A_287 = arith.cmpi eq, %iota3A, %eq3A_286 : vector<16xi32>
        %select_n3A_288 = arith.select %eq3A_287, %exp3A_270, %select_n3A_243 : vector<16xi1>, vector<16xf32>
        %get3A_289 = arith.index_cast %scan3A_161 : i32 to index
        %get3A_290 = arith.constant 96 : index
        %get3A_291 = tpu.vector_load %arg13[%get3A_289, %get3A_290] {strides = array<i32>} : memref<40x128xf32, #tpu.memory_space<vmem>>, vector<16xf32>,
        %get3A_292 = arith.index_cast %scan3A_161 : i32 to index
        %get3A_293 = arith.constant 96 : index
        %get3A_294 = tpu.vector_load %arg15[%get3A_292, %get3A_293] {strides = array<i32>} : memref<40x256xf32, #tpu.memory_space<vmem>>, vector<16xf32>,
        %mul3A_295 = arith.mulf %get3A_291, %get3A_294 : vector<16xf32>
        %get3A_296 = arith.index_cast %scan3A_161 : i32 to index
        %get3A_297 = arith.constant 112 : index
        %get3A_298 = tpu.vector_load %arg13[%get3A_296, %get3A_297] {strides = array<i32>} : memref<40x128xf32, #tpu.memory_space<vmem>>, vector<16xf32>,
        %get3A_299 = arith.index_cast %scan3A_161 : i32 to index
        %get3A_300 = arith.constant 112 : index
        %get3A_301 = tpu.vector_load %arg15[%get3A_299, %get3A_300] {strides = array<i32>} : memref<40x256xf32, #tpu.memory_space<vmem>>, vector<16xf32>,
        %mul3A_302 = arith.mulf %get3A_298, %get3A_301 : vector<16xf32>
        %add3A_303 = arith.addf %mul3A_295, %mul3A_302 : vector<16xf32>
        %reduce_sum3A_304 = arith.constant true
        %reduce_sum3A_305 = vector.broadcast %reduce_sum3A_304 : i1 to vector<16xi1>
        %reduce_sum3A_306 = tpu.scan <sum>, %add3A_303 masked %reduce_sum3A_305 : vector<16xf32>, vector<16xi1> -> vector<16xf32>
        %reduce_sum3A_307 = vector.extract %reduce_sum3A_306[15] : f32 from vector<16xf32>
        %mul3A_308 = arith.constant 0.176776692 : f32
        %mul3A_309 = arith.mulf %reduce_sum3A_307, %mul3A_308 : f32
        %jit3A_310 = arith.constant -1.000000e+01 : f32
        %jit3A_311 = arith.constant 1.000000e+01 : f32
        %max3A_312 = arith.maximumf %jit3A_310, %mul3A_309 : f32
        %min3A_313 = arith.minimumf %jit3A_311, %max3A_312 : f32
        %broadcast_in_dim3A_314 = vector.broadcast %min3A_313 : f32 to vector<16xf32>
        %exp3A_315 = math.exp %broadcast_in_dim3A_314 : vector<16xf32>
        %get3A_316 = arith.index_cast %scan3A_161 : i32 to index
        %get3A_317 = arith.constant 224 : index
        %get3A_318 = tpu.vector_load %arg15[%get3A_316, %get3A_317] {strides = array<i32>} : memref<40x256xf32, #tpu.memory_space<vmem>>, vector<16xf32>,
        %mul3A_319 = arith.mulf %get3A_318, %exp3A_315 : vector<16xf32>
        %swap3A_320 = arith.index_cast %scan3A_161 : i32 to index
        %swap3A_321 = arith.constant 96 : index
        %swap3A_322 = tpu.vector_load %arg16[%swap3A_320, %swap3A_321] {strides = array<i32>} : memref<40x144xf32, #tpu.memory_space<vmem>>, vector<16xf32>,
        tpu.vector_store %arg16[%swap3A_320, %swap3A_321], %mul3A_319 {strides = array<i32>} : memref<40x144xf32, #tpu.memory_space<vmem>>, vector<16xf32>,
        %get3A_323 = arith.index_cast %scan3A_161 : i32 to index
        %get3A_324 = arith.constant 240 : index
        %get3A_325 = tpu.vector_load %arg15[%get3A_323, %get3A_324] {strides = array<i32>} : memref<40x256xf32, #tpu.memory_space<vmem>>, vector<16xf32>,
        %mul3A_326 = arith.mulf %get3A_325, %exp3A_315 : vector<16xf32>
        %swap3A_327 = arith.index_cast %scan3A_161 : i32 to index
        %swap3A_328 = arith.constant 112 : index
        %swap3A_329 = tpu.vector_load %arg16[%swap3A_327, %swap3A_328] {strides = array<i32>} : memref<40x144xf32, #tpu.memory_space<vmem>>, vector<16xf32>,
        tpu.vector_store %arg16[%swap3A_327, %swap3A_328], %mul3A_326 {strides = array<i32>} : memref<40x144xf32, #tpu.memory_space<vmem>>, vector<16xf32>,
        %eq3A_330 = arith.constant 3 : i32
        %eq3A_331 = vector.broadcast %eq3A_330 : i32 to vector<16xi32>
        %eq3A_332 = arith.cmpi eq, %iota3A, %eq3A_331 : vector<16xi32>
        %select_n3A_333 = arith.select %eq3A_332, %exp3A_315, %select_n3A_288 : vector<16xi1>, vector<16xf32>
        %swap3A_334 = arith.index_cast %scan3A_161 : i32 to index
        %swap3A_335 = arith.constant 128 : index
        %swap3A_336 = tpu.vector_load %arg16[%swap3A_334, %swap3A_335] {strides = array<i32>} : memref<40x144xf32, #tpu.memory_space<vmem>>, vector<16xf32>,
        tpu.vector_store %arg16[%swap3A_334, %swap3A_335], %select_n3A_333 {strides = array<i32>} : memref<40x144xf32, #tpu.memory_space<vmem>>, vector<16xf32>,
        %scan3A_337 = arith.constant 1 : i32
        %scan3A_338 = arith.addi %scan3A_161, %scan3A_337 : i32
        %broadcast_in_dim3A_339 = arith.constant 0.000000e+00 : f32
        %broadcast_in_dim3A_340 = vector.broadcast %broadcast_in_dim3A_339 : f32 to vector<16xf32>
        %get3A_341 = arith.index_cast %scan3A_338 : i32 to index
        %get3A_342 = arith.constant 0 : index
        %get3A_343 = tpu.vector_load %arg13[%get3A_341, %get3A_342] {strides = array<i32>} : memref<40x128xf32, #tpu.memory_space<vmem>>, vector<16xf32>,
        %get3A_344 = arith.index_cast %scan3A_338 : i32 to index
        %get3A_345 = arith.constant 0 : index
        %get3A_346 = tpu.vector_load %arg15[%get3A_344, %get3A_345] {strides = array<i32>} : memref<40x256xf32, #tpu.memory_space<vmem>>, vector<16xf32>,
        %mul3A_347 = arith.mulf %get3A_343, %get3A_346 : vector<16xf32>
        %get3A_348 = arith.index_cast %scan3A_338 : i32 to index
        %get3A_349 = arith.constant 16 : index
        %get3A_350 = tpu.vector_load %arg13[%get3A_348, %get3A_349] {strides = array<i32>} : memref<40x128xf32, #tpu.memory_space<vmem>>, vector<16xf32>,
        %get3A_351 = arith.index_cast %scan3A_338 : i32 to index
        %get3A_352 = arith.constant 16 : index
        %get3A_353 = tpu.vector_load %arg15[%get3A_351, %get3A_352] {strides = array<i32>} : memref<40x256xf32, #tpu.memory_space<vmem>>, vector<16xf32>,
        %mul3A_354 = arith.mulf %get3A_350, %get3A_353 : vector<16xf32>
        %add3A_355 = arith.addf %mul3A_347, %mul3A_354 : vector<16xf32>
        %reduce_sum3A_356 = arith.constant true
        %reduce_sum3A_357 = vector.broadcast %reduce_sum3A_356 : i1 to vector<16xi1>
        %reduce_sum3A_358 = tpu.scan <sum>, %add3A_355 masked %reduce_sum3A_357 : vector<16xf32>, vector<16xi1> -> vector<16xf32>
        %reduce_sum3A_359 = vector.extract %reduce_sum3A_358[15] : f32 from vector<16xf32>
        %mul3A_360 = arith.constant 0.176776692 : f32
        %mul3A_361 = arith.mulf %reduce_sum3A_359, %mul3A_360 : f32
        %jit3A_362 = arith.constant -1.000000e+01 : f32
        %jit3A_363 = arith.constant 1.000000e+01 : f32
        %max3A_364 = arith.maximumf %jit3A_362, %mul3A_361 : f32
        %min3A_365 = arith.minimumf %jit3A_363, %max3A_364 : f32
        %broadcast_in_dim3A_366 = vector.broadcast %min3A_365 : f32 to vector<16xf32>
        %exp3A_367 = math.exp %broadcast_in_dim3A_366 : vector<16xf32>
        %get3A_368 = arith.index_cast %scan3A_338 : i32 to index
        %get3A_369 = arith.constant 128 : index
        %get3A_370 = tpu.vector_load %arg15[%get3A_368, %get3A_369] {strides = array<i32>} : memref<40x256xf32, #tpu.memory_space<vmem>>, vector<16xf32>,
        %mul3A_371 = arith.mulf %get3A_370, %exp3A_367 : vector<16xf32>
        %swap3A_372 = arith.index_cast %scan3A_338 : i32 to index
        %swap3A_373 = arith.constant 0 : index
        %swap3A_374 = tpu.vector_load %arg16[%swap3A_372, %swap3A_373] {strides = array<i32>} : memref<40x144xf32, #tpu.memory_space<vmem>>, vector<16xf32>,
        tpu.vector_store %arg16[%swap3A_372, %swap3A_373], %mul3A_371 {strides = array<i32>} : memref<40x144xf32, #tpu.memory_space<vmem>>, vector<16xf32>,
        %get3A_375 = arith.index_cast %scan3A_338 : i32 to index
        %get3A_376 = arith.constant 144 : index
        %get3A_377 = tpu.vector_load %arg15[%get3A_375, %get3A_376] {strides = array<i32>} : memref<40x256xf32, #tpu.memory_space<vmem>>, vector<16xf32>,
        %mul3A_378 = arith.mulf %get3A_377, %exp3A_367 : vector<16xf32>
        %swap3A_379 = arith.index_cast %scan3A_338 : i32 to index
        %swap3A_380 = arith.constant 16 : index
        %swap3A_381 = tpu.vector_load %arg16[%swap3A_379, %swap3A_380] {strides = array<i32>} : memref<40x144xf32, #tpu.memory_space<vmem>>, vector<16xf32>,
        tpu.vector_store %arg16[%swap3A_379, %swap3A_380], %mul3A_378 {strides = array<i32>} : memref<40x144xf32, #tpu.memory_space<vmem>>, vector<16xf32>,
        %eq3A_382 = arith.constant 0 : i32
        %eq3A_383 = vector.broadcast %eq3A_382 : i32 to vector<16xi32>
        %eq3A_384 = arith.cmpi eq, %iota3A, %eq3A_383 : vector<16xi32>
        %select_n3A_385 = arith.select %eq3A_384, %exp3A_367, %broadcast_in_dim3A_340 : vector<16xi1>, vector<16xf32>
        %get3A_386 = arith.index_cast %scan3A_338 : i32 to index
        %get3A_387 = arith.constant 32 : index
        %get3A_388 = tpu.vector_load %arg13[%get3A_386, %get3A_387] {strides = array<i32>} : memref<40x128xf32, #tpu.memory_space<vmem>>, vector<16xf32>,
        %get3A_389 = arith.index_cast %scan3A_338 : i32 to index
        %get3A_390 = arith.constant 32 : index
        %get3A_391 = tpu.vector_load %arg15[%get3A_389, %get3A_390] {strides = array<i32>} : memref<40x256xf32, #tpu.memory_space<vmem>>, vector<16xf32>,
        %mul3A_392 = arith.mulf %get3A_388, %get3A_391 : vector<16xf32>
        %get3A_393 = arith.index_cast %scan3A_338 : i32 to index
        %get3A_394 = arith.constant 48 : index
        %get3A_395 = tpu.vector_load %arg13[%get3A_393, %get3A_394] {strides = array<i32>} : memref<40x128xf32, #tpu.memory_space<vmem>>, vector<16xf32>,
        %get3A_396 = arith.index_cast %scan3A_338 : i32 to index
        %get3A_397 = arith.constant 48 : index
        %get3A_398 = tpu.vector_load %arg15[%get3A_396, %get3A_397] {strides = array<i32>} : memref<40x256xf32, #tpu.memory_space<vmem>>, vector<16xf32>,
        %mul3A_399 = arith.mulf %get3A_395, %get3A_398 : vector<16xf32>
        %add3A_400 = arith.addf %mul3A_392, %mul3A_399 : vector<16xf32>
        %reduce_sum3A_401 = arith.constant true
        %reduce_sum3A_402 = vector.broadcast %reduce_sum3A_401 : i1 to vector<16xi1>
        %reduce_sum3A_403 = tpu.scan <sum>, %add3A_400 masked %reduce_sum3A_402 : vector<16xf32>, vector<16xi1> -> vector<16xf32>
        %reduce_sum3A_404 = vector.extract %reduce_sum3A_403[15] : f32 from vector<16xf32>
        %mul3A_405 = arith.constant 0.176776692 : f32
        %mul3A_406 = arith.mulf %reduce_sum3A_404, %mul3A_405 : f32
        %jit3A_407 = arith.constant -1.000000e+01 : f32
        %jit3A_408 = arith.constant 1.000000e+01 : f32
        %max3A_409 = arith.maximumf %jit3A_407, %mul3A_406 : f32
        %min3A_410 = arith.minimumf %jit3A_408, %max3A_409 : f32
        %broadcast_in_dim3A_411 = vector.broadcast %min3A_410 : f32 to vector<16xf32>
        %exp3A_412 = math.exp %broadcast_in_dim3A_411 : vector<16xf32>
        %get3A_413 = arith.index_cast %scan3A_338 : i32 to index
        %get3A_414 = arith.constant 160 : index
        %get3A_415 = tpu.vector_load %arg15[%get3A_413, %get3A_414] {strides = array<i32>} : memref<40x256xf32, #tpu.memory_space<vmem>>, vector<16xf32>,
        %mul3A_416 = arith.mulf %get3A_415, %exp3A_412 : vector<16xf32>
        %swap3A_417 = arith.index_cast %scan3A_338 : i32 to index
        %swap3A_418 = arith.constant 32 : index
        %swap3A_419 = tpu.vector_load %arg16[%swap3A_417, %swap3A_418] {strides = array<i32>} : memref<40x144xf32, #tpu.memory_space<vmem>>, vector<16xf32>,
        tpu.vector_store %arg16[%swap3A_417, %swap3A_418], %mul3A_416 {strides = array<i32>} : memref<40x144xf32, #tpu.memory_space<vmem>>, vector<16xf32>,
        %get3A_420 = arith.index_cast %scan3A_338 : i32 to index
        %get3A_421 = arith.constant 176 : index
        %get3A_422 = tpu.vector_load %arg15[%get3A_420, %get3A_421] {strides = array<i32>} : memref<40x256xf32, #tpu.memory_space<vmem>>, vector<16xf32>,
        %mul3A_423 = arith.mulf %get3A_422, %exp3A_412 : vector<16xf32>
        %swap3A_424 = arith.index_cast %scan3A_338 : i32 to index
        %swap3A_425 = arith.constant 48 : index
        %swap3A_426 = tpu.vector_load %arg16[%swap3A_424, %swap3A_425] {strides = array<i32>} : memref<40x144xf32, #tpu.memory_space<vmem>>, vector<16xf32>,
        tpu.vector_store %arg16[%swap3A_424, %swap3A_425], %mul3A_423 {strides = array<i32>} : memref<40x144xf32, #tpu.memory_space<vmem>>, vector<16xf32>,
        %eq3A_427 = arith.constant 1 : i32
        %eq3A_428 = vector.broadcast %eq3A_427 : i32 to vector<16xi32>
        %eq3A_429 = arith.cmpi eq, %iota3A, %eq3A_428 : vector<16xi32>
        %select_n3A_430 = arith.select %eq3A_429, %exp3A_412, %select_n3A_385 : vector<16xi1>, vector<16xf32>
        %get3A_431 = arith.index_cast %scan3A_338 : i32 to index
        %get3A_432 = arith.constant 64 : index
        %get3A_433 = tpu.vector_load %arg13[%get3A_431, %get3A_432] {strides = array<i32>} : memref<40x128xf32, #tpu.memory_space<vmem>>, vector<16xf32>,
        %get3A_434 = arith.index_cast %scan3A_338 : i32 to index
        %get3A_435 = arith.constant 64 : index
        %get3A_436 = tpu.vector_load %arg15[%get3A_434, %get3A_435] {strides = array<i32>} : memref<40x256xf32, #tpu.memory_space<vmem>>, vector<16xf32>,
        %mul3A_437 = arith.mulf %get3A_433, %get3A_436 : vector<16xf32>
        %get3A_438 = arith.index_cast %scan3A_338 : i32 to index
        %get3A_439 = arith.constant 80 : index
        %get3A_440 = tpu.vector_load %arg13[%get3A_438, %get3A_439] {strides = array<i32>} : memref<40x128xf32, #tpu.memory_space<vmem>>, vector<16xf32>,
        %get3A_441 = arith.index_cast %scan3A_338 : i32 to index
        %get3A_442 = arith.constant 80 : index
        %get3A_443 = tpu.vector_load %arg15[%get3A_441, %get3A_442] {strides = array<i32>} : memref<40x256xf32, #tpu.memory_space<vmem>>, vector<16xf32>,
        %mul3A_444 = arith.mulf %get3A_440, %get3A_443 : vector<16xf32>
        %add3A_445 = arith.addf %mul3A_437, %mul3A_444 : vector<16xf32>
        %reduce_sum3A_446 = arith.constant true
        %reduce_sum3A_447 = vector.broadcast %reduce_sum3A_446 : i1 to vector<16xi1>
        %reduce_sum3A_448 = tpu.scan <sum>, %add3A_445 masked %reduce_sum3A_447 : vector<16xf32>, vector<16xi1> -> vector<16xf32>
        %reduce_sum3A_449 = vector.extract %reduce_sum3A_448[15] : f32 from vector<16xf32>
        %mul3A_450 = arith.constant 0.176776692 : f32
        %mul3A_451 = arith.mulf %reduce_sum3A_449, %mul3A_450 : f32
        %jit3A_452 = arith.constant -1.000000e+01 : f32
        %jit3A_453 = arith.constant 1.000000e+01 : f32
        %max3A_454 = arith.maximumf %jit3A_452, %mul3A_451 : f32
        %min3A_455 = arith.minimumf %jit3A_453, %max3A_454 : f32
        %broadcast_in_dim3A_456 = vector.broadcast %min3A_455 : f32 to vector<16xf32>
        %exp3A_457 = math.exp %broadcast_in_dim3A_456 : vector<16xf32>
        %get3A_458 = arith.index_cast %scan3A_338 : i32 to index
        %get3A_459 = arith.constant 192 : index
        %get3A_460 = tpu.vector_load %arg15[%get3A_458, %get3A_459] {strides = array<i32>} : memref<40x256xf32, #tpu.memory_space<vmem>>, vector<16xf32>,
        %mul3A_461 = arith.mulf %get3A_460, %exp3A_457 : vector<16xf32>
        %swap3A_462 = arith.index_cast %scan3A_338 : i32 to index
        %swap3A_463 = arith.constant 64 : index
        %swap3A_464 = tpu.vector_load %arg16[%swap3A_462, %swap3A_463] {strides = array<i32>} : memref<40x144xf32, #tpu.memory_space<vmem>>, vector<16xf32>,
        tpu.vector_store %arg16[%swap3A_462, %swap3A_463], %mul3A_461 {strides = array<i32>} : memref<40x144xf32, #tpu.memory_space<vmem>>, vector<16xf32>,
        %get3A_465 = arith.index_cast %scan3A_338 : i32 to index
        %get3A_466 = arith.constant 208 : index
        %get3A_467 = tpu.vector_load %arg15[%get3A_465, %get3A_466] {strides = array<i32>} : memref<40x256xf32, #tpu.memory_space<vmem>>, vector<16xf32>,
        %mul3A_468 = arith.mulf %get3A_467, %exp3A_457 : vector<16xf32>
        %swap3A_469 = arith.index_cast %scan3A_338 : i32 to index
        %swap3A_470 = arith.constant 80 : index
        %swap3A_471 = tpu.vector_load %arg16[%swap3A_469, %swap3A_470] {strides = array<i32>} : memref<40x144xf32, #tpu.memory_space<vmem>>, vector<16xf32>,
        tpu.vector_store %arg16[%swap3A_469, %swap3A_470], %mul3A_468 {strides = array<i32>} : memref<40x144xf32, #tpu.memory_space<vmem>>, vector<16xf32>,
        %eq3A_472 = arith.constant 2 : i32
        %eq3A_473 = vector.broadcast %eq3A_472 : i32 to vector<16xi32>
        %eq3A_474 = arith.cmpi eq, %iota3A, %eq3A_473 : vector<16xi32>
        %select_n3A_475 = arith.select %eq3A_474, %exp3A_457, %select_n3A_430 : vector<16xi1>, vector<16xf32>
        %get3A_476 = arith.index_cast %scan3A_338 : i32 to index
        %get3A_477 = arith.constant 96 : index
        %get3A_478 = tpu.vector_load %arg13[%get3A_476, %get3A_477] {strides = array<i32>} : memref<40x128xf32, #tpu.memory_space<vmem>>, vector<16xf32>,
        %get3A_479 = arith.index_cast %scan3A_338 : i32 to index
        %get3A_480 = arith.constant 96 : index
        %get3A_481 = tpu.vector_load %arg15[%get3A_479, %get3A_480] {strides = array<i32>} : memref<40x256xf32, #tpu.memory_space<vmem>>, vector<16xf32>,
        %mul3A_482 = arith.mulf %get3A_478, %get3A_481 : vector<16xf32>
        %get3A_483 = arith.index_cast %scan3A_338 : i32 to index
        %get3A_484 = arith.constant 112 : index
        %get3A_485 = tpu.vector_load %arg13[%get3A_483, %get3A_484] {strides = array<i32>} : memref<40x128xf32, #tpu.memory_space<vmem>>, vector<16xf32>,
        %get3A_486 = arith.index_cast %scan3A_338 : i32 to index
        %get3A_487 = arith.constant 112 : index
        %get3A_488 = tpu.vector_load %arg15[%get3A_486, %get3A_487] {strides = array<i32>} : memref<40x256xf32, #tpu.memory_space<vmem>>, vector<16xf32>,
        %mul3A_489 = arith.mulf %get3A_485, %get3A_488 : vector<16xf32>
        %add3A_490 = arith.addf %mul3A_482, %mul3A_489 : vector<16xf32>
        %reduce_sum3A_491 = arith.constant true
        %reduce_sum3A_492 = vector.broadcast %reduce_sum3A_491 : i1 to vector<16xi1>
        %reduce_sum3A_493 = tpu.scan <sum>, %add3A_490 masked %reduce_sum3A_492 : vector<16xf32>, vector<16xi1> -> vector<16xf32>
        %reduce_sum3A_494 = vector.extract %reduce_sum3A_493[15] : f32 from vector<16xf32>
        %mul3A_495 = arith.constant 0.176776692 : f32
        %mul3A_496 = arith.mulf %reduce_sum3A_494, %mul3A_495 : f32
        %jit3A_497 = arith.constant -1.000000e+01 : f32
        %jit3A_498 = arith.constant 1.000000e+01 : f32
        %max3A_499 = arith.maximumf %jit3A_497, %mul3A_496 : f32
        %min3A_500 = arith.minimumf %jit3A_498, %max3A_499 : f32
        %broadcast_in_dim3A_501 = vector.broadcast %min3A_500 : f32 to vector<16xf32>
        %exp3A_502 = math.exp %broadcast_in_dim3A_501 : vector<16xf32>
        %get3A_503 = arith.index_cast %scan3A_338 : i32 to index
        %get3A_504 = arith.constant 224 : index
        %get3A_505 = tpu.vector_load %arg15[%get3A_503, %get3A_504] {strides = array<i32>} : memref<40x256xf32, #tpu.memory_space<vmem>>, vector<16xf32>,
        %mul3A_506 = arith.mulf %get3A_505, %exp3A_502 : vector<16xf32>
        %swap3A_507 = arith.index_cast %scan3A_338 : i32 to index
        %swap3A_508 = arith.constant 96 : index
        %swap3A_509 = tpu.vector_load %arg16[%swap3A_507, %swap3A_508] {strides = array<i32>} : memref<40x144xf32, #tpu.memory_space<vmem>>, vector<16xf32>,
        tpu.vector_store %arg16[%swap3A_507, %swap3A_508], %mul3A_506 {strides = array<i32>} : memref<40x144xf32, #tpu.memory_space<vmem>>, vector<16xf32>,
        %get3A_510 = arith.index_cast %scan3A_338 : i32 to index
        %get3A_511 = arith.constant 240 : index
        %get3A_512 = tpu.vector_load %arg15[%get3A_510, %get3A_511] {strides = array<i32>} : memref<40x256xf32, #tpu.memory_space<vmem>>, vector<16xf32>,
        %mul3A_513 = arith.mulf %get3A_512, %exp3A_502 : vector<16xf32>
        %swap3A_514 = arith.index_cast %scan3A_338 : i32 to index
        %swap3A_515 = arith.constant 112 : index
        %swap3A_516 = tpu.vector_load %arg16[%swap3A_514, %swap3A_515] {strides = array<i32>} : memref<40x144xf32, #tpu.memory_space<vmem>>, vector<16xf32>,
        tpu.vector_store %arg16[%swap3A_514, %swap3A_515], %mul3A_513 {strides = array<i32>} : memref<40x144xf32, #tpu.memory_space<vmem>>, vector<16xf32>,
        %eq3A_517 = arith.constant 3 : i32
        %eq3A_518 = vector.broadcast %eq3A_517 : i32 to vector<16xi32>
        %eq3A_519 = arith.cmpi eq, %iota3A, %eq3A_518 : vector<16xi32>
        %select_n3A_520 = arith.select %eq3A_519, %exp3A_502, %select_n3A_475 : vector<16xi1>, vector<16xf32>
        %swap3A_521 = arith.index_cast %scan3A_338 : i32 to index
        %swap3A_522 = arith.constant 128 : index
        %swap3A_523 = tpu.vector_load %arg16[%swap3A_521, %swap3A_522] {strides = array<i32>} : memref<40x144xf32, #tpu.memory_space<vmem>>, vector<16xf32>,
        tpu.vector_store %arg16[%swap3A_521, %swap3A_522], %select_n3A_520 {strides = array<i32>} : memref<40x144xf32, #tpu.memory_space<vmem>>, vector<16xf32>,
        %scan3A_524 = arith.constant 2 : i32
        %scan3A_525 = arith.addi %scan3A_161, %scan3A_524 : i32
        %broadcast_in_dim3A_526 = arith.constant 0.000000e+00 : f32
        %broadcast_in_dim3A_527 = vector.broadcast %broadcast_in_dim3A_526 : f32 to vector<16xf32>
        %get3A_528 = arith.index_cast %scan3A_525 : i32 to index
        %get3A_529 = arith.constant 0 : index
        %get3A_530 = tpu.vector_load %arg13[%get3A_528, %get3A_529] {strides = array<i32>} : memref<40x128xf32, #tpu.memory_space<vmem>>, vector<16xf32>,
        %get3A_531 = arith.index_cast %scan3A_525 : i32 to index
        %get3A_532 = arith.constant 0 : index
        %get3A_533 = tpu.vector_load %arg15[%get3A_531, %get3A_532] {strides = array<i32>} : memref<40x256xf32, #tpu.memory_space<vmem>>, vector<16xf32>,
        %mul3A_534 = arith.mulf %get3A_530, %get3A_533 : vector<16xf32>
        %get3A_535 = arith.index_cast %scan3A_525 : i32 to index
        %get3A_536 = arith.constant 16 : index
        %get3A_537 = tpu.vector_load %arg13[%get3A_535, %get3A_536] {strides = array<i32>} : memref<40x128xf32, #tpu.memory_space<vmem>>, vector<16xf32>,
        %get3A_538 = arith.index_cast %scan3A_525 : i32 to index
        %get3A_539 = arith.constant 16 : index
        %get3A_540 = tpu.vector_load %arg15[%get3A_538, %get3A_539] {strides = array<i32>} : memref<40x256xf32, #tpu.memory_space<vmem>>, vector<16xf32>,
        %mul3A_541 = arith.mulf %get3A_537, %get3A_540 : vector<16xf32>
        %add3A_542 = arith.addf %mul3A_534, %mul3A_541 : vector<16xf32>
        %reduce_sum3A_543 = arith.constant true
        %reduce_sum3A_544 = vector.broadcast %reduce_sum3A_543 : i1 to vector<16xi1>
        %reduce_sum3A_545 = tpu.scan <sum>, %add3A_542 masked %reduce_sum3A_544 : vector<16xf32>, vector<16xi1> -> vector<16xf32>
        %reduce_sum3A_546 = vector.extract %reduce_sum3A_545[15] : f32 from vector<16xf32>
        %mul3A_547 = arith.constant 0.176776692 : f32
        %mul3A_548 = arith.mulf %reduce_sum3A_546, %mul3A_547 : f32
        %jit3A_549 = arith.constant -1.000000e+01 : f32
        %jit3A_550 = arith.constant 1.000000e+01 : f32
        %max3A_551 = arith.maximumf %jit3A_549, %mul3A_548 : f32
        %min3A_552 = arith.minimumf %jit3A_550, %max3A_551 : f32
        %broadcast_in_dim3A_553 = vector.broadcast %min3A_552 : f32 to vector<16xf32>
        %exp3A_554 = math.exp %broadcast_in_dim3A_553 : vector<16xf32>
        %get3A_555 = arith.index_cast %scan3A_525 : i32 to index
        %get3A_556 = arith.constant 128 : index
        %get3A_557 = tpu.vector_load %arg15[%get3A_555, %get3A_556] {strides = array<i32>} : memref<40x256xf32, #tpu.memory_space<vmem>>, vector<16xf32>,
        %mul3A_558 = arith.mulf %get3A_557, %exp3A_554 : vector<16xf32>
        %swap3A_559 = arith.index_cast %scan3A_525 : i32 to index
        %swap3A_560 = arith.constant 0 : index
        %swap3A_561 = tpu.vector_load %arg16[%swap3A_559, %swap3A_560] {strides = array<i32>} : memref<40x144xf32, #tpu.memory_space<vmem>>, vector<16xf32>,
        tpu.vector_store %arg16[%swap3A_559, %swap3A_560], %mul3A_558 {strides = array<i32>} : memref<40x144xf32, #tpu.memory_space<vmem>>, vector<16xf32>,
        %get3A_562 = arith.index_cast %scan3A_525 : i32 to index
        %get3A_563 = arith.constant 144 : index
        %get3A_564 = tpu.vector_load %arg15[%get3A_562, %get3A_563] {strides = array<i32>} : memref<40x256xf32, #tpu.memory_space<vmem>>, vector<16xf32>,
        %mul3A_565 = arith.mulf %get3A_564, %exp3A_554 : vector<16xf32>
        %swap3A_566 = arith.index_cast %scan3A_525 : i32 to index
        %swap3A_567 = arith.constant 16 : index
        %swap3A_568 = tpu.vector_load %arg16[%swap3A_566, %swap3A_567] {strides = array<i32>} : memref<40x144xf32, #tpu.memory_space<vmem>>, vector<16xf32>,
        tpu.vector_store %arg16[%swap3A_566, %swap3A_567], %mul3A_565 {strides = array<i32>} : memref<40x144xf32, #tpu.memory_space<vmem>>, vector<16xf32>,
        %eq3A_569 = arith.constant 0 : i32
        %eq3A_570 = vector.broadcast %eq3A_569 : i32 to vector<16xi32>
        %eq3A_571 = arith.cmpi eq, %iota3A, %eq3A_570 : vector<16xi32>
        %select_n3A_572 = arith.select %eq3A_571, %exp3A_554, %broadcast_in_dim3A_527 : vector<16xi1>, vector<16xf32>
        %get3A_573 = arith.index_cast %scan3A_525 : i32 to index
        %get3A_574 = arith.constant 32 : index
        %get3A_575 = tpu.vector_load %arg13[%get3A_573, %get3A_574] {strides = array<i32>} : memref<40x128xf32, #tpu.memory_space<vmem>>, vector<16xf32>,
        %get3A_576 = arith.index_cast %scan3A_525 : i32 to index
        %get3A_577 = arith.constant 32 : index
        %get3A_578 = tpu.vector_load %arg15[%get3A_576, %get3A_577] {strides = array<i32>} : memref<40x256xf32, #tpu.memory_space<vmem>>, vector<16xf32>,
        %mul3A_579 = arith.mulf %get3A_575, %get3A_578 : vector<16xf32>
        %get3A_580 = arith.index_cast %scan3A_525 : i32 to index
        %get3A_581 = arith.constant 48 : index
        %get3A_582 = tpu.vector_load %arg13[%get3A_580, %get3A_581] {strides = array<i32>} : memref<40x128xf32, #tpu.memory_space<vmem>>, vector<16xf32>,
        %get3A_583 = arith.index_cast %scan3A_525 : i32 to index
        %get3A_584 = arith.constant 48 : index
        %get3A_585 = tpu.vector_load %arg15[%get3A_583, %get3A_584] {strides = array<i32>} : memref<40x256xf32, #tpu.memory_space<vmem>>, vector<16xf32>,
        %mul3A_586 = arith.mulf %get3A_582, %get3A_585 : vector<16xf32>
        %add3A_587 = arith.addf %mul3A_579, %mul3A_586 : vector<16xf32>
        %reduce_sum3A_588 = arith.constant true
        %reduce_sum3A_589 = vector.broadcast %reduce_sum3A_588 : i1 to vector<16xi1>
        %reduce_sum3A_590 = tpu.scan <sum>, %add3A_587 masked %reduce_sum3A_589 : vector<16xf32>, vector<16xi1> -> vector<16xf32>
        %reduce_sum3A_591 = vector.extract %reduce_sum3A_590[15] : f32 from vector<16xf32>
        %mul3A_592 = arith.constant 0.176776692 : f32
        %mul3A_593 = arith.mulf %reduce_sum3A_591, %mul3A_592 : f32
        %jit3A_594 = arith.constant -1.000000e+01 : f32
        %jit3A_595 = arith.constant 1.000000e+01 : f32
        %max3A_596 = arith.maximumf %jit3A_594, %mul3A_593 : f32
        %min3A_597 = arith.minimumf %jit3A_595, %max3A_596 : f32
        %broadcast_in_dim3A_598 = vector.broadcast %min3A_597 : f32 to vector<16xf32>
        %exp3A_599 = math.exp %broadcast_in_dim3A_598 : vector<16xf32>
        %get3A_600 = arith.index_cast %scan3A_525 : i32 to index
        %get3A_601 = arith.constant 160 : index
        %get3A_602 = tpu.vector_load %arg15[%get3A_600, %get3A_601] {strides = array<i32>} : memref<40x256xf32, #tpu.memory_space<vmem>>, vector<16xf32>,
        %mul3A_603 = arith.mulf %get3A_602, %exp3A_599 : vector<16xf32>
        %swap3A_604 = arith.index_cast %scan3A_525 : i32 to index
        %swap3A_605 = arith.constant 32 : index
        %swap3A_606 = tpu.vector_load %arg16[%swap3A_604, %swap3A_605] {strides = array<i32>} : memref<40x144xf32, #tpu.memory_space<vmem>>, vector<16xf32>,
        tpu.vector_store %arg16[%swap3A_604, %swap3A_605], %mul3A_603 {strides = array<i32>} : memref<40x144xf32, #tpu.memory_space<vmem>>, vector<16xf32>,
        %get3A_607 = arith.index_cast %scan3A_525 : i32 to index
        %get3A_608 = arith.constant 176 : index
        %get3A_609 = tpu.vector_load %arg15[%get3A_607, %get3A_608] {strides = array<i32>} : memref<40x256xf32, #tpu.memory_space<vmem>>, vector<16xf32>,
        %mul3A_610 = arith.mulf %get3A_609, %exp3A_599 : vector<16xf32>
        %swap3A_611 = arith.index_cast %scan3A_525 : i32 to index
        %swap3A_612 = arith.constant 48 : index
        %swap3A_613 = tpu.vector_load %arg16[%swap3A_611, %swap3A_612] {strides = array<i32>} : memref<40x144xf32, #tpu.memory_space<vmem>>, vector<16xf32>,
        tpu.vector_store %arg16[%swap3A_611, %swap3A_612], %mul3A_610 {strides = array<i32>} : memref<40x144xf32, #tpu.memory_space<vmem>>, vector<16xf32>,
        %eq3A_614 = arith.constant 1 : i32
        %eq3A_615 = vector.broadcast %eq3A_614 : i32 to vector<16xi32>
        %eq3A_616 = arith.cmpi eq, %iota3A, %eq3A_615 : vector<16xi32>
        %select_n3A_617 = arith.select %eq3A_616, %exp3A_599, %select_n3A_572 : vector<16xi1>, vector<16xf32>
        %get3A_618 = arith.index_cast %scan3A_525 : i32 to index
        %get3A_619 = arith.constant 64 : index
        %get3A_620 = tpu.vector_load %arg13[%get3A_618, %get3A_619] {strides = array<i32>} : memref<40x128xf32, #tpu.memory_space<vmem>>, vector<16xf32>,
        %get3A_621 = arith.index_cast %scan3A_525 : i32 to index
        %get3A_622 = arith.constant 64 : index
        %get3A_623 = tpu.vector_load %arg15[%get3A_621, %get3A_622] {strides = array<i32>} : memref<40x256xf32, #tpu.memory_space<vmem>>, vector<16xf32>,
        %mul3A_624 = arith.mulf %get3A_620, %get3A_623 : vector<16xf32>
        %get3A_625 = arith.index_cast %scan3A_525 : i32 to index
        %get3A_626 = arith.constant 80 : index
        %get3A_627 = tpu.vector_load %arg13[%get3A_625, %get3A_626] {strides = array<i32>} : memref<40x128xf32, #tpu.memory_space<vmem>>, vector<16xf32>,
        %get3A_628 = arith.index_cast %scan3A_525 : i32 to index
        %get3A_629 = arith.constant 80 : index
        %get3A_630 = tpu.vector_load %arg15[%get3A_628, %get3A_629] {strides = array<i32>} : memref<40x256xf32, #tpu.memory_space<vmem>>, vector<16xf32>,
        %mul3A_631 = arith.mulf %get3A_627, %get3A_630 : vector<16xf32>
        %add3A_632 = arith.addf %mul3A_624, %mul3A_631 : vector<16xf32>
        %reduce_sum3A_633 = arith.constant true
        %reduce_sum3A_634 = vector.broadcast %reduce_sum3A_633 : i1 to vector<16xi1>
        %reduce_sum3A_635 = tpu.scan <sum>, %add3A_632 masked %reduce_sum3A_634 : vector<16xf32>, vector<16xi1> -> vector<16xf32>
        %reduce_sum3A_636 = vector.extract %reduce_sum3A_635[15] : f32 from vector<16xf32>
        %mul3A_637 = arith.constant 0.176776692 : f32
        %mul3A_638 = arith.mulf %reduce_sum3A_636, %mul3A_637 : f32
        %jit3A_639 = arith.constant -1.000000e+01 : f32
        %jit3A_640 = arith.constant 1.000000e+01 : f32
        %max3A_641 = arith.maximumf %jit3A_639, %mul3A_638 : f32
        %min3A_642 = arith.minimumf %jit3A_640, %max3A_641 : f32
        %broadcast_in_dim3A_643 = vector.broadcast %min3A_642 : f32 to vector<16xf32>
        %exp3A_644 = math.exp %broadcast_in_dim3A_643 : vector<16xf32>
        %get3A_645 = arith.index_cast %scan3A_525 : i32 to index
        %get3A_646 = arith.constant 192 : index
        %get3A_647 = tpu.vector_load %arg15[%get3A_645, %get3A_646] {strides = array<i32>} : memref<40x256xf32, #tpu.memory_space<vmem>>, vector<16xf32>,
        %mul3A_648 = arith.mulf %get3A_647, %exp3A_644 : vector<16xf32>
        %swap3A_649 = arith.index_cast %scan3A_525 : i32 to index
        %swap3A_650 = arith.constant 64 : index
        %swap3A_651 = tpu.vector_load %arg16[%swap3A_649, %swap3A_650] {strides = array<i32>} : memref<40x144xf32, #tpu.memory_space<vmem>>, vector<16xf32>,
        tpu.vector_store %arg16[%swap3A_649, %swap3A_650], %mul3A_648 {strides = array<i32>} : memref<40x144xf32, #tpu.memory_space<vmem>>, vector<16xf32>,
        %get3A_652 = arith.index_cast %scan3A_525 : i32 to index
        %get3A_653 = arith.constant 208 : index
        %get3A_654 = tpu.vector_load %arg15[%get3A_652, %get3A_653] {strides = array<i32>} : memref<40x256xf32, #tpu.memory_space<vmem>>, vector<16xf32>,
        %mul3A_655 = arith.mulf %get3A_654, %exp3A_644 : vector<16xf32>
        %swap3A_656 = arith.index_cast %scan3A_525 : i32 to index
        %swap3A_657 = arith.constant 80 : index
        %swap3A_658 = tpu.vector_load %arg16[%swap3A_656, %swap3A_657] {strides = array<i32>} : memref<40x144xf32, #tpu.memory_space<vmem>>, vector<16xf32>,
        tpu.vector_store %arg16[%swap3A_656, %swap3A_657], %mul3A_655 {strides = array<i32>} : memref<40x144xf32, #tpu.memory_space<vmem>>, vector<16xf32>,
        %eq3A_659 = arith.constant 2 : i32
        %eq3A_660 = vector.broadcast %eq3A_659 : i32 to vector<16xi32>
        %eq3A_661 = arith.cmpi eq, %iota3A, %eq3A_660 : vector<16xi32>
        %select_n3A_662 = arith.select %eq3A_661, %exp3A_644, %select_n3A_617 : vector<16xi1>, vector<16xf32>
        %get3A_663 = arith.index_cast %scan3A_525 : i32 to index
        %get3A_664 = arith.constant 96 : index
        %get3A_665 = tpu.vector_load %arg13[%get3A_663, %get3A_664] {strides = array<i32>} : memref<40x128xf32, #tpu.memory_space<vmem>>, vector<16xf32>,
        %get3A_666 = arith.index_cast %scan3A_525 : i32 to index
        %get3A_667 = arith.constant 96 : index
        %get3A_668 = tpu.vector_load %arg15[%get3A_666, %get3A_667] {strides = array<i32>} : memref<40x256xf32, #tpu.memory_space<vmem>>, vector<16xf32>,
        %mul3A_669 = arith.mulf %get3A_665, %get3A_668 : vector<16xf32>
        %get3A_670 = arith.index_cast %scan3A_525 : i32 to index
        %get3A_671 = arith.constant 112 : index
        %get3A_672 = tpu.vector_load %arg13[%get3A_670, %get3A_671] {strides = array<i32>} : memref<40x128xf32, #tpu.memory_space<vmem>>, vector<16xf32>,
        %get3A_673 = arith.index_cast %scan3A_525 : i32 to index
        %get3A_674 = arith.constant 112 : index
        %get3A_675 = tpu.vector_load %arg15[%get3A_673, %get3A_674] {strides = array<i32>} : memref<40x256xf32, #tpu.memory_space<vmem>>, vector<16xf32>,
        %mul3A_676 = arith.mulf %get3A_672, %get3A_675 : vector<16xf32>
        %add3A_677 = arith.addf %mul3A_669, %mul3A_676 : vector<16xf32>
        %reduce_sum3A_678 = arith.constant true
        %reduce_sum3A_679 = vector.broadcast %reduce_sum3A_678 : i1 to vector<16xi1>
        %reduce_sum3A_680 = tpu.scan <sum>, %add3A_677 masked %reduce_sum3A_679 : vector<16xf32>, vector<16xi1> -> vector<16xf32>
        %reduce_sum3A_681 = vector.extract %reduce_sum3A_680[15] : f32 from vector<16xf32>
        %mul3A_682 = arith.constant 0.176776692 : f32
        %mul3A_683 = arith.mulf %reduce_sum3A_681, %mul3A_682 : f32
        %jit3A_684 = arith.constant -1.000000e+01 : f32
        %jit3A_685 = arith.constant 1.000000e+01 : f32
        %max3A_686 = arith.maximumf %jit3A_684, %mul3A_683 : f32
        %min3A_687 = arith.minimumf %jit3A_685, %max3A_686 : f32
        %broadcast_in_dim3A_688 = vector.broadcast %min3A_687 : f32 to vector<16xf32>
        %exp3A_689 = math.exp %broadcast_in_dim3A_688 : vector<16xf32>
        %get3A_690 = arith.index_cast %scan3A_525 : i32 to index
        %get3A_691 = arith.constant 224 : index
        %get3A_692 = tpu.vector_load %arg15[%get3A_690, %get3A_691] {strides = array<i32>} : memref<40x256xf32, #tpu.memory_space<vmem>>, vector<16xf32>,
        %mul3A_693 = arith.mulf %get3A_692, %exp3A_689 : vector<16xf32>
        %swap3A_694 = arith.index_cast %scan3A_525 : i32 to index
        %swap3A_695 = arith.constant 96 : index
        %swap3A_696 = tpu.vector_load %arg16[%swap3A_694, %swap3A_695] {strides = array<i32>} : memref<40x144xf32, #tpu.memory_space<vmem>>, vector<16xf32>,
        tpu.vector_store %arg16[%swap3A_694, %swap3A_695], %mul3A_693 {strides = array<i32>} : memref<40x144xf32, #tpu.memory_space<vmem>>, vector<16xf32>,
        %get3A_697 = arith.index_cast %scan3A_525 : i32 to index
        %get3A_698 = arith.constant 240 : index
        %get3A_699 = tpu.vector_load %arg15[%get3A_697, %get3A_698] {strides = array<i32>} : memref<40x256xf32, #tpu.memory_space<vmem>>, vector<16xf32>,
        %mul3A_700 = arith.mulf %get3A_699, %exp3A_689 : vector<16xf32>
        %swap3A_701 = arith.index_cast %scan3A_525 : i32 to index
        %swap3A_702 = arith.constant 112 : index
        %swap3A_703 = tpu.vector_load %arg16[%swap3A_701, %swap3A_702] {strides = array<i32>} : memref<40x144xf32, #tpu.memory_space<vmem>>, vector<16xf32>,
        tpu.vector_store %arg16[%swap3A_701, %swap3A_702], %mul3A_700 {strides = array<i32>} : memref<40x144xf32, #tpu.memory_space<vmem>>, vector<16xf32>,
        %eq3A_704 = arith.constant 3 : i32
        %eq3A_705 = vector.broadcast %eq3A_704 : i32 to vector<16xi32>
        %eq3A_706 = arith.cmpi eq, %iota3A, %eq3A_705 : vector<16xi32>
        %select_n3A_707 = arith.select %eq3A_706, %exp3A_689, %select_n3A_662 : vector<16xi1>, vector<16xf32>
        %swap3A_708 = arith.index_cast %scan3A_525 : i32 to index
        %swap3A_709 = arith.constant 128 : index
        %swap3A_710 = tpu.vector_load %arg16[%swap3A_708, %swap3A_709] {strides = array<i32>} : memref<40x144xf32, #tpu.memory_space<vmem>>, vector<16xf32>,
        tpu.vector_store %arg16[%swap3A_708, %swap3A_709], %select_n3A_707 {strides = array<i32>} : memref<40x144xf32, #tpu.memory_space<vmem>>, vector<16xf32>,
        %scan3A_711 = arith.constant 3 : i32
        %scan3A_712 = arith.addi %scan3A_161, %scan3A_711 : i32
        %broadcast_in_dim3A_713 = arith.constant 0.000000e+00 : f32
        %broadcast_in_dim3A_714 = vector.broadcast %broadcast_in_dim3A_713 : f32 to vector<16xf32>
        %get3A_715 = arith.index_cast %scan3A_712 : i32 to index
        %get3A_716 = arith.constant 0 : index
        %get3A_717 = tpu.vector_load %arg13[%get3A_715, %get3A_716] {strides = array<i32>} : memref<40x128xf32, #tpu.memory_space<vmem>>, vector<16xf32>,
        %get3A_718 = arith.index_cast %scan3A_712 : i32 to index
        %get3A_719 = arith.constant 0 : index
        %get3A_720 = tpu.vector_load %arg15[%get3A_718, %get3A_719] {strides = array<i32>} : memref<40x256xf32, #tpu.memory_space<vmem>>, vector<16xf32>,
        %mul3A_721 = arith.mulf %get3A_717, %get3A_720 : vector<16xf32>
        %get3A_722 = arith.index_cast %scan3A_712 : i32 to index
        %get3A_723 = arith.constant 16 : index
        %get3A_724 = tpu.vector_load %arg13[%get3A_722, %get3A_723] {strides = array<i32>} : memref<40x128xf32, #tpu.memory_space<vmem>>, vector<16xf32>,
        %get3A_725 = arith.index_cast %scan3A_712 : i32 to index
        %get3A_726 = arith.constant 16 : index
        %get3A_727 = tpu.vector_load %arg15[%get3A_725, %get3A_726] {strides = array<i32>} : memref<40x256xf32, #tpu.memory_space<vmem>>, vector<16xf32>,
        %mul3A_728 = arith.mulf %get3A_724, %get3A_727 : vector<16xf32>
        %add3A_729 = arith.addf %mul3A_721, %mul3A_728 : vector<16xf32>
        %reduce_sum3A_730 = arith.constant true
        %reduce_sum3A_731 = vector.broadcast %reduce_sum3A_730 : i1 to vector<16xi1>
        %reduce_sum3A_732 = tpu.scan <sum>, %add3A_729 masked %reduce_sum3A_731 : vector<16xf32>, vector<16xi1> -> vector<16xf32>
        %reduce_sum3A_733 = vector.extract %reduce_sum3A_732[15] : f32 from vector<16xf32>
        %mul3A_734 = arith.constant 0.176776692 : f32
        %mul3A_735 = arith.mulf %reduce_sum3A_733, %mul3A_734 : f32
        %jit3A_736 = arith.constant -1.000000e+01 : f32
        %jit3A_737 = arith.constant 1.000000e+01 : f32
        %max3A_738 = arith.maximumf %jit3A_736, %mul3A_735 : f32
        %min3A_739 = arith.minimumf %jit3A_737, %max3A_738 : f32
        %broadcast_in_dim3A_740 = vector.broadcast %min3A_739 : f32 to vector<16xf32>
        %exp3A_741 = math.exp %broadcast_in_dim3A_740 : vector<16xf32>
        %get3A_742 = arith.index_cast %scan3A_712 : i32 to index
        %get3A_743 = arith.constant 128 : index
        %get3A_744 = tpu.vector_load %arg15[%get3A_742, %get3A_743] {strides = array<i32>} : memref<40x256xf32, #tpu.memory_space<vmem>>, vector<16xf32>,
        %mul3A_745 = arith.mulf %get3A_744, %exp3A_741 : vector<16xf32>
        %swap3A_746 = arith.index_cast %scan3A_712 : i32 to index
        %swap3A_747 = arith.constant 0 : index
        %swap3A_748 = tpu.vector_load %arg16[%swap3A_746, %swap3A_747] {strides = array<i32>} : memref<40x144xf32, #tpu.memory_space<vmem>>, vector<16xf32>,
        tpu.vector_store %arg16[%swap3A_746, %swap3A_747], %mul3A_745 {strides = array<i32>} : memref<40x144xf32, #tpu.memory_space<vmem>>, vector<16xf32>,
        %get3A_749 = arith.index_cast %scan3A_712 : i32 to index
        %get3A_750 = arith.constant 144 : index
        %get3A_751 = tpu.vector_load %arg15[%get3A_749, %get3A_750] {strides = array<i32>} : memref<40x256xf32, #tpu.memory_space<vmem>>, vector<16xf32>,
        %mul3A_752 = arith.mulf %get3A_751, %exp3A_741 : vector<16xf32>
        %swap3A_753 = arith.index_cast %scan3A_712 : i32 to index
        %swap3A_754 = arith.constant 16 : index
        %swap3A_755 = tpu.vector_load %arg16[%swap3A_753, %swap3A_754] {strides = array<i32>} : memref<40x144xf32, #tpu.memory_space<vmem>>, vector<16xf32>,
        tpu.vector_store %arg16[%swap3A_753, %swap3A_754], %mul3A_752 {strides = array<i32>} : memref<40x144xf32, #tpu.memory_space<vmem>>, vector<16xf32>,
        %eq3A_756 = arith.constant 0 : i32
        %eq3A_757 = vector.broadcast %eq3A_756 : i32 to vector<16xi32>
        %eq3A_758 = arith.cmpi eq, %iota3A, %eq3A_757 : vector<16xi32>
        %select_n3A_759 = arith.select %eq3A_758, %exp3A_741, %broadcast_in_dim3A_714 : vector<16xi1>, vector<16xf32>
        %get3A_760 = arith.index_cast %scan3A_712 : i32 to index
        %get3A_761 = arith.constant 32 : index
        %get3A_762 = tpu.vector_load %arg13[%get3A_760, %get3A_761] {strides = array<i32>} : memref<40x128xf32, #tpu.memory_space<vmem>>, vector<16xf32>,
        %get3A_763 = arith.index_cast %scan3A_712 : i32 to index
        %get3A_764 = arith.constant 32 : index
        %get3A_765 = tpu.vector_load %arg15[%get3A_763, %get3A_764] {strides = array<i32>} : memref<40x256xf32, #tpu.memory_space<vmem>>, vector<16xf32>,
        %mul3A_766 = arith.mulf %get3A_762, %get3A_765 : vector<16xf32>
        %get3A_767 = arith.index_cast %scan3A_712 : i32 to index
        %get3A_768 = arith.constant 48 : index
        %get3A_769 = tpu.vector_load %arg13[%get3A_767, %get3A_768] {strides = array<i32>} : memref<40x128xf32, #tpu.memory_space<vmem>>, vector<16xf32>,
        %get3A_770 = arith.index_cast %scan3A_712 : i32 to index
        %get3A_771 = arith.constant 48 : index
        %get3A_772 = tpu.vector_load %arg15[%get3A_770, %get3A_771] {strides = array<i32>} : memref<40x256xf32, #tpu.memory_space<vmem>>, vector<16xf32>,
        %mul3A_773 = arith.mulf %get3A_769, %get3A_772 : vector<16xf32>
        %add3A_774 = arith.addf %mul3A_766, %mul3A_773 : vector<16xf32>
        %reduce_sum3A_775 = arith.constant true
        %reduce_sum3A_776 = vector.broadcast %reduce_sum3A_775 : i1 to vector<16xi1>
        %reduce_sum3A_777 = tpu.scan <sum>, %add3A_774 masked %reduce_sum3A_776 : vector<16xf32>, vector<16xi1> -> vector<16xf32>
        %reduce_sum3A_778 = vector.extract %reduce_sum3A_777[15] : f32 from vector<16xf32>
        %mul3A_779 = arith.constant 0.176776692 : f32
        %mul3A_780 = arith.mulf %reduce_sum3A_778, %mul3A_779 : f32
        %jit3A_781 = arith.constant -1.000000e+01 : f32
        %jit3A_782 = arith.constant 1.000000e+01 : f32
        %max3A_783 = arith.maximumf %jit3A_781, %mul3A_780 : f32
        %min3A_784 = arith.minimumf %jit3A_782, %max3A_783 : f32
        %broadcast_in_dim3A_785 = vector.broadcast %min3A_784 : f32 to vector<16xf32>
        %exp3A_786 = math.exp %broadcast_in_dim3A_785 : vector<16xf32>
        %get3A_787 = arith.index_cast %scan3A_712 : i32 to index
        %get3A_788 = arith.constant 160 : index
        %get3A_789 = tpu.vector_load %arg15[%get3A_787, %get3A_788] {strides = array<i32>} : memref<40x256xf32, #tpu.memory_space<vmem>>, vector<16xf32>,
        %mul3A_790 = arith.mulf %get3A_789, %exp3A_786 : vector<16xf32>
        %swap3A_791 = arith.index_cast %scan3A_712 : i32 to index
        %swap3A_792 = arith.constant 32 : index
        %swap3A_793 = tpu.vector_load %arg16[%swap3A_791, %swap3A_792] {strides = array<i32>} : memref<40x144xf32, #tpu.memory_space<vmem>>, vector<16xf32>,
        tpu.vector_store %arg16[%swap3A_791, %swap3A_792], %mul3A_790 {strides = array<i32>} : memref<40x144xf32, #tpu.memory_space<vmem>>, vector<16xf32>,
        %get3A_794 = arith.index_cast %scan3A_712 : i32 to index
        %get3A_795 = arith.constant 176 : index
        %get3A_796 = tpu.vector_load %arg15[%get3A_794, %get3A_795] {strides = array<i32>} : memref<40x256xf32, #tpu.memory_space<vmem>>, vector<16xf32>,
        %mul3A_797 = arith.mulf %get3A_796, %exp3A_786 : vector<16xf32>
        %swap3A_798 = arith.index_cast %scan3A_712 : i32 to index
        %swap3A_799 = arith.constant 48 : index
        %swap3A_800 = tpu.vector_load %arg16[%swap3A_798, %swap3A_799] {strides = array<i32>} : memref<40x144xf32, #tpu.memory_space<vmem>>, vector<16xf32>,
        tpu.vector_store %arg16[%swap3A_798, %swap3A_799], %mul3A_797 {strides = array<i32>} : memref<40x144xf32, #tpu.memory_space<vmem>>, vector<16xf32>,
        %eq3A_801 = arith.constant 1 : i32
        %eq3A_802 = vector.broadcast %eq3A_801 : i32 to vector<16xi32>
        %eq3A_803 = arith.cmpi eq, %iota3A, %eq3A_802 : vector<16xi32>
        %select_n3A_804 = arith.select %eq3A_803, %exp3A_786, %select_n3A_759 : vector<16xi1>, vector<16xf32>
        %get3A_805 = arith.index_cast %scan3A_712 : i32 to index
        %get3A_806 = arith.constant 64 : index
        %get3A_807 = tpu.vector_load %arg13[%get3A_805, %get3A_806] {strides = array<i32>} : memref<40x128xf32, #tpu.memory_space<vmem>>, vector<16xf32>,
        %get3A_808 = arith.index_cast %scan3A_712 : i32 to index
        %get3A_809 = arith.constant 64 : index
        %get3A_810 = tpu.vector_load %arg15[%get3A_808, %get3A_809] {strides = array<i32>} : memref<40x256xf32, #tpu.memory_space<vmem>>, vector<16xf32>,
        %mul3A_811 = arith.mulf %get3A_807, %get3A_810 : vector<16xf32>
        %get3A_812 = arith.index_cast %scan3A_712 : i32 to index
        %get3A_813 = arith.constant 80 : index
        %get3A_814 = tpu.vector_load %arg13[%get3A_812, %get3A_813] {strides = array<i32>} : memref<40x128xf32, #tpu.memory_space<vmem>>, vector<16xf32>,
        %get3A_815 = arith.index_cast %scan3A_712 : i32 to index
        %get3A_816 = arith.constant 80 : index
        %get3A_817 = tpu.vector_load %arg15[%get3A_815, %get3A_816] {strides = array<i32>} : memref<40x256xf32, #tpu.memory_space<vmem>>, vector<16xf32>,
        %mul3A_818 = arith.mulf %get3A_814, %get3A_817 : vector<16xf32>
        %add3A_819 = arith.addf %mul3A_811, %mul3A_818 : vector<16xf32>
        %reduce_sum3A_820 = arith.constant true
        %reduce_sum3A_821 = vector.broadcast %reduce_sum3A_820 : i1 to vector<16xi1>
        %reduce_sum3A_822 = tpu.scan <sum>, %add3A_819 masked %reduce_sum3A_821 : vector<16xf32>, vector<16xi1> -> vector<16xf32>
        %reduce_sum3A_823 = vector.extract %reduce_sum3A_822[15] : f32 from vector<16xf32>
        %mul3A_824 = arith.constant 0.176776692 : f32
        %mul3A_825 = arith.mulf %reduce_sum3A_823, %mul3A_824 : f32
        %jit3A_826 = arith.constant -1.000000e+01 : f32
        %jit3A_827 = arith.constant 1.000000e+01 : f32
        %max3A_828 = arith.maximumf %jit3A_826, %mul3A_825 : f32
        %min3A_829 = arith.minimumf %jit3A_827, %max3A_828 : f32
        %broadcast_in_dim3A_830 = vector.broadcast %min3A_829 : f32 to vector<16xf32>
        %exp3A_831 = math.exp %broadcast_in_dim3A_830 : vector<16xf32>
        %get3A_832 = arith.index_cast %scan3A_712 : i32 to index
        %get3A_833 = arith.constant 192 : index
        %get3A_834 = tpu.vector_load %arg15[%get3A_832, %get3A_833] {strides = array<i32>} : memref<40x256xf32, #tpu.memory_space<vmem>>, vector<16xf32>,
        %mul3A_835 = arith.mulf %get3A_834, %exp3A_831 : vector<16xf32>
        %swap3A_836 = arith.index_cast %scan3A_712 : i32 to index
        %swap3A_837 = arith.constant 64 : index
        %swap3A_838 = tpu.vector_load %arg16[%swap3A_836, %swap3A_837] {strides = array<i32>} : memref<40x144xf32, #tpu.memory_space<vmem>>, vector<16xf32>,
        tpu.vector_store %arg16[%swap3A_836, %swap3A_837], %mul3A_835 {strides = array<i32>} : memref<40x144xf32, #tpu.memory_space<vmem>>, vector<16xf32>,
        %get3A_839 = arith.index_cast %scan3A_712 : i32 to index
        %get3A_840 = arith.constant 208 : index
        %get3A_841 = tpu.vector_load %arg15[%get3A_839, %get3A_840] {strides = array<i32>} : memref<40x256xf32, #tpu.memory_space<vmem>>, vector<16xf32>,
        %mul3A_842 = arith.mulf %get3A_841, %exp3A_831 : vector<16xf32>
        %swap3A_843 = arith.index_cast %scan3A_712 : i32 to index
        %swap3A_844 = arith.constant 80 : index
        %swap3A_845 = tpu.vector_load %arg16[%swap3A_843, %swap3A_844] {strides = array<i32>} : memref<40x144xf32, #tpu.memory_space<vmem>>, vector<16xf32>,
        tpu.vector_store %arg16[%swap3A_843, %swap3A_844], %mul3A_842 {strides = array<i32>} : memref<40x144xf32, #tpu.memory_space<vmem>>, vector<16xf32>,
        %eq3A_846 = arith.constant 2 : i32
        %eq3A_847 = vector.broadcast %eq3A_846 : i32 to vector<16xi32>
        %eq3A_848 = arith.cmpi eq, %iota3A, %eq3A_847 : vector<16xi32>
        %select_n3A_849 = arith.select %eq3A_848, %exp3A_831, %select_n3A_804 : vector<16xi1>, vector<16xf32>
        %get3A_850 = arith.index_cast %scan3A_712 : i32 to index
        %get3A_851 = arith.constant 96 : index
        %get3A_852 = tpu.vector_load %arg13[%get3A_850, %get3A_851] {strides = array<i32>} : memref<40x128xf32, #tpu.memory_space<vmem>>, vector<16xf32>,
        %get3A_853 = arith.index_cast %scan3A_712 : i32 to index
        %get3A_854 = arith.constant 96 : index
        %get3A_855 = tpu.vector_load %arg15[%get3A_853, %get3A_854] {strides = array<i32>} : memref<40x256xf32, #tpu.memory_space<vmem>>, vector<16xf32>,
        %mul3A_856 = arith.mulf %get3A_852, %get3A_855 : vector<16xf32>
        %get3A_857 = arith.index_cast %scan3A_712 : i32 to index
        %get3A_858 = arith.constant 112 : index
        %get3A_859 = tpu.vector_load %arg13[%get3A_857, %get3A_858] {strides = array<i32>} : memref<40x128xf32, #tpu.memory_space<vmem>>, vector<16xf32>,
        %get3A_860 = arith.index_cast %scan3A_712 : i32 to index
        %get3A_861 = arith.constant 112 : index
        %get3A_862 = tpu.vector_load %arg15[%get3A_860, %get3A_861] {strides = array<i32>} : memref<40x256xf32, #tpu.memory_space<vmem>>, vector<16xf32>,
        %mul3A_863 = arith.mulf %get3A_859, %get3A_862 : vector<16xf32>
        %add3A_864 = arith.addf %mul3A_856, %mul3A_863 : vector<16xf32>
        %reduce_sum3A_865 = arith.constant true
        %reduce_sum3A_866 = vector.broadcast %reduce_sum3A_865 : i1 to vector<16xi1>
        %reduce_sum3A_867 = tpu.scan <sum>, %add3A_864 masked %reduce_sum3A_866 : vector<16xf32>, vector<16xi1> -> vector<16xf32>
        %reduce_sum3A_868 = vector.extract %reduce_sum3A_867[15] : f32 from vector<16xf32>
        %mul3A_869 = arith.constant 0.176776692 : f32
        %mul3A_870 = arith.mulf %reduce_sum3A_868, %mul3A_869 : f32
        %jit3A_871 = arith.constant -1.000000e+01 : f32
        %jit3A_872 = arith.constant 1.000000e+01 : f32
        %max3A_873 = arith.maximumf %jit3A_871, %mul3A_870 : f32
        %min3A_874 = arith.minimumf %jit3A_872, %max3A_873 : f32
        %broadcast_in_dim3A_875 = vector.broadcast %min3A_874 : f32 to vector<16xf32>
        %exp3A_876 = math.exp %broadcast_in_dim3A_875 : vector<16xf32>
        %get3A_877 = arith.index_cast %scan3A_712 : i32 to index
        %get3A_878 = arith.constant 224 : index
        %get3A_879 = tpu.vector_load %arg15[%get3A_877, %get3A_878] {strides = array<i32>} : memref<40x256xf32, #tpu.memory_space<vmem>>, vector<16xf32>,
        %mul3A_880 = arith.mulf %get3A_879, %exp3A_876 : vector<16xf32>
        %swap3A_881 = arith.index_cast %scan3A_712 : i32 to index
        %swap3A_882 = arith.constant 96 : index
        %swap3A_883 = tpu.vector_load %arg16[%swap3A_881, %swap3A_882] {strides = array<i32>} : memref<40x144xf32, #tpu.memory_space<vmem>>, vector<16xf32>,
        tpu.vector_store %arg16[%swap3A_881, %swap3A_882], %mul3A_880 {strides = array<i32>} : memref<40x144xf32, #tpu.memory_space<vmem>>, vector<16xf32>,
        %get3A_884 = arith.index_cast %scan3A_712 : i32 to index
        %get3A_885 = arith.constant 240 : index
        %get3A_886 = tpu.vector_load %arg15[%get3A_884, %get3A_885] {strides = array<i32>} : memref<40x256xf32, #tpu.memory_space<vmem>>, vector<16xf32>,
        %mul3A_887 = arith.mulf %get3A_886, %exp3A_876 : vector<16xf32>
        %swap3A_888 = arith.index_cast %scan3A_712 : i32 to index
        %swap3A_889 = arith.constant 112 : index
        %swap3A_890 = tpu.vector_load %arg16[%swap3A_888, %swap3A_889] {strides = array<i32>} : memref<40x144xf32, #tpu.memory_space<vmem>>, vector<16xf32>,
        tpu.vector_store %arg16[%swap3A_888, %swap3A_889], %mul3A_887 {strides = array<i32>} : memref<40x144xf32, #tpu.memory_space<vmem>>, vector<16xf32>,
        %eq3A_891 = arith.constant 3 : i32
        %eq3A_892 = vector.broadcast %eq3A_891 : i32 to vector<16xi32>
        %eq3A_893 = arith.cmpi eq, %iota3A, %eq3A_892 : vector<16xi32>
        %select_n3A_894 = arith.select %eq3A_893, %exp3A_876, %select_n3A_849 : vector<16xi1>, vector<16xf32>
        %swap3A_895 = arith.index_cast %scan3A_712 : i32 to index
        %swap3A_896 = arith.constant 128 : index
        %swap3A_897 = tpu.vector_load %arg16[%swap3A_895, %swap3A_896] {strides = array<i32>} : memref<40x144xf32, #tpu.memory_space<vmem>>, vector<16xf32>,
        tpu.vector_store %arg16[%swap3A_895, %swap3A_896], %select_n3A_894 {strides = array<i32>} : memref<40x144xf32, #tpu.memory_space<vmem>>, vector<16xf32>,
      }
      %scan3A_160 = arith.constant 40 : i32
      "tpu.region"() ({
        %run_scoped3A = tpu.sem_alloc : memref<!tpu.dma_semaphore, #tpu.memory_space<semaphore_mem>>
        %dma_start3A_161 = arith.constant 0 : i32
        %dma_start3A_162 = arith.constant 0 : i32
        %dma_start3A_163 = tpu.memref_slice %arg7[%dma_start3A_161, %dma_start3A_162] : memref<10000x144xf32, #tpu.memory_space<vmem_shared>> -> memref<10000x144xf32, #tpu.memory_space<vmem_shared>>
        tpu.enqueue_indirect_dma source(%arg16 : memref<40x144xf32, #tpu.memory_space<vmem>>) target(%dma_start3A_163 : memref<10000x144xf32, #tpu.memory_space<vmem_shared>>) offsets(%arg10 : memref<40xi32, #tpu.memory_space<vmem>>) semaphore(%run_scoped3A : memref<!tpu.dma_semaphore, #tpu.memory_space<semaphore_mem>>) {add = true}
        %dma_wait3A_164 = arith.constant 0 : i32
        %dma_wait3A_165 = arith.constant 0 : i32
        %dma_wait3A_166 = tpu.memref_slice %arg7[%dma_wait3A_164, %dma_wait3A_165] : memref<10000x144xf32, #tpu.memory_space<vmem_shared>> -> memref<10000x144xf32, #tpu.memory_space<vmem_shared>>
        tpu.wait_indirect_dma semaphore(%run_scoped3A : memref<!tpu.dma_semaphore, #tpu.memory_space<semaphore_mem>>) src(%arg16 : memref<40x144xf32, #tpu.memory_space<vmem>>) dst(%dma_wait3A_166 : memref<10000x144xf32, #tpu.memory_space<vmem_shared>>)
        tpu.yield
      }) : () -> ()
    }
    %scan3A_118 = arith.constant 125 : i32
    %barrier3A_119 = arith.constant 0 : index
    tpu.barrier barrier_id(%barrier3A_119)
    %mul3A_120 = arith.constant 625 : i32
    %mul3A_121 = arith.muli %arg1, %mul3A_120 : i32
    "tpu.region"() ({
      %run_scoped3A = tpu.sem_alloc : memref<!tpu.dma_semaphore, #tpu.memory_space<semaphore_mem>>
      %dma_start3A_122 = arith.constant 0 : i32
      %dma_start3A_123 = tpu.memref_slice %arg6[%arg0, %mul3A_121, %dma_start3A_122] : memref<2x10000x144xf32, #tpu.memory_space<hbm>> -> memref<1x625x144xf32, #tpu.memory_space<hbm>>
      %dma_start3A_124 = tpu.memref_squeeze %dma_start3A_123 : memref<1x625x144xf32, #tpu.memory_space<hbm>> -> memref<625x144xf32, #tpu.memory_space<hbm>>
      %dma_start3A_125 = arith.constant 0 : i32
      %dma_start3A_126 = tpu.memref_slice %arg7[%mul3A_121, %dma_start3A_125] : memref<10000x144xf32, #tpu.memory_space<vmem_shared>> -> memref<625x144xf32, #tpu.memory_space<vmem_shared>>
      tpu.enqueue_dma source(%dma_start3A_126 : memref<625x144xf32, #tpu.memory_space<vmem_shared>>) target(%dma_start3A_124 : memref<625x144xf32, #tpu.memory_space<hbm>>) target_semaphore(%run_scoped3A : memref<!tpu.dma_semaphore, #tpu.memory_space<semaphore_mem>>)
      %dma_wait3A = arith.constant 0 : i32
      %dma_wait3A_127 = tpu.memref_slice %arg6[%arg0, %mul3A_121, %dma_wait3A] : memref<2x10000x144xf32, #tpu.memory_space<hbm>> -> memref<1x625x144xf32, #tpu.memory_space<hbm>>
      %dma_wait3A_128 = tpu.memref_squeeze %dma_wait3A_127 : memref<1x625x144xf32, #tpu.memory_space<hbm>> -> memref<625x144xf32, #tpu.memory_space<hbm>>
      %dma_wait3A_129 = arith.constant 0 : i32
      %dma_wait3A_130 = tpu.memref_slice %arg7[%mul3A_121, %dma_wait3A_129] : memref<10000x144xf32, #tpu.memory_space<vmem_shared>> -> memref<625x144xf32, #tpu.memory_space<vmem_shared>>
      tpu.wait_dma2 semaphore(%run_scoped3A : memref<!tpu.dma_semaphore, #tpu.memory_space<semaphore_mem>>) src(%dma_wait3A_130 : memref<625x144xf32, #tpu.memory_space<vmem_shared>>) dst(%dma_wait3A_128 : memref<625x144xf32, #tpu.memory_space<hbm>>)
      tpu.yield
    }) : () -> ()
    return
  }
}

module attributes {stable_mosaic.version = 14 : i64} {
  func.func @_qkv_body(%arg0: i32, %arg1: memref<2000x128xf32, #tpu.memory_space<vmem>>, %arg2: memref<384x128xf32, #tpu.memory_space<vmem>>, %arg3: memref<2000x128xf32, #tpu.memory_space<vmem>>, %arg4: memref<2000x256xf32, #tpu.memory_space<vmem>>) attributes {dimension_semantics = [#tpu.dimension_semantics<arbitrary>], iteration_bounds = array<i64: 5>, scalar_prefetch = 0 : i64, scratch_operands = 0 : i64, tpu.core_type = #tpu.core_type<tc>, window_params = [{transform_indices = @transform_0, window_bounds = array<i64: 2000, 128>}, {pipeline_mode = #tpu.pipeline_mode<synchronous>, transform_indices = @transform_1, window_bounds = array<i64: 384, 128>}, {transform_indices = @transform_2, window_bounds = array<i64: 2000, 128>}, {transform_indices = @transform_3, window_bounds = array<i64: 2000, 256>}]} {
    %get3A = arith.constant 0 : index
    %get3A_0 = arith.constant 0 : index
    %get3A_1 = vector.load %arg1[%get3A, %get3A_0] : memref<2000x128xf32, #tpu.memory_space<vmem>>, vector<2000x128xf32>
    %get3A_2 = arith.constant 0 : index
    %get3A_3 = arith.constant 0 : index
    %get3A_4 = vector.load %arg2[%get3A_2, %get3A_3] : memref<384x128xf32, #tpu.memory_space<vmem>>, vector<384x128xf32>
    %dot_general3A = arith.constant dense<0.000000e+00> : vector<2000x384xf32>
    %dot_general3A_5 = tpu.matmul %get3A_1, %get3A_4, %dot_general3A {dimension_numbers = #tpu.dot_dimension_numbers<[1], [1], [0], [0], [0, 0, 1, 0], [], []>, transpose_lhs_hint = false} : vector<2000x128xf32>, vector<384x128xf32>, vector<2000x384xf32> -> vector<2000x384xf32>
    %slice3A = vector.extract_strided_slice %dot_general3A_5 {offsets = [0, 0], sizes = [2000, 128], strides = [1, 1]} : vector<2000x384xf32> to vector<2000x128xf32>
    %swap3A = arith.constant 0 : index
    %swap3A_6 = arith.constant 0 : index
    %swap3A_7 = vector.load %arg3[%swap3A, %swap3A_6] : memref<2000x128xf32, #tpu.memory_space<vmem>>, vector<2000x128xf32>
    tpu.vector_store %arg3[%swap3A, %swap3A_6], %slice3A {strides = array<i32>} : memref<2000x128xf32, #tpu.memory_space<vmem>>, vector<2000x128xf32>,
    %slice3A_8 = vector.extract_strided_slice %dot_general3A_5 {offsets = [0, 128], sizes = [2000, 256], strides = [1, 1]} : vector<2000x384xf32> to vector<2000x256xf32>
    %swap3A_9 = arith.constant 0 : index
    %swap3A_10 = arith.constant 0 : index
    %swap3A_11 = vector.load %arg4[%swap3A_9, %swap3A_10] : memref<2000x256xf32, #tpu.memory_space<vmem>>, vector<2000x256xf32>
    tpu.vector_store %arg4[%swap3A_9, %swap3A_10], %slice3A_8 {strides = array<i32>} : memref<2000x256xf32, #tpu.memory_space<vmem>>, vector<2000x256xf32>,
    return
  }
  func.func @transform_0(%arg0: i32) -> (i32, i32) {
    %c0_i32 = arith.constant 0 : i32
    %c0_i32_0 = arith.constant 0 : i32
    return %arg0, %c0_i32 : i32, i32
  }
  func.func @transform_1(%arg0: i32) -> (i32, i32) {
    %c0_i32 = arith.constant 0 : i32
    %c0_i32_0 = arith.constant 0 : i32
    %c0_i32_1 = arith.constant 0 : i32
    return %c0_i32, %c0_i32_0 : i32, i32
  }
  func.func @transform_2(%arg0: i32) -> (i32, i32) {
    %c0_i32 = arith.constant 0 : i32
    %c0_i32_0 = arith.constant 0 : i32
    return %arg0, %c0_i32 : i32, i32
  }
  func.func @transform_3(%arg0: i32) -> (i32, i32) {
    %c0_i32 = arith.constant 0 : i32
    %c0_i32_0 = arith.constant 0 : i32
    return %arg0, %c0_i32 : i32, i32
  }
}

module attributes {stable_mosaic.version = 14 : i64} {
  func.func @_out_body(%arg0: i32, %arg1: memref<2000x144xf32, #tpu.memory_space<vmem>>, %arg2: memref<2000x144xf32, #tpu.memory_space<vmem>>, %arg3: memref<128x128xf32, #tpu.memory_space<vmem>>, %arg4: memref<2000x128xf32, #tpu.memory_space<vmem>>) attributes {dimension_semantics = [#tpu.dimension_semantics<arbitrary>], iteration_bounds = array<i64: 5>, scalar_prefetch = 0 : i64, scratch_operands = 0 : i64, tpu.core_type = #tpu.core_type<tc>, window_params = [{transform_indices = @transform_0, window_bounds = array<i64: 2000, 144>}, {transform_indices = @transform_1, window_bounds = array<i64: 2000, 144>}, {pipeline_mode = #tpu.pipeline_mode<synchronous>, transform_indices = @transform_2, window_bounds = array<i64: 128, 128>}, {transform_indices = @transform_3, window_bounds = array<i64: 2000, 128>}]} {
    %get3A = arith.constant 0 : index
    %get3A_0 = arith.constant 0 : index
    %get3A_1 = vector.load %arg1[%get3A, %get3A_0] : memref<2000x144xf32, #tpu.memory_space<vmem>>, vector<2000x144xf32>
    %get3A_2 = arith.constant 0 : index
    %get3A_3 = arith.constant 0 : index
    %get3A_4 = vector.load %arg2[%get3A_2, %get3A_3] : memref<2000x144xf32, #tpu.memory_space<vmem>>, vector<2000x144xf32>
    %add3A = arith.addf %get3A_1, %get3A_4 : vector<2000x144xf32>
    %slice3A = vector.extract_strided_slice %add3A {offsets = [0, 128], sizes = [2000, 4], strides = [1, 1]} : vector<2000x144xf32> to vector<2000x4xf32>
    %add3A_5 = arith.constant 9.99999993E-9 : f32
    %add3A_6 = vector.broadcast %add3A_5 : f32 to vector<2000x4xf32>
    %add3A_7 = arith.addf %slice3A, %add3A_6 : vector<2000x4xf32>
    %div3A = arith.constant 1.000000e+00 : f32
    %div3A_8 = vector.broadcast %div3A : f32 to vector<2000x4xf32>
    %div3A_9 = arith.divf %div3A_8, %add3A_7 : vector<2000x4xf32>
    %iota3A = tpu.iota {dimensions = array<i32: 0>} : vector<4x128xi32>
    %iota3A_10 = tpu.iota {dimensions = array<i32: 1>} : vector<4x128xi32>
    %jit3A = arith.constant 32 : i32
    %div3A_11 = vector.broadcast %jit3A : i32 to vector<4x128xi32>
    %div3A_12 = arith.divsi %iota3A_10, %div3A_11 : vector<4x128xi32>
    %sign3A = arith.constant 0 : i32
    %sign3A_13 = vector.broadcast %sign3A : i32 to vector<4x128xi32>
    %sign3A_14 = arith.cmpi sgt, %iota3A_10, %sign3A_13 : vector<4x128xi32>
    %sign3A_15 = arith.extui %sign3A_14 : vector<4x128xi1> to vector<4x128xi32>
    %sign3A_16 = arith.constant 0 : i32
    %sign3A_17 = vector.broadcast %sign3A_16 : i32 to vector<4x128xi32>
    %sign3A_18 = arith.cmpi slt, %iota3A_10, %sign3A_17 : vector<4x128xi32>
    %sign3A_19 = arith.extui %sign3A_18 : vector<4x128xi1> to vector<4x128xi32>
    %sign3A_20 = arith.subi %sign3A_15, %sign3A_19 : vector<4x128xi32>
    %sign3A_21 = arith.constant 0 : i32
    %sign3A_22 = arith.cmpi sgt, %jit3A, %sign3A_21 : i32
    %sign3A_23 = arith.extui %sign3A_22 : i1 to i32
    %sign3A_24 = arith.constant 0 : i32
    %sign3A_25 = arith.cmpi slt, %jit3A, %sign3A_24 : i32
    %sign3A_26 = arith.extui %sign3A_25 : i1 to i32
    %sign3A_27 = arith.subi %sign3A_23, %sign3A_26 : i32
    %ne3A = vector.broadcast %sign3A_27 : i32 to vector<4x128xi32>
    %ne3A_28 = arith.cmpi ne, %sign3A_20, %ne3A : vector<4x128xi32>
    %rem3A = vector.broadcast %jit3A : i32 to vector<4x128xi32>
    %rem3A_29 = arith.remsi %iota3A_10, %rem3A : vector<4x128xi32>
    %ne3A_30 = arith.constant 0 : i32
    %ne3A_31 = vector.broadcast %ne3A_30 : i32 to vector<4x128xi32>
    %ne3A_32 = arith.cmpi ne, %rem3A_29, %ne3A_31 : vector<4x128xi32>
    %and3A = arith.andi %ne3A_28, %ne3A_32 : vector<4x128xi1>
    %sub3A = arith.constant 1 : i32
    %sub3A_33 = vector.broadcast %sub3A : i32 to vector<4x128xi32>
    %sub3A_34 = arith.subi %div3A_12, %sub3A_33 : vector<4x128xi32>
    %select_n3A = arith.select %and3A, %sub3A_34, %div3A_12 : vector<4x128xi1>, vector<4x128xi32>
    %eq3A = arith.cmpi eq, %select_n3A, %iota3A : vector<4x128xi32>
    %convert_element_type3A = arith.extui %eq3A : vector<4x128xi1> to vector<4x128xi32>
    %convert_element_type3A_35 = arith.sitofp %convert_element_type3A : vector<4x128xi32> to vector<4x128xf32>
    %dot_general3A = arith.constant dense<0.000000e+00> : vector<2000x128xf32>
    %dot_general3A_36 = tpu.matmul %div3A_9, %convert_element_type3A_35, %dot_general3A {dimension_numbers = #tpu.dot_dimension_numbers<[1], [0], [0], [1], [0, 0, 1, 1], [], []>, transpose_lhs_hint = false} : vector<2000x4xf32>, vector<4x128xf32>, vector<2000x128xf32> -> vector<2000x128xf32>
    %slice3A_37 = vector.extract_strided_slice %add3A {offsets = [0, 0], sizes = [2000, 128], strides = [1, 1]} : vector<2000x144xf32> to vector<2000x128xf32>
    %mul3A = arith.mulf %slice3A_37, %dot_general3A_36 : vector<2000x128xf32>
    %get3A_38 = arith.constant 0 : index
    %get3A_39 = arith.constant 0 : index
    %get3A_40 = vector.load %arg3[%get3A_38, %get3A_39] : memref<128x128xf32, #tpu.memory_space<vmem>>, vector<128x128xf32>
    %dot_general3A_41 = arith.constant dense<0.000000e+00> : vector<2000x128xf32>
    %dot_general3A_42 = tpu.matmul %mul3A, %get3A_40, %dot_general3A_41 {dimension_numbers = #tpu.dot_dimension_numbers<[1], [1], [0], [0], [0, 0, 1, 0], [], []>, transpose_lhs_hint = false} : vector<2000x128xf32>, vector<128x128xf32>, vector<2000x128xf32> -> vector<2000x128xf32>
    %swap3A = arith.constant 0 : index
    %swap3A_43 = arith.constant 0 : index
    %swap3A_44 = vector.load %arg4[%swap3A, %swap3A_43] : memref<2000x128xf32, #tpu.memory_space<vmem>>, vector<2000x128xf32>
    tpu.vector_store %arg4[%swap3A, %swap3A_43], %dot_general3A_42 {strides = array<i32>} : memref<2000x128xf32, #tpu.memory_space<vmem>>, vector<2000x128xf32>,
    return
  }
  func.func @transform_0(%arg0: i32) -> (i32, i32) {
    %c0_i32 = arith.constant 0 : i32
    %c0_i32_0 = arith.constant 0 : i32
    return %arg0, %c0_i32 : i32, i32
  }
  func.func @transform_1(%arg0: i32) -> (i32, i32) {
    %c0_i32 = arith.constant 0 : i32
    %c0_i32_0 = arith.constant 0 : i32
    return %arg0, %c0_i32 : i32, i32
  }
  func.func @transform_2(%arg0: i32) -> (i32, i32) {
    %c0_i32 = arith.constant 0 : i32
    %c0_i32_0 = arith.constant 0 : i32
    %c0_i32_1 = arith.constant 0 : i32
    return %c0_i32, %c0_i32_0 : i32, i32
  }
  func.func @transform_3(%arg0: i32) -> (i32, i32) {
    %c0_i32 = arith.constant 0 : i32
    %c0_i32_0 = arith.constant 0 : i32
    return %arg0, %c0_i32 : i32, i32
  }
}

</mosaic_0001>

<sc_bundles>
// kernel: kernel.5.cloned.1.call-start
scs
__scs_entry_jumppad:
0x0: {  	(pc) =	sbr.rel $0x88, $3  }
0x1: {  	(tag) =	ssettag $0x0;
	lr =	simm.s32 $0x1  }
0x2: {  	[smem:$0x3F9D] =	sst lr;
	_ =	strace $0xD0000000  }
0x3: {  	_ = 	snop  }
0x4: {  	_ = 	snop  }
0x5: {  	_ = 	snop  }
0x6: {  	_ = 	snop  }
0x7: {  	_ = 	snop  }
__scs_overlays_trampoline_lowered:
0x8: {  	[smem:$0x3FAC] =	sst s0  }
0x9: {  	[smem:$0x3FAD] =	sst s1  }
0xa: {  	[smem:$0x3FAE] =	sst s2  }
0xb: {  	[smem:$0x3FAF] =	sst s3  }
0xc: {  	[smem:$0x3FB0] =	sst s4  }
0xd: {  	[smem:$0x3FB1] =	sst s5  }
0xe: {  	[smem:$0x3FB2] =	sst s6  }
0xf: {  	[smem:$0x3FB3] =	sst s7  }
0x10: {  	[smem:$0x3FB4] =	sst s8  }
0x11: {  	[smem:$0x3FB5] =	sst s9;
	s0 =	simm.s32 @!p0 $0x0  }
0x12: {  	s1 =	sld [smem:$0x3F9B];
	s0 =	simm.s32 @p0 $0x1  }
0x13: {  	[smem:$0x3FB6] =	sst s0;
	s0 =	simm.s32 @!p1 $0x0  }
0x14: {  	s2 =	sld [smem:$0x3F9A];
	s0 =	simm.s32 @p1 $0x1  }
0x15: {  	[smem:$0x3FB7] =	sst s0;
	s0 =	simm.s32 @!p2 $0x0  }
0x16: {  	s3 =	sld [smem:$0x3FDB];
	s0 =	simm.s32 @p2 $0x1  }
0x17: {  	s4 =	simm.s32 $0x1BF5;
	[smem:$0x3FB9] =	sst s0  }
0x18: {  	s0 =	sld [smem:$0x3F9C];
	_ =	swait.ge [sflag:s4], $0x0  }
0x19: {  	s7 =	sld [smem:$0x3F9D]  }
0x1a: {  	s8 =	sadd.s32 $0xFFFFE003, lr  }
0x1b: {  	s9 =	sadd.s32 $0xFFFFFEF7, lr;
	s5 =	simm.s32 $0xFFFFFFFF;
	p2 =	slt.u32 s8, $0xFFFFF086  }
0x1c: {  	p1 =	slt.u32 s9, $0xF7A;
	s5 =	simm.s32 @!p2 $0x0  }
0x1d: {  	s5 =	simm.s32 @p1 $0x1;
	p0 =	seq.s32 s7, s2  }
0x1e: {  	s7 =	smul.u32 @!p0 $0xF7A, s2;
	p2 =	seq.s32 @!p0 s5, $0x0  }
0x1f: {  	s9 =	smul.u32 $0xF7A, s1;
	s8 =	simm.s32 @!p0 $0x1BF5;
	p2 =	por !p2, p0  }
0x20: {  	[sflag:s8] =	ssyncset.s32 @!p0 $0xFFFFF086;
	s6 =	sadd.s32 @!p0 s3, s7;
	s7 =	simm.s32 @!p0 $0x108  }
0x21: {  	s3 =	sadd.s32 s3, s9;
	s6 =	sadd.s32 @!p0 $0x88, s6;
	s7 =	simm.s32 @p2 $0x1082  }
0x22: {  	[simem:s7], [sflag:s8] =	dma.local @!p0 [hbm:s6], $0xF7A  }
0x23: {  	s9 =	sor.u32 $0xD0000000, s2;
	s6 =	simm.s32 $0x108;
	_ =	swait.ge @!p0 [sflag:s8], $0x0  }
0x24: {  	s3 =	sadd.s32 $0x88, s3;
	s6 =	simm.s32 @!p1 $0x1082;
	[sflag:s4] =	ssyncset.s32 $0xFFFFF086  }
0x25: {  	[simem:s6], [sflag:s4] =	dma.local [hbm:s3], $0xF7A  }
0x26: {  	[smem:$0x3F9D] =	sst s1;
	(tag) =	ssettag s2;
	_ =	strace s9  }
0x27: {  	s1 =	sld [smem:$0x3FAD]  }
0x28: {  	s2 =	sld [smem:$0x3FAE]  }
0x29: {  	s4 =	sld [smem:$0x3FB0]  }
0x2a: {  	p0 =	seq.s32 s5, $0x0;
	s5 =	sld [smem:$0x3FB1]  }
0x2b: {  	s6 =	sld [smem:$0x3FB2]  }
0x2c: {  	s7 =	sld [smem:$0x3FB3]  }
0x2d: {  	s3 =	simm.s32 $0x108;
	s8 =	sld [smem:$0x3FB4]  }
0x2e: {  	s3 =	simm.s32 @!p0 $0x1082;
	s9 =	sld [smem:$0x3FB5]  }
0x2f: {  	lr =	sadd.s32 s0, s3;
	s0 =	sld [smem:$0x3FAC]  }
0x30: {  	s3 =	sld [smem:$0x3FAF]  }
0x31: {  	[smem:$0x3FB8] =	sst s10  }
0x32: {  	s10 =	sld [smem:$0x3FB6];
	_ =	sdelay $0x3  }
0x33: {  	p0 =	seq.s32 s10, $0x1;
	s10 =	sld [smem:$0x3FB8];
	_ =	sdelay $0x3  }
0x34: {  	[smem:$0x3FB8] =	sst s10  }
0x35: {  	s10 =	sld [smem:$0x3FB7];
	_ =	sdelay $0x3  }
0x36: {  	p1 =	seq.s32 s10, $0x1;
	s10 =	sld [smem:$0x3FB8];
	_ =	sdelay $0x3  }
0x37: {  	[smem:$0x3FB8] =	sst s10  }
0x38: {  	s10 =	sld [smem:$0x3FB9]  }
0x39: {  	_ = 	snop;
	(pc) =	sbr.ind lr, $3  }
0x3a: {  	_ = 	snop  }
0x3b: {  	_ = 	snop  }
0x3c: {  	p2 =	seq.s32 s10, $0x1;
	s10 =	sld [smem:$0x3FB8]  }
0x3d: {  	_ =	shalt  }
0x3e: {  	_ =	shalt  }
0x3f: {  	_ =	shalt  }
0x40: {  	_ =	shalt  }
0x41: {  	_ =	shalt  }
0x42: {  	_ =	shalt  }
0x43: {  	_ =	shalt  }
0x44: {  	_ =	shalt  }
0x45: {  	_ =	shalt  }
0x46: {  	_ =	shalt  }
0x47: {  	_ =	shalt  }
0x48: {  	_ =	shalt  }
0x49: {  	_ =	shalt  }
0x4a: {  	_ =	shalt  }
0x4b: {  	_ =	shalt  }
0x4c: {  	_ =	shalt  }
0x4d: {  	_ =	shalt  }
0x4e: {  	_ =	shalt  }
0x4f: {  	_ =	shalt  }
0x50: {  	_ =	shalt  }
0x51: {  	_ =	shalt  }
0x52: {  	_ =	shalt  }
0x53: {  	_ =	shalt  }
0x54: {  	_ =	shalt  }
0x55: {  	_ =	shalt  }
0x56: {  	_ =	shalt  }
0x57: {  	_ =	shalt  }
0x58: {  	_ =	shalt  }
0x59: {  	_ =	shalt  }
0x5a: {  	_ =	shalt  }
0x5b: {  	_ =	shalt  }
0x5c: {  	_ =	shalt  }
0x5d: {  	_ =	shalt  }
0x5e: {  	_ =	shalt  }
0x5f: {  	_ =	shalt  }
0x60: {  	_ =	shalt  }
0x61: {  	_ =	shalt  }
0x62: {  	_ =	shalt  }
0x63: {  	_ =	shalt  }
0x64: {  	_ =	shalt  }
0x65: {  	_ =	shalt  }
0x66: {  	_ =	shalt  }
0x67: {  	_ =	shalt  }
0x68: {  	_ =	shalt  }
0x69: {  	_ =	shalt  }
0x6a: {  	_ =	shalt  }
0x6b: {  	_ =	shalt  }
0x6c: {  	_ =	shalt  }
0x6d: {  	_ =	shalt  }
0x6e: {  	_ =	shalt  }
0x6f: {  	_ =	shalt  }
0x70: {  	_ =	shalt  }
0x71: {  	_ =	shalt  }
0x72: {  	_ =	shalt  }
0x73: {  	_ =	shalt  }
0x74: {  	_ =	shalt  }
0x75: {  	_ =	shalt  }
0x76: {  	_ =	shalt  }
0x77: {  	_ =	shalt  }
0x78: {  	_ =	shalt  }
0x79: {  	_ =	shalt  }
0x7a: {  	_ =	shalt  }
0x7b: {  	_ =	shalt  }
0x7c: {  	_ =	shalt  }
0x7d: {  	_ =	shalt  }
0x7e: {  	_ =	shalt  }
0x7f: {  	_ =	shalt  }
0x80: {  	_ =	shalt  }
0x81: {  	_ =	shalt  }
0x82: {  	_ =	shalt  }
0x83: {  	_ =	shalt  }
0x84: {  	_ =	shalt  }
0x85: {  	_ =	shalt  }
0x86: {  	_ =	shalt  }
0x87: {  	_ =	shalt  }
.Lfunc_end0:
.L_simem_size_0:
called_computation_lowered:
.L_overlay_start_0:
0x88: {  	s2 =	sld [smem:$0x3FD9]  }
0x89: {  	s3 =	sld [smem:$0x3FFE];
	_ =	sdelay $0x1  }
0x8a: {  	s1 =	srdreg.scid  }
0x8b: {  	s0 =	sand.u32 $0x1, s1  }
0x8c: {  	s17 =	sshll.u32 s0, $0xA;
	s2 =	sadd.s32 s3, s2  }
0x8d: {  	s2 =	sadd.s32 s2, s17  }
0x8e: {  	[smem:$0x3FC4] =	sst s2  }
0x8f: {  	_ = 	snop  }
0x90: {  	s2 =	sld [smem:$0x3FD0];
	(tm) =	ssettm $0x1  }
0x91: {  	s18 =	sld [smem:$0x3FFB];
	_ =	sdelay $0x3  }
0x92: {  	_ =	strace s18  }
0x93: {  	s3 =	sld [smem:$0x3FFC];
	_ =	sdelay $0x3  }
0x94: {  	_ =	strace s3  }
0x95: {  	s3 =	sld [smem:$0x3FFD];
	_ =	sdelay $0x3  }
0x96: {  	_ =	strace s3  }
0x97: {  	_ =	strace $0x8FFFFFFF  }
0x98: {  	s19 =	sld [smem:$0x3FDB];
	_ =	sdelay $0x1  }
0x99: {  	s4 =	simm.s32 $_scs_section_size  }
0x9a: {  	s5 =	simm.s32 $_size__tile_overlayer_lowered;
	s6 =	simm.s32 $_tile_overlayer_lowered  }
0x9b: {  	s22 =	simm.s32 $0x1BFF;
	s21 =	sshll.u32 s6, $0x1;
	s3 =	sadd.s32 s4, s19  }
0x9c: {  	s7 =	simm.s32 $0x0;
	s20 =	sshll.u32 s5, $0x1;
	s5 =	sadd.s32 s21, s3  }
0x9d: {  	[timem:s7], [sflag:s22] =	dma.local [hbm:s5], s20  }
0x9e: {  	_ =	swait.ge [sflag:s22], s20  }
0x9f: {  	s4 =	ssub.s32 $0x0, s20;
	[sflag:s22] =	ssyncset.done $0x0  }
0xa0: {  	[sflag:s22] =	ssyncadd.s32 s4;
	_ =	sdelay $0x1  }
0xa1: {  	s23 =	simm.s32 $0x1B8B  }
0xa2: {  	_ =	swait.ge [sflag:s23], $0x1  }
0xa3: {  	[sflag:s23] =	ssyncset.done $0x0  }
0xa4: {  	s25 =	simm.s32 $0x1B8E;
	s24 =	sld [smem:$0x3FFE];
	[sflag:s23] =	ssyncadd.s32 $0xFFFFFFFF  }
0xa5: {  	s26 =	simm.s32 $execute0_lowered;
	[smem:$0x3FD2] =	sst s25  }
0xa6: {  	s5 =	sshll.u32 s26, $0x1;
	_ =	strace $0x80000046;
	[dreg:$0x1] =	wrdreg $0xFFFFFFFF  }
0xa7: {  	s28 =	simm.s32 $_size_execute0_lowered;
	s3 =	sadd.s32 s3, s5;
	[dreg:$0x0] =	wrdreg $0x0  }
0xa8: {  	s5 =	sshll.u32 s28, $0x1;
	[dreg:$0x2] =	wrdreg s3  }
0xa9: {  	[dreg:$0x3] =	wrdreg s5  }
0xaa: {  	[dreg:$0x4] =	wrdreg $0xC0  }
0xab: {  	_ =	task [dreg:s7], $0x5FFFF  }
0xac: {  	[dreg:$0x1] =	wrdreg $0xFFFFFFFF  }
0xad: {  	[dreg:$0x0] =	wrdreg $0x60  }
0xae: {  	[dreg:$0x2] =	wrdreg s2  }
0xaf: {  	[dreg:$0x3] =	wrdreg s24  }
0xb0: {  	[dreg:$0x4] =	wrdreg $0x0  }
0xb1: {  	[dreg:$0x5] =	wrdreg $0x9  }
0xb2: {  	_ =	task.clear_ibuf [dreg:s7], $0x6FFFF;
	_ =	strace $0x90000046  }
0xb3: {  	s29 =	simm.s32 $0x9;
	_ =	strace $0x80000048  }
0xb4: {  	_ =	swait.ge [sflag:s29], $0x1  }
0xb5: {  	[sflag:s29] =	ssyncadd.s32 $0xFFFFFFFF  }
0xb6: {  	_ =	strace $0x90000048  }
0xb7: {  	_ =	sfence  }
0xb8: {  	s30 =	sld [smem:$0x0];
	_ =	sdelay $0x2  }
0xb9: {  	s31 =	sshll.u32 s1, $0xD;
	s1 =	sshrl.u32 s1, $0x2  }
0xba: {  	s3 =	sand.u32 $0x4000, s31;
	s1 =	sadd.s32 s1, s30  }
0xbb: {  	s0 =	sor.u32 s3, s0;
	s1 =	sshll.u32 s1, $0x11  }
0xbc: {  	s0 =	sor.u32 s1, s0  }
0xbd: {  	s0 =	sadd.s32 $0x8F2B, s0  }
0xbe: {  	[sflag:s0] =	ssyncadd.remote.s32 $0x1  }
0xbf: {  	_ =	sfence.sel $0xFFFF  }
0xc0: {  	[dreg:$0x0] =	wrdreg $0xFFFFFFFF;
	(pc) =	sbr.abs _section_cstart, $3  }
0xc1: {  	[dreg:$0x1] =	wrdreg $0xFFFFFFFF  }
0xc2: {  	_ =	task.clear_ibuf [dreg:s7], $0x2FFFF;
	_ =	strace $0x9FFFFFFF  }
0xc3: {  	(tm) =	ssettm $0x7FFFFFFF  }
tec
execute0_lowered:
.L_overlay_start_1:
0x0: {  	(tag) =	ssettag $0x1  }
0x1: {  	s1 =	rddreg [dreg:$0x0]  }
0x2: {  	s2 =	srdreg.scid;
	s12 =	stileid.u32  }
0x3: {  	s0 =	rddreg [dreg:$0x1];
	s2 =	sand.u32 $0x1, s2;
	s8 =	smul.u32 $0x15F90, s12  }
0x4: {  	s3 =	rddreg [dreg:$0x2];
	s4 =	simm.s32 $0x0;
	s7 =	smul.u32 $0x15F900, s2  }
0x5: {  	s5 =	sadd.s32 $0x14400, s0;
	s11 =	smul.u32 $0x57E40, s12;
	s10 =	ssub.s32 $0x2, s2  }
0x6: {  	s6 =	sadd.s32 $0xA600, s0;
	s21 =	sshrl.u32 s10, $0x1;
	s7 =	sadd.s32 s8, s7  }
0x7: {  	s11 =	sshrl.u32 s11, $0x2;
	s9 =	sshrl.u32 s7, $0x3;
	s7 =	sadd.s32 $0x800, s0  }
0x8: {  	s0 =	sadd.s32 s9, s0;
	s9 =	ssub.s32 s10, s21;
	s10 =	sadd.s32 s11, s3  }
0x9: {  	[smem:$0x7FF] =	sst s4;
	s11 =	sadd.s32 $0xE10, s10  }
0xa: {  	_ =	strace $0x80000047;
	s23 =	sadd.s32 $0x1C20, s10;
	[dreg:$0x4] =	wrdreg s11  }
0xb: {  	s24 =	sadd.s32 $0x2A30, s10;
	[dreg:$0x5] =	wrdreg s23  }
0xc: {  	s25 =	sadd.s32 $0x3840, s10;
	[dreg:$0x6] =	wrdreg s24  }
0xd: {  	s26 =	sadd.s32 $0x4650, s10;
	[dreg:$0x7] =	wrdreg s25  }
0xe: {  	s29 =	sadd.s32 $0x5460, s10;
	[dreg:$0x8] =	wrdreg s26  }
0xf: {  	s30 =	sadd.s32 $0x6270, s10;
	[dreg:$0x9] =	wrdreg s29  }
0x10: {  	s31 =	sadd.s32 $0x7080, s10;
	[dreg:$0xa] =	wrdreg s30  }
0x11: {  	s22 =	sshll.u32 s12, $0x1;
	s12 =	sadd.s32 $0x7E90, s10;
	[dreg:$0xb] =	wrdreg s31  }
0x12: {  	s13 =	sadd.s32 $0x8CA0, s10;
	[dreg:$0xc] =	wrdreg s12  }
0x13: {  	s14 =	sadd.s32 $0x9AB0, s10;
	[dreg:$0xd] =	wrdreg s13  }
0x14: {  	s15 =	sadd.s32 $0xA8C0, s10;
	[dreg:$0xe] =	wrdreg s14  }
0x15: {  	s16 =	sadd.s32 $0xB6D0, s10;
	[dreg:$0xf] =	wrdreg s15  }
0x16: {  	s17 =	sadd.s32 $0xC4E0, s10;
	[dreg:$0x10] =	wrdreg s16  }
0x17: {  	s18 =	sadd.s32 $0xD2F0, s10;
	[dreg:$0x11] =	wrdreg s17  }
0x18: {  	s19 =	sadd.s32 $0xE100, s10;
	[dreg:$0x12] =	wrdreg s18  }
0x19: {  	s28 =	simm.s32 $0x0;
	s20 =	sadd.s32 $0xEF10, s10;
	[dreg:$0x13] =	wrdreg s19  }
0x1a: {  	s2 =	sor.u32 s2, s22;
	s21 =	sadd.s32 $0xFD20, s10;
	[dreg:$0x14] =	wrdreg s20  }
0x1b: {  	s2 =	smul.u32 $0x2710, s2;
	s22 =	sadd.s32 $0x10B30, s10;
	[dreg:$0x15] =	wrdreg s21  }
0x1c: {  	s8 =	sadd.s32 s8, s3;
	[dreg:$0x16] =	wrdreg s22;
	s23 =	sadd.s32 $0x11940, s10  }
0x1d: {  	s24 =	sadd.s32 $0x12750, s10;
	s25 =	sadd.s32 $0x13560, s10;
	s26 =	sshrl.u32 s2, $0x3  }
0x1e: {  	s29 =	sadd.s32 $0x14370, s10;
	s10 =	sadd.s32 $0x15180, s10;
	s11 =	sadd.s32 $0x28, s2  }
0x1f: {  	s12 =	sadd.s32 $0x50, s2;
	s13 =	sadd.s32 $0x62600, s0;
	s14 =	smax.u32 s9, $0x1  }
0x20: {  	s15 =	simm.s32 $0x1D830;
	s16 =	simm.s32 $0x5;
	[dreg:$0x17] =	wrdreg s23  }
0x21: {  	s17 =	simm.s32 $0x15F90;
	s19 =	simm.s32 $0x28;
	[dreg:$0x18] =	wrdreg s24  }
0x22: {  	s20 =	simm.s32 $0x15FE0;
	s21 =	simm.s32 $0x16008;
	[dreg:$0x19] =	wrdreg s25  }
0x23: {  	s22 =	simm.s32 $0x17430;
	s18 =	simm.s32 $0x3;
	[dreg:$0x1a] =	wrdreg s29  }
0x24: {  	[dreg:$0x1b] =	wrdreg s10;
	s30 =	sadd.s32 s6, s26;
	s31 =	sadd.s32 s7, s26  }
0x25: {  	v0 =	vimm.f32 $0.0e+00;
	vm0 =	vmmov $0x1;
	s23 =	simm.s32 $0x1B030;
	s24 =	simm.s32 $0x1;
	[dreg:$0x1c] =	wrdreg s30  }
0x26: {  	vm1 =	vcmask $0x310;
	vm2 =	vcmask $0x710;
	vm3 =	vcmask $0xB10;
	s25 =	simm.s32 $0x2;
	s26 =	simm.s32 $0x4;
	[dreg:$0x1d] =	wrdreg s31  }
.LBB2_1:
0x27: {  	s0 =	simm.s32 $0x0;
	s2 =	simm.s32 $0x240  }
.LBB2_2:
0x28: {  	p0 =	sne.s32 s2, $0x3600;
	[tilespmem:s0+$0x1D8B0] =	vst v0  }
0x29: {  	[tilespmem:s0+$0x1D830] =	vst v0  }
0x2a: {  	[tilespmem:s0+$0x1D840] =	vst v0  }
0x2b: {  	[tilespmem:s0+$0x1D850] =	vst v0  }
.Ltmp0:
0x2c: {  	[tilespmem:s0+$0x1D860] =	vst v0;
	(pc) =	sbr.rel @p0 .LBB2_2-.Ltmp0, $4  }
0x2d: {  	[tilespmem:s0+$0x1D870] =	vst v0  }
0x2e: {  	[tilespmem:s0+$0x1D880] =	vst v0  }
0x2f: {  	[tilespmem:s0+$0x1D890] =	vst v0  }
0x30: {  	[tilespmem:s0+$0x1D8A0] =	vst v0;
	s0 =	sshra.s32 s2, $0x2;
	s2 =	sadd.s32 $0x240, s2  }
0x31: {  	[tilespmem:s0+$0x1D8B0] =	vst v0  }
0x32: {  	[tilespmem:s0+$0x1D830] =	vst v0  }
0x33: {  	[tilespmem:s0+$0x1D840] =	vst v0  }
0x34: {  	[tilespmem:s0+$0x1D850] =	vst v0  }
0x35: {  	[tilespmem:s0+$0x1D860] =	vst v0  }
0x36: {  	[tilespmem:s0+$0x1D870] =	vst v0  }
0x37: {  	[tilespmem:s0+$0x1D880] =	vst v0  }
0x38: {  	[tilespmem:s0+$0x1D890] =	vst v0  }
0x39: {  	[tilespmem:s0+$0x1D8A0] =	vst v0  }
0x3a: {  	[spmem:s8] =	stream.linear.scatter [tilespmem:s15], [sflag:$0x5], $0xE10, $0x38;
	[tilespmem:$0x1EEB0] =	vst v63  }
0x3b: {  	_ =	swait.ge [sflag:s16], $0xE10  }
0x3c: {  	[sflag:s16] =	ssyncset.done $0x0  }
0x3d: {  	s10 =	rddreg [dreg:$0x4];
	[sflag:s16] =	ssyncadd.s32 $0xFFFFF1F0  }
0x3e: {  	[spmem:s10] =	stream.linear.scatter [tilespmem:s15], [sflag:$0x5], $0xE10, $0x38;
	[tilespmem:$0x1EEB0] =	vst v63  }
0x3f: {  	_ =	swait.ge [sflag:s16], $0xE10  }
0x40: {  	[sflag:s16] =	ssyncset.done $0x0  }
0x41: {  	s30 =	rddreg [dreg:$0x5];
	[sflag:s16] =	ssyncadd.s32 $0xFFFFF1F0  }
0x42: {  	[spmem:s30] =	stream.linear.scatter [tilespmem:s15], [sflag:$0x5], $0xE10, $0x38;
	[tilespmem:$0x1EEB0] =	vst v63  }
0x43: {  	_ =	swait.ge [sflag:s16], $0xE10  }
0x44: {  	[sflag:s16] =	ssyncset.done $0x0  }
0x45: {  	s31 =	rddreg [dreg:$0x6];
	[sflag:s16] =	ssyncadd.s32 $0xFFFFF1F0  }
0x46: {  	[spmem:s31] =	stream.linear.scatter [tilespmem:s15], [sflag:$0x5], $0xE10, $0x38;
	[tilespmem:$0x1EEB0] =	vst v63  }
0x47: {  	_ =	swait.ge [sflag:s16], $0xE10  }
0x48: {  	[sflag:s16] =	ssyncset.done $0x0  }
0x49: {  	s2 =	rddreg [dreg:$0x7];
	[sflag:s16] =	ssyncadd.s32 $0xFFFFF1F0  }
0x4a: {  	[spmem:s2] =	stream.linear.scatter [tilespmem:s15], [sflag:$0x5], $0xE10, $0x38;
	[tilespmem:$0x1EEB0] =	vst v63  }
0x4b: {  	_ =	swait.ge [sflag:s16], $0xE10  }
0x4c: {  	[sflag:s16] =	ssyncset.done $0x0  }
0x4d: {  	s9 =	rddreg [dreg:$0x8];
	[sflag:s16] =	ssyncadd.s32 $0xFFFFF1F0  }
0x4e: {  	[spmem:s9] =	stream.linear.scatter [tilespmem:s15], [sflag:$0x5], $0xE10, $0x38;
	[tilespmem:$0x1EEB0] =	vst v63  }
0x4f: {  	_ =	swait.ge [sflag:s16], $0xE10  }
0x50: {  	[sflag:s16] =	ssyncset.done $0x0  }
0x51: {  	s10 =	rddreg [dreg:$0x9];
	[sflag:s16] =	ssyncadd.s32 $0xFFFFF1F0  }
0x52: {  	[spmem:s10] =	stream.linear.scatter [tilespmem:s15], [sflag:$0x5], $0xE10, $0x38;
	[tilespmem:$0x1EEB0] =	vst v63  }
0x53: {  	_ =	swait.ge [sflag:s16], $0xE10  }
0x54: {  	[sflag:s16] =	ssyncset.done $0x0  }
0x55: {  	s30 =	rddreg [dreg:$0xa];
	[sflag:s16] =	ssyncadd.s32 $0xFFFFF1F0  }
0x56: {  	[spmem:s30] =	stream.linear.scatter [tilespmem:s15], [sflag:$0x5], $0xE10, $0x38;
	[tilespmem:$0x1EEB0] =	vst v63  }
0x57: {  	_ =	swait.ge [sflag:s16], $0xE10  }
0x58: {  	[sflag:s16] =	ssyncset.done $0x0  }
0x59: {  	s31 =	rddreg [dreg:$0xb];
	[sflag:s16] =	ssyncadd.s32 $0xFFFFF1F0  }
0x5a: {  	[spmem:s31] =	stream.linear.scatter [tilespmem:s15], [sflag:$0x5], $0xE10, $0x38;
	[tilespmem:$0x1EEB0] =	vst v63  }
0x5b: {  	_ =	swait.ge [sflag:s16], $0xE10  }
0x5c: {  	[sflag:s16] =	ssyncset.done $0x0  }
0x5d: {  	s2 =	rddreg [dreg:$0xc];
	[sflag:s16] =	ssyncadd.s32 $0xFFFFF1F0  }
0x5e: {  	[spmem:s2] =	stream.linear.scatter [tilespmem:s15], [sflag:$0x5], $0xE10, $0x38;
	[tilespmem:$0x1EEB0] =	vst v63  }
0x5f: {  	_ =	swait.ge [sflag:s16], $0xE10  }
0x60: {  	[sflag:s16] =	ssyncset.done $0x0  }
0x61: {  	s9 =	rddreg [dreg:$0xd];
	[sflag:s16] =	ssyncadd.s32 $0xFFFFF1F0  }
0x62: {  	[spmem:s9] =	stream.linear.scatter [tilespmem:s15], [sflag:$0x5], $0xE10, $0x38;
	[tilespmem:$0x1EEB0] =	vst v63  }
0x63: {  	_ =	swait.ge [sflag:s16], $0xE10  }
0x64: {  	[sflag:s16] =	ssyncset.done $0x0  }
0x65: {  	s10 =	rddreg [dreg:$0xe];
	[sflag:s16] =	ssyncadd.s32 $0xFFFFF1F0  }
0x66: {  	[spmem:s10] =	stream.linear.scatter [tilespmem:s15], [sflag:$0x5], $0xE10, $0x38;
	[tilespmem:$0x1EEB0] =	vst v63  }
0x67: {  	_ =	swait.ge [sflag:s16], $0xE10  }
0x68: {  	[sflag:s16] =	ssyncset.done $0x0  }
0x69: {  	s30 =	rddreg [dreg:$0xf];
	[sflag:s16] =	ssyncadd.s32 $0xFFFFF1F0  }
0x6a: {  	[spmem:s30] =	stream.linear.scatter [tilespmem:s15], [sflag:$0x5], $0xE10, $0x38;
	[tilespmem:$0x1EEB0] =	vst v63  }
0x6b: {  	_ =	swait.ge [sflag:s16], $0xE10  }
0x6c: {  	[sflag:s16] =	ssyncset.done $0x0  }
0x6d: {  	s31 =	rddreg [dreg:$0x10];
	[sflag:s16] =	ssyncadd.s32 $0xFFFFF1F0  }
0x6e: {  	[spmem:s31] =	stream.linear.scatter [tilespmem:s15], [sflag:$0x5], $0xE10, $0x38;
	[tilespmem:$0x1EEB0] =	vst v63  }
0x6f: {  	_ =	swait.ge [sflag:s16], $0xE10  }
0x70: {  	[sflag:s16] =	ssyncset.done $0x0  }
0x71: {  	s2 =	rddreg [dreg:$0x11];
	[sflag:s16] =	ssyncadd.s32 $0xFFFFF1F0  }
0x72: {  	[spmem:s2] =	stream.linear.scatter [tilespmem:s15], [sflag:$0x5], $0xE10, $0x38;
	[tilespmem:$0x1EEB0] =	vst v63  }
0x73: {  	_ =	swait.ge [sflag:s16], $0xE10  }
0x74: {  	[sflag:s16] =	ssyncset.done $0x0  }
0x75: {  	s9 =	rddreg [dreg:$0x12];
	[sflag:s16] =	ssyncadd.s32 $0xFFFFF1F0  }
0x76: {  	[spmem:s9] =	stream.linear.scatter [tilespmem:s15], [sflag:$0x5], $0xE10, $0x38;
	[tilespmem:$0x1EEB0] =	vst v63  }
0x77: {  	_ =	swait.ge [sflag:s16], $0xE10  }
0x78: {  	[sflag:s16] =	ssyncset.done $0x0  }
0x79: {  	s10 =	rddreg [dreg:$0x13];
	[sflag:s16] =	ssyncadd.s32 $0xFFFFF1F0  }
0x7a: {  	[spmem:s10] =	stream.linear.scatter [tilespmem:s15], [sflag:$0x5], $0xE10, $0x38;
	[tilespmem:$0x1EEB0] =	vst v63  }
0x7b: {  	_ =	swait.ge [sflag:s16], $0xE10  }
0x7c: {  	[sflag:s16] =	ssyncset.done $0x0  }
0x7d: {  	s30 =	rddreg [dreg:$0x14];
	[sflag:s16] =	ssyncadd.s32 $0xFFFFF1F0  }
0x7e: {  	[spmem:s30] =	stream.linear.scatter [tilespmem:s15], [sflag:$0x5], $0xE10, $0x38;
	[tilespmem:$0x1EEB0] =	vst v63  }
0x7f: {  	_ =	swait.ge [sflag:s16], $0xE10  }
0x80: {  	[sflag:s16] =	ssyncset.done $0x0  }
0x81: {  	s31 =	rddreg [dreg:$0x15];
	[sflag:s16] =	ssyncadd.s32 $0xFFFFF1F0  }
0x82: {  	[spmem:s31] =	stream.linear.scatter [tilespmem:s15], [sflag:$0x5], $0xE10, $0x38;
	[tilespmem:$0x1EEB0] =	vst v63  }
0x83: {  	_ =	swait.ge [sflag:s16], $0xE10  }
0x84: {  	[sflag:s16] =	ssyncset.done $0x0  }
0x85: {  	s2 =	rddreg [dreg:$0x16];
	[sflag:s16] =	ssyncadd.s32 $0xFFFFF1F0  }
0x86: {  	[spmem:s2] =	stream.linear.scatter [tilespmem:s15], [sflag:$0x5], $0xE10, $0x38;
	[tilespmem:$0x1EEB0] =	vst v63  }
0x87: {  	_ =	swait.ge [sflag:s16], $0xE10  }
0x88: {  	[sflag:s16] =	ssyncset.done $0x0  }
0x89: {  	s9 =	rddreg [dreg:$0x17];
	[sflag:s16] =	ssyncadd.s32 $0xFFFFF1F0  }
0x8a: {  	[spmem:s9] =	stream.linear.scatter [tilespmem:s15], [sflag:$0x5], $0xE10, $0x38;
	[tilespmem:$0x1EEB0] =	vst v63  }
0x8b: {  	_ =	swait.ge [sflag:s16], $0xE10  }
0x8c: {  	[sflag:s16] =	ssyncset.done $0x0  }
0x8d: {  	s10 =	rddreg [dreg:$0x18];
	[sflag:s16] =	ssyncadd.s32 $0xFFFFF1F0  }
0x8e: {  	[spmem:s10] =	stream.linear.scatter [tilespmem:s15], [sflag:$0x5], $0xE10, $0x38;
	[tilespmem:$0x1EEB0] =	vst v63  }
0x8f: {  	_ =	swait.ge [sflag:s16], $0xE10  }
0x90: {  	[sflag:s16] =	ssyncset.done $0x0  }
0x91: {  	s30 =	rddreg [dreg:$0x19];
	[sflag:s16] =	ssyncadd.s32 $0xFFFFF1F0  }
0x92: {  	[spmem:s30] =	stream.linear.scatter [tilespmem:s15], [sflag:$0x5], $0xE10, $0x38;
	[tilespmem:$0x1EEB0] =	vst v63  }
0x93: {  	_ =	swait.ge [sflag:s16], $0xE10  }
0x94: {  	[sflag:s16] =	ssyncset.done $0x0  }
0x95: {  	s31 =	rddreg [dreg:$0x1a];
	[sflag:s16] =	ssyncadd.s32 $0xFFFFF1F0  }
0x96: {  	[spmem:s31] =	stream.linear.scatter [tilespmem:s15], [sflag:$0x5], $0xE10, $0x38;
	[tilespmem:$0x1EEB0] =	vst v63  }
0x97: {  	_ =	swait.ge [sflag:s16], $0xE10  }
0x98: {  	[sflag:s16] =	ssyncset.done $0x0  }
0x99: {  	s2 =	rddreg [dreg:$0x1b];
	[sflag:s16] =	ssyncadd.s32 $0xFFFFF1F0  }
0x9a: {  	[spmem:s2] =	stream.linear.scatter [tilespmem:s15], [sflag:$0x5], $0xE10, $0x38;
	[tilespmem:$0x1EEB0] =	vst v63  }
0x9b: {  	_ =	swait.ge [sflag:s16], $0xE10  }
0x9c: {  	[sflag:s16] =	ssyncset.done $0x0  }
0x9d: {  	[sflag:s16] =	ssyncadd.s32 $0xFFFFF1F0  }
0x9e: {  	[bflag:$0x0] =	sbarrier.arrive $0xFFFF  }
0x9f: {  	s29 =	simm.s32 $0x0;
	s9 =	rddreg [dreg:$0x1c]  }
0xa0: {  	[tilespmem:s17], [sflag:$0x5] =	stream.linear.gather [hbm4b:s9+s29], $0x28, $0x38;
	[tilespmem:$0x1EEB0] =	vst v63  }
0xa1: {  	_ =	swait.ge [sflag:s16], $0x28  }
0xa2: {  	[sflag:s16] =	ssyncset.done $0x0  }
0xa3: {  	s2 =	simm.s32 $0x15FB8;
	s10 =	rddreg [dreg:$0x1d];
	[sflag:s16] =	ssyncadd.s32 $0xFFFFFFD8  }
0xa4: {  	[tilespmem:s2], [sflag:$0x5] =	stream.linear.gather [hbm4b:s10+s29], $0x28, $0x38;
	[tilespmem:$0x1EEB0] =	vst v63  }
0xa5: {  	_ =	swait.ge [sflag:s16], $0x28  }
0xa6: {  	[sflag:s16] =	ssyncset.done $0x0  }
0xa7: {  	s30 =	simm.s32 $0x16030;
	[sflag:s16] =	ssyncadd.s32 $0xFFFFFFD8  }
0xa8: {  	[tilespmem:s30], [sflag:$0x1] =	stream.indirect.gather [hbm4b:s1+s19], $0x80, s17, s19, $0xb8;
	[tilespmem:$0x1EEB0] =	vst v63  }
0xa9: {  	s31 =	simm.s32 $0x18830  }
0xaa: {  	[tilespmem:s31], [sflag:$0x2] =	stream.indirect.gather [hbm4b:s5+s19], $0x100, s2, s19, $0xb8;
	[tilespmem:$0x1EEB0] =	vst v63  }
.LBB2_4:
0xab: {  	s30 =	smul.u32 $0x50, s29;
	_ =	sdelay $0x1  }
0xac: {  	s0 =	sadd.s32 s30, s11  }
0xad: {  	s0 =	sshrl.u32 s0, $0x3  }
0xae: {  	s2 =	sadd.s32 s6, s0  }
0xaf: {  	[tilespmem:s20], [sflag:$0x5] =	stream.linear.gather [hbm4b:s2+s4], $0x28, $0x38;
	[tilespmem:$0x1EEB0] =	vst v63  }
0xb0: {  	_ =	swait.ge [sflag:s16], $0x28  }
0xb1: {  	[sflag:s16] =	ssyncset.done $0x0  }
0xb2: {  	s0 =	sadd.s32 s7, s0;
	[sflag:s16] =	ssyncadd.s32 $0xFFFFFFD8  }
0xb3: {  	[tilespmem:s21], [sflag:$0x5] =	stream.linear.gather [hbm4b:s0+s4], $0x28, $0x38;
	[tilespmem:$0x1EEB0] =	vst v63  }
0xb4: {  	_ =	swait.ge [sflag:s16], $0x28  }
0xb5: {  	[sflag:s16] =	ssyncset.done $0x0  }
0xb6: {  	[sflag:s16] =	ssyncadd.s32 $0xFFFFFFD8  }
0xb7: {  	[tilespmem:s22], [sflag:$0x3] =	stream.indirect.gather [hbm4b:s1+s19], $0x80, s20, s19, $0xb8;
	[tilespmem:$0x1EEB0] =	vst v63  }
0xb8: {  	_ = 	snop  }
0xb9: {  	[tilespmem:s23], [sflag:$0x4] =	stream.indirect.gather [hbm4b:s5+s19], $0x100, s21, s19, $0xb8;
	[tilespmem:$0x1EEB0] =	vst v63  }
0xba: {  	_ =	swait.ge [sflag:s24], $0x1400  }
0xbb: {  	[sflag:s24] =	ssyncset.done $0x0  }
0xbc: {  	[sflag:s24] =	ssyncadd.s32 $0xFFFFEC00  }
0xbd: {  	_ =	swait.ge [sflag:s25], $0x2800  }
0xbe: {  	s31 =	simm.s32 $0xFFFFFFFC;
	s9 =	simm.s32 $0x1D950;
	[sflag:s25] =	ssyncset.done $0x0  }
0xbf: {  	s2 =	simm.s32 $0x18A30;
	s0 =	simm.s32 $0x16130;
	[sflag:s25] =	ssyncadd.s32 $0xFFFFD800  }
.LBB2_5:
0xc0: {  	v1 =	vld [tilespmem:s0+$0xFFFFFF00]  }
0xc1: {  	v2 =	vld [tilespmem:s2+$0xFFFFFE00]  }
0xc2: {  	v3 =	vld [tilespmem:s0+$0xFFFFFF10]  }
0xc3: {  	v4 =	vld [tilespmem:s2+$0xFFFFFE10];
	_ =	sdelay $0x4  }
0xc4: {  	v1 =	vmul.f32 v2, v1;
	v2 =	vmul.f32 v4, v3;
	_ =	sdelay $0x1  }
0xc5: {  	v1 =	vadd.f32 v2, v1;
	_ =	sdelay $0x1  }
0xc6: {  	(xrf2) =	vadd.scan.msk.f32 $0xffff, v1;
	_ =	sdelay $0x9  }
0xc7: {  	v1, _, _ =	vpop (xrf2)  }
0xc8: {  	(v2sf) =	vpush v1, $0xF;
	_ =	sdelay $0xe  }
0xc9: {  	s10 =	spop (v2sf)  }
0xca: {  	s10 =	smul.f32 $1.767766920e-01, s10;
	_ =	sdelay $0x1  }
0xcb: {  	s10 =	smax.f32 s10, $-1.000000000e+01  }
0xcc: {  	s10 =	smin.f32 s10, $1.000000000e+01  }
0xcd: {  	v1 =	vmov s10  }
0xce: {  	v1 =	vmul.f32 $1.442695020e+00, v1;
	_ =	sdelay $0x1  }
0xcf: {  	v1 =	vbroadcast v1, $0x0;
	_ =	sdelay $0x1  }
0xd0: {  	(erf) = vpow2.f32 v1;
	_ =	sdelay $0x4  }
0xd1: {  	v1 =	vld [tilespmem:s2+$0xFFFFFE80];
	_ =	sdelay $0x3  }
0xd2: {  	v2 =	vpop (erf)  }
0xd3: {  	v1 =	vmul.f32 v2, v1;
	_ =	sdelay $0x1  }
0xd4: {  	[tilespmem:s9+$0xFFFFFEE0] =	vst v1  }
0xd5: {  	v1 =	vld [tilespmem:s2+$0xFFFFFE90];
	_ =	sdelay $0x4  }
0xd6: {  	v1 =	vmul.f32 v2, v1;
	_ =	sdelay $0x1  }
0xd7: {  	[tilespmem:s9+$0xFFFFFEF0] =	vst v1  }
0xd8: {  	v1 =	vld [tilespmem:s0+$0xFFFFFF20]  }
0xd9: {  	v3 =	vld [tilespmem:s2+$0xFFFFFE20]  }
0xda: {  	v16 =	vld [tilespmem:s0+$0xFFFFFF30]  }
0xdb: {  	v5 =	vld [tilespmem:s2+$0xFFFFFE30];
	_ =	sdelay $0x4  }
0xdc: {  	v1 =	vmul.f32 v3, v1;
	v3 =	vmul.f32 v5, v16;
	_ =	sdelay $0x1  }
0xdd: {  	v1 =	vadd.f32 v3, v1;
	_ =	sdelay $0x1  }
0xde: {  	(xrf2) =	vadd.scan.msk.f32 $0xffff, v1;
	_ =	sdelay $0x9  }
0xdf: {  	v1, _, _ =	vpop (xrf2)  }
0xe0: {  	(v2sf) =	vpush v1, $0xF;
	_ =	sdelay $0xe  }
0xe1: {  	s10 =	spop (v2sf)  }
0xe2: {  	s10 =	smul.f32 $1.767766920e-01, s10;
	_ =	sdelay $0x1  }
0xe3: {  	s10 =	smax.f32 s10, $-1.000000000e+01  }
0xe4: {  	s10 =	smin.f32 s10, $1.000000000e+01  }
0xe5: {  	v1 =	vmov s10  }
0xe6: {  	v1 =	vmul.f32 $1.442695020e+00, v1;
	_ =	sdelay $0x1  }
0xe7: {  	v1 =	vbroadcast v1, $0x0;
	_ =	sdelay $0x1  }
0xe8: {  	(erf) = vpow2.f32 v1;
	_ =	sdelay $0x4  }
0xe9: {  	v1 =	vld [tilespmem:s2+$0xFFFFFEA0];
	_ =	sdelay $0x3  }
0xea: {  	v3 =	vpop (erf)  }
0xeb: {  	v1 =	vmul.f32 v3, v1;
	_ =	sdelay $0x1  }
0xec: {  	[tilespmem:s9+$0xFFFFFF00] =	vst v1  }
0xed: {  	v1 =	vld [tilespmem:s2+$0xFFFFFEB0];
	_ =	sdelay $0x4  }
0xee: {  	v1 =	vmul.f32 v3, v1;
	_ =	sdelay $0x1  }
0xef: {  	[tilespmem:s9+$0xFFFFFF10] =	vst v1  }
0xf0: {  	v1 =	vld [tilespmem:s0+$0xFFFFFF40]  }
0xf1: {  	v17 =	vld [tilespmem:s2+$0xFFFFFE40]  }
0xf2: {  	v18 =	vld [tilespmem:s0+$0xFFFFFF50]  }
0xf3: {  	v6 =	vld [tilespmem:s2+$0xFFFFFE50];
	_ =	sdelay $0x4  }
0xf4: {  	v1 =	vmul.f32 v17, v1;
	v19 =	vmul.f32 v6, v18;
	_ =	sdelay $0x1  }
0xf5: {  	v1 =	vadd.f32 v19, v1;
	_ =	sdelay $0x1  }
0xf6: {  	(xrf2) =	vadd.scan.msk.f32 $0xffff, v1;
	_ =	sdelay $0x9  }
0xf7: {  	v1, _, _ =	vpop (xrf2)  }
0xf8: {  	(v2sf) =	vpush v1, $0xF;
	_ =	sdelay $0xe  }
0xf9: {  	s10 =	spop (v2sf)  }
0xfa: {  	s10 =	smul.f32 $1.767766920e-01, s10;
	_ =	sdelay $0x1  }
0xfb: {  	s10 =	smax.f32 s10, $-1.000000000e+01  }
0xfc: {  	s10 =	smin.f32 s10, $1.000000000e+01  }
0xfd: {  	v1 =	vmov s10  }
0xfe: {  	v1 =	vmul.f32 $1.442695020e+00, v1;
	_ =	sdelay $0x1  }
0xff: {  	v1 =	vbroadcast v1, $0x0;
	_ =	sdelay $0x1  }
0x100: {  	(erf) = vpow2.f32 v1;
	_ =	sdelay $0x4  }
0x101: {  	v1 =	vld [tilespmem:s2+$0xFFFFFEC0];
	_ =	sdelay $0x3  }
0x102: {  	v20 =	vpop (erf)  }
0x103: {  	v1 =	vmul.f32 v20, v1;
	_ =	sdelay $0x1  }
0x104: {  	[tilespmem:s9+$0xFFFFFF20] =	vst v1  }
0x105: {  	v1 =	vld [tilespmem:s2+$0xFFFFFED0];
	_ =	sdelay $0x4  }
0x106: {  	v1 =	vmul.f32 v20, v1;
	_ =	sdelay $0x1  }
0x107: {  	[tilespmem:s9+$0xFFFFFF30] =	vst v1  }
0x108: {  	v1 =	vld [tilespmem:s0+$0xFFFFFF60]  }
0x109: {  	v21 =	vld [tilespmem:s2+$0xFFFFFE60]  }
0x10a: {  	v22 =	vld [tilespmem:s0+$0xFFFFFF70]  }
0x10b: {  	v7 =	vld [tilespmem:s2+$0xFFFFFE70];
	_ =	sdelay $0x4  }
0x10c: {  	v1 =	vmul.f32 v21, v1;
	v23 =	vmul.f32 v7, v22;
	_ =	sdelay $0x1  }
0x10d: {  	v1 =	vadd.f32 v23, v1;
	_ =	sdelay $0x1  }
0x10e: {  	(xrf2) =	vadd.scan.msk.f32 $0xffff, v1;
	_ =	sdelay $0x9  }
0x10f: {  	v1, _, _ =	vpop (xrf2)  }
0x110: {  	(v2sf) =	vpush v1, $0xF;
	_ =	sdelay $0xe  }
0x111: {  	s10 =	spop (v2sf)  }
0x112: {  	s10 =	smul.f32 $1.767766920e-01, s10;
	_ =	sdelay $0x1  }
0x113: {  	s10 =	smax.f32 s10, $-1.000000000e+01  }
0x114: {  	s10 =	smin.f32 s10, $1.000000000e+01  }
0x115: {  	v1 =	vmov s10  }
0x116: {  	v1 =	vmul.f32 $1.442695020e+00, v1;
	_ =	sdelay $0x1  }
0x117: {  	v1 =	vbroadcast v1, $0x0;
	_ =	sdelay $0x1  }
0x118: {  	(erf) = vpow2.f32 v1;
	_ =	sdelay $0x4  }
0x119: {  	v1 =	vld [tilespmem:s2+$0xFFFFFEE0];
	_ =	sdelay $0x3  }
0x11a: {  	v24 =	vpop (erf)  }
0x11b: {  	v1 =	vmul.f32 v24, v1;
	_ =	sdelay $0x1  }
0x11c: {  	[tilespmem:s9+$0xFFFFFF40] =	vst v1  }
0x11d: {  	v1 =	vld [tilespmem:s2+$0xFFFFFEF0];
	_ =	sdelay $0x3  }
0x11e: {  	v2 =	vnsel vm0, $0x0, v2  }
0x11f: {  	v2 =	vsel vm1, v2, v3;
	v1 =	vmul.f32 v24, v1  }
0x120: {  	v2 =	vsel vm2, v2, v20  }
0x121: {  	[tilespmem:s9+$0xFFFFFF50] =	vst v1;
	v1 =	vsel vm3, v2, v24  }
0x122: {  	[tilespmem:s9+$0xFFFFFF60] =	vst v1  }
0x123: {  	v1 =	vld [tilespmem:s0+$0xFFFFFF80]  }
0x124: {  	v2 =	vld [tilespmem:s2+$0xFFFFFF00]  }
0x125: {  	v3 =	vld [tilespmem:s0+$0xFFFFFF90]  }
0x126: {  	v25 =	vld [tilespmem:s2+$0xFFFFFF10];
	_ =	sdelay $0x4  }
0x127: {  	v1 =	vmul.f32 v2, v1;
	v2 =	vmul.f32 v25, v3;
	_ =	sdelay $0x1  }
0x128: {  	v1 =	vadd.f32 v2, v1;
	_ =	sdelay $0x1  }
0x129: {  	(xrf2) =	vadd.scan.msk.f32 $0xffff, v1;
	_ =	sdelay $0x9  }
0x12a: {  	v1, _, _ =	vpop (xrf2)  }
0x12b: {  	(v2sf) =	vpush v1, $0xF;
	_ =	sdelay $0xe  }
0x12c: {  	s10 =	spop (v2sf)  }
0x12d: {  	s10 =	smul.f32 $1.767766920e-01, s10;
	_ =	sdelay $0x1  }
0x12e: {  	s10 =	smax.f32 s10, $-1.000000000e+01  }
0x12f: {  	s10 =	smin.f32 s10, $1.000000000e+01  }
0x130: {  	v1 =	vmov s10  }
0x131: {  	v1 =	vmul.f32 $1.442695020e+00, v1;
	_ =	sdelay $0x1  }
0x132: {  	v1 =	vbroadcast v1, $0x0;
	_ =	sdelay $0x1  }
0x133: {  	(erf) = vpow2.f32 v1;
	_ =	sdelay $0x4  }
0x134: {  	v1 =	vld [tilespmem:s2+$0xFFFFFF80];
	_ =	sdelay $0x3  }
0x135: {  	v2 =	vpop (erf)  }
0x136: {  	v1 =	vmul.f32 v2, v1;
	_ =	sdelay $0x1  }
0x137: {  	[tilespmem:s9+$0xFFFFFF70] =	vst v1  }
0x138: {  	v1 =	vld [tilespmem:s2+$0xFFFFFF90];
	_ =	sdelay $0x4  }
0x139: {  	v1 =	vmul.f32 v2, v1;
	_ =	sdelay $0x1  }
0x13a: {  	[tilespmem:s9+$0xFFFFFF80] =	vst v1  }
0x13b: {  	v1 =	vld [tilespmem:s0+$0xFFFFFFA0]  }
0x13c: {  	v3 =	vld [tilespmem:s2+$0xFFFFFF20]  }
0x13d: {  	v26 =	vld [tilespmem:s0+$0xFFFFFFB0]  }
0x13e: {  	v27 =	vld [tilespmem:s2+$0xFFFFFF30];
	_ =	sdelay $0x4  }
0x13f: {  	v1 =	vmul.f32 v3, v1;
	v3 =	vmul.f32 v27, v26;
	_ =	sdelay $0x1  }
0x140: {  	v1 =	vadd.f32 v3, v1;
	_ =	sdelay $0x1  }
0x141: {  	(xrf2) =	vadd.scan.msk.f32 $0xffff, v1;
	_ =	sdelay $0x9  }
0x142: {  	v1, _, _ =	vpop (xrf2)  }
0x143: {  	(v2sf) =	vpush v1, $0xF;
	_ =	sdelay $0xe  }
0x144: {  	s10 =	spop (v2sf)  }
0x145: {  	s10 =	smul.f32 $1.767766920e-01, s10;
	_ =	sdelay $0x1  }
0x146: {  	s10 =	smax.f32 s10, $-1.000000000e+01  }
0x147: {  	s10 =	smin.f32 s10, $1.000000000e+01  }
0x148: {  	v1 =	vmov s10  }
0x149: {  	v1 =	vmul.f32 $1.442695020e+00, v1;
	_ =	sdelay $0x1  }
0x14a: {  	v1 =	vbroadcast v1, $0x0;
	_ =	sdelay $0x1  }
0x14b: {  	(erf) = vpow2.f32 v1;
	_ =	sdelay $0x4  }
0x14c: {  	v1 =	vld [tilespmem:s2+$0xFFFFFFA0];
	_ =	sdelay $0x3  }
0x14d: {  	v3 =	vpop (erf)  }
0x14e: {  	v1 =	vmul.f32 v3, v1;
	_ =	sdelay $0x1  }
0x14f: {  	[tilespmem:s9+$0xFFFFFF90] =	vst v1  }
0x150: {  	v1 =	vld [tilespmem:s2+$0xFFFFFFB0];
	_ =	sdelay $0x4  }
0x151: {  	v1 =	vmul.f32 v3, v1;
	_ =	sdelay $0x1  }
0x152: {  	[tilespmem:s9+$0xFFFFFFA0] =	vst v1  }
0x153: {  	v1 =	vld [tilespmem:s0+$0xFFFFFFC0]  }
0x154: {  	v28 =	vld [tilespmem:s2+$0xFFFFFF40]  }
0x155: {  	v29 =	vld [tilespmem:s0+$0xFFFFFFD0]  }
0x156: {  	v30 =	vld [tilespmem:s2+$0xFFFFFF50];
	_ =	sdelay $0x4  }
0x157: {  	v1 =	vmul.f32 v28, v1;
	v31 =	vmul.f32 v30, v29;
	_ =	sdelay $0x1  }
0x158: {  	v1 =	vadd.f32 v31, v1;
	_ =	sdelay $0x1  }
0x159: {  	(xrf2) =	vadd.scan.msk.f32 $0xffff, v1;
	_ =	sdelay $0x9  }
0x15a: {  	v1, _, _ =	vpop (xrf2)  }
0x15b: {  	(v2sf) =	vpush v1, $0xF;
	_ =	sdelay $0xe  }
0x15c: {  	s10 =	spop (v2sf)  }
0x15d: {  	s10 =	smul.f32 $1.767766920e-01, s10;
	_ =	sdelay $0x1  }
0x15e: {  	s10 =	smax.f32 s10, $-1.000000000e+01  }
0x15f: {  	s10 =	smin.f32 s10, $1.000000000e+01  }
0x160: {  	v1 =	vmov s10  }
0x161: {  	v1 =	vmul.f32 $1.442695020e+00, v1;
	_ =	sdelay $0x1  }
0x162: {  	v1 =	vbroadcast v1, $0x0;
	_ =	sdelay $0x1  }
0x163: {  	(erf) = vpow2.f32 v1;
	_ =	sdelay $0x4  }
0x164: {  	v1 =	vld [tilespmem:s2+$0xFFFFFFC0];
	_ =	sdelay $0x3  }
0x165: {  	v32 =	vpop (erf)  }
0x166: {  	v1 =	vmul.f32 v32, v1;
	_ =	sdelay $0x1  }
0x167: {  	[tilespmem:s9+$0xFFFFFFB0] =	vst v1  }
0x168: {  	v1 =	vld [tilespmem:s2+$0xFFFFFFD0];
	_ =	sdelay $0x4  }
0x169: {  	v1 =	vmul.f32 v32, v1;
	_ =	sdelay $0x1  }
0x16a: {  	[tilespmem:s9+$0xFFFFFFC0] =	vst v1  }
0x16b: {  	v1 =	vld [tilespmem:s0+$0xFFFFFFE0]  }
0x16c: {  	v33 =	vld [tilespmem:s2+$0xFFFFFF60]  }
0x16d: {  	v34 =	vld [tilespmem:s0+$0xFFFFFFF0]  }
0x16e: {  	v35 =	vld [tilespmem:s2+$0xFFFFFF70];
	_ =	sdelay $0x4  }
0x16f: {  	v1 =	vmul.f32 v33, v1;
	v36 =	vmul.f32 v35, v34;
	_ =	sdelay $0x1  }
0x170: {  	v1 =	vadd.f32 v36, v1;
	_ =	sdelay $0x1  }
0x171: {  	(xrf2) =	vadd.scan.msk.f32 $0xffff, v1;
	_ =	sdelay $0x9  }
0x172: {  	v1, _, _ =	vpop (xrf2)  }
0x173: {  	(v2sf) =	vpush v1, $0xF;
	_ =	sdelay $0xe  }
0x174: {  	s10 =	spop (v2sf)  }
0x175: {  	s10 =	smul.f32 $1.767766920e-01, s10;
	_ =	sdelay $0x1  }
0x176: {  	s10 =	smax.f32 s10, $-1.000000000e+01  }
0x177: {  	s10 =	smin.f32 s10, $1.000000000e+01  }
0x178: {  	v1 =	vmov s10  }
0x179: {  	v1 =	vmul.f32 $1.442695020e+00, v1;
	_ =	sdelay $0x1  }
0x17a: {  	v1 =	vbroadcast v1, $0x0;
	_ =	sdelay $0x1  }
0x17b: {  	(erf) = vpow2.f32 v1;
	_ =	sdelay $0x4  }
0x17c: {  	v1 =	vld [tilespmem:s2+$0xFFFFFFE0];
	_ =	sdelay $0x3  }
0x17d: {  	v37 =	vpop (erf)  }
0x17e: {  	v1 =	vmul.f32 v37, v1;
	_ =	sdelay $0x1  }
0x17f: {  	[tilespmem:s9+$0xFFFFFFD0] =	vst v1  }
0x180: {  	v1 =	vld [tilespmem:s2+$0xFFFFFFF0];
	_ =	sdelay $0x3  }
0x181: {  	v2 =	vnsel vm0, $0x0, v2  }
0x182: {  	v2 =	vsel vm1, v2, v3;
	v1 =	vmul.f32 v37, v1  }
0x183: {  	v2 =	vsel vm2, v2, v32  }
0x184: {  	[tilespmem:s9+$0xFFFFFFE0] =	vst v1;
	v1 =	vsel vm3, v2, v37  }
0x185: {  	[tilespmem:s9+$0xFFFFFFF0] =	vst v1  }
0x186: {  	v1 =	vld [tilespmem:s0+$0x0]  }
0x187: {  	v2 =	vld [tilespmem:s2+$0x0]  }
0x188: {  	v3 =	vld [tilespmem:s0+$0x10]  }
0x189: {  	v38 =	vld [tilespmem:s2+$0x10];
	_ =	sdelay $0x4  }
0x18a: {  	v1 =	vmul.f32 v2, v1;
	v2 =	vmul.f32 v38, v3;
	_ =	sdelay $0x1  }
0x18b: {  	v1 =	vadd.f32 v2, v1;
	_ =	sdelay $0x1  }
0x18c: {  	(xrf2) =	vadd.scan.msk.f32 $0xffff, v1;
	_ =	sdelay $0x9  }
0x18d: {  	v1, _, _ =	vpop (xrf2)  }
0x18e: {  	(v2sf) =	vpush v1, $0xF;
	_ =	sdelay $0xe  }
0x18f: {  	s10 =	spop (v2sf)  }
0x190: {  	s10 =	smul.f32 $1.767766920e-01, s10;
	_ =	sdelay $0x1  }
0x191: {  	s10 =	smax.f32 s10, $-1.000000000e+01  }
0x192: {  	s10 =	smin.f32 s10, $1.000000000e+01  }
0x193: {  	v1 =	vmov s10  }
0x194: {  	v1 =	vmul.f32 $1.442695020e+00, v1;
	_ =	sdelay $0x1  }
0x195: {  	v1 =	vbroadcast v1, $0x0;
	_ =	sdelay $0x1  }
0x196: {  	(erf) = vpow2.f32 v1;
	_ =	sdelay $0x4  }
0x197: {  	v1 =	vld [tilespmem:s2+$0x80];
	_ =	sdelay $0x3  }
0x198: {  	v2 =	vpop (erf)  }
0x199: {  	v1 =	vmul.f32 v2, v1;
	_ =	sdelay $0x1  }
0x19a: {  	[tilespmem:s9+$0x0] =	vst v1  }
0x19b: {  	v1 =	vld [tilespmem:s2+$0x90];
	_ =	sdelay $0x4  }
0x19c: {  	v1 =	vmul.f32 v2, v1;
	_ =	sdelay $0x1  }
0x19d: {  	[tilespmem:s9+$0x10] =	vst v1  }
0x19e: {  	v1 =	vld [tilespmem:s0+$0x20]  }
0x19f: {  	v3 =	vld [tilespmem:s2+$0x20]  }
0x1a0: {  	v39 =	vld [tilespmem:s0+$0x30]  }
0x1a1: {  	v40 =	vld [tilespmem:s2+$0x30];
	_ =	sdelay $0x4  }
0x1a2: {  	v1 =	vmul.f32 v3, v1;
	v3 =	vmul.f32 v40, v39;
	_ =	sdelay $0x1  }
0x1a3: {  	v1 =	vadd.f32 v3, v1;
	_ =	sdelay $0x1  }
0x1a4: {  	(xrf2) =	vadd.scan.msk.f32 $0xffff, v1;
	_ =	sdelay $0x9  }
0x1a5: {  	v1, _, _ =	vpop (xrf2)  }
0x1a6: {  	(v2sf) =	vpush v1, $0xF;
	_ =	sdelay $0xe  }
0x1a7: {  	s10 =	spop (v2sf)  }
0x1a8: {  	s10 =	smul.f32 $1.767766920e-01, s10;
	_ =	sdelay $0x1  }
0x1a9: {  	s10 =	smax.f32 s10, $-1.000000000e+01  }
0x1aa: {  	s10 =	smin.f32 s10, $1.000000000e+01  }
0x1ab: {  	v1 =	vmov s10  }
0x1ac: {  	v1 =	vmul.f32 $1.442695020e+00, v1;
	_ =	sdelay $0x1  }
0x1ad: {  	v1 =	vbroadcast v1, $0x0;
	_ =	sdelay $0x1  }
0x1ae: {  	(erf) = vpow2.f32 v1;
	_ =	sdelay $0x4  }
0x1af: {  	v1 =	vld [tilespmem:s2+$0xA0];
	_ =	sdelay $0x3  }
0x1b0: {  	v3 =	vpop (erf)  }
0x1b1: {  	v1 =	vmul.f32 v3, v1;
	_ =	sdelay $0x1  }
0x1b2: {  	[tilespmem:s9+$0x20] =	vst v1  }
0x1b3: {  	v1 =	vld [tilespmem:s2+$0xB0];
	_ =	sdelay $0x4  }
0x1b4: {  	v1 =	vmul.f32 v3, v1;
	_ =	sdelay $0x1  }
0x1b5: {  	[tilespmem:s9+$0x30] =	vst v1  }
0x1b6: {  	v1 =	vld [tilespmem:s0+$0x40]  }
0x1b7: {  	v41 =	vld [tilespmem:s2+$0x40]  }
0x1b8: {  	v42 =	vld [tilespmem:s0+$0x50]  }
0x1b9: {  	v43 =	vld [tilespmem:s2+$0x50];
	_ =	sdelay $0x4  }
0x1ba: {  	v1 =	vmul.f32 v41, v1;
	v44 =	vmul.f32 v43, v42;
	_ =	sdelay $0x1  }
0x1bb: {  	v1 =	vadd.f32 v44, v1;
	_ =	sdelay $0x1  }
0x1bc: {  	(xrf2) =	vadd.scan.msk.f32 $0xffff, v1;
	_ =	sdelay $0x9  }
0x1bd: {  	v1, _, _ =	vpop (xrf2)  }
0x1be: {  	(v2sf) =	vpush v1, $0xF;
	_ =	sdelay $0xe  }
0x1bf: {  	s10 =	spop (v2sf)  }
0x1c0: {  	s10 =	smul.f32 $1.767766920e-01, s10;
	_ =	sdelay $0x1  }
0x1c1: {  	s10 =	smax.f32 s10, $-1.000000000e+01  }
0x1c2: {  	s10 =	smin.f32 s10, $1.000000000e+01  }
0x1c3: {  	v1 =	vmov s10  }
0x1c4: {  	v1 =	vmul.f32 $1.442695020e+00, v1;
	_ =	sdelay $0x1  }
0x1c5: {  	v1 =	vbroadcast v1, $0x0;
	_ =	sdelay $0x1  }
0x1c6: {  	(erf) = vpow2.f32 v1;
	_ =	sdelay $0x4  }
0x1c7: {  	v1 =	vld [tilespmem:s2+$0xC0];
	_ =	sdelay $0x3  }
0x1c8: {  	v45 =	vpop (erf)  }
0x1c9: {  	v1 =	vmul.f32 v45, v1;
	_ =	sdelay $0x1  }
0x1ca: {  	[tilespmem:s9+$0x40] =	vst v1  }
0x1cb: {  	v1 =	vld [tilespmem:s2+$0xD0];
	_ =	sdelay $0x4  }
0x1cc: {  	v1 =	vmul.f32 v45, v1;
	_ =	sdelay $0x1  }
0x1cd: {  	[tilespmem:s9+$0x50] =	vst v1  }
0x1ce: {  	v1 =	vld [tilespmem:s0+$0x60]  }
0x1cf: {  	v46 =	vld [tilespmem:s2+$0x60]  }
0x1d0: {  	v47 =	vld [tilespmem:s0+$0x70]  }
0x1d1: {  	v48 =	vld [tilespmem:s2+$0x70];
	_ =	sdelay $0x4  }
0x1d2: {  	v1 =	vmul.f32 v46, v1;
	v49 =	vmul.f32 v48, v47;
	_ =	sdelay $0x1  }
0x1d3: {  	v1 =	vadd.f32 v49, v1;
	_ =	sdelay $0x1  }
0x1d4: {  	(xrf2) =	vadd.scan.msk.f32 $0xffff, v1;
	_ =	sdelay $0x9  }
0x1d5: {  	v1, _, _ =	vpop (xrf2)  }
0x1d6: {  	(v2sf) =	vpush v1, $0xF;
	_ =	sdelay $0xe  }
0x1d7: {  	s10 =	spop (v2sf)  }
0x1d8: {  	s10 =	smul.f32 $1.767766920e-01, s10;
	_ =	sdelay $0x1  }
0x1d9: {  	s10 =	smax.f32 s10, $-1.000000000e+01  }
0x1da: {  	s10 =	smin.f32 s10, $1.000000000e+01  }
0x1db: {  	v1 =	vmov s10  }
0x1dc: {  	v1 =	vmul.f32 $1.442695020e+00, v1;
	_ =	sdelay $0x1  }
0x1dd: {  	v1 =	vbroadcast v1, $0x0;
	_ =	sdelay $0x1  }
0x1de: {  	(erf) = vpow2.f32 v1;
	_ =	sdelay $0x4  }
0x1df: {  	v1 =	vld [tilespmem:s2+$0xE0];
	_ =	sdelay $0x3  }
0x1e0: {  	v50 =	vpop (erf)  }
0x1e1: {  	v1 =	vmul.f32 v50, v1;
	_ =	sdelay $0x1  }
0x1e2: {  	[tilespmem:s9+$0x60] =	vst v1  }
0x1e3: {  	v1 =	vld [tilespmem:s2+$0xF0];
	_ =	sdelay $0x3  }
0x1e4: {  	v2 =	vnsel vm0, $0x0, v2  }
0x1e5: {  	v2 =	vsel vm1, v2, v3;
	v1 =	vmul.f32 v50, v1  }
0x1e6: {  	v2 =	vsel vm2, v2, v45  }
0x1e7: {  	[tilespmem:s9+$0x70] =	vst v1;
	v1 =	vsel vm3, v2, v50  }
0x1e8: {  	[tilespmem:s9+$0x80] =	vst v1  }
0x1e9: {  	v1 =	vld [tilespmem:s0+$0x80]  }
0x1ea: {  	v2 =	vld [tilespmem:s2+$0x100]  }
0x1eb: {  	v3 =	vld [tilespmem:s0+$0x90]  }
0x1ec: {  	v51 =	vld [tilespmem:s2+$0x110];
	_ =	sdelay $0x4  }
0x1ed: {  	v1 =	vmul.f32 v2, v1;
	v2 =	vmul.f32 v51, v3;
	_ =	sdelay $0x1  }
0x1ee: {  	v1 =	vadd.f32 v2, v1;
	_ =	sdelay $0x1  }
0x1ef: {  	(xrf2) =	vadd.scan.msk.f32 $0xffff, v1;
	_ =	sdelay $0x9  }
0x1f0: {  	v1, _, _ =	vpop (xrf2)  }
0x1f1: {  	(v2sf) =	vpush v1, $0xF;
	_ =	sdelay $0xe  }
0x1f2: {  	s10 =	spop (v2sf)  }
0x1f3: {  	s10 =	smul.f32 $1.767766920e-01, s10;
	_ =	sdelay $0x1  }
0x1f4: {  	s10 =	smax.f32 s10, $-1.000000000e+01  }
0x1f5: {  	s10 =	smin.f32 s10, $1.000000000e+01  }
0x1f6: {  	v1 =	vmov s10  }
0x1f7: {  	v1 =	vmul.f32 $1.442695020e+00, v1;
	_ =	sdelay $0x1  }
0x1f8: {  	v1 =	vbroadcast v1, $0x0;
	_ =	sdelay $0x1  }
0x1f9: {  	(erf) = vpow2.f32 v1;
	_ =	sdelay $0x4  }
0x1fa: {  	v1 =	vld [tilespmem:s2+$0x180];
	_ =	sdelay $0x3  }
0x1fb: {  	v2 =	vpop (erf)  }
0x1fc: {  	v1 =	vmul.f32 v2, v1;
	_ =	sdelay $0x1  }
0x1fd: {  	[tilespmem:s9+$0x90] =	vst v1  }
0x1fe: {  	v1 =	vld [tilespmem:s2+$0x190];
	_ =	sdelay $0x4  }
0x1ff: {  	v1 =	vmul.f32 v2, v1;
	_ =	sdelay $0x1  }
0x200: {  	[tilespmem:s9+$0xA0] =	vst v1  }
0x201: {  	v1 =	vld [tilespmem:s0+$0xA0]  }
0x202: {  	v3 =	vld [tilespmem:s2+$0x120]  }
0x203: {  	v52 =	vld [tilespmem:s0+$0xB0]  }
0x204: {  	v53 =	vld [tilespmem:s2+$0x130];
	_ =	sdelay $0x4  }
0x205: {  	v1 =	vmul.f32 v3, v1;
	v3 =	vmul.f32 v53, v52;
	_ =	sdelay $0x1  }
0x206: {  	v1 =	vadd.f32 v3, v1;
	_ =	sdelay $0x1  }
0x207: {  	(xrf2) =	vadd.scan.msk.f32 $0xffff, v1;
	_ =	sdelay $0x9  }
0x208: {  	v1, _, _ =	vpop (xrf2)  }
0x209: {  	(v2sf) =	vpush v1, $0xF;
	_ =	sdelay $0xe  }
0x20a: {  	s10 =	spop (v2sf)  }
0x20b: {  	s10 =	smul.f32 $1.767766920e-01, s10;
	_ =	sdelay $0x1  }
0x20c: {  	s10 =	smax.f32 s10, $-1.000000000e+01  }
0x20d: {  	s10 =	smin.f32 s10, $1.000000000e+01  }
0x20e: {  	v1 =	vmov s10  }
0x20f: {  	v1 =	vmul.f32 $1.442695020e+00, v1;
	_ =	sdelay $0x1  }
0x210: {  	v1 =	vbroadcast v1, $0x0;
	_ =	sdelay $0x1  }
0x211: {  	(erf) = vpow2.f32 v1;
	_ =	sdelay $0x4  }
0x212: {  	v1 =	vld [tilespmem:s2+$0x1A0];
	_ =	sdelay $0x3  }
0x213: {  	v3 =	vpop (erf)  }
0x214: {  	v1 =	vmul.f32 v3, v1;
	_ =	sdelay $0x1  }
0x215: {  	[tilespmem:s9+$0xB0] =	vst v1  }
0x216: {  	v1 =	vld [tilespmem:s2+$0x1B0];
	_ =	sdelay $0x4  }
0x217: {  	v1 =	vmul.f32 v3, v1;
	_ =	sdelay $0x1  }
0x218: {  	[tilespmem:s9+$0xC0] =	vst v1  }
0x219: {  	v1 =	vld [tilespmem:s0+$0xC0]  }
0x21a: {  	v54 =	vld [tilespmem:s2+$0x140]  }
0x21b: {  	v55 =	vld [tilespmem:s0+$0xD0]  }
0x21c: {  	v56 =	vld [tilespmem:s2+$0x150];
	_ =	sdelay $0x4  }
0x21d: {  	v1 =	vmul.f32 v54, v1;
	v57 =	vmul.f32 v56, v55;
	_ =	sdelay $0x1  }
0x21e: {  	v1 =	vadd.f32 v57, v1;
	_ =	sdelay $0x1  }
0x21f: {  	(xrf2) =	vadd.scan.msk.f32 $0xffff, v1;
	_ =	sdelay $0x9  }
0x220: {  	v1, _, _ =	vpop (xrf2)  }
0x221: {  	(v2sf) =	vpush v1, $0xF;
	_ =	sdelay $0xe  }
0x222: {  	s10 =	spop (v2sf)  }
0x223: {  	s10 =	smul.f32 $1.767766920e-01, s10;
	_ =	sdelay $0x1  }
0x224: {  	s10 =	smax.f32 s10, $-1.000000000e+01  }
0x225: {  	s10 =	smin.f32 s10, $1.000000000e+01  }
0x226: {  	v1 =	vmov s10  }
0x227: {  	v1 =	vmul.f32 $1.442695020e+00, v1;
	_ =	sdelay $0x1  }
0x228: {  	v1 =	vbroadcast v1, $0x0;
	_ =	sdelay $0x1  }
0x229: {  	(erf) = vpow2.f32 v1;
	_ =	sdelay $0x4  }
0x22a: {  	v1 =	vld [tilespmem:s2+$0x1C0];
	_ =	sdelay $0x3  }
0x22b: {  	v58 =	vpop (erf)  }
0x22c: {  	v1 =	vmul.f32 v58, v1;
	_ =	sdelay $0x1  }
0x22d: {  	[tilespmem:s9+$0xD0] =	vst v1  }
0x22e: {  	v1 =	vld [tilespmem:s2+$0x1D0];
	_ =	sdelay $0x4  }
0x22f: {  	v1 =	vmul.f32 v58, v1;
	_ =	sdelay $0x1  }
0x230: {  	[tilespmem:s9+$0xE0] =	vst v1  }
0x231: {  	v1 =	vld [tilespmem:s0+$0xE0]  }
0x232: {  	v59 =	vld [tilespmem:s2+$0x160]  }
0x233: {  	v60 =	vld [tilespmem:s0+$0xF0]  }
0x234: {  	v61 =	vld [tilespmem:s2+$0x170];
	_ =	sdelay $0x4  }
0x235: {  	v1 =	vmul.f32 v59, v1;
	v62 =	vmul.f32 v61, v60;
	_ =	sdelay $0x1  }
0x236: {  	v1 =	vadd.f32 v62, v1;
	_ =	sdelay $0x1  }
0x237: {  	(xrf2) =	vadd.scan.msk.f32 $0xffff, v1;
	_ =	sdelay $0x9  }
0x238: {  	v1, _, _ =	vpop (xrf2)  }
0x239: {  	(v2sf) =	vpush v1, $0xF;
	_ =	sdelay $0xe  }
0x23a: {  	s10 =	spop (v2sf)  }
0x23b: {  	s10 =	smul.f32 $1.767766920e-01, s10;
	_ =	sdelay $0x1  }
0x23c: {  	s10 =	smax.f32 s10, $-1.000000000e+01  }
0x23d: {  	s10 =	smin.f32 s10, $1.000000000e+01  }
0x23e: {  	v1 =	vmov s10  }
0x23f: {  	v1 =	vmul.f32 $1.442695020e+00, v1;
	_ =	sdelay $0x1  }
0x240: {  	v1 =	vbroadcast v1, $0x0;
	_ =	sdelay $0x1  }
0x241: {  	(erf) = vpow2.f32 v1;
	_ =	sdelay $0x4  }
0x242: {  	v1 =	vld [tilespmem:s2+$0x1E0];
	_ =	sdelay $0x3  }
0x243: {  	v63 =	vpop (erf)  }
0x244: {  	v1 =	vmul.f32 v63, v1;
	_ =	sdelay $0x1  }
0x245: {  	[tilespmem:s9+$0xF0] =	vst v1  }
0x246: {  	v1 =	vld [tilespmem:s2+$0x1F0];
	_ =	sdelay $0x1  }
0x247: {  	s31 =	sadd.s32 $0x4, s31  }
0x248: {  	p0 =	slt.u32 s31, $0x24  }
.Ltmp1:
0x249: {  	v2 =	vnsel vm0, $0x0, v2;
	(pc) =	sbr.rel @p0 .LBB2_5-.Ltmp1, $4  }
0x24a: {  	v2 =	vsel vm1, v2, v3;
	v1 =	vmul.f32 v63, v1  }
0x24b: {  	v2 =	vsel vm2, v2, v58  }
0x24c: {  	[tilespmem:s9+$0x100] =	vst v1;
	v1 =	vsel vm3, v2, v63  }
0x24d: {  	s0 =	sadd.s32 $0x200, s0;
	s2 =	sadd.s32 $0x400, s2;
	[tilespmem:s9+$0x110] =	vst v1;
	s9 =	sadd.s32 $0x240, s9  }
0x24e: {  	[spmem:s3] =	stream.indirect.scatter.add.f32 [tilespmem:s15], [sflag:$0x5], $0x90, s17, s19, $0xb8;
	[tilespmem:$0x1EEB0] =	vst v63  }
0x24f: {  	p0 =	seq.s32 s29, $0x7C  }
0x250: {  	_ =	swait.ge [sflag:s16], $0x1680;
	s0 =	sadd.s32 @!p0 s30, s12  }
0x251: {  	s9 =	simm.s32 @!p0 $0x0;
	[sflag:s16] =	ssyncset.done $0x0;
	s0 =	sshrl.u32 @!p0 s0, $0x3  }
0x252: {  	s10 =	simm.s32 @!p0 $0x15F90;
	[sflag:s16] =	ssyncadd.s32 $0xFFFFE980;
	s2 =	sadd.s32 @!p0 s6, s0  }
0x253: {  	[tilespmem:s10], [sflag:$0x5] =	stream.linear.gather @!p0 [hbm4b:s2+s9], $0x28, $0x38;
	[tilespmem:$0x1EEB0] =	vst v63  }
0x254: {  	s2 =	simm.s32 @!p0 $0x5  }
0x255: {  	_ =	swait.ge @!p0 [sflag:s2], $0x28  }
0x256: {  	[sflag:s2] =	ssyncset.done @!p0 $0x0  }
0x257: {  	s30 =	simm.s32 @!p0 $0x15FB8;
	s0 =	sadd.s32 @!p0 s7, s0;
	[sflag:s2] =	ssyncadd.s32 @!p0 $0xFFFFFFD8  }
0x258: {  	[tilespmem:s30], [sflag:$0x5] =	stream.linear.gather @!p0 [hbm4b:s0+s9], $0x28, $0x38;
	[tilespmem:$0x1EEB0] =	vst v63  }
0x259: {  	_ =	swait.ge @!p0 [sflag:s2], $0x28  }
0x25a: {  	[sflag:s2] =	ssyncset.done @!p0 $0x0  }
0x25b: {  	s0 =	simm.s32 @!p0 $0x28;
	[sflag:s2] =	ssyncadd.s32 @!p0 $0xFFFFFFD8;
	s2 =	simm.s32 @!p0 $0x16030  }
0x25c: {  	[tilespmem:s2], [sflag:$0x1] =	stream.indirect.gather @!p0 [hbm4b:s1+s0], $0x80, s10, s0, $0xb8;
	[tilespmem:$0x1EEB0] =	vst v63  }
0x25d: {  	s2 =	simm.s32 @!p0 $0x18830  }
0x25e: {  	[tilespmem:s2], [sflag:$0x2] =	stream.indirect.gather @!p0 [hbm4b:s5+s0], $0x100, s30, s0, $0xb8;
	[tilespmem:$0x1EEB0] =	vst v63  }
0x25f: {  	_ =	swait.ge [sflag:s18], $0x1400  }
0x260: {  	[sflag:s18] =	ssyncset.done $0x0  }
0x261: {  	[sflag:s18] =	ssyncadd.s32 $0xFFFFEC00  }
0x262: {  	_ =	swait.ge [sflag:s26], $0x2800  }
0x263: {  	s9 =	simm.s32 $0x1D950;
	s30 =	simm.s32 $0xFFFFFFFC;
	[sflag:s26] =	ssyncset.done $0x0  }
0x264: {  	s0 =	simm.s32 $0x17530;
	s2 =	simm.s32 $0x1B230;
	[sflag:s26] =	ssyncadd.s32 $0xFFFFD800  }
.LBB2_7:
0x265: {  	v1 =	vld [tilespmem:s0+$0xFFFFFF00]  }
0x266: {  	v2 =	vld [tilespmem:s2+$0xFFFFFE00]  }
0x267: {  	v3 =	vld [tilespmem:s0+$0xFFFFFF10]  }
0x268: {  	v4 =	vld [tilespmem:s2+$0xFFFFFE10];
	_ =	sdelay $0x4  }
0x269: {  	v1 =	vmul.f32 v2, v1;
	v2 =	vmul.f32 v4, v3;
	_ =	sdelay $0x1  }
0x26a: {  	v1 =	vadd.f32 v2, v1;
	_ =	sdelay $0x1  }
0x26b: {  	(xrf2) =	vadd.scan.msk.f32 $0xffff, v1;
	_ =	sdelay $0x9  }
0x26c: {  	v1, _, _ =	vpop (xrf2)  }
0x26d: {  	(v2sf) =	vpush v1, $0xF;
	_ =	sdelay $0xe  }
0x26e: {  	s10 =	spop (v2sf)  }
0x26f: {  	s10 =	smul.f32 $1.767766920e-01, s10;
	_ =	sdelay $0x1  }
0x270: {  	s10 =	smax.f32 s10, $-1.000000000e+01  }
0x271: {  	s10 =	smin.f32 s10, $1.000000000e+01  }
0x272: {  	v1 =	vmov s10  }
0x273: {  	v1 =	vmul.f32 $1.442695020e+00, v1;
	_ =	sdelay $0x1  }
0x274: {  	v1 =	vbroadcast v1, $0x0;
	_ =	sdelay $0x1  }
0x275: {  	(erf) = vpow2.f32 v1;
	_ =	sdelay $0x4  }
0x276: {  	v1 =	vld [tilespmem:s2+$0xFFFFFE80];
	_ =	sdelay $0x3  }
0x277: {  	v2 =	vpop (erf)  }
0x278: {  	v1 =	vmul.f32 v2, v1;
	_ =	sdelay $0x1  }
0x279: {  	[tilespmem:s9+$0xFFFFFEE0] =	vst v1  }
0x27a: {  	v1 =	vld [tilespmem:s2+$0xFFFFFE90];
	_ =	sdelay $0x4  }
0x27b: {  	v1 =	vmul.f32 v2, v1;
	_ =	sdelay $0x1  }
0x27c: {  	[tilespmem:s9+$0xFFFFFEF0] =	vst v1  }
0x27d: {  	v1 =	vld [tilespmem:s0+$0xFFFFFF20]  }
0x27e: {  	v3 =	vld [tilespmem:s2+$0xFFFFFE20]  }
0x27f: {  	v16 =	vld [tilespmem:s0+$0xFFFFFF30]  }
0x280: {  	v5 =	vld [tilespmem:s2+$0xFFFFFE30];
	_ =	sdelay $0x4  }
0x281: {  	v1 =	vmul.f32 v3, v1;
	v3 =	vmul.f32 v5, v16;
	_ =	sdelay $0x1  }
0x282: {  	v1 =	vadd.f32 v3, v1;
	_ =	sdelay $0x1  }
0x283: {  	(xrf2) =	vadd.scan.msk.f32 $0xffff, v1;
	_ =	sdelay $0x9  }
0x284: {  	v1, _, _ =	vpop (xrf2)  }
0x285: {  	(v2sf) =	vpush v1, $0xF;
	_ =	sdelay $0xe  }
0x286: {  	s31 =	spop (v2sf)  }
0x287: {  	s10 =	smul.f32 $1.767766920e-01, s31;
	_ =	sdelay $0x1  }
0x288: {  	s10 =	smax.f32 s10, $-1.000000000e+01  }
0x289: {  	s10 =	smin.f32 s10, $1.000000000e+01  }
0x28a: {  	v1 =	vmov s10  }
0x28b: {  	v1 =	vmul.f32 $1.442695020e+00, v1;
	_ =	sdelay $0x1  }
0x28c: {  	v1 =	vbroadcast v1, $0x0;
	_ =	sdelay $0x1  }
0x28d: {  	(erf) = vpow2.f32 v1;
	_ =	sdelay $0x4  }
0x28e: {  	v1 =	vld [tilespmem:s2+$0xFFFFFEA0];
	_ =	sdelay $0x3  }
0x28f: {  	v3 =	vpop (erf)  }
0x290: {  	v1 =	vmul.f32 v3, v1;
	_ =	sdelay $0x1  }
0x291: {  	[tilespmem:s9+$0xFFFFFF00] =	vst v1  }
0x292: {  	v1 =	vld [tilespmem:s2+$0xFFFFFEB0];
	_ =	sdelay $0x4  }
0x293: {  	v1 =	vmul.f32 v3, v1;
	_ =	sdelay $0x1  }
0x294: {  	[tilespmem:s9+$0xFFFFFF10] =	vst v1  }
0x295: {  	v1 =	vld [tilespmem:s0+$0xFFFFFF40]  }
0x296: {  	v17 =	vld [tilespmem:s2+$0xFFFFFE40]  }
0x297: {  	v18 =	vld [tilespmem:s0+$0xFFFFFF50]  }
0x298: {  	v6 =	vld [tilespmem:s2+$0xFFFFFE50];
	_ =	sdelay $0x4  }
0x299: {  	v1 =	vmul.f32 v17, v1;
	v19 =	vmul.f32 v6, v18;
	_ =	sdelay $0x1  }
0x29a: {  	v1 =	vadd.f32 v19, v1;
	_ =	sdelay $0x1  }
0x29b: {  	(xrf2) =	vadd.scan.msk.f32 $0xffff, v1;
	_ =	sdelay $0x9  }
0x29c: {  	v1, _, _ =	vpop (xrf2)  }
0x29d: {  	(v2sf) =	vpush v1, $0xF;
	_ =	sdelay $0xe  }
0x29e: {  	s31 =	spop (v2sf)  }
0x29f: {  	s10 =	smul.f32 $1.767766920e-01, s31;
	_ =	sdelay $0x1  }
0x2a0: {  	s10 =	smax.f32 s10, $-1.000000000e+01  }
0x2a1: {  	s10 =	smin.f32 s10, $1.000000000e+01  }
0x2a2: {  	v1 =	vmov s10  }
0x2a3: {  	v1 =	vmul.f32 $1.442695020e+00, v1;
	_ =	sdelay $0x1  }
0x2a4: {  	v1 =	vbroadcast v1, $0x0;
	_ =	sdelay $0x1  }
0x2a5: {  	(erf) = vpow2.f32 v1;
	_ =	sdelay $0x4  }
0x2a6: {  	v1 =	vld [tilespmem:s2+$0xFFFFFEC0];
	_ =	sdelay $0x3  }
0x2a7: {  	v20 =	vpop (erf)  }
0x2a8: {  	v1 =	vmul.f32 v20, v1;
	_ =	sdelay $0x1  }
0x2a9: {  	[tilespmem:s9+$0xFFFFFF20] =	vst v1  }
0x2aa: {  	v1 =	vld [tilespmem:s2+$0xFFFFFED0];
	_ =	sdelay $0x4  }
0x2ab: {  	v1 =	vmul.f32 v20, v1;
	_ =	sdelay $0x1  }
0x2ac: {  	[tilespmem:s9+$0xFFFFFF30] =	vst v1  }
0x2ad: {  	v1 =	vld [tilespmem:s0+$0xFFFFFF60]  }
0x2ae: {  	v21 =	vld [tilespmem:s2+$0xFFFFFE60]  }
0x2af: {  	v22 =	vld [tilespmem:s0+$0xFFFFFF70]  }
0x2b0: {  	v7 =	vld [tilespmem:s2+$0xFFFFFE70];
	_ =	sdelay $0x4  }
0x2b1: {  	v1 =	vmul.f32 v21, v1;
	v23 =	vmul.f32 v7, v22;
	_ =	sdelay $0x1  }
0x2b2: {  	v1 =	vadd.f32 v23, v1;
	_ =	sdelay $0x1  }
0x2b3: {  	(xrf2) =	vadd.scan.msk.f32 $0xffff, v1;
	_ =	sdelay $0x9  }
0x2b4: {  	v1, _, _ =	vpop (xrf2)  }
0x2b5: {  	(v2sf) =	vpush v1, $0xF;
	_ =	sdelay $0xe  }
0x2b6: {  	s31 =	spop (v2sf)  }
0x2b7: {  	s10 =	smul.f32 $1.767766920e-01, s31;
	_ =	sdelay $0x1  }
0x2b8: {  	s10 =	smax.f32 s10, $-1.000000000e+01  }
0x2b9: {  	s10 =	smin.f32 s10, $1.000000000e+01  }
0x2ba: {  	v1 =	vmov s10  }
0x2bb: {  	v1 =	vmul.f32 $1.442695020e+00, v1;
	_ =	sdelay $0x1  }
0x2bc: {  	v1 =	vbroadcast v1, $0x0;
	_ =	sdelay $0x1  }
0x2bd: {  	(erf) = vpow2.f32 v1;
	_ =	sdelay $0x4  }
0x2be: {  	v1 =	vld [tilespmem:s2+$0xFFFFFEE0];
	_ =	sdelay $0x3  }
0x2bf: {  	v24 =	vpop (erf)  }
0x2c0: {  	v1 =	vmul.f32 v24, v1;
	_ =	sdelay $0x1  }
0x2c1: {  	[tilespmem:s9+$0xFFFFFF40] =	vst v1  }
0x2c2: {  	v1 =	vld [tilespmem:s2+$0xFFFFFEF0];
	_ =	sdelay $0x3  }
0x2c3: {  	v2 =	vnsel vm0, $0x0, v2  }
0x2c4: {  	v2 =	vsel vm1, v2, v3;
	v1 =	vmul.f32 v24, v1  }
0x2c5: {  	v2 =	vsel vm2, v2, v20  }
0x2c6: {  	[tilespmem:s9+$0xFFFFFF50] =	vst v1;
	v1 =	vsel vm3, v2, v24  }
0x2c7: {  	[tilespmem:s9+$0xFFFFFF60] =	vst v1  }
0x2c8: {  	v1 =	vld [tilespmem:s0+$0xFFFFFF80]  }
0x2c9: {  	v2 =	vld [tilespmem:s2+$0xFFFFFF00]  }
0x2ca: {  	v3 =	vld [tilespmem:s0+$0xFFFFFF90]  }
0x2cb: {  	v25 =	vld [tilespmem:s2+$0xFFFFFF10];
	_ =	sdelay $0x4  }
0x2cc: {  	v1 =	vmul.f32 v2, v1;
	v2 =	vmul.f32 v25, v3;
	_ =	sdelay $0x1  }
0x2cd: {  	v1 =	vadd.f32 v2, v1;
	_ =	sdelay $0x1  }
0x2ce: {  	(xrf2) =	vadd.scan.msk.f32 $0xffff, v1;
	_ =	sdelay $0x9  }
0x2cf: {  	v1, _, _ =	vpop (xrf2)  }
0x2d0: {  	(v2sf) =	vpush v1, $0xF;
	_ =	sdelay $0xe  }
0x2d1: {  	s31 =	spop (v2sf)  }
0x2d2: {  	s10 =	smul.f32 $1.767766920e-01, s31;
	_ =	sdelay $0x1  }
0x2d3: {  	s10 =	smax.f32 s10, $-1.000000000e+01  }
0x2d4: {  	s10 =	smin.f32 s10, $1.000000000e+01  }
0x2d5: {  	v1 =	vmov s10  }
0x2d6: {  	v1 =	vmul.f32 $1.442695020e+00, v1;
	_ =	sdelay $0x1  }
0x2d7: {  	v1 =	vbroadcast v1, $0x0;
	_ =	sdelay $0x1  }
0x2d8: {  	(erf) = vpow2.f32 v1;
	_ =	sdelay $0x4  }
0x2d9: {  	v1 =	vld [tilespmem:s2+$0xFFFFFF80];
	_ =	sdelay $0x3  }
0x2da: {  	v2 =	vpop (erf)  }
0x2db: {  	v1 =	vmul.f32 v2, v1;
	_ =	sdelay $0x1  }
0x2dc: {  	[tilespmem:s9+$0xFFFFFF70] =	vst v1  }
0x2dd: {  	v1 =	vld [tilespmem:s2+$0xFFFFFF90];
	_ =	sdelay $0x4  }
0x2de: {  	v1 =	vmul.f32 v2, v1;
	_ =	sdelay $0x1  }
0x2df: {  	[tilespmem:s9+$0xFFFFFF80] =	vst v1  }
0x2e0: {  	v1 =	vld [tilespmem:s0+$0xFFFFFFA0]  }
0x2e1: {  	v3 =	vld [tilespmem:s2+$0xFFFFFF20]  }
0x2e2: {  	v26 =	vld [tilespmem:s0+$0xFFFFFFB0]  }
0x2e3: {  	v27 =	vld [tilespmem:s2+$0xFFFFFF30];
	_ =	sdelay $0x4  }
0x2e4: {  	v1 =	vmul.f32 v3, v1;
	v3 =	vmul.f32 v27, v26;
	_ =	sdelay $0x1  }
0x2e5: {  	v1 =	vadd.f32 v3, v1;
	_ =	sdelay $0x1  }
0x2e6: {  	(xrf2) =	vadd.scan.msk.f32 $0xffff, v1;
	_ =	sdelay $0x9  }
0x2e7: {  	v1, _, _ =	vpop (xrf2)  }
0x2e8: {  	(v2sf) =	vpush v1, $0xF;
	_ =	sdelay $0xe  }
0x2e9: {  	s31 =	spop (v2sf)  }
0x2ea: {  	s10 =	smul.f32 $1.767766920e-01, s31;
	_ =	sdelay $0x1  }
0x2eb: {  	s10 =	smax.f32 s10, $-1.000000000e+01  }
0x2ec: {  	s10 =	smin.f32 s10, $1.000000000e+01  }
0x2ed: {  	v1 =	vmov s10  }
0x2ee: {  	v1 =	vmul.f32 $1.442695020e+00, v1;
	_ =	sdelay $0x1  }
0x2ef: {  	v1 =	vbroadcast v1, $0x0;
	_ =	sdelay $0x1  }
0x2f0: {  	(erf) = vpow2.f32 v1;
	_ =	sdelay $0x4  }
0x2f1: {  	v1 =	vld [tilespmem:s2+$0xFFFFFFA0];
	_ =	sdelay $0x3  }
0x2f2: {  	v3 =	vpop (erf)  }
0x2f3: {  	v1 =	vmul.f32 v3, v1;
	_ =	sdelay $0x1  }
0x2f4: {  	[tilespmem:s9+$0xFFFFFF90] =	vst v1  }
0x2f5: {  	v1 =	vld [tilespmem:s2+$0xFFFFFFB0];
	_ =	sdelay $0x4  }
0x2f6: {  	v1 =	vmul.f32 v3, v1;
	_ =	sdelay $0x1  }
0x2f7: {  	[tilespmem:s9+$0xFFFFFFA0] =	vst v1  }
0x2f8: {  	v1 =	vld [tilespmem:s0+$0xFFFFFFC0]  }
0x2f9: {  	v28 =	vld [tilespmem:s2+$0xFFFFFF40]  }
0x2fa: {  	v29 =	vld [tilespmem:s0+$0xFFFFFFD0]  }
0x2fb: {  	v30 =	vld [tilespmem:s2+$0xFFFFFF50];
	_ =	sdelay $0x4  }
0x2fc: {  	v1 =	vmul.f32 v28, v1;
	v31 =	vmul.f32 v30, v29;
	_ =	sdelay $0x1  }
0x2fd: {  	v1 =	vadd.f32 v31, v1;
	_ =	sdelay $0x1  }
0x2fe: {  	(xrf2) =	vadd.scan.msk.f32 $0xffff, v1;
	_ =	sdelay $0x9  }
0x2ff: {  	v1, _, _ =	vpop (xrf2)  }
0x300: {  	(v2sf) =	vpush v1, $0xF;
	_ =	sdelay $0xe  }
0x301: {  	s31 =	spop (v2sf)  }
0x302: {  	s10 =	smul.f32 $1.767766920e-01, s31;
	_ =	sdelay $0x1  }
0x303: {  	s10 =	smax.f32 s10, $-1.000000000e+01  }
0x304: {  	s10 =	smin.f32 s10, $1.000000000e+01  }
0x305: {  	v1 =	vmov s10  }
0x306: {  	v1 =	vmul.f32 $1.442695020e+00, v1;
	_ =	sdelay $0x1  }
0x307: {  	v1 =	vbroadcast v1, $0x0;
	_ =	sdelay $0x1  }
0x308: {  	(erf) = vpow2.f32 v1;
	_ =	sdelay $0x4  }
0x309: {  	v1 =	vld [tilespmem:s2+$0xFFFFFFC0];
	_ =	sdelay $0x3  }
0x30a: {  	v32 =	vpop (erf)  }
0x30b: {  	v1 =	vmul.f32 v32, v1;
	_ =	sdelay $0x1  }
0x30c: {  	[tilespmem:s9+$0xFFFFFFB0] =	vst v1  }
0x30d: {  	v1 =	vld [tilespmem:s2+$0xFFFFFFD0];
	_ =	sdelay $0x4  }
0x30e: {  	v1 =	vmul.f32 v32, v1;
	_ =	sdelay $0x1  }
0x30f: {  	[tilespmem:s9+$0xFFFFFFC0] =	vst v1  }
0x310: {  	v1 =	vld [tilespmem:s0+$0xFFFFFFE0]  }
0x311: {  	v33 =	vld [tilespmem:s2+$0xFFFFFF60]  }
0x312: {  	v34 =	vld [tilespmem:s0+$0xFFFFFFF0]  }
0x313: {  	v35 =	vld [tilespmem:s2+$0xFFFFFF70];
	_ =	sdelay $0x4  }
0x314: {  	v1 =	vmul.f32 v33, v1;
	v36 =	vmul.f32 v35, v34;
	_ =	sdelay $0x1  }
0x315: {  	v1 =	vadd.f32 v36, v1;
	_ =	sdelay $0x1  }
0x316: {  	(xrf2) =	vadd.scan.msk.f32 $0xffff, v1;
	_ =	sdelay $0x9  }
0x317: {  	v1, _, _ =	vpop (xrf2)  }
0x318: {  	(v2sf) =	vpush v1, $0xF;
	_ =	sdelay $0xe  }
0x319: {  	s31 =	spop (v2sf)  }
0x31a: {  	s10 =	smul.f32 $1.767766920e-01, s31;
	_ =	sdelay $0x1  }
0x31b: {  	s10 =	smax.f32 s10, $-1.000000000e+01  }
0x31c: {  	s10 =	smin.f32 s10, $1.000000000e+01  }
0x31d: {  	v1 =	vmov s10  }
0x31e: {  	v1 =	vmul.f32 $1.442695020e+00, v1;
	_ =	sdelay $0x1  }
0x31f: {  	v1 =	vbroadcast v1, $0x0;
	_ =	sdelay $0x1  }
0x320: {  	(erf) = vpow2.f32 v1;
	_ =	sdelay $0x4  }
0x321: {  	v1 =	vld [tilespmem:s2+$0xFFFFFFE0];
	_ =	sdelay $0x3  }
0x322: {  	v37 =	vpop (erf)  }
0x323: {  	v1 =	vmul.f32 v37, v1;
	_ =	sdelay $0x1  }
0x324: {  	[tilespmem:s9+$0xFFFFFFD0] =	vst v1  }
0x325: {  	v1 =	vld [tilespmem:s2+$0xFFFFFFF0];
	_ =	sdelay $0x3  }
0x326: {  	v2 =	vnsel vm0, $0x0, v2  }
0x327: {  	v2 =	vsel vm1, v2, v3;
	v1 =	vmul.f32 v37, v1  }
0x328: {  	v2 =	vsel vm2, v2, v32  }
0x329: {  	[tilespmem:s9+$0xFFFFFFE0] =	vst v1;
	v1 =	vsel vm3, v2, v37  }
0x32a: {  	[tilespmem:s9+$0xFFFFFFF0] =	vst v1  }
0x32b: {  	v1 =	vld [tilespmem:s0+$0x0]  }
0x32c: {  	v2 =	vld [tilespmem:s2+$0x0]  }
0x32d: {  	v3 =	vld [tilespmem:s0+$0x10]  }
0x32e: {  	v38 =	vld [tilespmem:s2+$0x10];
	_ =	sdelay $0x4  }
0x32f: {  	v1 =	vmul.f32 v2, v1;
	v2 =	vmul.f32 v38, v3;
	_ =	sdelay $0x1  }
0x330: {  	v1 =	vadd.f32 v2, v1;
	_ =	sdelay $0x1  }
0x331: {  	(xrf2) =	vadd.scan.msk.f32 $0xffff, v1;
	_ =	sdelay $0x9  }
0x332: {  	v1, _, _ =	vpop (xrf2)  }
0x333: {  	(v2sf) =	vpush v1, $0xF;
	_ =	sdelay $0xe  }
0x334: {  	s31 =	spop (v2sf)  }
0x335: {  	s10 =	smul.f32 $1.767766920e-01, s31;
	_ =	sdelay $0x1  }
0x336: {  	s10 =	smax.f32 s10, $-1.000000000e+01  }
0x337: {  	s10 =	smin.f32 s10, $1.000000000e+01  }
0x338: {  	v1 =	vmov s10  }
0x339: {  	v1 =	vmul.f32 $1.442695020e+00, v1;
	_ =	sdelay $0x1  }
0x33a: {  	v1 =	vbroadcast v1, $0x0;
	_ =	sdelay $0x1  }
0x33b: {  	(erf) = vpow2.f32 v1;
	_ =	sdelay $0x4  }
0x33c: {  	v1 =	vld [tilespmem:s2+$0x80];
	_ =	sdelay $0x3  }
0x33d: {  	v2 =	vpop (erf)  }
0x33e: {  	v1 =	vmul.f32 v2, v1;
	_ =	sdelay $0x1  }
0x33f: {  	[tilespmem:s9+$0x0] =	vst v1  }
0x340: {  	v1 =	vld [tilespmem:s2+$0x90];
	_ =	sdelay $0x4  }
0x341: {  	v1 =	vmul.f32 v2, v1;
	_ =	sdelay $0x1  }
0x342: {  	[tilespmem:s9+$0x10] =	vst v1  }
0x343: {  	v1 =	vld [tilespmem:s0+$0x20]  }
0x344: {  	v3 =	vld [tilespmem:s2+$0x20]  }
0x345: {  	v39 =	vld [tilespmem:s0+$0x30]  }
0x346: {  	v40 =	vld [tilespmem:s2+$0x30];
	_ =	sdelay $0x4  }
0x347: {  	v1 =	vmul.f32 v3, v1;
	v3 =	vmul.f32 v40, v39;
	_ =	sdelay $0x1  }
0x348: {  	v1 =	vadd.f32 v3, v1;
	_ =	sdelay $0x1  }
0x349: {  	(xrf2) =	vadd.scan.msk.f32 $0xffff, v1;
	_ =	sdelay $0x9  }
0x34a: {  	v1, _, _ =	vpop (xrf2)  }
0x34b: {  	(v2sf) =	vpush v1, $0xF;
	_ =	sdelay $0xe  }
0x34c: {  	s31 =	spop (v2sf)  }
0x34d: {  	s10 =	smul.f32 $1.767766920e-01, s31;
	_ =	sdelay $0x1  }
0x34e: {  	s10 =	smax.f32 s10, $-1.000000000e+01  }
0x34f: {  	s10 =	smin.f32 s10, $1.000000000e+01  }
0x350: {  	v1 =	vmov s10  }
0x351: {  	v1 =	vmul.f32 $1.442695020e+00, v1;
	_ =	sdelay $0x1  }
0x352: {  	v1 =	vbroadcast v1, $0x0;
	_ =	sdelay $0x1  }
0x353: {  	(erf) = vpow2.f32 v1;
	_ =	sdelay $0x4  }
0x354: {  	v1 =	vld [tilespmem:s2+$0xA0];
	_ =	sdelay $0x3  }
0x355: {  	v3 =	vpop (erf)  }
0x356: {  	v1 =	vmul.f32 v3, v1;
	_ =	sdelay $0x1  }
0x357: {  	[tilespmem:s9+$0x20] =	vst v1  }
0x358: {  	v1 =	vld [tilespmem:s2+$0xB0];
	_ =	sdelay $0x4  }
0x359: {  	v1 =	vmul.f32 v3, v1;
	_ =	sdelay $0x1  }
0x35a: {  	[tilespmem:s9+$0x30] =	vst v1  }
0x35b: {  	v1 =	vld [tilespmem:s0+$0x40]  }
0x35c: {  	v41 =	vld [tilespmem:s2+$0x40]  }
0x35d: {  	v42 =	vld [tilespmem:s0+$0x50]  }
0x35e: {  	v43 =	vld [tilespmem:s2+$0x50];
	_ =	sdelay $0x4  }
0x35f: {  	v1 =	vmul.f32 v41, v1;
	v44 =	vmul.f32 v43, v42;
	_ =	sdelay $0x1  }
0x360: {  	v1 =	vadd.f32 v44, v1;
	_ =	sdelay $0x1  }
0x361: {  	(xrf2) =	vadd.scan.msk.f32 $0xffff, v1;
	_ =	sdelay $0x9  }
0x362: {  	v1, _, _ =	vpop (xrf2)  }
0x363: {  	(v2sf) =	vpush v1, $0xF;
	_ =	sdelay $0xe  }
0x364: {  	s31 =	spop (v2sf)  }
0x365: {  	s10 =	smul.f32 $1.767766920e-01, s31;
	_ =	sdelay $0x1  }
0x366: {  	s10 =	smax.f32 s10, $-1.000000000e+01  }
0x367: {  	s10 =	smin.f32 s10, $1.000000000e+01  }
0x368: {  	v1 =	vmov s10  }
0x369: {  	v1 =	vmul.f32 $1.442695020e+00, v1;
	_ =	sdelay $0x1  }
0x36a: {  	v1 =	vbroadcast v1, $0x0;
	_ =	sdelay $0x1  }
0x36b: {  	(erf) = vpow2.f32 v1;
	_ =	sdelay $0x4  }
0x36c: {  	v1 =	vld [tilespmem:s2+$0xC0];
	_ =	sdelay $0x3  }
0x36d: {  	v45 =	vpop (erf)  }
0x36e: {  	v1 =	vmul.f32 v45, v1;
	_ =	sdelay $0x1  }
0x36f: {  	[tilespmem:s9+$0x40] =	vst v1  }
0x370: {  	v1 =	vld [tilespmem:s2+$0xD0];
	_ =	sdelay $0x4  }
0x371: {  	v1 =	vmul.f32 v45, v1;
	_ =	sdelay $0x1  }
0x372: {  	[tilespmem:s9+$0x50] =	vst v1  }
0x373: {  	v1 =	vld [tilespmem:s0+$0x60]  }
0x374: {  	v46 =	vld [tilespmem:s2+$0x60]  }
0x375: {  	v47 =	vld [tilespmem:s0+$0x70]  }
0x376: {  	v48 =	vld [tilespmem:s2+$0x70];
	_ =	sdelay $0x4  }
0x377: {  	v1 =	vmul.f32 v46, v1;
	v49 =	vmul.f32 v48, v47;
	_ =	sdelay $0x1  }
0x378: {  	v1 =	vadd.f32 v49, v1;
	_ =	sdelay $0x1  }
0x379: {  	(xrf2) =	vadd.scan.msk.f32 $0xffff, v1;
	_ =	sdelay $0x9  }
0x37a: {  	v1, _, _ =	vpop (xrf2)  }
0x37b: {  	(v2sf) =	vpush v1, $0xF;
	_ =	sdelay $0xe  }
0x37c: {  	s31 =	spop (v2sf)  }
0x37d: {  	s10 =	smul.f32 $1.767766920e-01, s31;
	_ =	sdelay $0x1  }
0x37e: {  	s10 =	smax.f32 s10, $-1.000000000e+01  }
0x37f: {  	s10 =	smin.f32 s10, $1.000000000e+01  }
0x380: {  	v1 =	vmov s10  }
0x381: {  	v1 =	vmul.f32 $1.442695020e+00, v1;
	_ =	sdelay $0x1  }
0x382: {  	v1 =	vbroadcast v1, $0x0;
	_ =	sdelay $0x1  }
0x383: {  	(erf) = vpow2.f32 v1;
	_ =	sdelay $0x4  }
0x384: {  	v1 =	vld [tilespmem:s2+$0xE0];
	_ =	sdelay $0x3  }
0x385: {  	v50 =	vpop (erf)  }
0x386: {  	v1 =	vmul.f32 v50, v1;
	_ =	sdelay $0x1  }
0x387: {  	[tilespmem:s9+$0x60] =	vst v1  }
0x388: {  	v1 =	vld [tilespmem:s2+$0xF0];
	_ =	sdelay $0x3  }
0x389: {  	v2 =	vnsel vm0, $0x0, v2  }
0x38a: {  	v2 =	vsel vm1, v2, v3;
	v1 =	vmul.f32 v50, v1  }
0x38b: {  	v2 =	vsel vm2, v2, v45  }
0x38c: {  	[tilespmem:s9+$0x70] =	vst v1;
	v1 =	vsel vm3, v2, v50  }
0x38d: {  	[tilespmem:s9+$0x80] =	vst v1  }
0x38e: {  	v1 =	vld [tilespmem:s0+$0x80]  }
0x38f: {  	v2 =	vld [tilespmem:s2+$0x100]  }
0x390: {  	v3 =	vld [tilespmem:s0+$0x90]  }
0x391: {  	v51 =	vld [tilespmem:s2+$0x110];
	_ =	sdelay $0x4  }
0x392: {  	v1 =	vmul.f32 v2, v1;
	v2 =	vmul.f32 v51, v3;
	_ =	sdelay $0x1  }
0x393: {  	v1 =	vadd.f32 v2, v1;
	_ =	sdelay $0x1  }
0x394: {  	(xrf2) =	vadd.scan.msk.f32 $0xffff, v1;
	_ =	sdelay $0x9  }
0x395: {  	v1, _, _ =	vpop (xrf2)  }
0x396: {  	(v2sf) =	vpush v1, $0xF;
	_ =	sdelay $0xe  }
0x397: {  	s31 =	spop (v2sf)  }
0x398: {  	s10 =	smul.f32 $1.767766920e-01, s31;
	_ =	sdelay $0x1  }
0x399: {  	s10 =	smax.f32 s10, $-1.000000000e+01  }
0x39a: {  	s10 =	smin.f32 s10, $1.000000000e+01  }
0x39b: {  	v1 =	vmov s10  }
0x39c: {  	v1 =	vmul.f32 $1.442695020e+00, v1;
	_ =	sdelay $0x1  }
0x39d: {  	v1 =	vbroadcast v1, $0x0;
	_ =	sdelay $0x1  }
0x39e: {  	(erf) = vpow2.f32 v1;
	_ =	sdelay $0x4  }
0x39f: {  	v1 =	vld [tilespmem:s2+$0x180];
	_ =	sdelay $0x3  }
0x3a0: {  	v2 =	vpop (erf)  }
0x3a1: {  	v1 =	vmul.f32 v2, v1;
	_ =	sdelay $0x1  }
0x3a2: {  	[tilespmem:s9+$0x90] =	vst v1  }
0x3a3: {  	v1 =	vld [tilespmem:s2+$0x190];
	_ =	sdelay $0x4  }
0x3a4: {  	v1 =	vmul.f32 v2, v1;
	_ =	sdelay $0x1  }
0x3a5: {  	[tilespmem:s9+$0xA0] =	vst v1  }
0x3a6: {  	v1 =	vld [tilespmem:s0+$0xA0]  }
0x3a7: {  	v3 =	vld [tilespmem:s2+$0x120]  }
0x3a8: {  	v52 =	vld [tilespmem:s0+$0xB0]  }
0x3a9: {  	v53 =	vld [tilespmem:s2+$0x130];
	_ =	sdelay $0x4  }
0x3aa: {  	v1 =	vmul.f32 v3, v1;
	v3 =	vmul.f32 v53, v52;
	_ =	sdelay $0x1  }
0x3ab: {  	v1 =	vadd.f32 v3, v1;
	_ =	sdelay $0x1  }
0x3ac: {  	(xrf2) =	vadd.scan.msk.f32 $0xffff, v1;
	_ =	sdelay $0x9  }
0x3ad: {  	v1, _, _ =	vpop (xrf2)  }
0x3ae: {  	(v2sf) =	vpush v1, $0xF;
	_ =	sdelay $0xe  }
0x3af: {  	s31 =	spop (v2sf)  }
0x3b0: {  	s10 =	smul.f32 $1.767766920e-01, s31;
	_ =	sdelay $0x1  }
0x3b1: {  	s10 =	smax.f32 s10, $-1.000000000e+01  }
0x3b2: {  	s10 =	smin.f32 s10, $1.000000000e+01  }
0x3b3: {  	v1 =	vmov s10  }
0x3b4: {  	v1 =	vmul.f32 $1.442695020e+00, v1;
	_ =	sdelay $0x1  }
0x3b5: {  	v1 =	vbroadcast v1, $0x0;
	_ =	sdelay $0x1  }
0x3b6: {  	(erf) = vpow2.f32 v1;
	_ =	sdelay $0x4  }
0x3b7: {  	v1 =	vld [tilespmem:s2+$0x1A0];
	_ =	sdelay $0x3  }
0x3b8: {  	v3 =	vpop (erf)  }
0x3b9: {  	v1 =	vmul.f32 v3, v1;
	_ =	sdelay $0x1  }
0x3ba: {  	[tilespmem:s9+$0xB0] =	vst v1  }
0x3bb: {  	v1 =	vld [tilespmem:s2+$0x1B0];
	_ =	sdelay $0x4  }
0x3bc: {  	v1 =	vmul.f32 v3, v1;
	_ =	sdelay $0x1  }
0x3bd: {  	[tilespmem:s9+$0xC0] =	vst v1  }
0x3be: {  	v1 =	vld [tilespmem:s0+$0xC0]  }
0x3bf: {  	v54 =	vld [tilespmem:s2+$0x140]  }
0x3c0: {  	v55 =	vld [tilespmem:s0+$0xD0]  }
0x3c1: {  	v56 =	vld [tilespmem:s2+$0x150];
	_ =	sdelay $0x4  }
0x3c2: {  	v1 =	vmul.f32 v54, v1;
	v57 =	vmul.f32 v56, v55;
	_ =	sdelay $0x1  }
0x3c3: {  	v1 =	vadd.f32 v57, v1;
	_ =	sdelay $0x1  }
0x3c4: {  	(xrf2) =	vadd.scan.msk.f32 $0xffff, v1;
	_ =	sdelay $0x9  }
0x3c5: {  	v1, _, _ =	vpop (xrf2)  }
0x3c6: {  	(v2sf) =	vpush v1, $0xF;
	_ =	sdelay $0xe  }
0x3c7: {  	s31 =	spop (v2sf)  }
0x3c8: {  	s10 =	smul.f32 $1.767766920e-01, s31;
	_ =	sdelay $0x1  }
0x3c9: {  	s10 =	smax.f32 s10, $-1.000000000e+01  }
0x3ca: {  	s10 =	smin.f32 s10, $1.000000000e+01  }
0x3cb: {  	v1 =	vmov s10  }
0x3cc: {  	v1 =	vmul.f32 $1.442695020e+00, v1;
	_ =	sdelay $0x1  }
0x3cd: {  	v1 =	vbroadcast v1, $0x0;
	_ =	sdelay $0x1  }
0x3ce: {  	(erf) = vpow2.f32 v1;
	_ =	sdelay $0x4  }
0x3cf: {  	v1 =	vld [tilespmem:s2+$0x1C0];
	_ =	sdelay $0x3  }
0x3d0: {  	v58 =	vpop (erf)  }
0x3d1: {  	v1 =	vmul.f32 v58, v1;
	_ =	sdelay $0x1  }
0x3d2: {  	[tilespmem:s9+$0xD0] =	vst v1  }
0x3d3: {  	v1 =	vld [tilespmem:s2+$0x1D0];
	_ =	sdelay $0x4  }
0x3d4: {  	v1 =	vmul.f32 v58, v1;
	_ =	sdelay $0x1  }
0x3d5: {  	[tilespmem:s9+$0xE0] =	vst v1  }
0x3d6: {  	v1 =	vld [tilespmem:s0+$0xE0]  }
0x3d7: {  	v59 =	vld [tilespmem:s2+$0x160]  }
0x3d8: {  	v60 =	vld [tilespmem:s0+$0xF0]  }
0x3d9: {  	v61 =	vld [tilespmem:s2+$0x170];
	_ =	sdelay $0x4  }
0x3da: {  	v1 =	vmul.f32 v59, v1;
	v62 =	vmul.f32 v61, v60;
	_ =	sdelay $0x1  }
0x3db: {  	v1 =	vadd.f32 v62, v1;
	_ =	sdelay $0x1  }
0x3dc: {  	(xrf2) =	vadd.scan.msk.f32 $0xffff, v1;
	_ =	sdelay $0x9  }
0x3dd: {  	v1, _, _ =	vpop (xrf2)  }
0x3de: {  	(v2sf) =	vpush v1, $0xF;
	_ =	sdelay $0xe  }
0x3df: {  	s31 =	spop (v2sf)  }
0x3e0: {  	s10 =	smul.f32 $1.767766920e-01, s31;
	_ =	sdelay $0x1  }
0x3e1: {  	s10 =	smax.f32 s10, $-1.000000000e+01  }
0x3e2: {  	s10 =	smin.f32 s10, $1.000000000e+01  }
0x3e3: {  	v1 =	vmov s10  }
0x3e4: {  	v1 =	vmul.f32 $1.442695020e+00, v1;
	_ =	sdelay $0x1  }
0x3e5: {  	v1 =	vbroadcast v1, $0x0;
	_ =	sdelay $0x1  }
0x3e6: {  	(erf) = vpow2.f32 v1;
	_ =	sdelay $0x4  }
0x3e7: {  	v1 =	vld [tilespmem:s2+$0x1E0];
	_ =	sdelay $0x3  }
0x3e8: {  	v63 =	vpop (erf)  }
0x3e9: {  	v1 =	vmul.f32 v63, v1;
	_ =	sdelay $0x1  }
0x3ea: {  	[tilespmem:s9+$0xF0] =	vst v1  }
0x3eb: {  	v1 =	vld [tilespmem:s2+$0x1F0];
	_ =	sdelay $0x1  }
0x3ec: {  	s30 =	sadd.s32 $0x4, s30  }
0x3ed: {  	p0 =	slt.u32 s30, $0x24  }
.Ltmp2:
0x3ee: {  	v2 =	vnsel vm0, $0x0, v2;
	(pc) =	sbr.rel @p0 .LBB2_7-.Ltmp2, $4  }
0x3ef: {  	v2 =	vsel vm1, v2, v3;
	v1 =	vmul.f32 v63, v1  }
0x3f0: {  	v2 =	vsel vm2, v2, v58  }
0x3f1: {  	[tilespmem:s9+$0x100] =	vst v1;
	v1 =	vsel vm3, v2, v63  }
0x3f2: {  	s0 =	sadd.s32 $0x200, s0;
	s2 =	sadd.s32 $0x400, s2;
	[tilespmem:s9+$0x110] =	vst v1;
	s9 =	sadd.s32 $0x240, s9  }
0x3f3: {  	s29 =	sadd.s32 $0x1, s29  }
0x3f4: {  	p0 =	sne.s32 s29, $0x7D  }
.Ltmp3:
0x3f5: {  	_ = 	snop;
	(pc) =	sbr.rel @p0 .LBB2_4-.Ltmp3, $4  }
0x3f6: {  	[spmem:s3] =	stream.indirect.scatter.add.f32 [tilespmem:s15], [sflag:$0x5], $0x90, s20, s19, $0xb8;
	[tilespmem:$0x1EEB0] =	vst v63  }
0x3f7: {  	_ =	swait.ge [sflag:s16], $0x1680  }
0x3f8: {  	[sflag:s16] =	ssyncset.done $0x0  }
0x3f9: {  	[sflag:s16] =	ssyncadd.s32 $0xFFFFE980  }
0x3fa: {  	s0 =	stileid.u32;
	s28 =	sadd.s32 $0x1, s28  }
0x3fb: {  	[bflag:$0x0] =	sbarrier.arrive $0xFFFF;
	s0 =	sshll.u32 s0, $0x6;
	p0 =	sne.s32 s28, s14  }
.Ltmp4:
0x3fc: {  	s2 =	sshrl.u32 s8, $0x3;
	s0 =	sor.u32 $0x1C05, s0;
	(pc) =	sbr.rel @p0 .LBB2_1-.Ltmp4, $4  }
0x3fd: {  	[hbm:s13], [sflag:s0] =	dma.local [spmem:s2], $0x2BF2  }
0x3fe: {  	_ =	swait.ge [sflag:s16], $0x2BF2  }
0x3ff: {  	[sflag:s16] =	ssyncset.done $0x0  }
0x400: {  	[sflag:s16] =	ssyncadd.s32 $0xFFFFD40E  }
0x401: {  	_ =	sfence.sel $0x180000  }
0x402: {  	[bflag:$0x0] =	sbarrier.arrive $0xFFFF  }
0x403: {  	_ =	strace $0x90000047  }
0x404: {  	s0 =	stileid.u32;
	[bflag:$0x2] =	sbarrier.arrive $0xFFFF  }
0x405: {  	p0 =	sne.s32 s0, $0x0;
	s0 =	rddreg [dreg:$0x3]  }
0x406: {  	s0 =	sadd.s32 @!p0 $0x100000, s0  }
0x407: {  	[sflag:s0] =	ssyncadd.tile.s32 @!p0 $0x1;
	_ =	shalt  }
.Lfunc_end2:
_tile_overlayer_lowered:
.L_overlay_start_2:
0x408: {  	(tag) =	ssettag $0x2  }
0x409: {  	s0 =	rddreg [dreg:$0x0];
	s2 =	stileid.u32  }
0x40a: {  	s1 =	rddreg [dreg:$0x1];
	p0 =	sne.s32 s2, $0x0  }
0x40b: {  	s3 =	rddreg [dreg:$0x2];
	[bflag:$0x3] =	sbarrier.arrive $0xFFFF;
	s2 =	simm.s32 @!p0 $0x1C05  }
0x40c: {  	[timem:s3], [sflag:s2] =	dma.local @!p0 [hbm:s0], s1  }
0x40d: {  	s0 =	simm.s32 @!p0 $0x5  }
0x40e: {  	_ =	swait.ge @!p0 [sflag:s0], s1  }
0x40f: {  	s1 =	ssub.s32 @!p0 $0x0, s1;
	[sflag:s0] =	ssyncset.done @!p0 $0x0  }
0x410: {  	[sflag:s0] =	ssyncadd.s32 @!p0 s1  }
0x411: {  	[bflag:$0x3] =	sbarrier.arrive $0xFFFF  }
0x412: {  	_ =	shalt  }

</sc_bundles>
